<compile_context>
chip_gen: v7x
topology: tpu7x:2x2x1
jax: 0.10.2.dev20260603
libtpu: 0.0.44.dev20260713+nightly
codegen_flags: <defaults>
</compile_context>

<pallas_src>
import functools

import jax
import jax.numpy as jnp
from jax import lax
from jax.experimental import pallas as pl
from jax.experimental.pallas import tpu as pltpu
from jax.experimental.pallas import tpu_sc as plsc

N = 10000
E = 320000
H = 128
P = 16384

NC = 2
NS = 16
NW = NC * NS
CH = 128
G = 80
EW = G * CH
E_PAD = NW * EW
ACC_ROWS = 10112
RPT = ACC_ROWS // NS

_mesh = plsc.VectorSubcoreMesh(core_axis_name="c", subcore_axis_name="s")
_HIGH = jax.lax.Precision.HIGHEST
_SC_PARAMS = pltpu.CompilerParams(use_tc_tiling_on_sc=False)
HH = H // 2


def _worker_id():
    return lax.axis_index("s") * NC + lax.axis_index("c")


@functools.partial(
    pl.kernel,
    out_type=jax.ShapeDtypeStruct((NC, ACC_ROWS, 16), jnp.float32),
    mesh=_mesh,
    compiler_params=_SC_PARAMS,
    scratch_types=[
        pltpu.VMEM((G, CH), jnp.int32),
        pltpu.VMEM((CH, 16), jnp.float32),
        pltpu.VMEM_SHARED((ACC_ROWS, 16), jnp.float32),
        pltpu.SemaphoreType.DMA,
        pltpu.SemaphoreType.DMA,
        pltpu.SemaphoreType.DMA,
    ],
)
def _deg(dstw, ones, zeros, out, dst_v, ones_v, acc, sem, p0, p1):
    c = lax.axis_index("c")
    s = lax.axis_index("s")
    w = _worker_id()
    pltpu.async_copy(dstw.at[w], dst_v, p0)
    pltpu.async_copy(ones, ones_v, p1)
    pltpu.async_copy(zeros.at[pl.ds(s * RPT, RPT)], acc.at[pl.ds(s * RPT, RPT)], sem)
    pltpu.make_async_copy(dstw.at[w], dst_v, p0).wait()
    pltpu.make_async_copy(ones, ones_v, p1).wait()
    pltpu.make_async_copy(zeros.at[pl.ds(s * RPT, RPT)],
                          acc.at[pl.ds(s * RPT, RPT)], sem).wait()
    plsc.subcore_barrier()

    def fire(g, _):
        pltpu.async_copy(ones_v, acc.at[dst_v.at[g]], sem, add=True)
        return 0

    def drain(g, _):
        pltpu.make_async_copy(ones_v, acc.at[dst_v.at[g]], sem).wait()
        return 0

    lax.fori_loop(0, G, fire, 0)
    lax.fori_loop(0, G, drain, 0)
    plsc.subcore_barrier()
    pltpu.sync_copy(acc.at[pl.ds(s * RPT, RPT)], out.at[c].at[pl.ds(s * RPT, RPT)])


K = 5
EW2 = 2 * EW
G2 = EW2 // CH


@functools.partial(
    pl.kernel,
    out_type=jax.ShapeDtypeStruct((2, ACC_ROWS, HH), jnp.float32),
    mesh=_mesh,
    compiler_params=_SC_PARAMS,
    scratch_types=[
        pltpu.VMEM((G2, CH), jnp.int32),
        pltpu.VMEM((G2, CH), jnp.int32),
        pltpu.VMEM((K, CH, HH), jnp.float32),
        pltpu.VMEM_SHARED((ACC_ROWS, HH), jnp.float32),
    ]
    + [pltpu.SemaphoreType.DMA] * (2 * K),
)
def _agg(hp_s, srcw, dstw, zeros, out, src_v, dst_v, bufs, acc, *sems):
    c = lax.axis_index("c")
    s = lax.axis_index("s")
    gsem = sems[:K]
    ssem = sems[K:]
    pltpu.async_copy(srcw.at[s], src_v, gsem[0])
    pltpu.async_copy(dstw.at[s], dst_v, gsem[1])
    pltpu.async_copy(zeros.at[pl.ds(s * RPT, RPT)],
                     acc.at[pl.ds(s * RPT, RPT)], ssem[0])
    pltpu.make_async_copy(srcw.at[s], src_v, gsem[0]).wait()
    pltpu.make_async_copy(dstw.at[s], dst_v, gsem[1]).wait()
    pltpu.make_async_copy(zeros.at[pl.ds(s * RPT, RPT)],
                          acc.at[pl.ds(s * RPT, RPT)], ssem[0]).wait()
    R = G2 // K
    hp = hp_s.at[c]

    plsc.subcore_barrier()
    for k in range(K):
        pltpu.async_copy(hp.at[src_v.at[k]], bufs.at[k], gsem[k])

    def rnd(i, _):
        for k in range(K):
            g = K * i + k
            pltpu.make_async_copy(hp.at[src_v.at[g]], bufs.at[k], gsem[k]).wait()
            pltpu.async_copy(bufs.at[k], acc.at[dst_v.at[g]], ssem[k], add=True)
        for k in range(K):
            g = K * i + k
            pltpu.make_async_copy(bufs.at[k], acc.at[dst_v.at[g]], ssem[k]).wait()
            pltpu.async_copy(hp.at[src_v.at[g + K]], bufs.at[k], gsem[k])
        return 0

    lax.fori_loop(0, R - 1, rnd, 0)
    g0 = K * (R - 1)
    for k in range(K):
        pltpu.make_async_copy(hp.at[src_v.at[g0 + k]], bufs.at[k], gsem[k]).wait()
        pltpu.async_copy(bufs.at[k], acc.at[dst_v.at[g0 + k]], ssem[k], add=True)
    for k in range(K):
        pltpu.make_async_copy(bufs.at[k], acc.at[dst_v.at[g0 + k]], ssem[k]).wait()
    plsc.subcore_barrier()
    pltpu.sync_copy(acc.at[pl.ds(s * RPT, RPT)],
                    out.at[c].at[pl.ds(s * RPT, RPT)])


PG = (2 * P) // NW // CH


@functools.partial(
    pl.kernel,
    out_type=jax.ShapeDtypeStruct((2 * P, H), jnp.float32),
    mesh=_mesh,
    scratch_types=[
        pltpu.VMEM((PG, CH), jnp.int32),
        pltpu.VMEM((CH, H), jnp.float32),
        pltpu.VMEM((CH, H), jnp.float32),
        pltpu.SemaphoreType.DMA,
        pltpu.SemaphoreType.DMA,
    ],
)
def _pairs(h3, idxw, out, idx_v, buf_a, buf_b, sem_a, sem_b):
    w = _worker_id()
    base = w * (PG * CH)
    pltpu.sync_copy(idxw.at[w], idx_v)
    bufs = (buf_a, buf_b)
    sems = (sem_a, sem_b)
    pltpu.async_copy(h3.at[idx_v.at[0]], buf_a, sem_a)
    pltpu.async_copy(h3.at[idx_v.at[1]], buf_b, sem_b)
    for g in range(PG):
        b, sm = bufs[g % 2], sems[g % 2]
        pltpu.make_async_copy(h3.at[idx_v.at[g]], b, sm).wait()
        pltpu.sync_copy(b, out.at[pl.ds(base + g * CH, CH)])
        if g + 2 < PG:
            pltpu.async_copy(h3.at[idx_v.at[g + 2]], b, sm)


BR = 2000
GRID_N = N // BR


def _mm_body(x_ref, w_ref, hw_ref):
    hw_ref[...] = jnp.dot(x_ref[...], w_ref[...], precision=_HIGH,
                          preferred_element_type=jnp.float32)


def _sp_body(dp_ref, hw_ref, dis_ref, dinv_ref, hp_ref):
    deg = dp_ref[0, :, 0:1] + dp_ref[1, :, 0:1] + 1.0
    dis = lax.rsqrt(deg)
    dis_ref[...] = dis
    dinv_ref[...] = 1.0 / deg
    hp = hw_ref[...] * dis
    hp_ref[0] = hp[:, :HH]
    hp_ref[1] = hp[:, HH:]


def _mid_body(s_ref, hw_ref, dis_ref, dinv_ref, b_ref, w_ref,
              hwo_ref, hp_ref):
    dis = dis_ref[...]
    ss = jnp.concatenate([s_ref[0], s_ref[1]], axis=1)
    t = dis * ss + dinv_ref[...] * hw_ref[...] + b_ref[...]
    t = jnp.maximum(t, 0.0)
    hw2 = jnp.dot(t, w_ref[...], precision=_HIGH,
                  preferred_element_type=jnp.float32)
    hwo_ref[...] = hw2
    hp = hw2 * dis
    hp_ref[0] = hp[:, :HH]
    hp_ref[1] = hp[:, HH:]


def _fin_body(s_ref, hw_ref, dis_ref, dinv_ref, b_ref, h3_ref):
    ss = jnp.concatenate([s_ref[0], s_ref[1]], axis=1)
    h3_ref[...] = (dis_ref[...] * ss + dinv_ref[...] * hw_ref[...] + b_ref[...])


BP = 512
GRID_P = P // BP


def _pred_body(gs_ref, gd_ref, wa_ref, wb_ref, bp1_ref, wp2_ref, bp2_ref, out_ref):
    e = (jnp.dot(gs_ref[...], wa_ref[...], precision=_HIGH,
                 preferred_element_type=jnp.float32)
         + jnp.dot(gd_ref[...], wb_ref[...], precision=_HIGH,
                   preferred_element_type=jnp.float32)
         + bp1_ref[...])
    e = jnp.maximum(e, 0.0)
    z = jnp.sum(e * wp2_ref[...], axis=1, keepdims=True) + bp2_ref[...]
    out_ref[...] = 1.0 / (1.0 + jnp.exp(-z))


def _row_spec(shape):
    return pl.BlockSpec(shape, lambda i: (i, 0))


def _full_spec(shape):
    return pl.BlockSpec(shape, lambda i: (0, 0))


_sh_spec = pl.BlockSpec((2, BR, HH), lambda i: (0, i, 0))
_d16_spec = pl.BlockSpec((NC, BR, 16), lambda i: (0, i, 0))
_hp_shape = jax.ShapeDtypeStruct((2, N, HH), jnp.float32)

_tc_mm = pl.pallas_call(
    _mm_body,
    grid=(GRID_N,),
    in_specs=[_row_spec((BR, H)), _full_spec((H, H))],
    out_specs=_row_spec((BR, H)),
    out_shape=jax.ShapeDtypeStruct((N, H), jnp.float32),
)

_tc_sp = pl.pallas_call(
    _sp_body,
    grid=(GRID_N,),
    in_specs=[_d16_spec, _row_spec((BR, H))],
    out_specs=[_row_spec((BR, 1)), _row_spec((BR, 1)), _sh_spec],
    out_shape=[jax.ShapeDtypeStruct((N, 1), jnp.float32),
               jax.ShapeDtypeStruct((N, 1), jnp.float32),
               _hp_shape],
)

_tc_mid = pl.pallas_call(
    _mid_body,
    grid=(GRID_N,),
    in_specs=[_sh_spec, _row_spec((BR, H)), _row_spec((BR, 1)),
              _row_spec((BR, 1)), _full_spec((1, H)), _full_spec((H, H))],
    out_specs=[_row_spec((BR, H)), _sh_spec],
    out_shape=[jax.ShapeDtypeStruct((N, H), jnp.float32), _hp_shape],
)

_tc_fin = pl.pallas_call(
    _fin_body,
    grid=(GRID_N,),
    in_specs=[_sh_spec, _row_spec((BR, H)), _row_spec((BR, 1)),
              _row_spec((BR, 1)), _full_spec((1, H))],
    out_specs=_row_spec((BR, H)),
    out_shape=jax.ShapeDtypeStruct((N, H), jnp.float32),
)

_tc_pred = pl.pallas_call(
    _pred_body,
    grid=(GRID_P,),
    in_specs=[_row_spec((BP, H)), _row_spec((BP, H)), _full_spec((H, H)),
              _full_spec((H, H)), _full_spec((1, H)), _full_spec((1, H)),
              _full_spec((1, 1))],
    out_specs=_row_spec((BP, 1)),
    out_shape=jax.ShapeDtypeStruct((P, 1), jnp.float32),
)


def kernel(x, edge_index, edge_pairs, W1, b1, W2, b2, W3, b3, Wp1, bp1, Wp2, bp2):
    src = edge_index[0]
    dst = edge_index[1]
    npad = E_PAD - E
    pad_i = jnp.arange(npad, dtype=jnp.int32)
    src_flat = jnp.concatenate([src, (pad_i * 997) % N])
    dst_flat = jnp.concatenate([dst, N + (pad_i % 16)])
    srcw = src_flat.reshape(NS, G2, CH)
    dstw = dst_flat.reshape(NS, G2, CH)
    dstw_deg = dst_flat.reshape(NW, G, CH)
    idxw = jnp.concatenate([edge_pairs[0], edge_pairs[1]]).reshape(NW, PG, CH)

    zeros_h = jnp.zeros((ACC_ROWS, HH), jnp.float32)
    zeros16 = jnp.zeros((ACC_ROWS, 16), jnp.float32)
    ones16 = jnp.ones((CH, 16), jnp.float32)

    deg_parts = _deg(dstw_deg, ones16, zeros16)
    hw1 = _tc_mm(x, W1)
    dis, dinv, hp1 = _tc_sp(deg_parts, hw1)

    s1 = _agg(hp1, srcw, dstw, zeros_h)
    hw2, hp2 = _tc_mid(s1, hw1, dis, dinv, b1.reshape(1, H), W2)
    s2 = _agg(hp2, srcw, dstw, zeros_h)
    hw3, hp3 = _tc_mid(s2, hw2, dis, dinv, b2.reshape(1, H), W3)
    s3 = _agg(hp3, srcw, dstw, zeros_h)
    h3 = _tc_fin(s3, hw3, dis, dinv, b3.reshape(1, H))

    g = _pairs(h3, idxw)
    pred = _tc_pred(g[:P], g[P:], Wp1[:H], Wp1[H:], bp1.reshape(1, H),
                    Wp2.reshape(1, H), bp2.reshape(1, 1))
    return pred.reshape(P)

# --- scband reference (transcript-rebuilt; emitter-appended) ---
"""Pipeline reference for scband-gene-trait-gnn-78073915507270 (READ-ONLY COPY).

The authoritative reference and input builder live on the scoring server;
editing this copy changes nothing except your own understanding.
"""

import jax, jax.numpy as jnp
import numpy as np

N = 10000
E = 320000
D = 128
H = 128
P = 16384


def _glorot(key, shape):
    fan_in = shape[0]
    return jax.random.normal(key, shape, jnp.float32) * (1.0 / np.sqrt(fan_in))


def setup_inputs(seed: int = 0) -> dict:
    key = jax.random.key(seed)
    ks = jax.random.split(key, 13)
    x = jax.random.normal(ks[0], (N, D), jnp.float32)
    edge_index = jax.random.randint(ks[1], (2, E), 0, N, dtype=jnp.int32)
    edge_pairs = jax.random.randint(ks[2], (2, P), 0, N, dtype=jnp.int32)
    # GCNConv layers: weight (no bias inside lin) + separate bias
    W1 = _glorot(ks[3], (D, H)); b1 = jnp.zeros((H,), jnp.float32)
    W2 = _glorot(ks[4], (H, H)); b2 = jnp.zeros((H,), jnp.float32)
    W3 = _glorot(ks[5], (H, H)); b3 = jnp.zeros((H,), jnp.float32)
    # link predictor: Linear(2H->H), ReLU, Linear(H->1), Sigmoid
    Wp1 = _glorot(ks[6], (2 * H, H)); bp1 = jnp.zeros((H,), jnp.float32)
    Wp2 = _glorot(ks[7], (H, 1)); bp2 = jnp.zeros((1,), jnp.float32)
    return {"x": x, "edge_index": edge_index, "edge_pairs": edge_pairs,
            "W1": W1, "b1": b1, "W2": W2, "b2": b2, "W3": W3, "b3": b3,
            "Wp1": Wp1, "bp1": bp1, "Wp2": Wp2, "bp2": bp2}


def gcn_conv(x, edge_index, W, b):
    # torch_geometric GCNConv with add_self_loops=True, normalize=True
    n = x.shape[0]
    loop = jnp.arange(n, dtype=edge_index.dtype)
    src = jnp.concatenate([edge_index[0], loop])
    dst = jnp.concatenate([edge_index[1], loop])
    ones = jnp.ones(src.shape[0], jnp.float32)
    deg = jnp.zeros((n,), jnp.float32).at[dst].add(ones)
    deg_inv_sqrt = jnp.where(deg > 0, 1.0 / jnp.sqrt(deg), 0.0)
    norm = deg_inv_sqrt[src] * deg_inv_sqrt[dst]
    h = x @ W
    msg = h[src] * norm[:, None]
    out = jnp.zeros((n, W.shape[1]), jnp.float32).at[dst].add(msg)
    return out + b


def reference(x, edge_index, edge_pairs, W1, b1, W2, b2, W3, b3, Wp1, bp1, Wp2, bp2):
    # layer 1
    h = gcn_conv(x, edge_index, W1, b1)
    h = jax.nn.relu(h)  # dropout is identity in eval
    # layer 2
    h = gcn_conv(h, edge_index, W2, b2)
    h = jax.nn.relu(h)
    # layer 3 (no activation)
    h = gcn_conv(h, edge_index, W3, b3)
    # link prediction
    src_emb = h[edge_pairs[0]]
    dst_emb = h[edge_pairs[1]]
    e = jnp.concatenate([src_emb, dst_emb], axis=1)
    e = jax.nn.relu(e @ Wp1 + bp1)
    pred = jax.nn.sigmoid(e @ Wp2 + bp2)
    return pred.squeeze(-1)

if __name__ == "__main__":
    import jax
    _d = setup_inputs()
    print(jax.jit(kernel)(*tuple(_d.values())))

</pallas_src>

<mosaic_0001>
#map = affine_map<(d0, d1) -> (0, 0, 0)>
#map1 = affine_map<(d0, d1) -> (0, 0)>
module attributes {stable_mosaic.version = 14 : i64} {
  func.func @_agg(%arg0: i32, %arg1: i32, %arg2: memref<2x10000x64xf32, #tpu.memory_space<hbm>>, %arg3: memref<16x160x128xi32, #tpu.memory_space<hbm>>, %arg4: memref<16x160x128xi32, #tpu.memory_space<hbm>>, %arg5: memref<10112x64xf32, #tpu.memory_space<hbm>>, %arg6: memref<2x10112x64xf32, #tpu.memory_space<hbm>>, %arg7: memref<160x128xi32, #tpu.memory_space<vmem>>, %arg8: memref<160x128xi32, #tpu.memory_space<vmem>>, %arg9: memref<5x128x64xf32, #tpu.memory_space<vmem>>, %arg10: memref<10112x64xf32, #tpu.memory_space<vmem_shared>>, %arg11: memref<!tpu.dma_semaphore, #tpu.memory_space<semaphore_mem>>, %arg12: memref<!tpu.dma_semaphore, #tpu.memory_space<semaphore_mem>>, %arg13: memref<!tpu.dma_semaphore, #tpu.memory_space<semaphore_mem>>, %arg14: memref<!tpu.dma_semaphore, #tpu.memory_space<semaphore_mem>>, %arg15: memref<!tpu.dma_semaphore, #tpu.memory_space<semaphore_mem>>, %arg16: memref<!tpu.dma_semaphore, #tpu.memory_space<semaphore_mem>>, %arg17: memref<!tpu.dma_semaphore, #tpu.memory_space<semaphore_mem>>, %arg18: memref<!tpu.dma_semaphore, #tpu.memory_space<semaphore_mem>>, %arg19: memref<!tpu.dma_semaphore, #tpu.memory_space<semaphore_mem>>, %arg20: memref<!tpu.dma_semaphore, #tpu.memory_space<semaphore_mem>>) attributes {dimension_semantics = [#tpu.dimension_semantics<core_parallel>, #tpu.dimension_semantics<subcore_parallel>], iteration_bounds = array<i64: 2, 16>, scalar_prefetch = 0 : i64, scratch_operands = 14 : i64, tpu.core_type = #tpu.core_type<sc_vector_subcore>, window_params = [{transform_indices = #map}, {transform_indices = #map}, {transform_indices = #map}, {transform_indices = #map1}, {transform_indices = #map}]} {
    %dma_start3A = arith.constant 0 : i32
    %dma_start3A_0 = arith.constant 0 : i32
    %dma_start3A_1 = tpu.memref_slice %arg3[%arg1, %dma_start3A, %dma_start3A_0] : memref<16x160x128xi32, #tpu.memory_space<hbm>> -> memref<1x160x128xi32, #tpu.memory_space<hbm>>
    %dma_start3A_2 = tpu.memref_squeeze %dma_start3A_1 : memref<1x160x128xi32, #tpu.memory_space<hbm>> -> memref<160x128xi32, #tpu.memory_space<hbm>>
    %dma_start3A_3 = arith.constant 0 : i32
    %dma_start3A_4 = arith.constant 0 : i32
    %dma_start3A_5 = tpu.memref_slice %arg3[%arg1, %dma_start3A_3, %dma_start3A_4] : memref<16x160x128xi32, #tpu.memory_space<hbm>> -> memref<1x160x128xi32, #tpu.memory_space<hbm>>
    %dma_start3A_6 = tpu.memref_squeeze %dma_start3A_5 : memref<1x160x128xi32, #tpu.memory_space<hbm>> -> memref<160x128xi32, #tpu.memory_space<hbm>>
    tpu.enqueue_dma source(%dma_start3A_6 : memref<160x128xi32, #tpu.memory_space<hbm>>) target(%arg7 : memref<160x128xi32, #tpu.memory_space<vmem>>) target_semaphore(%arg11 : memref<!tpu.dma_semaphore, #tpu.memory_space<semaphore_mem>>)
    %dma_start3A_7 = arith.constant 0 : i32
    %dma_start3A_8 = arith.constant 0 : i32
    %dma_start3A_9 = tpu.memref_slice %arg4[%arg1, %dma_start3A_7, %dma_start3A_8] : memref<16x160x128xi32, #tpu.memory_space<hbm>> -> memref<1x160x128xi32, #tpu.memory_space<hbm>>
    %dma_start3A_10 = tpu.memref_squeeze %dma_start3A_9 : memref<1x160x128xi32, #tpu.memory_space<hbm>> -> memref<160x128xi32, #tpu.memory_space<hbm>>
    %dma_start3A_11 = arith.constant 0 : i32
    %dma_start3A_12 = arith.constant 0 : i32
    %dma_start3A_13 = tpu.memref_slice %arg4[%arg1, %dma_start3A_11, %dma_start3A_12] : memref<16x160x128xi32, #tpu.memory_space<hbm>> -> memref<1x160x128xi32, #tpu.memory_space<hbm>>
    %dma_start3A_14 = tpu.memref_squeeze %dma_start3A_13 : memref<1x160x128xi32, #tpu.memory_space<hbm>> -> memref<160x128xi32, #tpu.memory_space<hbm>>
    tpu.enqueue_dma source(%dma_start3A_14 : memref<160x128xi32, #tpu.memory_space<hbm>>) target(%arg8 : memref<160x128xi32, #tpu.memory_space<vmem>>) target_semaphore(%arg12 : memref<!tpu.dma_semaphore, #tpu.memory_space<semaphore_mem>>)
    %mul3A = arith.constant 632 : i32
    %mul3A_15 = arith.muli %arg1, %mul3A : i32
    %mul3A_16 = arith.constant 632 : i32
    %mul3A_17 = arith.muli %arg1, %mul3A_16 : i32
    %dma_start3A_18 = arith.constant 0 : i32
    %dma_start3A_19 = tpu.memref_slice %arg10[%mul3A_17, %dma_start3A_18] : memref<10112x64xf32, #tpu.memory_space<vmem_shared>> -> memref<632x64xf32, #tpu.memory_space<vmem_shared>>
    %dma_start3A_20 = arith.constant 0 : i32
    %dma_start3A_21 = tpu.memref_slice %arg5[%mul3A_15, %dma_start3A_20] : memref<10112x64xf32, #tpu.memory_space<hbm>> -> memref<632x64xf32, #tpu.memory_space<hbm>>
    tpu.enqueue_dma source(%dma_start3A_21 : memref<632x64xf32, #tpu.memory_space<hbm>>) target(%dma_start3A_19 : memref<632x64xf32, #tpu.memory_space<vmem_shared>>) target_semaphore(%arg16 : memref<!tpu.dma_semaphore, #tpu.memory_space<semaphore_mem>>)
    %dma_wait3A = arith.constant 0 : i32
    %dma_wait3A_22 = arith.constant 0 : i32
    %dma_wait3A_23 = tpu.memref_slice %arg3[%arg1, %dma_wait3A, %dma_wait3A_22] : memref<16x160x128xi32, #tpu.memory_space<hbm>> -> memref<1x160x128xi32, #tpu.memory_space<hbm>>
    %dma_wait3A_24 = tpu.memref_squeeze %dma_wait3A_23 : memref<1x160x128xi32, #tpu.memory_space<hbm>> -> memref<160x128xi32, #tpu.memory_space<hbm>>
    %dma_wait3A_25 = arith.constant 0 : i32
    %dma_wait3A_26 = arith.constant 0 : i32
    %dma_wait3A_27 = tpu.memref_slice %arg3[%arg1, %dma_wait3A_25, %dma_wait3A_26] : memref<16x160x128xi32, #tpu.memory_space<hbm>> -> memref<1x160x128xi32, #tpu.memory_space<hbm>>
    %dma_wait3A_28 = tpu.memref_squeeze %dma_wait3A_27 : memref<1x160x128xi32, #tpu.memory_space<hbm>> -> memref<160x128xi32, #tpu.memory_space<hbm>>
    tpu.wait_dma2 semaphore(%arg11 : memref<!tpu.dma_semaphore, #tpu.memory_space<semaphore_mem>>) src(%dma_wait3A_28 : memref<160x128xi32, #tpu.memory_space<hbm>>) dst(%arg7 : memref<160x128xi32, #tpu.memory_space<vmem>>)
    %dma_wait3A_29 = arith.constant 0 : i32
    %dma_wait3A_30 = arith.constant 0 : i32
    %dma_wait3A_31 = tpu.memref_slice %arg4[%arg1, %dma_wait3A_29, %dma_wait3A_30] : memref<16x160x128xi32, #tpu.memory_space<hbm>> -> memref<1x160x128xi32, #tpu.memory_space<hbm>>
    %dma_wait3A_32 = tpu.memref_squeeze %dma_wait3A_31 : memref<1x160x128xi32, #tpu.memory_space<hbm>> -> memref<160x128xi32, #tpu.memory_space<hbm>>
    %dma_wait3A_33 = arith.constant 0 : i32
    %dma_wait3A_34 = arith.constant 0 : i32
    %dma_wait3A_35 = tpu.memref_slice %arg4[%arg1, %dma_wait3A_33, %dma_wait3A_34] : memref<16x160x128xi32, #tpu.memory_space<hbm>> -> memref<1x160x128xi32, #tpu.memory_space<hbm>>
    %dma_wait3A_36 = tpu.memref_squeeze %dma_wait3A_35 : memref<1x160x128xi32, #tpu.memory_space<hbm>> -> memref<160x128xi32, #tpu.memory_space<hbm>>
    tpu.wait_dma2 semaphore(%arg12 : memref<!tpu.dma_semaphore, #tpu.memory_space<semaphore_mem>>) src(%dma_wait3A_36 : memref<160x128xi32, #tpu.memory_space<hbm>>) dst(%arg8 : memref<160x128xi32, #tpu.memory_space<vmem>>)
    %mul3A_37 = arith.constant 632 : i32
    %mul3A_38 = arith.muli %arg1, %mul3A_37 : i32
    %mul3A_39 = arith.constant 632 : i32
    %mul3A_40 = arith.muli %arg1, %mul3A_39 : i32
    %dma_wait3A_41 = arith.constant 0 : i32
    %dma_wait3A_42 = tpu.memref_slice %arg10[%mul3A_40, %dma_wait3A_41] : memref<10112x64xf32, #tpu.memory_space<vmem_shared>> -> memref<632x64xf32, #tpu.memory_space<vmem_shared>>
    %dma_wait3A_43 = arith.constant 0 : i32
    %dma_wait3A_44 = tpu.memref_slice %arg5[%mul3A_38, %dma_wait3A_43] : memref<10112x64xf32, #tpu.memory_space<hbm>> -> memref<632x64xf32, #tpu.memory_space<hbm>>
    tpu.wait_dma2 semaphore(%arg16 : memref<!tpu.dma_semaphore, #tpu.memory_space<semaphore_mem>>) src(%dma_wait3A_44 : memref<632x64xf32, #tpu.memory_space<hbm>>) dst(%dma_wait3A_42 : memref<632x64xf32, #tpu.memory_space<vmem_shared>>)
    %barrier3A = arith.constant 0 : index
    tpu.barrier barrier_id(%barrier3A)
    %dma_start3A_45 = arith.constant 0 : i32
    %dma_start3A_46 = arith.constant 0 : i32
    %dma_start3A_47 = arith.constant 0 : i32
    %dma_start3A_48 = arith.constant 0 : i32
    %dma_start3A_49 = tpu.memref_slice %arg9[%dma_start3A_46, %dma_start3A_47, %dma_start3A_48] : memref<5x128x64xf32, #tpu.memory_space<vmem>> -> memref<1x128x64xf32, #tpu.memory_space<vmem>>
    %dma_start3A_50 = tpu.memref_squeeze %dma_start3A_49 : memref<1x128x64xf32, #tpu.memory_space<vmem>> -> memref<128x64xf32, #tpu.memory_space<vmem>>
    %dma_start3A_51 = arith.constant 0 : i32
    %dma_start3A_52 = tpu.memref_slice %arg7[%dma_start3A_45, %dma_start3A_51] : memref<160x128xi32, #tpu.memory_space<vmem>> -> memref<1x128xi32, #tpu.memory_space<vmem>>
    %dma_start3A_53 = tpu.memref_squeeze %dma_start3A_52 : memref<1x128xi32, #tpu.memory_space<vmem>> -> memref<128xi32, #tpu.memory_space<vmem>>
    %dma_start3A_54 = arith.constant 0 : i32
    %dma_start3A_55 = arith.constant 0 : i32
    %dma_start3A_56 = tpu.memref_slice %arg2[%arg0, %dma_start3A_54, %dma_start3A_55] : memref<2x10000x64xf32, #tpu.memory_space<hbm>> -> memref<1x10000x64xf32, #tpu.memory_space<hbm>>
    %dma_start3A_57 = tpu.memref_squeeze %dma_start3A_56 : memref<1x10000x64xf32, #tpu.memory_space<hbm>> -> memref<10000x64xf32, #tpu.memory_space<hbm>>
    %dma_start3A_58 = arith.constant 0 : i32
    %dma_start3A_59 = arith.constant 0 : i32
    %dma_start3A_60 = tpu.memref_slice %dma_start3A_57[%dma_start3A_58, %dma_start3A_59] : memref<10000x64xf32, #tpu.memory_space<hbm>> -> memref<10000x64xf32, #tpu.memory_space<hbm>>
    tpu.enqueue_indirect_dma source(%dma_start3A_60 : memref<10000x64xf32, #tpu.memory_space<hbm>>) target(%dma_start3A_50 : memref<128x64xf32, #tpu.memory_space<vmem>>) offsets(%dma_start3A_53 : memref<128xi32, #tpu.memory_space<vmem>>) semaphore(%arg11 : memref<!tpu.dma_semaphore, #tpu.memory_space<semaphore_mem>>)
    %dma_start3A_61 = arith.constant 1 : i32
    %dma_start3A_62 = arith.constant 1 : i32
    %dma_start3A_63 = arith.constant 0 : i32
    %dma_start3A_64 = arith.constant 0 : i32
    %dma_start3A_65 = tpu.memref_slice %arg9[%dma_start3A_62, %dma_start3A_63, %dma_start3A_64] : memref<5x128x64xf32, #tpu.memory_space<vmem>> -> memref<1x128x64xf32, #tpu.memory_space<vmem>>
    %dma_start3A_66 = tpu.memref_squeeze %dma_start3A_65 : memref<1x128x64xf32, #tpu.memory_space<vmem>> -> memref<128x64xf32, #tpu.memory_space<vmem>>
    %dma_start3A_67 = arith.constant 0 : i32
    %dma_start3A_68 = tpu.memref_slice %arg7[%dma_start3A_61, %dma_start3A_67] : memref<160x128xi32, #tpu.memory_space<vmem>> -> memref<1x128xi32, #tpu.memory_space<vmem>>
    %dma_start3A_69 = tpu.memref_squeeze %dma_start3A_68 : memref<1x128xi32, #tpu.memory_space<vmem>> -> memref<128xi32, #tpu.memory_space<vmem>>
    %dma_start3A_70 = arith.constant 0 : i32
    %dma_start3A_71 = arith.constant 0 : i32
    %dma_start3A_72 = tpu.memref_slice %arg2[%arg0, %dma_start3A_70, %dma_start3A_71] : memref<2x10000x64xf32, #tpu.memory_space<hbm>> -> memref<1x10000x64xf32, #tpu.memory_space<hbm>>
    %dma_start3A_73 = tpu.memref_squeeze %dma_start3A_72 : memref<1x10000x64xf32, #tpu.memory_space<hbm>> -> memref<10000x64xf32, #tpu.memory_space<hbm>>
    %dma_start3A_74 = arith.constant 0 : i32
    %dma_start3A_75 = arith.constant 0 : i32
    %dma_start3A_76 = tpu.memref_slice %dma_start3A_73[%dma_start3A_74, %dma_start3A_75] : memref<10000x64xf32, #tpu.memory_space<hbm>> -> memref<10000x64xf32, #tpu.memory_space<hbm>>
    tpu.enqueue_indirect_dma source(%dma_start3A_76 : memref<10000x64xf32, #tpu.memory_space<hbm>>) target(%dma_start3A_66 : memref<128x64xf32, #tpu.memory_space<vmem>>) offsets(%dma_start3A_69 : memref<128xi32, #tpu.memory_space<vmem>>) semaphore(%arg12 : memref<!tpu.dma_semaphore, #tpu.memory_space<semaphore_mem>>)
    %dma_start3A_77 = arith.constant 2 : i32
    %dma_start3A_78 = arith.constant 2 : i32
    %dma_start3A_79 = arith.constant 0 : i32
    %dma_start3A_80 = arith.constant 0 : i32
    %dma_start3A_81 = tpu.memref_slice %arg9[%dma_start3A_78, %dma_start3A_79, %dma_start3A_80] : memref<5x128x64xf32, #tpu.memory_space<vmem>> -> memref<1x128x64xf32, #tpu.memory_space<vmem>>
    %dma_start3A_82 = tpu.memref_squeeze %dma_start3A_81 : memref<1x128x64xf32, #tpu.memory_space<vmem>> -> memref<128x64xf32, #tpu.memory_space<vmem>>
    %dma_start3A_83 = arith.constant 0 : i32
    %dma_start3A_84 = tpu.memref_slice %arg7[%dma_start3A_77, %dma_start3A_83] : memref<160x128xi32, #tpu.memory_space<vmem>> -> memref<1x128xi32, #tpu.memory_space<vmem>>
    %dma_start3A_85 = tpu.memref_squeeze %dma_start3A_84 : memref<1x128xi32, #tpu.memory_space<vmem>> -> memref<128xi32, #tpu.memory_space<vmem>>
    %dma_start3A_86 = arith.constant 0 : i32
    %dma_start3A_87 = arith.constant 0 : i32
    %dma_start3A_88 = tpu.memref_slice %arg2[%arg0, %dma_start3A_86, %dma_start3A_87] : memref<2x10000x64xf32, #tpu.memory_space<hbm>> -> memref<1x10000x64xf32, #tpu.memory_space<hbm>>
    %dma_start3A_89 = tpu.memref_squeeze %dma_start3A_88 : memref<1x10000x64xf32, #tpu.memory_space<hbm>> -> memref<10000x64xf32, #tpu.memory_space<hbm>>
    %dma_start3A_90 = arith.constant 0 : i32
    %dma_start3A_91 = arith.constant 0 : i32
    %dma_start3A_92 = tpu.memref_slice %dma_start3A_89[%dma_start3A_90, %dma_start3A_91] : memref<10000x64xf32, #tpu.memory_space<hbm>> -> memref<10000x64xf32, #tpu.memory_space<hbm>>
    tpu.enqueue_indirect_dma source(%dma_start3A_92 : memref<10000x64xf32, #tpu.memory_space<hbm>>) target(%dma_start3A_82 : memref<128x64xf32, #tpu.memory_space<vmem>>) offsets(%dma_start3A_85 : memref<128xi32, #tpu.memory_space<vmem>>) semaphore(%arg13 : memref<!tpu.dma_semaphore, #tpu.memory_space<semaphore_mem>>)
    %dma_start3A_93 = arith.constant 3 : i32
    %dma_start3A_94 = arith.constant 3 : i32
    %dma_start3A_95 = arith.constant 0 : i32
    %dma_start3A_96 = arith.constant 0 : i32
    %dma_start3A_97 = tpu.memref_slice %arg9[%dma_start3A_94, %dma_start3A_95, %dma_start3A_96] : memref<5x128x64xf32, #tpu.memory_space<vmem>> -> memref<1x128x64xf32, #tpu.memory_space<vmem>>
    %dma_start3A_98 = tpu.memref_squeeze %dma_start3A_97 : memref<1x128x64xf32, #tpu.memory_space<vmem>> -> memref<128x64xf32, #tpu.memory_space<vmem>>
    %dma_start3A_99 = arith.constant 0 : i32
    %dma_start3A_100 = tpu.memref_slice %arg7[%dma_start3A_93, %dma_start3A_99] : memref<160x128xi32, #tpu.memory_space<vmem>> -> memref<1x128xi32, #tpu.memory_space<vmem>>
    %dma_start3A_101 = tpu.memref_squeeze %dma_start3A_100 : memref<1x128xi32, #tpu.memory_space<vmem>> -> memref<128xi32, #tpu.memory_space<vmem>>
    %dma_start3A_102 = arith.constant 0 : i32
    %dma_start3A_103 = arith.constant 0 : i32
    %dma_start3A_104 = tpu.memref_slice %arg2[%arg0, %dma_start3A_102, %dma_start3A_103] : memref<2x10000x64xf32, #tpu.memory_space<hbm>> -> memref<1x10000x64xf32, #tpu.memory_space<hbm>>
    %dma_start3A_105 = tpu.memref_squeeze %dma_start3A_104 : memref<1x10000x64xf32, #tpu.memory_space<hbm>> -> memref<10000x64xf32, #tpu.memory_space<hbm>>
    %dma_start3A_106 = arith.constant 0 : i32
    %dma_start3A_107 = arith.constant 0 : i32
    %dma_start3A_108 = tpu.memref_slice %dma_start3A_105[%dma_start3A_106, %dma_start3A_107] : memref<10000x64xf32, #tpu.memory_space<hbm>> -> memref<10000x64xf32, #tpu.memory_space<hbm>>
    tpu.enqueue_indirect_dma source(%dma_start3A_108 : memref<10000x64xf32, #tpu.memory_space<hbm>>) target(%dma_start3A_98 : memref<128x64xf32, #tpu.memory_space<vmem>>) offsets(%dma_start3A_101 : memref<128xi32, #tpu.memory_space<vmem>>) semaphore(%arg14 : memref<!tpu.dma_semaphore, #tpu.memory_space<semaphore_mem>>)
    %dma_start3A_109 = arith.constant 4 : i32
    %dma_start3A_110 = arith.constant 4 : i32
    %dma_start3A_111 = arith.constant 0 : i32
    %dma_start3A_112 = arith.constant 0 : i32
    %dma_start3A_113 = tpu.memref_slice %arg9[%dma_start3A_110, %dma_start3A_111, %dma_start3A_112] : memref<5x128x64xf32, #tpu.memory_space<vmem>> -> memref<1x128x64xf32, #tpu.memory_space<vmem>>
    %dma_start3A_114 = tpu.memref_squeeze %dma_start3A_113 : memref<1x128x64xf32, #tpu.memory_space<vmem>> -> memref<128x64xf32, #tpu.memory_space<vmem>>
    %dma_start3A_115 = arith.constant 0 : i32
    %dma_start3A_116 = tpu.memref_slice %arg7[%dma_start3A_109, %dma_start3A_115] : memref<160x128xi32, #tpu.memory_space<vmem>> -> memref<1x128xi32, #tpu.memory_space<vmem>>
    %dma_start3A_117 = tpu.memref_squeeze %dma_start3A_116 : memref<1x128xi32, #tpu.memory_space<vmem>> -> memref<128xi32, #tpu.memory_space<vmem>>
    %dma_start3A_118 = arith.constant 0 : i32
    %dma_start3A_119 = arith.constant 0 : i32
    %dma_start3A_120 = tpu.memref_slice %arg2[%arg0, %dma_start3A_118, %dma_start3A_119] : memref<2x10000x64xf32, #tpu.memory_space<hbm>> -> memref<1x10000x64xf32, #tpu.memory_space<hbm>>
    %dma_start3A_121 = tpu.memref_squeeze %dma_start3A_120 : memref<1x10000x64xf32, #tpu.memory_space<hbm>> -> memref<10000x64xf32, #tpu.memory_space<hbm>>
    %dma_start3A_122 = arith.constant 0 : i32
    %dma_start3A_123 = arith.constant 0 : i32
    %dma_start3A_124 = tpu.memref_slice %dma_start3A_121[%dma_start3A_122, %dma_start3A_123] : memref<10000x64xf32, #tpu.memory_space<hbm>> -> memref<10000x64xf32, #tpu.memory_space<hbm>>
    tpu.enqueue_indirect_dma source(%dma_start3A_124 : memref<10000x64xf32, #tpu.memory_space<hbm>>) target(%dma_start3A_114 : memref<128x64xf32, #tpu.memory_space<vmem>>) offsets(%dma_start3A_117 : memref<128xi32, #tpu.memory_space<vmem>>) semaphore(%arg15 : memref<!tpu.dma_semaphore, #tpu.memory_space<semaphore_mem>>)
    %scan3A = arith.constant 0 : i32
    %scan3A_125 = arith.constant 0 : i32
    %scan3A_126 = arith.constant 31 : i32
    %scan3A_127 = arith.addi %scan3A_125, %scan3A_126 : i32
    %scan3A_128 = arith.constant 1 : i32
    %scan3A_129 = scf.for %scan3A_336 = %scan3A_125 to %scan3A_127 step %scan3A_128 iter_args(%scan3A_337 = %scan3A) -> (i32)  : i32 {
      %mul3A_338 = arith.constant 5 : i32
      %mul3A_339 = arith.muli %mul3A_338, %scan3A_336 : i32
      %add3A = arith.constant 0 : i32
      %add3A_340 = arith.addi %mul3A_339, %add3A : i32
      %dma_wait3A_341 = arith.constant 0 : i32
      %dma_wait3A_342 = arith.constant 0 : i32
      %dma_wait3A_343 = arith.constant 0 : i32
      %dma_wait3A_344 = tpu.memref_slice %arg9[%dma_wait3A_341, %dma_wait3A_342, %dma_wait3A_343] : memref<5x128x64xf32, #tpu.memory_space<vmem>> -> memref<1x128x64xf32, #tpu.memory_space<vmem>>
      %dma_wait3A_345 = tpu.memref_squeeze %dma_wait3A_344 : memref<1x128x64xf32, #tpu.memory_space<vmem>> -> memref<128x64xf32, #tpu.memory_space<vmem>>
      %dma_wait3A_346 = arith.constant 0 : i32
      %dma_wait3A_347 = tpu.memref_slice %arg7[%add3A_340, %dma_wait3A_346] : memref<160x128xi32, #tpu.memory_space<vmem>> -> memref<1x128xi32, #tpu.memory_space<vmem>>
      %dma_wait3A_348 = tpu.memref_squeeze %dma_wait3A_347 : memref<1x128xi32, #tpu.memory_space<vmem>> -> memref<128xi32, #tpu.memory_space<vmem>>
      %dma_wait3A_349 = arith.constant 0 : i32
      %dma_wait3A_350 = arith.constant 0 : i32
      %dma_wait3A_351 = tpu.memref_slice %arg2[%arg0, %dma_wait3A_349, %dma_wait3A_350] : memref<2x10000x64xf32, #tpu.memory_space<hbm>> -> memref<1x10000x64xf32, #tpu.memory_space<hbm>>
      %dma_wait3A_352 = tpu.memref_squeeze %dma_wait3A_351 : memref<1x10000x64xf32, #tpu.memory_space<hbm>> -> memref<10000x64xf32, #tpu.memory_space<hbm>>
      %dma_wait3A_353 = arith.constant 0 : i32
      %dma_wait3A_354 = arith.constant 0 : i32
      %dma_wait3A_355 = tpu.memref_slice %dma_wait3A_352[%dma_wait3A_353, %dma_wait3A_354] : memref<10000x64xf32, #tpu.memory_space<hbm>> -> memref<10000x64xf32, #tpu.memory_space<hbm>>
      tpu.wait_indirect_dma semaphore(%arg11 : memref<!tpu.dma_semaphore, #tpu.memory_space<semaphore_mem>>) src(%dma_wait3A_355 : memref<10000x64xf32, #tpu.memory_space<hbm>>) dst(%dma_wait3A_345 : memref<128x64xf32, #tpu.memory_space<vmem>>)
      %dma_start3A_356 = arith.constant 0 : i32
      %dma_start3A_357 = arith.constant 0 : i32
      %dma_start3A_358 = arith.constant 0 : i32
      %dma_start3A_359 = tpu.memref_slice %arg9[%dma_start3A_356, %dma_start3A_357, %dma_start3A_358] : memref<5x128x64xf32, #tpu.memory_space<vmem>> -> memref<1x128x64xf32, #tpu.memory_space<vmem>>
      %dma_start3A_360 = tpu.memref_squeeze %dma_start3A_359 : memref<1x128x64xf32, #tpu.memory_space<vmem>> -> memref<128x64xf32, #tpu.memory_space<vmem>>
      %dma_start3A_361 = arith.constant 0 : i32
      %dma_start3A_362 = tpu.memref_slice %arg8[%add3A_340, %dma_start3A_361] : memref<160x128xi32, #tpu.memory_space<vmem>> -> memref<1x128xi32, #tpu.memory_space<vmem>>
      %dma_start3A_363 = tpu.memref_squeeze %dma_start3A_362 : memref<1x128xi32, #tpu.memory_space<vmem>> -> memref<128xi32, #tpu.memory_space<vmem>>
      %dma_start3A_364 = arith.constant 0 : i32
      %dma_start3A_365 = arith.constant 0 : i32
      %dma_start3A_366 = tpu.memref_slice %arg10[%dma_start3A_364, %dma_start3A_365] : memref<10112x64xf32, #tpu.memory_space<vmem_shared>> -> memref<10112x64xf32, #tpu.memory_space<vmem_shared>>
      tpu.enqueue_indirect_dma source(%dma_start3A_360 : memref<128x64xf32, #tpu.memory_space<vmem>>) target(%dma_start3A_366 : memref<10112x64xf32, #tpu.memory_space<vmem_shared>>) offsets(%dma_start3A_363 : memref<128xi32, #tpu.memory_space<vmem>>) semaphore(%arg16 : memref<!tpu.dma_semaphore, #tpu.memory_space<semaphore_mem>>) {add = true}
      %mul3A_367 = arith.constant 5 : i32
      %mul3A_368 = arith.muli %mul3A_367, %scan3A_336 : i32
      %add3A_369 = arith.constant 1 : i32
      %add3A_370 = arith.addi %mul3A_368, %add3A_369 : i32
      %dma_wait3A_371 = arith.constant 1 : i32
      %dma_wait3A_372 = arith.constant 0 : i32
      %dma_wait3A_373 = arith.constant 0 : i32
      %dma_wait3A_374 = tpu.memref_slice %arg9[%dma_wait3A_371, %dma_wait3A_372, %dma_wait3A_373] : memref<5x128x64xf32, #tpu.memory_space<vmem>> -> memref<1x128x64xf32, #tpu.memory_space<vmem>>
      %dma_wait3A_375 = tpu.memref_squeeze %dma_wait3A_374 : memref<1x128x64xf32, #tpu.memory_space<vmem>> -> memref<128x64xf32, #tpu.memory_space<vmem>>
      %dma_wait3A_376 = arith.constant 0 : i32
      %dma_wait3A_377 = tpu.memref_slice %arg7[%add3A_370, %dma_wait3A_376] : memref<160x128xi32, #tpu.memory_space<vmem>> -> memref<1x128xi32, #tpu.memory_space<vmem>>
      %dma_wait3A_378 = tpu.memref_squeeze %dma_wait3A_377 : memref<1x128xi32, #tpu.memory_space<vmem>> -> memref<128xi32, #tpu.memory_space<vmem>>
      %dma_wait3A_379 = arith.constant 0 : i32
      %dma_wait3A_380 = arith.constant 0 : i32
      %dma_wait3A_381 = tpu.memref_slice %arg2[%arg0, %dma_wait3A_379, %dma_wait3A_380] : memref<2x10000x64xf32, #tpu.memory_space<hbm>> -> memref<1x10000x64xf32, #tpu.memory_space<hbm>>
      %dma_wait3A_382 = tpu.memref_squeeze %dma_wait3A_381 : memref<1x10000x64xf32, #tpu.memory_space<hbm>> -> memref<10000x64xf32, #tpu.memory_space<hbm>>
      %dma_wait3A_383 = arith.constant 0 : i32
      %dma_wait3A_384 = arith.constant 0 : i32
      %dma_wait3A_385 = tpu.memref_slice %dma_wait3A_382[%dma_wait3A_383, %dma_wait3A_384] : memref<10000x64xf32, #tpu.memory_space<hbm>> -> memref<10000x64xf32, #tpu.memory_space<hbm>>
      tpu.wait_indirect_dma semaphore(%arg12 : memref<!tpu.dma_semaphore, #tpu.memory_space<semaphore_mem>>) src(%dma_wait3A_385 : memref<10000x64xf32, #tpu.memory_space<hbm>>) dst(%dma_wait3A_375 : memref<128x64xf32, #tpu.memory_space<vmem>>)
      %dma_start3A_386 = arith.constant 1 : i32
      %dma_start3A_387 = arith.constant 0 : i32
      %dma_start3A_388 = arith.constant 0 : i32
      %dma_start3A_389 = tpu.memref_slice %arg9[%dma_start3A_386, %dma_start3A_387, %dma_start3A_388] : memref<5x128x64xf32, #tpu.memory_space<vmem>> -> memref<1x128x64xf32, #tpu.memory_space<vmem>>
      %dma_start3A_390 = tpu.memref_squeeze %dma_start3A_389 : memref<1x128x64xf32, #tpu.memory_space<vmem>> -> memref<128x64xf32, #tpu.memory_space<vmem>>
      %dma_start3A_391 = arith.constant 0 : i32
      %dma_start3A_392 = tpu.memref_slice %arg8[%add3A_370, %dma_start3A_391] : memref<160x128xi32, #tpu.memory_space<vmem>> -> memref<1x128xi32, #tpu.memory_space<vmem>>
      %dma_start3A_393 = tpu.memref_squeeze %dma_start3A_392 : memref<1x128xi32, #tpu.memory_space<vmem>> -> memref<128xi32, #tpu.memory_space<vmem>>
      %dma_start3A_394 = arith.constant 0 : i32
      %dma_start3A_395 = arith.constant 0 : i32
      %dma_start3A_396 = tpu.memref_slice %arg10[%dma_start3A_394, %dma_start3A_395] : memref<10112x64xf32, #tpu.memory_space<vmem_shared>> -> memref<10112x64xf32, #tpu.memory_space<vmem_shared>>
      tpu.enqueue_indirect_dma source(%dma_start3A_390 : memref<128x64xf32, #tpu.memory_space<vmem>>) target(%dma_start3A_396 : memref<10112x64xf32, #tpu.memory_space<vmem_shared>>) offsets(%dma_start3A_393 : memref<128xi32, #tpu.memory_space<vmem>>) semaphore(%arg17 : memref<!tpu.dma_semaphore, #tpu.memory_space<semaphore_mem>>) {add = true}
      %mul3A_397 = arith.constant 5 : i32
      %mul3A_398 = arith.muli %mul3A_397, %scan3A_336 : i32
      %add3A_399 = arith.constant 2 : i32
      %add3A_400 = arith.addi %mul3A_398, %add3A_399 : i32
      %dma_wait3A_401 = arith.constant 2 : i32
      %dma_wait3A_402 = arith.constant 0 : i32
      %dma_wait3A_403 = arith.constant 0 : i32
      %dma_wait3A_404 = tpu.memref_slice %arg9[%dma_wait3A_401, %dma_wait3A_402, %dma_wait3A_403] : memref<5x128x64xf32, #tpu.memory_space<vmem>> -> memref<1x128x64xf32, #tpu.memory_space<vmem>>
      %dma_wait3A_405 = tpu.memref_squeeze %dma_wait3A_404 : memref<1x128x64xf32, #tpu.memory_space<vmem>> -> memref<128x64xf32, #tpu.memory_space<vmem>>
      %dma_wait3A_406 = arith.constant 0 : i32
      %dma_wait3A_407 = tpu.memref_slice %arg7[%add3A_400, %dma_wait3A_406] : memref<160x128xi32, #tpu.memory_space<vmem>> -> memref<1x128xi32, #tpu.memory_space<vmem>>
      %dma_wait3A_408 = tpu.memref_squeeze %dma_wait3A_407 : memref<1x128xi32, #tpu.memory_space<vmem>> -> memref<128xi32, #tpu.memory_space<vmem>>
      %dma_wait3A_409 = arith.constant 0 : i32
      %dma_wait3A_410 = arith.constant 0 : i32
      %dma_wait3A_411 = tpu.memref_slice %arg2[%arg0, %dma_wait3A_409, %dma_wait3A_410] : memref<2x10000x64xf32, #tpu.memory_space<hbm>> -> memref<1x10000x64xf32, #tpu.memory_space<hbm>>
      %dma_wait3A_412 = tpu.memref_squeeze %dma_wait3A_411 : memref<1x10000x64xf32, #tpu.memory_space<hbm>> -> memref<10000x64xf32, #tpu.memory_space<hbm>>
      %dma_wait3A_413 = arith.constant 0 : i32
      %dma_wait3A_414 = arith.constant 0 : i32
      %dma_wait3A_415 = tpu.memref_slice %dma_wait3A_412[%dma_wait3A_413, %dma_wait3A_414] : memref<10000x64xf32, #tpu.memory_space<hbm>> -> memref<10000x64xf32, #tpu.memory_space<hbm>>
      tpu.wait_indirect_dma semaphore(%arg13 : memref<!tpu.dma_semaphore, #tpu.memory_space<semaphore_mem>>) src(%dma_wait3A_415 : memref<10000x64xf32, #tpu.memory_space<hbm>>) dst(%dma_wait3A_405 : memref<128x64xf32, #tpu.memory_space<vmem>>)
      %dma_start3A_416 = arith.constant 2 : i32
      %dma_start3A_417 = arith.constant 0 : i32
      %dma_start3A_418 = arith.constant 0 : i32
      %dma_start3A_419 = tpu.memref_slice %arg9[%dma_start3A_416, %dma_start3A_417, %dma_start3A_418] : memref<5x128x64xf32, #tpu.memory_space<vmem>> -> memref<1x128x64xf32, #tpu.memory_space<vmem>>
      %dma_start3A_420 = tpu.memref_squeeze %dma_start3A_419 : memref<1x128x64xf32, #tpu.memory_space<vmem>> -> memref<128x64xf32, #tpu.memory_space<vmem>>
      %dma_start3A_421 = arith.constant 0 : i32
      %dma_start3A_422 = tpu.memref_slice %arg8[%add3A_400, %dma_start3A_421] : memref<160x128xi32, #tpu.memory_space<vmem>> -> memref<1x128xi32, #tpu.memory_space<vmem>>
      %dma_start3A_423 = tpu.memref_squeeze %dma_start3A_422 : memref<1x128xi32, #tpu.memory_space<vmem>> -> memref<128xi32, #tpu.memory_space<vmem>>
      %dma_start3A_424 = arith.constant 0 : i32
      %dma_start3A_425 = arith.constant 0 : i32
      %dma_start3A_426 = tpu.memref_slice %arg10[%dma_start3A_424, %dma_start3A_425] : memref<10112x64xf32, #tpu.memory_space<vmem_shared>> -> memref<10112x64xf32, #tpu.memory_space<vmem_shared>>
      tpu.enqueue_indirect_dma source(%dma_start3A_420 : memref<128x64xf32, #tpu.memory_space<vmem>>) target(%dma_start3A_426 : memref<10112x64xf32, #tpu.memory_space<vmem_shared>>) offsets(%dma_start3A_423 : memref<128xi32, #tpu.memory_space<vmem>>) semaphore(%arg18 : memref<!tpu.dma_semaphore, #tpu.memory_space<semaphore_mem>>) {add = true}
      %mul3A_427 = arith.constant 5 : i32
      %mul3A_428 = arith.muli %mul3A_427, %scan3A_336 : i32
      %add3A_429 = arith.constant 3 : i32
      %add3A_430 = arith.addi %mul3A_428, %add3A_429 : i32
      %dma_wait3A_431 = arith.constant 3 : i32
      %dma_wait3A_432 = arith.constant 0 : i32
      %dma_wait3A_433 = arith.constant 0 : i32
      %dma_wait3A_434 = tpu.memref_slice %arg9[%dma_wait3A_431, %dma_wait3A_432, %dma_wait3A_433] : memref<5x128x64xf32, #tpu.memory_space<vmem>> -> memref<1x128x64xf32, #tpu.memory_space<vmem>>
      %dma_wait3A_435 = tpu.memref_squeeze %dma_wait3A_434 : memref<1x128x64xf32, #tpu.memory_space<vmem>> -> memref<128x64xf32, #tpu.memory_space<vmem>>
      %dma_wait3A_436 = arith.constant 0 : i32
      %dma_wait3A_437 = tpu.memref_slice %arg7[%add3A_430, %dma_wait3A_436] : memref<160x128xi32, #tpu.memory_space<vmem>> -> memref<1x128xi32, #tpu.memory_space<vmem>>
      %dma_wait3A_438 = tpu.memref_squeeze %dma_wait3A_437 : memref<1x128xi32, #tpu.memory_space<vmem>> -> memref<128xi32, #tpu.memory_space<vmem>>
      %dma_wait3A_439 = arith.constant 0 : i32
      %dma_wait3A_440 = arith.constant 0 : i32
      %dma_wait3A_441 = tpu.memref_slice %arg2[%arg0, %dma_wait3A_439, %dma_wait3A_440] : memref<2x10000x64xf32, #tpu.memory_space<hbm>> -> memref<1x10000x64xf32, #tpu.memory_space<hbm>>
      %dma_wait3A_442 = tpu.memref_squeeze %dma_wait3A_441 : memref<1x10000x64xf32, #tpu.memory_space<hbm>> -> memref<10000x64xf32, #tpu.memory_space<hbm>>
      %dma_wait3A_443 = arith.constant 0 : i32
      %dma_wait3A_444 = arith.constant 0 : i32
      %dma_wait3A_445 = tpu.memref_slice %dma_wait3A_442[%dma_wait3A_443, %dma_wait3A_444] : memref<10000x64xf32, #tpu.memory_space<hbm>> -> memref<10000x64xf32, #tpu.memory_space<hbm>>
      tpu.wait_indirect_dma semaphore(%arg14 : memref<!tpu.dma_semaphore, #tpu.memory_space<semaphore_mem>>) src(%dma_wait3A_445 : memref<10000x64xf32, #tpu.memory_space<hbm>>) dst(%dma_wait3A_435 : memref<128x64xf32, #tpu.memory_space<vmem>>)
      %dma_start3A_446 = arith.constant 3 : i32
      %dma_start3A_447 = arith.constant 0 : i32
      %dma_start3A_448 = arith.constant 0 : i32
      %dma_start3A_449 = tpu.memref_slice %arg9[%dma_start3A_446, %dma_start3A_447, %dma_start3A_448] : memref<5x128x64xf32, #tpu.memory_space<vmem>> -> memref<1x128x64xf32, #tpu.memory_space<vmem>>
      %dma_start3A_450 = tpu.memref_squeeze %dma_start3A_449 : memref<1x128x64xf32, #tpu.memory_space<vmem>> -> memref<128x64xf32, #tpu.memory_space<vmem>>
      %dma_start3A_451 = arith.constant 0 : i32
      %dma_start3A_452 = tpu.memref_slice %arg8[%add3A_430, %dma_start3A_451] : memref<160x128xi32, #tpu.memory_space<vmem>> -> memref<1x128xi32, #tpu.memory_space<vmem>>
      %dma_start3A_453 = tpu.memref_squeeze %dma_start3A_452 : memref<1x128xi32, #tpu.memory_space<vmem>> -> memref<128xi32, #tpu.memory_space<vmem>>
      %dma_start3A_454 = arith.constant 0 : i32
      %dma_start3A_455 = arith.constant 0 : i32
      %dma_start3A_456 = tpu.memref_slice %arg10[%dma_start3A_454, %dma_start3A_455] : memref<10112x64xf32, #tpu.memory_space<vmem_shared>> -> memref<10112x64xf32, #tpu.memory_space<vmem_shared>>
      tpu.enqueue_indirect_dma source(%dma_start3A_450 : memref<128x64xf32, #tpu.memory_space<vmem>>) target(%dma_start3A_456 : memref<10112x64xf32, #tpu.memory_space<vmem_shared>>) offsets(%dma_start3A_453 : memref<128xi32, #tpu.memory_space<vmem>>) semaphore(%arg19 : memref<!tpu.dma_semaphore, #tpu.memory_space<semaphore_mem>>) {add = true}
      %mul3A_457 = arith.constant 5 : i32
      %mul3A_458 = arith.muli %mul3A_457, %scan3A_336 : i32
      %add3A_459 = arith.constant 4 : i32
      %add3A_460 = arith.addi %mul3A_458, %add3A_459 : i32
      %dma_wait3A_461 = arith.constant 4 : i32
      %dma_wait3A_462 = arith.constant 0 : i32
      %dma_wait3A_463 = arith.constant 0 : i32
      %dma_wait3A_464 = tpu.memref_slice %arg9[%dma_wait3A_461, %dma_wait3A_462, %dma_wait3A_463] : memref<5x128x64xf32, #tpu.memory_space<vmem>> -> memref<1x128x64xf32, #tpu.memory_space<vmem>>
      %dma_wait3A_465 = tpu.memref_squeeze %dma_wait3A_464 : memref<1x128x64xf32, #tpu.memory_space<vmem>> -> memref<128x64xf32, #tpu.memory_space<vmem>>
      %dma_wait3A_466 = arith.constant 0 : i32
      %dma_wait3A_467 = tpu.memref_slice %arg7[%add3A_460, %dma_wait3A_466] : memref<160x128xi32, #tpu.memory_space<vmem>> -> memref<1x128xi32, #tpu.memory_space<vmem>>
      %dma_wait3A_468 = tpu.memref_squeeze %dma_wait3A_467 : memref<1x128xi32, #tpu.memory_space<vmem>> -> memref<128xi32, #tpu.memory_space<vmem>>
      %dma_wait3A_469 = arith.constant 0 : i32
      %dma_wait3A_470 = arith.constant 0 : i32
      %dma_wait3A_471 = tpu.memref_slice %arg2[%arg0, %dma_wait3A_469, %dma_wait3A_470] : memref<2x10000x64xf32, #tpu.memory_space<hbm>> -> memref<1x10000x64xf32, #tpu.memory_space<hbm>>
      %dma_wait3A_472 = tpu.memref_squeeze %dma_wait3A_471 : memref<1x10000x64xf32, #tpu.memory_space<hbm>> -> memref<10000x64xf32, #tpu.memory_space<hbm>>
      %dma_wait3A_473 = arith.constant 0 : i32
      %dma_wait3A_474 = arith.constant 0 : i32
      %dma_wait3A_475 = tpu.memref_slice %dma_wait3A_472[%dma_wait3A_473, %dma_wait3A_474] : memref<10000x64xf32, #tpu.memory_space<hbm>> -> memref<10000x64xf32, #tpu.memory_space<hbm>>
      tpu.wait_indirect_dma semaphore(%arg15 : memref<!tpu.dma_semaphore, #tpu.memory_space<semaphore_mem>>) src(%dma_wait3A_475 : memref<10000x64xf32, #tpu.memory_space<hbm>>) dst(%dma_wait3A_465 : memref<128x64xf32, #tpu.memory_space<vmem>>)
      %dma_start3A_476 = arith.constant 4 : i32
      %dma_start3A_477 = arith.constant 0 : i32
      %dma_start3A_478 = arith.constant 0 : i32
      %dma_start3A_479 = tpu.memref_slice %arg9[%dma_start3A_476, %dma_start3A_477, %dma_start3A_478] : memref<5x128x64xf32, #tpu.memory_space<vmem>> -> memref<1x128x64xf32, #tpu.memory_space<vmem>>
      %dma_start3A_480 = tpu.memref_squeeze %dma_start3A_479 : memref<1x128x64xf32, #tpu.memory_space<vmem>> -> memref<128x64xf32, #tpu.memory_space<vmem>>
      %dma_start3A_481 = arith.constant 0 : i32
      %dma_start3A_482 = tpu.memref_slice %arg8[%add3A_460, %dma_start3A_481] : memref<160x128xi32, #tpu.memory_space<vmem>> -> memref<1x128xi32, #tpu.memory_space<vmem>>
      %dma_start3A_483 = tpu.memref_squeeze %dma_start3A_482 : memref<1x128xi32, #tpu.memory_space<vmem>> -> memref<128xi32, #tpu.memory_space<vmem>>
      %dma_start3A_484 = arith.constant 0 : i32
      %dma_start3A_485 = arith.constant 0 : i32
      %dma_start3A_486 = tpu.memref_slice %arg10[%dma_start3A_484, %dma_start3A_485] : memref<10112x64xf32, #tpu.memory_space<vmem_shared>> -> memref<10112x64xf32, #tpu.memory_space<vmem_shared>>
      tpu.enqueue_indirect_dma source(%dma_start3A_480 : memref<128x64xf32, #tpu.memory_space<vmem>>) target(%dma_start3A_486 : memref<10112x64xf32, #tpu.memory_space<vmem_shared>>) offsets(%dma_start3A_483 : memref<128xi32, #tpu.memory_space<vmem>>) semaphore(%arg20 : memref<!tpu.dma_semaphore, #tpu.memory_space<semaphore_mem>>) {add = true}
      %mul3A_487 = arith.constant 5 : i32
      %mul3A_488 = arith.muli %mul3A_487, %scan3A_336 : i32
      %add3A_489 = arith.constant 0 : i32
      %add3A_490 = arith.addi %mul3A_488, %add3A_489 : i32
      %dma_wait3A_491 = arith.constant 0 : i32
      %dma_wait3A_492 = arith.constant 0 : i32
      %dma_wait3A_493 = arith.constant 0 : i32
      %dma_wait3A_494 = tpu.memref_slice %arg9[%dma_wait3A_491, %dma_wait3A_492, %dma_wait3A_493] : memref<5x128x64xf32, #tpu.memory_space<vmem>> -> memref<1x128x64xf32, #tpu.memory_space<vmem>>
      %dma_wait3A_495 = tpu.memref_squeeze %dma_wait3A_494 : memref<1x128x64xf32, #tpu.memory_space<vmem>> -> memref<128x64xf32, #tpu.memory_space<vmem>>
      %dma_wait3A_496 = arith.constant 0 : i32
      %dma_wait3A_497 = tpu.memref_slice %arg8[%add3A_490, %dma_wait3A_496] : memref<160x128xi32, #tpu.memory_space<vmem>> -> memref<1x128xi32, #tpu.memory_space<vmem>>
      %dma_wait3A_498 = tpu.memref_squeeze %dma_wait3A_497 : memref<1x128xi32, #tpu.memory_space<vmem>> -> memref<128xi32, #tpu.memory_space<vmem>>
      %dma_wait3A_499 = arith.constant 0 : i32
      %dma_wait3A_500 = arith.constant 0 : i32
      %dma_wait3A_501 = tpu.memref_slice %arg10[%dma_wait3A_499, %dma_wait3A_500] : memref<10112x64xf32, #tpu.memory_space<vmem_shared>> -> memref<10112x64xf32, #tpu.memory_space<vmem_shared>>
      tpu.wait_indirect_dma semaphore(%arg16 : memref<!tpu.dma_semaphore, #tpu.memory_space<semaphore_mem>>) src(%dma_wait3A_495 : memref<128x64xf32, #tpu.memory_space<vmem>>) dst(%dma_wait3A_501 : memref<10112x64xf32, #tpu.memory_space<vmem_shared>>)
      %add3A_502 = arith.constant 5 : i32
      %add3A_503 = arith.addi %add3A_490, %add3A_502 : i32
      %dma_start3A_504 = arith.constant 0 : i32
      %dma_start3A_505 = arith.constant 0 : i32
      %dma_start3A_506 = arith.constant 0 : i32
      %dma_start3A_507 = tpu.memref_slice %arg9[%dma_start3A_504, %dma_start3A_505, %dma_start3A_506] : memref<5x128x64xf32, #tpu.memory_space<vmem>> -> memref<1x128x64xf32, #tpu.memory_space<vmem>>
      %dma_start3A_508 = tpu.memref_squeeze %dma_start3A_507 : memref<1x128x64xf32, #tpu.memory_space<vmem>> -> memref<128x64xf32, #tpu.memory_space<vmem>>
      %dma_start3A_509 = arith.constant 0 : i32
      %dma_start3A_510 = tpu.memref_slice %arg7[%add3A_503, %dma_start3A_509] : memref<160x128xi32, #tpu.memory_space<vmem>> -> memref<1x128xi32, #tpu.memory_space<vmem>>
      %dma_start3A_511 = tpu.memref_squeeze %dma_start3A_510 : memref<1x128xi32, #tpu.memory_space<vmem>> -> memref<128xi32, #tpu.memory_space<vmem>>
      %dma_start3A_512 = arith.constant 0 : i32
      %dma_start3A_513 = arith.constant 0 : i32
      %dma_start3A_514 = tpu.memref_slice %arg2[%arg0, %dma_start3A_512, %dma_start3A_513] : memref<2x10000x64xf32, #tpu.memory_space<hbm>> -> memref<1x10000x64xf32, #tpu.memory_space<hbm>>
      %dma_start3A_515 = tpu.memref_squeeze %dma_start3A_514 : memref<1x10000x64xf32, #tpu.memory_space<hbm>> -> memref<10000x64xf32, #tpu.memory_space<hbm>>
      %dma_start3A_516 = arith.constant 0 : i32
      %dma_start3A_517 = arith.constant 0 : i32
      %dma_start3A_518 = tpu.memref_slice %dma_start3A_515[%dma_start3A_516, %dma_start3A_517] : memref<10000x64xf32, #tpu.memory_space<hbm>> -> memref<10000x64xf32, #tpu.memory_space<hbm>>
      tpu.enqueue_indirect_dma source(%dma_start3A_518 : memref<10000x64xf32, #tpu.memory_space<hbm>>) target(%dma_start3A_508 : memref<128x64xf32, #tpu.memory_space<vmem>>) offsets(%dma_start3A_511 : memref<128xi32, #tpu.memory_space<vmem>>) semaphore(%arg11 : memref<!tpu.dma_semaphore, #tpu.memory_space<semaphore_mem>>)
      %mul3A_519 = arith.constant 5 : i32
      %mul3A_520 = arith.muli %mul3A_519, %scan3A_336 : i32
      %add3A_521 = arith.constant 1 : i32
      %add3A_522 = arith.addi %mul3A_520, %add3A_521 : i32
      %dma_wait3A_523 = arith.constant 1 : i32
      %dma_wait3A_524 = arith.constant 0 : i32
      %dma_wait3A_525 = arith.constant 0 : i32
      %dma_wait3A_526 = tpu.memref_slice %arg9[%dma_wait3A_523, %dma_wait3A_524, %dma_wait3A_525] : memref<5x128x64xf32, #tpu.memory_space<vmem>> -> memref<1x128x64xf32, #tpu.memory_space<vmem>>
      %dma_wait3A_527 = tpu.memref_squeeze %dma_wait3A_526 : memref<1x128x64xf32, #tpu.memory_space<vmem>> -> memref<128x64xf32, #tpu.memory_space<vmem>>
      %dma_wait3A_528 = arith.constant 0 : i32
      %dma_wait3A_529 = tpu.memref_slice %arg8[%add3A_522, %dma_wait3A_528] : memref<160x128xi32, #tpu.memory_space<vmem>> -> memref<1x128xi32, #tpu.memory_space<vmem>>
      %dma_wait3A_530 = tpu.memref_squeeze %dma_wait3A_529 : memref<1x128xi32, #tpu.memory_space<vmem>> -> memref<128xi32, #tpu.memory_space<vmem>>
      %dma_wait3A_531 = arith.constant 0 : i32
      %dma_wait3A_532 = arith.constant 0 : i32
      %dma_wait3A_533 = tpu.memref_slice %arg10[%dma_wait3A_531, %dma_wait3A_532] : memref<10112x64xf32, #tpu.memory_space<vmem_shared>> -> memref<10112x64xf32, #tpu.memory_space<vmem_shared>>
      tpu.wait_indirect_dma semaphore(%arg17 : memref<!tpu.dma_semaphore, #tpu.memory_space<semaphore_mem>>) src(%dma_wait3A_527 : memref<128x64xf32, #tpu.memory_space<vmem>>) dst(%dma_wait3A_533 : memref<10112x64xf32, #tpu.memory_space<vmem_shared>>)
      %add3A_534 = arith.constant 5 : i32
      %add3A_535 = arith.addi %add3A_522, %add3A_534 : i32
      %dma_start3A_536 = arith.constant 1 : i32
      %dma_start3A_537 = arith.constant 0 : i32
      %dma_start3A_538 = arith.constant 0 : i32
      %dma_start3A_539 = tpu.memref_slice %arg9[%dma_start3A_536, %dma_start3A_537, %dma_start3A_538] : memref<5x128x64xf32, #tpu.memory_space<vmem>> -> memref<1x128x64xf32, #tpu.memory_space<vmem>>
      %dma_start3A_540 = tpu.memref_squeeze %dma_start3A_539 : memref<1x128x64xf32, #tpu.memory_space<vmem>> -> memref<128x64xf32, #tpu.memory_space<vmem>>
      %dma_start3A_541 = arith.constant 0 : i32
      %dma_start3A_542 = tpu.memref_slice %arg7[%add3A_535, %dma_start3A_541] : memref<160x128xi32, #tpu.memory_space<vmem>> -> memref<1x128xi32, #tpu.memory_space<vmem>>
      %dma_start3A_543 = tpu.memref_squeeze %dma_start3A_542 : memref<1x128xi32, #tpu.memory_space<vmem>> -> memref<128xi32, #tpu.memory_space<vmem>>
      %dma_start3A_544 = arith.constant 0 : i32
      %dma_start3A_545 = arith.constant 0 : i32
      %dma_start3A_546 = tpu.memref_slice %arg2[%arg0, %dma_start3A_544, %dma_start3A_545] : memref<2x10000x64xf32, #tpu.memory_space<hbm>> -> memref<1x10000x64xf32, #tpu.memory_space<hbm>>
      %dma_start3A_547 = tpu.memref_squeeze %dma_start3A_546 : memref<1x10000x64xf32, #tpu.memory_space<hbm>> -> memref<10000x64xf32, #tpu.memory_space<hbm>>
      %dma_start3A_548 = arith.constant 0 : i32
      %dma_start3A_549 = arith.constant 0 : i32
      %dma_start3A_550 = tpu.memref_slice %dma_start3A_547[%dma_start3A_548, %dma_start3A_549] : memref<10000x64xf32, #tpu.memory_space<hbm>> -> memref<10000x64xf32, #tpu.memory_space<hbm>>
      tpu.enqueue_indirect_dma source(%dma_start3A_550 : memref<10000x64xf32, #tpu.memory_space<hbm>>) target(%dma_start3A_540 : memref<128x64xf32, #tpu.memory_space<vmem>>) offsets(%dma_start3A_543 : memref<128xi32, #tpu.memory_space<vmem>>) semaphore(%arg12 : memref<!tpu.dma_semaphore, #tpu.memory_space<semaphore_mem>>)
      %mul3A_551 = arith.constant 5 : i32
      %mul3A_552 = arith.muli %mul3A_551, %scan3A_336 : i32
      %add3A_553 = arith.constant 2 : i32
      %add3A_554 = arith.addi %mul3A_552, %add3A_553 : i32
      %dma_wait3A_555 = arith.constant 2 : i32
      %dma_wait3A_556 = arith.constant 0 : i32
      %dma_wait3A_557 = arith.constant 0 : i32
      %dma_wait3A_558 = tpu.memref_slice %arg9[%dma_wait3A_555, %dma_wait3A_556, %dma_wait3A_557] : memref<5x128x64xf32, #tpu.memory_space<vmem>> -> memref<1x128x64xf32, #tpu.memory_space<vmem>>
      %dma_wait3A_559 = tpu.memref_squeeze %dma_wait3A_558 : memref<1x128x64xf32, #tpu.memory_space<vmem>> -> memref<128x64xf32, #tpu.memory_space<vmem>>
      %dma_wait3A_560 = arith.constant 0 : i32
      %dma_wait3A_561 = tpu.memref_slice %arg8[%add3A_554, %dma_wait3A_560] : memref<160x128xi32, #tpu.memory_space<vmem>> -> memref<1x128xi32, #tpu.memory_space<vmem>>
      %dma_wait3A_562 = tpu.memref_squeeze %dma_wait3A_561 : memref<1x128xi32, #tpu.memory_space<vmem>> -> memref<128xi32, #tpu.memory_space<vmem>>
      %dma_wait3A_563 = arith.constant 0 : i32
      %dma_wait3A_564 = arith.constant 0 : i32
      %dma_wait3A_565 = tpu.memref_slice %arg10[%dma_wait3A_563, %dma_wait3A_564] : memref<10112x64xf32, #tpu.memory_space<vmem_shared>> -> memref<10112x64xf32, #tpu.memory_space<vmem_shared>>
      tpu.wait_indirect_dma semaphore(%arg18 : memref<!tpu.dma_semaphore, #tpu.memory_space<semaphore_mem>>) src(%dma_wait3A_559 : memref<128x64xf32, #tpu.memory_space<vmem>>) dst(%dma_wait3A_565 : memref<10112x64xf32, #tpu.memory_space<vmem_shared>>)
      %add3A_566 = arith.constant 5 : i32
      %add3A_567 = arith.addi %add3A_554, %add3A_566 : i32
      %dma_start3A_568 = arith.constant 2 : i32
      %dma_start3A_569 = arith.constant 0 : i32
      %dma_start3A_570 = arith.constant 0 : i32
      %dma_start3A_571 = tpu.memref_slice %arg9[%dma_start3A_568, %dma_start3A_569, %dma_start3A_570] : memref<5x128x64xf32, #tpu.memory_space<vmem>> -> memref<1x128x64xf32, #tpu.memory_space<vmem>>
      %dma_start3A_572 = tpu.memref_squeeze %dma_start3A_571 : memref<1x128x64xf32, #tpu.memory_space<vmem>> -> memref<128x64xf32, #tpu.memory_space<vmem>>
      %dma_start3A_573 = arith.constant 0 : i32
      %dma_start3A_574 = tpu.memref_slice %arg7[%add3A_567, %dma_start3A_573] : memref<160x128xi32, #tpu.memory_space<vmem>> -> memref<1x128xi32, #tpu.memory_space<vmem>>
      %dma_start3A_575 = tpu.memref_squeeze %dma_start3A_574 : memref<1x128xi32, #tpu.memory_space<vmem>> -> memref<128xi32, #tpu.memory_space<vmem>>
      %dma_start3A_576 = arith.constant 0 : i32
      %dma_start3A_577 = arith.constant 0 : i32
      %dma_start3A_578 = tpu.memref_slice %arg2[%arg0, %dma_start3A_576, %dma_start3A_577] : memref<2x10000x64xf32, #tpu.memory_space<hbm>> -> memref<1x10000x64xf32, #tpu.memory_space<hbm>>
      %dma_start3A_579 = tpu.memref_squeeze %dma_start3A_578 : memref<1x10000x64xf32, #tpu.memory_space<hbm>> -> memref<10000x64xf32, #tpu.memory_space<hbm>>
      %dma_start3A_580 = arith.constant 0 : i32
      %dma_start3A_581 = arith.constant 0 : i32
      %dma_start3A_582 = tpu.memref_slice %dma_start3A_579[%dma_start3A_580, %dma_start3A_581] : memref<10000x64xf32, #tpu.memory_space<hbm>> -> memref<10000x64xf32, #tpu.memory_space<hbm>>
      tpu.enqueue_indirect_dma source(%dma_start3A_582 : memref<10000x64xf32, #tpu.memory_space<hbm>>) target(%dma_start3A_572 : memref<128x64xf32, #tpu.memory_space<vmem>>) offsets(%dma_start3A_575 : memref<128xi32, #tpu.memory_space<vmem>>) semaphore(%arg13 : memref<!tpu.dma_semaphore, #tpu.memory_space<semaphore_mem>>)
      %mul3A_583 = arith.constant 5 : i32
      %mul3A_584 = arith.muli %mul3A_583, %scan3A_336 : i32
      %add3A_585 = arith.constant 3 : i32
      %add3A_586 = arith.addi %mul3A_584, %add3A_585 : i32
      %dma_wait3A_587 = arith.constant 3 : i32
      %dma_wait3A_588 = arith.constant 0 : i32
      %dma_wait3A_589 = arith.constant 0 : i32
      %dma_wait3A_590 = tpu.memref_slice %arg9[%dma_wait3A_587, %dma_wait3A_588, %dma_wait3A_589] : memref<5x128x64xf32, #tpu.memory_space<vmem>> -> memref<1x128x64xf32, #tpu.memory_space<vmem>>
      %dma_wait3A_591 = tpu.memref_squeeze %dma_wait3A_590 : memref<1x128x64xf32, #tpu.memory_space<vmem>> -> memref<128x64xf32, #tpu.memory_space<vmem>>
      %dma_wait3A_592 = arith.constant 0 : i32
      %dma_wait3A_593 = tpu.memref_slice %arg8[%add3A_586, %dma_wait3A_592] : memref<160x128xi32, #tpu.memory_space<vmem>> -> memref<1x128xi32, #tpu.memory_space<vmem>>
      %dma_wait3A_594 = tpu.memref_squeeze %dma_wait3A_593 : memref<1x128xi32, #tpu.memory_space<vmem>> -> memref<128xi32, #tpu.memory_space<vmem>>
      %dma_wait3A_595 = arith.constant 0 : i32
      %dma_wait3A_596 = arith.constant 0 : i32
      %dma_wait3A_597 = tpu.memref_slice %arg10[%dma_wait3A_595, %dma_wait3A_596] : memref<10112x64xf32, #tpu.memory_space<vmem_shared>> -> memref<10112x64xf32, #tpu.memory_space<vmem_shared>>
      tpu.wait_indirect_dma semaphore(%arg19 : memref<!tpu.dma_semaphore, #tpu.memory_space<semaphore_mem>>) src(%dma_wait3A_591 : memref<128x64xf32, #tpu.memory_space<vmem>>) dst(%dma_wait3A_597 : memref<10112x64xf32, #tpu.memory_space<vmem_shared>>)
      %add3A_598 = arith.constant 5 : i32
      %add3A_599 = arith.addi %add3A_586, %add3A_598 : i32
      %dma_start3A_600 = arith.constant 3 : i32
      %dma_start3A_601 = arith.constant 0 : i32
      %dma_start3A_602 = arith.constant 0 : i32
      %dma_start3A_603 = tpu.memref_slice %arg9[%dma_start3A_600, %dma_start3A_601, %dma_start3A_602] : memref<5x128x64xf32, #tpu.memory_space<vmem>> -> memref<1x128x64xf32, #tpu.memory_space<vmem>>
      %dma_start3A_604 = tpu.memref_squeeze %dma_start3A_603 : memref<1x128x64xf32, #tpu.memory_space<vmem>> -> memref<128x64xf32, #tpu.memory_space<vmem>>
      %dma_start3A_605 = arith.constant 0 : i32
      %dma_start3A_606 = tpu.memref_slice %arg7[%add3A_599, %dma_start3A_605] : memref<160x128xi32, #tpu.memory_space<vmem>> -> memref<1x128xi32, #tpu.memory_space<vmem>>
      %dma_start3A_607 = tpu.memref_squeeze %dma_start3A_606 : memref<1x128xi32, #tpu.memory_space<vmem>> -> memref<128xi32, #tpu.memory_space<vmem>>
      %dma_start3A_608 = arith.constant 0 : i32
      %dma_start3A_609 = arith.constant 0 : i32
      %dma_start3A_610 = tpu.memref_slice %arg2[%arg0, %dma_start3A_608, %dma_start3A_609] : memref<2x10000x64xf32, #tpu.memory_space<hbm>> -> memref<1x10000x64xf32, #tpu.memory_space<hbm>>
      %dma_start3A_611 = tpu.memref_squeeze %dma_start3A_610 : memref<1x10000x64xf32, #tpu.memory_space<hbm>> -> memref<10000x64xf32, #tpu.memory_space<hbm>>
      %dma_start3A_612 = arith.constant 0 : i32
      %dma_start3A_613 = arith.constant 0 : i32
      %dma_start3A_614 = tpu.memref_slice %dma_start3A_611[%dma_start3A_612, %dma_start3A_613] : memref<10000x64xf32, #tpu.memory_space<hbm>> -> memref<10000x64xf32, #tpu.memory_space<hbm>>
      tpu.enqueue_indirect_dma source(%dma_start3A_614 : memref<10000x64xf32, #tpu.memory_space<hbm>>) target(%dma_start3A_604 : memref<128x64xf32, #tpu.memory_space<vmem>>) offsets(%dma_start3A_607 : memref<128xi32, #tpu.memory_space<vmem>>) semaphore(%arg14 : memref<!tpu.dma_semaphore, #tpu.memory_space<semaphore_mem>>)
      %mul3A_615 = arith.constant 5 : i32
      %mul3A_616 = arith.muli %mul3A_615, %scan3A_336 : i32
      %add3A_617 = arith.constant 4 : i32
      %add3A_618 = arith.addi %mul3A_616, %add3A_617 : i32
      %dma_wait3A_619 = arith.constant 4 : i32
      %dma_wait3A_620 = arith.constant 0 : i32
      %dma_wait3A_621 = arith.constant 0 : i32
      %dma_wait3A_622 = tpu.memref_slice %arg9[%dma_wait3A_619, %dma_wait3A_620, %dma_wait3A_621] : memref<5x128x64xf32, #tpu.memory_space<vmem>> -> memref<1x128x64xf32, #tpu.memory_space<vmem>>
      %dma_wait3A_623 = tpu.memref_squeeze %dma_wait3A_622 : memref<1x128x64xf32, #tpu.memory_space<vmem>> -> memref<128x64xf32, #tpu.memory_space<vmem>>
      %dma_wait3A_624 = arith.constant 0 : i32
      %dma_wait3A_625 = tpu.memref_slice %arg8[%add3A_618, %dma_wait3A_624] : memref<160x128xi32, #tpu.memory_space<vmem>> -> memref<1x128xi32, #tpu.memory_space<vmem>>
      %dma_wait3A_626 = tpu.memref_squeeze %dma_wait3A_625 : memref<1x128xi32, #tpu.memory_space<vmem>> -> memref<128xi32, #tpu.memory_space<vmem>>
      %dma_wait3A_627 = arith.constant 0 : i32
      %dma_wait3A_628 = arith.constant 0 : i32
      %dma_wait3A_629 = tpu.memref_slice %arg10[%dma_wait3A_627, %dma_wait3A_628] : memref<10112x64xf32, #tpu.memory_space<vmem_shared>> -> memref<10112x64xf32, #tpu.memory_space<vmem_shared>>
      tpu.wait_indirect_dma semaphore(%arg20 : memref<!tpu.dma_semaphore, #tpu.memory_space<semaphore_mem>>) src(%dma_wait3A_623 : memref<128x64xf32, #tpu.memory_space<vmem>>) dst(%dma_wait3A_629 : memref<10112x64xf32, #tpu.memory_space<vmem_shared>>)
      %add3A_630 = arith.constant 5 : i32
      %add3A_631 = arith.addi %add3A_618, %add3A_630 : i32
      %dma_start3A_632 = arith.constant 4 : i32
      %dma_start3A_633 = arith.constant 0 : i32
      %dma_start3A_634 = arith.constant 0 : i32
      %dma_start3A_635 = tpu.memref_slice %arg9[%dma_start3A_632, %dma_start3A_633, %dma_start3A_634] : memref<5x128x64xf32, #tpu.memory_space<vmem>> -> memref<1x128x64xf32, #tpu.memory_space<vmem>>
      %dma_start3A_636 = tpu.memref_squeeze %dma_start3A_635 : memref<1x128x64xf32, #tpu.memory_space<vmem>> -> memref<128x64xf32, #tpu.memory_space<vmem>>
      %dma_start3A_637 = arith.constant 0 : i32
      %dma_start3A_638 = tpu.memref_slice %arg7[%add3A_631, %dma_start3A_637] : memref<160x128xi32, #tpu.memory_space<vmem>> -> memref<1x128xi32, #tpu.memory_space<vmem>>
      %dma_start3A_639 = tpu.memref_squeeze %dma_start3A_638 : memref<1x128xi32, #tpu.memory_space<vmem>> -> memref<128xi32, #tpu.memory_space<vmem>>
      %dma_start3A_640 = arith.constant 0 : i32
      %dma_start3A_641 = arith.constant 0 : i32
      %dma_start3A_642 = tpu.memref_slice %arg2[%arg0, %dma_start3A_640, %dma_start3A_641] : memref<2x10000x64xf32, #tpu.memory_space<hbm>> -> memref<1x10000x64xf32, #tpu.memory_space<hbm>>
      %dma_start3A_643 = tpu.memref_squeeze %dma_start3A_642 : memref<1x10000x64xf32, #tpu.memory_space<hbm>> -> memref<10000x64xf32, #tpu.memory_space<hbm>>
      %dma_start3A_644 = arith.constant 0 : i32
      %dma_start3A_645 = arith.constant 0 : i32
      %dma_start3A_646 = tpu.memref_slice %dma_start3A_643[%dma_start3A_644, %dma_start3A_645] : memref<10000x64xf32, #tpu.memory_space<hbm>> -> memref<10000x64xf32, #tpu.memory_space<hbm>>
      tpu.enqueue_indirect_dma source(%dma_start3A_646 : memref<10000x64xf32, #tpu.memory_space<hbm>>) target(%dma_start3A_636 : memref<128x64xf32, #tpu.memory_space<vmem>>) offsets(%dma_start3A_639 : memref<128xi32, #tpu.memory_space<vmem>>) semaphore(%arg15 : memref<!tpu.dma_semaphore, #tpu.memory_space<semaphore_mem>>)
      %scan3A_647 = arith.constant 0 : i32
      scf.yield %scan3A_647 : i32
    }
    %scan3A_130 = arith.constant 31 : i32
    %dma_wait3A_131 = arith.constant 155 : i32
    %dma_wait3A_132 = arith.constant 0 : i32
    %dma_wait3A_133 = arith.constant 0 : i32
    %dma_wait3A_134 = arith.constant 0 : i32
    %dma_wait3A_135 = tpu.memref_slice %arg9[%dma_wait3A_132, %dma_wait3A_133, %dma_wait3A_134] : memref<5x128x64xf32, #tpu.memory_space<vmem>> -> memref<1x128x64xf32, #tpu.memory_space<vmem>>
    %dma_wait3A_136 = tpu.memref_squeeze %dma_wait3A_135 : memref<1x128x64xf32, #tpu.memory_space<vmem>> -> memref<128x64xf32, #tpu.memory_space<vmem>>
    %dma_wait3A_137 = arith.constant 0 : i32
    %dma_wait3A_138 = tpu.memref_slice %arg7[%dma_wait3A_131, %dma_wait3A_137] : memref<160x128xi32, #tpu.memory_space<vmem>> -> memref<1x128xi32, #tpu.memory_space<vmem>>
    %dma_wait3A_139 = tpu.memref_squeeze %dma_wait3A_138 : memref<1x128xi32, #tpu.memory_space<vmem>> -> memref<128xi32, #tpu.memory_space<vmem>>
    %dma_wait3A_140 = arith.constant 0 : i32
    %dma_wait3A_141 = arith.constant 0 : i32
    %dma_wait3A_142 = tpu.memref_slice %arg2[%arg0, %dma_wait3A_140, %dma_wait3A_141] : memref<2x10000x64xf32, #tpu.memory_space<hbm>> -> memref<1x10000x64xf32, #tpu.memory_space<hbm>>
    %dma_wait3A_143 = tpu.memref_squeeze %dma_wait3A_142 : memref<1x10000x64xf32, #tpu.memory_space<hbm>> -> memref<10000x64xf32, #tpu.memory_space<hbm>>
    %dma_wait3A_144 = arith.constant 0 : i32
    %dma_wait3A_145 = arith.constant 0 : i32
    %dma_wait3A_146 = tpu.memref_slice %dma_wait3A_143[%dma_wait3A_144, %dma_wait3A_145] : memref<10000x64xf32, #tpu.memory_space<hbm>> -> memref<10000x64xf32, #tpu.memory_space<hbm>>
    tpu.wait_indirect_dma semaphore(%arg11 : memref<!tpu.dma_semaphore, #tpu.memory_space<semaphore_mem>>) src(%dma_wait3A_146 : memref<10000x64xf32, #tpu.memory_space<hbm>>) dst(%dma_wait3A_136 : memref<128x64xf32, #tpu.memory_space<vmem>>)
    %dma_start3A_147 = arith.constant 0 : i32
    %dma_start3A_148 = arith.constant 155 : i32
    %dma_start3A_149 = arith.constant 0 : i32
    %dma_start3A_150 = arith.constant 0 : i32
    %dma_start3A_151 = tpu.memref_slice %arg9[%dma_start3A_147, %dma_start3A_149, %dma_start3A_150] : memref<5x128x64xf32, #tpu.memory_space<vmem>> -> memref<1x128x64xf32, #tpu.memory_space<vmem>>
    %dma_start3A_152 = tpu.memref_squeeze %dma_start3A_151 : memref<1x128x64xf32, #tpu.memory_space<vmem>> -> memref<128x64xf32, #tpu.memory_space<vmem>>
    %dma_start3A_153 = arith.constant 0 : i32
    %dma_start3A_154 = tpu.memref_slice %arg8[%dma_start3A_148, %dma_start3A_153] : memref<160x128xi32, #tpu.memory_space<vmem>> -> memref<1x128xi32, #tpu.memory_space<vmem>>
    %dma_start3A_155 = tpu.memref_squeeze %dma_start3A_154 : memref<1x128xi32, #tpu.memory_space<vmem>> -> memref<128xi32, #tpu.memory_space<vmem>>
    %dma_start3A_156 = arith.constant 0 : i32
    %dma_start3A_157 = arith.constant 0 : i32
    %dma_start3A_158 = tpu.memref_slice %arg10[%dma_start3A_156, %dma_start3A_157] : memref<10112x64xf32, #tpu.memory_space<vmem_shared>> -> memref<10112x64xf32, #tpu.memory_space<vmem_shared>>
    tpu.enqueue_indirect_dma source(%dma_start3A_152 : memref<128x64xf32, #tpu.memory_space<vmem>>) target(%dma_start3A_158 : memref<10112x64xf32, #tpu.memory_space<vmem_shared>>) offsets(%dma_start3A_155 : memref<128xi32, #tpu.memory_space<vmem>>) semaphore(%arg16 : memref<!tpu.dma_semaphore, #tpu.memory_space<semaphore_mem>>) {add = true}
    %dma_wait3A_159 = arith.constant 156 : i32
    %dma_wait3A_160 = arith.constant 1 : i32
    %dma_wait3A_161 = arith.constant 0 : i32
    %dma_wait3A_162 = arith.constant 0 : i32
    %dma_wait3A_163 = tpu.memref_slice %arg9[%dma_wait3A_160, %dma_wait3A_161, %dma_wait3A_162] : memref<5x128x64xf32, #tpu.memory_space<vmem>> -> memref<1x128x64xf32, #tpu.memory_space<vmem>>
    %dma_wait3A_164 = tpu.memref_squeeze %dma_wait3A_163 : memref<1x128x64xf32, #tpu.memory_space<vmem>> -> memref<128x64xf32, #tpu.memory_space<vmem>>
    %dma_wait3A_165 = arith.constant 0 : i32
    %dma_wait3A_166 = tpu.memref_slice %arg7[%dma_wait3A_159, %dma_wait3A_165] : memref<160x128xi32, #tpu.memory_space<vmem>> -> memref<1x128xi32, #tpu.memory_space<vmem>>
    %dma_wait3A_167 = tpu.memref_squeeze %dma_wait3A_166 : memref<1x128xi32, #tpu.memory_space<vmem>> -> memref<128xi32, #tpu.memory_space<vmem>>
    %dma_wait3A_168 = arith.constant 0 : i32
    %dma_wait3A_169 = arith.constant 0 : i32
    %dma_wait3A_170 = tpu.memref_slice %arg2[%arg0, %dma_wait3A_168, %dma_wait3A_169] : memref<2x10000x64xf32, #tpu.memory_space<hbm>> -> memref<1x10000x64xf32, #tpu.memory_space<hbm>>
    %dma_wait3A_171 = tpu.memref_squeeze %dma_wait3A_170 : memref<1x10000x64xf32, #tpu.memory_space<hbm>> -> memref<10000x64xf32, #tpu.memory_space<hbm>>
    %dma_wait3A_172 = arith.constant 0 : i32
    %dma_wait3A_173 = arith.constant 0 : i32
    %dma_wait3A_174 = tpu.memref_slice %dma_wait3A_171[%dma_wait3A_172, %dma_wait3A_173] : memref<10000x64xf32, #tpu.memory_space<hbm>> -> memref<10000x64xf32, #tpu.memory_space<hbm>>
    tpu.wait_indirect_dma semaphore(%arg12 : memref<!tpu.dma_semaphore, #tpu.memory_space<semaphore_mem>>) src(%dma_wait3A_174 : memref<10000x64xf32, #tpu.memory_space<hbm>>) dst(%dma_wait3A_164 : memref<128x64xf32, #tpu.memory_space<vmem>>)
    %dma_start3A_175 = arith.constant 1 : i32
    %dma_start3A_176 = arith.constant 156 : i32
    %dma_start3A_177 = arith.constant 0 : i32
    %dma_start3A_178 = arith.constant 0 : i32
    %dma_start3A_179 = tpu.memref_slice %arg9[%dma_start3A_175, %dma_start3A_177, %dma_start3A_178] : memref<5x128x64xf32, #tpu.memory_space<vmem>> -> memref<1x128x64xf32, #tpu.memory_space<vmem>>
    %dma_start3A_180 = tpu.memref_squeeze %dma_start3A_179 : memref<1x128x64xf32, #tpu.memory_space<vmem>> -> memref<128x64xf32, #tpu.memory_space<vmem>>
    %dma_start3A_181 = arith.constant 0 : i32
    %dma_start3A_182 = tpu.memref_slice %arg8[%dma_start3A_176, %dma_start3A_181] : memref<160x128xi32, #tpu.memory_space<vmem>> -> memref<1x128xi32, #tpu.memory_space<vmem>>
    %dma_start3A_183 = tpu.memref_squeeze %dma_start3A_182 : memref<1x128xi32, #tpu.memory_space<vmem>> -> memref<128xi32, #tpu.memory_space<vmem>>
    %dma_start3A_184 = arith.constant 0 : i32
    %dma_start3A_185 = arith.constant 0 : i32
    %dma_start3A_186 = tpu.memref_slice %arg10[%dma_start3A_184, %dma_start3A_185] : memref<10112x64xf32, #tpu.memory_space<vmem_shared>> -> memref<10112x64xf32, #tpu.memory_space<vmem_shared>>
    tpu.enqueue_indirect_dma source(%dma_start3A_180 : memref<128x64xf32, #tpu.memory_space<vmem>>) target(%dma_start3A_186 : memref<10112x64xf32, #tpu.memory_space<vmem_shared>>) offsets(%dma_start3A_183 : memref<128xi32, #tpu.memory_space<vmem>>) semaphore(%arg17 : memref<!tpu.dma_semaphore, #tpu.memory_space<semaphore_mem>>) {add = true}
    %dma_wait3A_187 = arith.constant 157 : i32
    %dma_wait3A_188 = arith.constant 2 : i32
    %dma_wait3A_189 = arith.constant 0 : i32
    %dma_wait3A_190 = arith.constant 0 : i32
    %dma_wait3A_191 = tpu.memref_slice %arg9[%dma_wait3A_188, %dma_wait3A_189, %dma_wait3A_190] : memref<5x128x64xf32, #tpu.memory_space<vmem>> -> memref<1x128x64xf32, #tpu.memory_space<vmem>>
    %dma_wait3A_192 = tpu.memref_squeeze %dma_wait3A_191 : memref<1x128x64xf32, #tpu.memory_space<vmem>> -> memref<128x64xf32, #tpu.memory_space<vmem>>
    %dma_wait3A_193 = arith.constant 0 : i32
    %dma_wait3A_194 = tpu.memref_slice %arg7[%dma_wait3A_187, %dma_wait3A_193] : memref<160x128xi32, #tpu.memory_space<vmem>> -> memref<1x128xi32, #tpu.memory_space<vmem>>
    %dma_wait3A_195 = tpu.memref_squeeze %dma_wait3A_194 : memref<1x128xi32, #tpu.memory_space<vmem>> -> memref<128xi32, #tpu.memory_space<vmem>>
    %dma_wait3A_196 = arith.constant 0 : i32
    %dma_wait3A_197 = arith.constant 0 : i32
    %dma_wait3A_198 = tpu.memref_slice %arg2[%arg0, %dma_wait3A_196, %dma_wait3A_197] : memref<2x10000x64xf32, #tpu.memory_space<hbm>> -> memref<1x10000x64xf32, #tpu.memory_space<hbm>>
    %dma_wait3A_199 = tpu.memref_squeeze %dma_wait3A_198 : memref<1x10000x64xf32, #tpu.memory_space<hbm>> -> memref<10000x64xf32, #tpu.memory_space<hbm>>
    %dma_wait3A_200 = arith.constant 0 : i32
    %dma_wait3A_201 = arith.constant 0 : i32
    %dma_wait3A_202 = tpu.memref_slice %dma_wait3A_199[%dma_wait3A_200, %dma_wait3A_201] : memref<10000x64xf32, #tpu.memory_space<hbm>> -> memref<10000x64xf32, #tpu.memory_space<hbm>>
    tpu.wait_indirect_dma semaphore(%arg13 : memref<!tpu.dma_semaphore, #tpu.memory_space<semaphore_mem>>) src(%dma_wait3A_202 : memref<10000x64xf32, #tpu.memory_space<hbm>>) dst(%dma_wait3A_192 : memref<128x64xf32, #tpu.memory_space<vmem>>)
    %dma_start3A_203 = arith.constant 2 : i32
    %dma_start3A_204 = arith.constant 157 : i32
    %dma_start3A_205 = arith.constant 0 : i32
    %dma_start3A_206 = arith.constant 0 : i32
    %dma_start3A_207 = tpu.memref_slice %arg9[%dma_start3A_203, %dma_start3A_205, %dma_start3A_206] : memref<5x128x64xf32, #tpu.memory_space<vmem>> -> memref<1x128x64xf32, #tpu.memory_space<vmem>>
    %dma_start3A_208 = tpu.memref_squeeze %dma_start3A_207 : memref<1x128x64xf32, #tpu.memory_space<vmem>> -> memref<128x64xf32, #tpu.memory_space<vmem>>
    %dma_start3A_209 = arith.constant 0 : i32
    %dma_start3A_210 = tpu.memref_slice %arg8[%dma_start3A_204, %dma_start3A_209] : memref<160x128xi32, #tpu.memory_space<vmem>> -> memref<1x128xi32, #tpu.memory_space<vmem>>
    %dma_start3A_211 = tpu.memref_squeeze %dma_start3A_210 : memref<1x128xi32, #tpu.memory_space<vmem>> -> memref<128xi32, #tpu.memory_space<vmem>>
    %dma_start3A_212 = arith.constant 0 : i32
    %dma_start3A_213 = arith.constant 0 : i32
    %dma_start3A_214 = tpu.memref_slice %arg10[%dma_start3A_212, %dma_start3A_213] : memref<10112x64xf32, #tpu.memory_space<vmem_shared>> -> memref<10112x64xf32, #tpu.memory_space<vmem_shared>>
    tpu.enqueue_indirect_dma source(%dma_start3A_208 : memref<128x64xf32, #tpu.memory_space<vmem>>) target(%dma_start3A_214 : memref<10112x64xf32, #tpu.memory_space<vmem_shared>>) offsets(%dma_start3A_211 : memref<128xi32, #tpu.memory_space<vmem>>) semaphore(%arg18 : memref<!tpu.dma_semaphore, #tpu.memory_space<semaphore_mem>>) {add = true}
    %dma_wait3A_215 = arith.constant 158 : i32
    %dma_wait3A_216 = arith.constant 3 : i32
    %dma_wait3A_217 = arith.constant 0 : i32
    %dma_wait3A_218 = arith.constant 0 : i32
    %dma_wait3A_219 = tpu.memref_slice %arg9[%dma_wait3A_216, %dma_wait3A_217, %dma_wait3A_218] : memref<5x128x64xf32, #tpu.memory_space<vmem>> -> memref<1x128x64xf32, #tpu.memory_space<vmem>>
    %dma_wait3A_220 = tpu.memref_squeeze %dma_wait3A_219 : memref<1x128x64xf32, #tpu.memory_space<vmem>> -> memref<128x64xf32, #tpu.memory_space<vmem>>
    %dma_wait3A_221 = arith.constant 0 : i32
    %dma_wait3A_222 = tpu.memref_slice %arg7[%dma_wait3A_215, %dma_wait3A_221] : memref<160x128xi32, #tpu.memory_space<vmem>> -> memref<1x128xi32, #tpu.memory_space<vmem>>
    %dma_wait3A_223 = tpu.memref_squeeze %dma_wait3A_222 : memref<1x128xi32, #tpu.memory_space<vmem>> -> memref<128xi32, #tpu.memory_space<vmem>>
    %dma_wait3A_224 = arith.constant 0 : i32
    %dma_wait3A_225 = arith.constant 0 : i32
    %dma_wait3A_226 = tpu.memref_slice %arg2[%arg0, %dma_wait3A_224, %dma_wait3A_225] : memref<2x10000x64xf32, #tpu.memory_space<hbm>> -> memref<1x10000x64xf32, #tpu.memory_space<hbm>>
    %dma_wait3A_227 = tpu.memref_squeeze %dma_wait3A_226 : memref<1x10000x64xf32, #tpu.memory_space<hbm>> -> memref<10000x64xf32, #tpu.memory_space<hbm>>
    %dma_wait3A_228 = arith.constant 0 : i32
    %dma_wait3A_229 = arith.constant 0 : i32
    %dma_wait3A_230 = tpu.memref_slice %dma_wait3A_227[%dma_wait3A_228, %dma_wait3A_229] : memref<10000x64xf32, #tpu.memory_space<hbm>> -> memref<10000x64xf32, #tpu.memory_space<hbm>>
    tpu.wait_indirect_dma semaphore(%arg14 : memref<!tpu.dma_semaphore, #tpu.memory_space<semaphore_mem>>) src(%dma_wait3A_230 : memref<10000x64xf32, #tpu.memory_space<hbm>>) dst(%dma_wait3A_220 : memref<128x64xf32, #tpu.memory_space<vmem>>)
    %dma_start3A_231 = arith.constant 3 : i32
    %dma_start3A_232 = arith.constant 158 : i32
    %dma_start3A_233 = arith.constant 0 : i32
    %dma_start3A_234 = arith.constant 0 : i32
    %dma_start3A_235 = tpu.memref_slice %arg9[%dma_start3A_231, %dma_start3A_233, %dma_start3A_234] : memref<5x128x64xf32, #tpu.memory_space<vmem>> -> memref<1x128x64xf32, #tpu.memory_space<vmem>>
    %dma_start3A_236 = tpu.memref_squeeze %dma_start3A_235 : memref<1x128x64xf32, #tpu.memory_space<vmem>> -> memref<128x64xf32, #tpu.memory_space<vmem>>
    %dma_start3A_237 = arith.constant 0 : i32
    %dma_start3A_238 = tpu.memref_slice %arg8[%dma_start3A_232, %dma_start3A_237] : memref<160x128xi32, #tpu.memory_space<vmem>> -> memref<1x128xi32, #tpu.memory_space<vmem>>
    %dma_start3A_239 = tpu.memref_squeeze %dma_start3A_238 : memref<1x128xi32, #tpu.memory_space<vmem>> -> memref<128xi32, #tpu.memory_space<vmem>>
    %dma_start3A_240 = arith.constant 0 : i32
    %dma_start3A_241 = arith.constant 0 : i32
    %dma_start3A_242 = tpu.memref_slice %arg10[%dma_start3A_240, %dma_start3A_241] : memref<10112x64xf32, #tpu.memory_space<vmem_shared>> -> memref<10112x64xf32, #tpu.memory_space<vmem_shared>>
    tpu.enqueue_indirect_dma source(%dma_start3A_236 : memref<128x64xf32, #tpu.memory_space<vmem>>) target(%dma_start3A_242 : memref<10112x64xf32, #tpu.memory_space<vmem_shared>>) offsets(%dma_start3A_239 : memref<128xi32, #tpu.memory_space<vmem>>) semaphore(%arg19 : memref<!tpu.dma_semaphore, #tpu.memory_space<semaphore_mem>>) {add = true}
    %dma_wait3A_243 = arith.constant 159 : i32
    %dma_wait3A_244 = arith.constant 4 : i32
    %dma_wait3A_245 = arith.constant 0 : i32
    %dma_wait3A_246 = arith.constant 0 : i32
    %dma_wait3A_247 = tpu.memref_slice %arg9[%dma_wait3A_244, %dma_wait3A_245, %dma_wait3A_246] : memref<5x128x64xf32, #tpu.memory_space<vmem>> -> memref<1x128x64xf32, #tpu.memory_space<vmem>>
    %dma_wait3A_248 = tpu.memref_squeeze %dma_wait3A_247 : memref<1x128x64xf32, #tpu.memory_space<vmem>> -> memref<128x64xf32, #tpu.memory_space<vmem>>
    %dma_wait3A_249 = arith.constant 0 : i32
    %dma_wait3A_250 = tpu.memref_slice %arg7[%dma_wait3A_243, %dma_wait3A_249] : memref<160x128xi32, #tpu.memory_space<vmem>> -> memref<1x128xi32, #tpu.memory_space<vmem>>
    %dma_wait3A_251 = tpu.memref_squeeze %dma_wait3A_250 : memref<1x128xi32, #tpu.memory_space<vmem>> -> memref<128xi32, #tpu.memory_space<vmem>>
    %dma_wait3A_252 = arith.constant 0 : i32
    %dma_wait3A_253 = arith.constant 0 : i32
    %dma_wait3A_254 = tpu.memref_slice %arg2[%arg0, %dma_wait3A_252, %dma_wait3A_253] : memref<2x10000x64xf32, #tpu.memory_space<hbm>> -> memref<1x10000x64xf32, #tpu.memory_space<hbm>>
    %dma_wait3A_255 = tpu.memref_squeeze %dma_wait3A_254 : memref<1x10000x64xf32, #tpu.memory_space<hbm>> -> memref<10000x64xf32, #tpu.memory_space<hbm>>
    %dma_wait3A_256 = arith.constant 0 : i32
    %dma_wait3A_257 = arith.constant 0 : i32
    %dma_wait3A_258 = tpu.memref_slice %dma_wait3A_255[%dma_wait3A_256, %dma_wait3A_257] : memref<10000x64xf32, #tpu.memory_space<hbm>> -> memref<10000x64xf32, #tpu.memory_space<hbm>>
    tpu.wait_indirect_dma semaphore(%arg15 : memref<!tpu.dma_semaphore, #tpu.memory_space<semaphore_mem>>) src(%dma_wait3A_258 : memref<10000x64xf32, #tpu.memory_space<hbm>>) dst(%dma_wait3A_248 : memref<128x64xf32, #tpu.memory_space<vmem>>)
    %dma_start3A_259 = arith.constant 4 : i32
    %dma_start3A_260 = arith.constant 159 : i32
    %dma_start3A_261 = arith.constant 0 : i32
    %dma_start3A_262 = arith.constant 0 : i32
    %dma_start3A_263 = tpu.memref_slice %arg9[%dma_start3A_259, %dma_start3A_261, %dma_start3A_262] : memref<5x128x64xf32, #tpu.memory_space<vmem>> -> memref<1x128x64xf32, #tpu.memory_space<vmem>>
    %dma_start3A_264 = tpu.memref_squeeze %dma_start3A_263 : memref<1x128x64xf32, #tpu.memory_space<vmem>> -> memref<128x64xf32, #tpu.memory_space<vmem>>
    %dma_start3A_265 = arith.constant 0 : i32
    %dma_start3A_266 = tpu.memref_slice %arg8[%dma_start3A_260, %dma_start3A_265] : memref<160x128xi32, #tpu.memory_space<vmem>> -> memref<1x128xi32, #tpu.memory_space<vmem>>
    %dma_start3A_267 = tpu.memref_squeeze %dma_start3A_266 : memref<1x128xi32, #tpu.memory_space<vmem>> -> memref<128xi32, #tpu.memory_space<vmem>>
    %dma_start3A_268 = arith.constant 0 : i32
    %dma_start3A_269 = arith.constant 0 : i32
    %dma_start3A_270 = tpu.memref_slice %arg10[%dma_start3A_268, %dma_start3A_269] : memref<10112x64xf32, #tpu.memory_space<vmem_shared>> -> memref<10112x64xf32, #tpu.memory_space<vmem_shared>>
    tpu.enqueue_indirect_dma source(%dma_start3A_264 : memref<128x64xf32, #tpu.memory_space<vmem>>) target(%dma_start3A_270 : memref<10112x64xf32, #tpu.memory_space<vmem_shared>>) offsets(%dma_start3A_267 : memref<128xi32, #tpu.memory_space<vmem>>) semaphore(%arg20 : memref<!tpu.dma_semaphore, #tpu.memory_space<semaphore_mem>>) {add = true}
    %dma_wait3A_271 = arith.constant 0 : i32
    %dma_wait3A_272 = arith.constant 155 : i32
    %dma_wait3A_273 = arith.constant 0 : i32
    %dma_wait3A_274 = arith.constant 0 : i32
    %dma_wait3A_275 = tpu.memref_slice %arg9[%dma_wait3A_271, %dma_wait3A_273, %dma_wait3A_274] : memref<5x128x64xf32, #tpu.memory_space<vmem>> -> memref<1x128x64xf32, #tpu.memory_space<vmem>>
    %dma_wait3A_276 = tpu.memref_squeeze %dma_wait3A_275 : memref<1x128x64xf32, #tpu.memory_space<vmem>> -> memref<128x64xf32, #tpu.memory_space<vmem>>
    %dma_wait3A_277 = arith.constant 0 : i32
    %dma_wait3A_278 = tpu.memref_slice %arg8[%dma_wait3A_272, %dma_wait3A_277] : memref<160x128xi32, #tpu.memory_space<vmem>> -> memref<1x128xi32, #tpu.memory_space<vmem>>
    %dma_wait3A_279 = tpu.memref_squeeze %dma_wait3A_278 : memref<1x128xi32, #tpu.memory_space<vmem>> -> memref<128xi32, #tpu.memory_space<vmem>>
    %dma_wait3A_280 = arith.constant 0 : i32
    %dma_wait3A_281 = arith.constant 0 : i32
    %dma_wait3A_282 = tpu.memref_slice %arg10[%dma_wait3A_280, %dma_wait3A_281] : memref<10112x64xf32, #tpu.memory_space<vmem_shared>> -> memref<10112x64xf32, #tpu.memory_space<vmem_shared>>
    tpu.wait_indirect_dma semaphore(%arg16 : memref<!tpu.dma_semaphore, #tpu.memory_space<semaphore_mem>>) src(%dma_wait3A_276 : memref<128x64xf32, #tpu.memory_space<vmem>>) dst(%dma_wait3A_282 : memref<10112x64xf32, #tpu.memory_space<vmem_shared>>)
    %dma_wait3A_283 = arith.constant 1 : i32
    %dma_wait3A_284 = arith.constant 156 : i32
    %dma_wait3A_285 = arith.constant 0 : i32
    %dma_wait3A_286 = arith.constant 0 : i32
    %dma_wait3A_287 = tpu.memref_slice %arg9[%dma_wait3A_283, %dma_wait3A_285, %dma_wait3A_286] : memref<5x128x64xf32, #tpu.memory_space<vmem>> -> memref<1x128x64xf32, #tpu.memory_space<vmem>>
    %dma_wait3A_288 = tpu.memref_squeeze %dma_wait3A_287 : memref<1x128x64xf32, #tpu.memory_space<vmem>> -> memref<128x64xf32, #tpu.memory_space<vmem>>
    %dma_wait3A_289 = arith.constant 0 : i32
    %dma_wait3A_290 = tpu.memref_slice %arg8[%dma_wait3A_284, %dma_wait3A_289] : memref<160x128xi32, #tpu.memory_space<vmem>> -> memref<1x128xi32, #tpu.memory_space<vmem>>
    %dma_wait3A_291 = tpu.memref_squeeze %dma_wait3A_290 : memref<1x128xi32, #tpu.memory_space<vmem>> -> memref<128xi32, #tpu.memory_space<vmem>>
    %dma_wait3A_292 = arith.constant 0 : i32
    %dma_wait3A_293 = arith.constant 0 : i32
    %dma_wait3A_294 = tpu.memref_slice %arg10[%dma_wait3A_292, %dma_wait3A_293] : memref<10112x64xf32, #tpu.memory_space<vmem_shared>> -> memref<10112x64xf32, #tpu.memory_space<vmem_shared>>
    tpu.wait_indirect_dma semaphore(%arg17 : memref<!tpu.dma_semaphore, #tpu.memory_space<semaphore_mem>>) src(%dma_wait3A_288 : memref<128x64xf32, #tpu.memory_space<vmem>>) dst(%dma_wait3A_294 : memref<10112x64xf32, #tpu.memory_space<vmem_shared>>)
    %dma_wait3A_295 = arith.constant 2 : i32
    %dma_wait3A_296 = arith.constant 157 : i32
    %dma_wait3A_297 = arith.constant 0 : i32
    %dma_wait3A_298 = arith.constant 0 : i32
    %dma_wait3A_299 = tpu.memref_slice %arg9[%dma_wait3A_295, %dma_wait3A_297, %dma_wait3A_298] : memref<5x128x64xf32, #tpu.memory_space<vmem>> -> memref<1x128x64xf32, #tpu.memory_space<vmem>>
    %dma_wait3A_300 = tpu.memref_squeeze %dma_wait3A_299 : memref<1x128x64xf32, #tpu.memory_space<vmem>> -> memref<128x64xf32, #tpu.memory_space<vmem>>
    %dma_wait3A_301 = arith.constant 0 : i32
    %dma_wait3A_302 = tpu.memref_slice %arg8[%dma_wait3A_296, %dma_wait3A_301] : memref<160x128xi32, #tpu.memory_space<vmem>> -> memref<1x128xi32, #tpu.memory_space<vmem>>
    %dma_wait3A_303 = tpu.memref_squeeze %dma_wait3A_302 : memref<1x128xi32, #tpu.memory_space<vmem>> -> memref<128xi32, #tpu.memory_space<vmem>>
    %dma_wait3A_304 = arith.constant 0 : i32
    %dma_wait3A_305 = arith.constant 0 : i32
    %dma_wait3A_306 = tpu.memref_slice %arg10[%dma_wait3A_304, %dma_wait3A_305] : memref<10112x64xf32, #tpu.memory_space<vmem_shared>> -> memref<10112x64xf32, #tpu.memory_space<vmem_shared>>
    tpu.wait_indirect_dma semaphore(%arg18 : memref<!tpu.dma_semaphore, #tpu.memory_space<semaphore_mem>>) src(%dma_wait3A_300 : memref<128x64xf32, #tpu.memory_space<vmem>>) dst(%dma_wait3A_306 : memref<10112x64xf32, #tpu.memory_space<vmem_shared>>)
    %dma_wait3A_307 = arith.constant 3 : i32
    %dma_wait3A_308 = arith.constant 158 : i32
    %dma_wait3A_309 = arith.constant 0 : i32
    %dma_wait3A_310 = arith.constant 0 : i32
    %dma_wait3A_311 = tpu.memref_slice %arg9[%dma_wait3A_307, %dma_wait3A_309, %dma_wait3A_310] : memref<5x128x64xf32, #tpu.memory_space<vmem>> -> memref<1x128x64xf32, #tpu.memory_space<vmem>>
    %dma_wait3A_312 = tpu.memref_squeeze %dma_wait3A_311 : memref<1x128x64xf32, #tpu.memory_space<vmem>> -> memref<128x64xf32, #tpu.memory_space<vmem>>
    %dma_wait3A_313 = arith.constant 0 : i32
    %dma_wait3A_314 = tpu.memref_slice %arg8[%dma_wait3A_308, %dma_wait3A_313] : memref<160x128xi32, #tpu.memory_space<vmem>> -> memref<1x128xi32, #tpu.memory_space<vmem>>
    %dma_wait3A_315 = tpu.memref_squeeze %dma_wait3A_314 : memref<1x128xi32, #tpu.memory_space<vmem>> -> memref<128xi32, #tpu.memory_space<vmem>>
    %dma_wait3A_316 = arith.constant 0 : i32
    %dma_wait3A_317 = arith.constant 0 : i32
    %dma_wait3A_318 = tpu.memref_slice %arg10[%dma_wait3A_316, %dma_wait3A_317] : memref<10112x64xf32, #tpu.memory_space<vmem_shared>> -> memref<10112x64xf32, #tpu.memory_space<vmem_shared>>
    tpu.wait_indirect_dma semaphore(%arg19 : memref<!tpu.dma_semaphore, #tpu.memory_space<semaphore_mem>>) src(%dma_wait3A_312 : memref<128x64xf32, #tpu.memory_space<vmem>>) dst(%dma_wait3A_318 : memref<10112x64xf32, #tpu.memory_space<vmem_shared>>)
    %dma_wait3A_319 = arith.constant 4 : i32
    %dma_wait3A_320 = arith.constant 159 : i32
    %dma_wait3A_321 = arith.constant 0 : i32
    %dma_wait3A_322 = arith.constant 0 : i32
    %dma_wait3A_323 = tpu.memref_slice %arg9[%dma_wait3A_319, %dma_wait3A_321, %dma_wait3A_322] : memref<5x128x64xf32, #tpu.memory_space<vmem>> -> memref<1x128x64xf32, #tpu.memory_space<vmem>>
    %dma_wait3A_324 = tpu.memref_squeeze %dma_wait3A_323 : memref<1x128x64xf32, #tpu.memory_space<vmem>> -> memref<128x64xf32, #tpu.memory_space<vmem>>
    %dma_wait3A_325 = arith.constant 0 : i32
    %dma_wait3A_326 = tpu.memref_slice %arg8[%dma_wait3A_320, %dma_wait3A_325] : memref<160x128xi32, #tpu.memory_space<vmem>> -> memref<1x128xi32, #tpu.memory_space<vmem>>
    %dma_wait3A_327 = tpu.memref_squeeze %dma_wait3A_326 : memref<1x128xi32, #tpu.memory_space<vmem>> -> memref<128xi32, #tpu.memory_space<vmem>>
    %dma_wait3A_328 = arith.constant 0 : i32
    %dma_wait3A_329 = arith.constant 0 : i32
    %dma_wait3A_330 = tpu.memref_slice %arg10[%dma_wait3A_328, %dma_wait3A_329] : memref<10112x64xf32, #tpu.memory_space<vmem_shared>> -> memref<10112x64xf32, #tpu.memory_space<vmem_shared>>
    tpu.wait_indirect_dma semaphore(%arg20 : memref<!tpu.dma_semaphore, #tpu.memory_space<semaphore_mem>>) src(%dma_wait3A_324 : memref<128x64xf32, #tpu.memory_space<vmem>>) dst(%dma_wait3A_330 : memref<10112x64xf32, #tpu.memory_space<vmem_shared>>)
    %barrier3A_331 = arith.constant 0 : index
    tpu.barrier barrier_id(%barrier3A_331)
    %mul3A_332 = arith.constant 632 : i32
    %mul3A_333 = arith.muli %arg1, %mul3A_332 : i32
    %mul3A_334 = arith.constant 632 : i32
    %mul3A_335 = arith.muli %arg1, %mul3A_334 : i32
    "tpu.region"() ({
      %run_scoped3A = tpu.sem_alloc : memref<!tpu.dma_semaphore, #tpu.memory_space<semaphore_mem>>
      %dma_start3A_336 = arith.constant 0 : i32
      %dma_start3A_337 = arith.constant 0 : i32
      %dma_start3A_338 = tpu.memref_slice %arg6[%arg0, %dma_start3A_336, %dma_start3A_337] : memref<2x10112x64xf32, #tpu.memory_space<hbm>> -> memref<1x10112x64xf32, #tpu.memory_space<hbm>>
      %dma_start3A_339 = tpu.memref_squeeze %dma_start3A_338 : memref<1x10112x64xf32, #tpu.memory_space<hbm>> -> memref<10112x64xf32, #tpu.memory_space<hbm>>
      %dma_start3A_340 = arith.constant 0 : i32
      %dma_start3A_341 = tpu.memref_slice %dma_start3A_339[%mul3A_335, %dma_start3A_340] : memref<10112x64xf32, #tpu.memory_space<hbm>> -> memref<632x64xf32, #tpu.memory_space<hbm>>
      %dma_start3A_342 = arith.constant 0 : i32
      %dma_start3A_343 = tpu.memref_slice %arg10[%mul3A_333, %dma_start3A_342] : memref<10112x64xf32, #tpu.memory_space<vmem_shared>> -> memref<632x64xf32, #tpu.memory_space<vmem_shared>>
      tpu.enqueue_dma source(%dma_start3A_343 : memref<632x64xf32, #tpu.memory_space<vmem_shared>>) target(%dma_start3A_341 : memref<632x64xf32, #tpu.memory_space<hbm>>) target_semaphore(%run_scoped3A : memref<!tpu.dma_semaphore, #tpu.memory_space<semaphore_mem>>)
      %dma_wait3A_344 = arith.constant 0 : i32
      %dma_wait3A_345 = arith.constant 0 : i32
      %dma_wait3A_346 = tpu.memref_slice %arg6[%arg0, %dma_wait3A_344, %dma_wait3A_345] : memref<2x10112x64xf32, #tpu.memory_space<hbm>> -> memref<1x10112x64xf32, #tpu.memory_space<hbm>>
      %dma_wait3A_347 = tpu.memref_squeeze %dma_wait3A_346 : memref<1x10112x64xf32, #tpu.memory_space<hbm>> -> memref<10112x64xf32, #tpu.memory_space<hbm>>
      %dma_wait3A_348 = arith.constant 0 : i32
      %dma_wait3A_349 = tpu.memref_slice %dma_wait3A_347[%mul3A_335, %dma_wait3A_348] : memref<10112x64xf32, #tpu.memory_space<hbm>> -> memref<632x64xf32, #tpu.memory_space<hbm>>
      %dma_wait3A_350 = arith.constant 0 : i32
      %dma_wait3A_351 = tpu.memref_slice %arg10[%mul3A_333, %dma_wait3A_350] : memref<10112x64xf32, #tpu.memory_space<vmem_shared>> -> memref<632x64xf32, #tpu.memory_space<vmem_shared>>
      tpu.wait_dma2 semaphore(%run_scoped3A : memref<!tpu.dma_semaphore, #tpu.memory_space<semaphore_mem>>) src(%dma_wait3A_351 : memref<632x64xf32, #tpu.memory_space<vmem_shared>>) dst(%dma_wait3A_349 : memref<632x64xf32, #tpu.memory_space<hbm>>)
      tpu.yield
    }) : () -> ()
    return
  }
}

#map = affine_map<(d0, d1) -> (0, 0, 0)>
#map1 = affine_map<(d0, d1) -> (0, 0)>
module attributes {stable_mosaic.version = 14 : i64} {
  func.func @_deg(%arg0: i32, %arg1: i32, %arg2: memref<32x80x128xi32, #tpu.memory_space<hbm>>, %arg3: memref<128x16xf32, #tpu.memory_space<hbm>>, %arg4: memref<10112x16xf32, #tpu.memory_space<hbm>>, %arg5: memref<2x10112x16xf32, #tpu.memory_space<hbm>>, %arg6: memref<80x128xi32, #tpu.memory_space<vmem>>, %arg7: memref<128x16xf32, #tpu.memory_space<vmem>>, %arg8: memref<10112x16xf32, #tpu.memory_space<vmem_shared>>, %arg9: memref<!tpu.dma_semaphore, #tpu.memory_space<semaphore_mem>>, %arg10: memref<!tpu.dma_semaphore, #tpu.memory_space<semaphore_mem>>, %arg11: memref<!tpu.dma_semaphore, #tpu.memory_space<semaphore_mem>>) attributes {dimension_semantics = [#tpu.dimension_semantics<core_parallel>, #tpu.dimension_semantics<subcore_parallel>], iteration_bounds = array<i64: 2, 16>, scalar_prefetch = 0 : i64, scratch_operands = 6 : i64, tpu.core_type = #tpu.core_type<sc_vector_subcore>, window_params = [{transform_indices = #map}, {transform_indices = #map1}, {transform_indices = #map1}, {transform_indices = #map}]} {
    %mul3A = arith.constant 2 : i32
    %mul3A_0 = arith.muli %arg1, %mul3A : i32
    %add3A = arith.addi %mul3A_0, %arg0 : i32
    %dma_start3A = arith.constant 0 : i32
    %dma_start3A_1 = arith.constant 0 : i32
    %dma_start3A_2 = tpu.memref_slice %arg2[%add3A, %dma_start3A, %dma_start3A_1] : memref<32x80x128xi32, #tpu.memory_space<hbm>> -> memref<1x80x128xi32, #tpu.memory_space<hbm>>
    %dma_start3A_3 = tpu.memref_squeeze %dma_start3A_2 : memref<1x80x128xi32, #tpu.memory_space<hbm>> -> memref<80x128xi32, #tpu.memory_space<hbm>>
    %dma_start3A_4 = arith.constant 0 : i32
    %dma_start3A_5 = arith.constant 0 : i32
    %dma_start3A_6 = tpu.memref_slice %arg2[%add3A, %dma_start3A_4, %dma_start3A_5] : memref<32x80x128xi32, #tpu.memory_space<hbm>> -> memref<1x80x128xi32, #tpu.memory_space<hbm>>
    %dma_start3A_7 = tpu.memref_squeeze %dma_start3A_6 : memref<1x80x128xi32, #tpu.memory_space<hbm>> -> memref<80x128xi32, #tpu.memory_space<hbm>>
    tpu.enqueue_dma source(%dma_start3A_7 : memref<80x128xi32, #tpu.memory_space<hbm>>) target(%arg6 : memref<80x128xi32, #tpu.memory_space<vmem>>) target_semaphore(%arg10 : memref<!tpu.dma_semaphore, #tpu.memory_space<semaphore_mem>>)
    tpu.enqueue_dma source(%arg3 : memref<128x16xf32, #tpu.memory_space<hbm>>) target(%arg7 : memref<128x16xf32, #tpu.memory_space<vmem>>) target_semaphore(%arg11 : memref<!tpu.dma_semaphore, #tpu.memory_space<semaphore_mem>>)
    %mul3A_8 = arith.constant 632 : i32
    %mul3A_9 = arith.muli %arg1, %mul3A_8 : i32
    %mul3A_10 = arith.constant 632 : i32
    %mul3A_11 = arith.muli %arg1, %mul3A_10 : i32
    %dma_start3A_12 = arith.constant 0 : i32
    %dma_start3A_13 = tpu.memref_slice %arg8[%mul3A_11, %dma_start3A_12] : memref<10112x16xf32, #tpu.memory_space<vmem_shared>> -> memref<632x16xf32, #tpu.memory_space<vmem_shared>>
    %dma_start3A_14 = arith.constant 0 : i32
    %dma_start3A_15 = tpu.memref_slice %arg4[%mul3A_9, %dma_start3A_14] : memref<10112x16xf32, #tpu.memory_space<hbm>> -> memref<632x16xf32, #tpu.memory_space<hbm>>
    tpu.enqueue_dma source(%dma_start3A_15 : memref<632x16xf32, #tpu.memory_space<hbm>>) target(%dma_start3A_13 : memref<632x16xf32, #tpu.memory_space<vmem_shared>>) target_semaphore(%arg9 : memref<!tpu.dma_semaphore, #tpu.memory_space<semaphore_mem>>)
    %dma_wait3A = arith.constant 0 : i32
    %dma_wait3A_16 = arith.constant 0 : i32
    %dma_wait3A_17 = tpu.memref_slice %arg2[%add3A, %dma_wait3A, %dma_wait3A_16] : memref<32x80x128xi32, #tpu.memory_space<hbm>> -> memref<1x80x128xi32, #tpu.memory_space<hbm>>
    %dma_wait3A_18 = tpu.memref_squeeze %dma_wait3A_17 : memref<1x80x128xi32, #tpu.memory_space<hbm>> -> memref<80x128xi32, #tpu.memory_space<hbm>>
    %dma_wait3A_19 = arith.constant 0 : i32
    %dma_wait3A_20 = arith.constant 0 : i32
    %dma_wait3A_21 = tpu.memref_slice %arg2[%add3A, %dma_wait3A_19, %dma_wait3A_20] : memref<32x80x128xi32, #tpu.memory_space<hbm>> -> memref<1x80x128xi32, #tpu.memory_space<hbm>>
    %dma_wait3A_22 = tpu.memref_squeeze %dma_wait3A_21 : memref<1x80x128xi32, #tpu.memory_space<hbm>> -> memref<80x128xi32, #tpu.memory_space<hbm>>
    tpu.wait_dma2 semaphore(%arg10 : memref<!tpu.dma_semaphore, #tpu.memory_space<semaphore_mem>>) src(%dma_wait3A_22 : memref<80x128xi32, #tpu.memory_space<hbm>>) dst(%arg6 : memref<80x128xi32, #tpu.memory_space<vmem>>)
    tpu.wait_dma2 semaphore(%arg11 : memref<!tpu.dma_semaphore, #tpu.memory_space<semaphore_mem>>) src(%arg3 : memref<128x16xf32, #tpu.memory_space<hbm>>) dst(%arg7 : memref<128x16xf32, #tpu.memory_space<vmem>>)
    %mul3A_23 = arith.constant 632 : i32
    %mul3A_24 = arith.muli %arg1, %mul3A_23 : i32
    %mul3A_25 = arith.constant 632 : i32
    %mul3A_26 = arith.muli %arg1, %mul3A_25 : i32
    %dma_wait3A_27 = arith.constant 0 : i32
    %dma_wait3A_28 = tpu.memref_slice %arg8[%mul3A_26, %dma_wait3A_27] : memref<10112x16xf32, #tpu.memory_space<vmem_shared>> -> memref<632x16xf32, #tpu.memory_space<vmem_shared>>
    %dma_wait3A_29 = arith.constant 0 : i32
    %dma_wait3A_30 = tpu.memref_slice %arg4[%mul3A_24, %dma_wait3A_29] : memref<10112x16xf32, #tpu.memory_space<hbm>> -> memref<632x16xf32, #tpu.memory_space<hbm>>
    tpu.wait_dma2 semaphore(%arg9 : memref<!tpu.dma_semaphore, #tpu.memory_space<semaphore_mem>>) src(%dma_wait3A_30 : memref<632x16xf32, #tpu.memory_space<hbm>>) dst(%dma_wait3A_28 : memref<632x16xf32, #tpu.memory_space<vmem_shared>>)
    %barrier3A = arith.constant 0 : index
    tpu.barrier barrier_id(%barrier3A)
    %scan3A = arith.constant 0 : i32
    %scan3A_31 = arith.constant 0 : i32
    %scan3A_32 = arith.constant 80 : i32
    %scan3A_33 = arith.addi %scan3A_31, %scan3A_32 : i32
    %scan3A_34 = arith.constant 1 : i32
    %scan3A_35 = scf.for %scan3A_49 = %scan3A_31 to %scan3A_33 step %scan3A_34 iter_args(%scan3A_50 = %scan3A) -> (i32)  : i32 {
      %dma_start3A_51 = arith.constant 0 : i32
      %dma_start3A_52 = tpu.memref_slice %arg6[%scan3A_49, %dma_start3A_51] : memref<80x128xi32, #tpu.memory_space<vmem>> -> memref<1x128xi32, #tpu.memory_space<vmem>>
      %dma_start3A_53 = tpu.memref_squeeze %dma_start3A_52 : memref<1x128xi32, #tpu.memory_space<vmem>> -> memref<128xi32, #tpu.memory_space<vmem>>
      %dma_start3A_54 = arith.constant 0 : i32
      %dma_start3A_55 = arith.constant 0 : i32
      %dma_start3A_56 = tpu.memref_slice %arg8[%dma_start3A_54, %dma_start3A_55] : memref<10112x16xf32, #tpu.memory_space<vmem_shared>> -> memref<10112x16xf32, #tpu.memory_space<vmem_shared>>
      tpu.enqueue_indirect_dma source(%arg7 : memref<128x16xf32, #tpu.memory_space<vmem>>) target(%dma_start3A_56 : memref<10112x16xf32, #tpu.memory_space<vmem_shared>>) offsets(%dma_start3A_53 : memref<128xi32, #tpu.memory_space<vmem>>) semaphore(%arg9 : memref<!tpu.dma_semaphore, #tpu.memory_space<semaphore_mem>>) {add = true}
      %scan3A_57 = arith.constant 0 : i32
      scf.yield %scan3A_57 : i32
    }
    %scan3A_36 = arith.constant 80 : i32
    %scan3A_37 = arith.constant 0 : i32
    %scan3A_38 = arith.constant 0 : i32
    %scan3A_39 = arith.constant 80 : i32
    %scan3A_40 = arith.addi %scan3A_38, %scan3A_39 : i32
    %scan3A_41 = arith.constant 1 : i32
    %scan3A_42 = scf.for %scan3A_49 = %scan3A_38 to %scan3A_40 step %scan3A_41 iter_args(%scan3A_50 = %scan3A_37) -> (i32)  : i32 {
      %dma_wait3A_51 = arith.constant 0 : i32
      %dma_wait3A_52 = tpu.memref_slice %arg6[%scan3A_49, %dma_wait3A_51] : memref<80x128xi32, #tpu.memory_space<vmem>> -> memref<1x128xi32, #tpu.memory_space<vmem>>
      %dma_wait3A_53 = tpu.memref_squeeze %dma_wait3A_52 : memref<1x128xi32, #tpu.memory_space<vmem>> -> memref<128xi32, #tpu.memory_space<vmem>>
      %dma_wait3A_54 = arith.constant 0 : i32
      %dma_wait3A_55 = arith.constant 0 : i32
      %dma_wait3A_56 = tpu.memref_slice %arg8[%dma_wait3A_54, %dma_wait3A_55] : memref<10112x16xf32, #tpu.memory_space<vmem_shared>> -> memref<10112x16xf32, #tpu.memory_space<vmem_shared>>
      tpu.wait_indirect_dma semaphore(%arg9 : memref<!tpu.dma_semaphore, #tpu.memory_space<semaphore_mem>>) src(%arg7 : memref<128x16xf32, #tpu.memory_space<vmem>>) dst(%dma_wait3A_56 : memref<10112x16xf32, #tpu.memory_space<vmem_shared>>)
      %scan3A_57 = arith.constant 0 : i32
      scf.yield %scan3A_57 : i32
    }
    %scan3A_43 = arith.constant 80 : i32
    %barrier3A_44 = arith.constant 0 : index
    tpu.barrier barrier_id(%barrier3A_44)
    %mul3A_45 = arith.constant 632 : i32
    %mul3A_46 = arith.muli %arg1, %mul3A_45 : i32
    %mul3A_47 = arith.constant 632 : i32
    %mul3A_48 = arith.muli %arg1, %mul3A_47 : i32
    "tpu.region"() ({
      %run_scoped3A = tpu.sem_alloc : memref<!tpu.dma_semaphore, #tpu.memory_space<semaphore_mem>>
      %dma_start3A_49 = arith.constant 0 : i32
      %dma_start3A_50 = arith.constant 0 : i32
      %dma_start3A_51 = tpu.memref_slice %arg5[%arg0, %dma_start3A_49, %dma_start3A_50] : memref<2x10112x16xf32, #tpu.memory_space<hbm>> -> memref<1x10112x16xf32, #tpu.memory_space<hbm>>
      %dma_start3A_52 = tpu.memref_squeeze %dma_start3A_51 : memref<1x10112x16xf32, #tpu.memory_space<hbm>> -> memref<10112x16xf32, #tpu.memory_space<hbm>>
      %dma_start3A_53 = arith.constant 0 : i32
      %dma_start3A_54 = tpu.memref_slice %dma_start3A_52[%mul3A_48, %dma_start3A_53] : memref<10112x16xf32, #tpu.memory_space<hbm>> -> memref<632x16xf32, #tpu.memory_space<hbm>>
      %dma_start3A_55 = arith.constant 0 : i32
      %dma_start3A_56 = tpu.memref_slice %arg8[%mul3A_46, %dma_start3A_55] : memref<10112x16xf32, #tpu.memory_space<vmem_shared>> -> memref<632x16xf32, #tpu.memory_space<vmem_shared>>
      tpu.enqueue_dma source(%dma_start3A_56 : memref<632x16xf32, #tpu.memory_space<vmem_shared>>) target(%dma_start3A_54 : memref<632x16xf32, #tpu.memory_space<hbm>>) target_semaphore(%run_scoped3A : memref<!tpu.dma_semaphore, #tpu.memory_space<semaphore_mem>>)
      %dma_wait3A_57 = arith.constant 0 : i32
      %dma_wait3A_58 = arith.constant 0 : i32
      %dma_wait3A_59 = tpu.memref_slice %arg5[%arg0, %dma_wait3A_57, %dma_wait3A_58] : memref<2x10112x16xf32, #tpu.memory_space<hbm>> -> memref<1x10112x16xf32, #tpu.memory_space<hbm>>
      %dma_wait3A_60 = tpu.memref_squeeze %dma_wait3A_59 : memref<1x10112x16xf32, #tpu.memory_space<hbm>> -> memref<10112x16xf32, #tpu.memory_space<hbm>>
      %dma_wait3A_61 = arith.constant 0 : i32
      %dma_wait3A_62 = tpu.memref_slice %dma_wait3A_60[%mul3A_48, %dma_wait3A_61] : memref<10112x16xf32, #tpu.memory_space<hbm>> -> memref<632x16xf32, #tpu.memory_space<hbm>>
      %dma_wait3A_63 = arith.constant 0 : i32
      %dma_wait3A_64 = tpu.memref_slice %arg8[%mul3A_46, %dma_wait3A_63] : memref<10112x16xf32, #tpu.memory_space<vmem_shared>> -> memref<632x16xf32, #tpu.memory_space<vmem_shared>>
      tpu.wait_dma2 semaphore(%run_scoped3A : memref<!tpu.dma_semaphore, #tpu.memory_space<semaphore_mem>>) src(%dma_wait3A_64 : memref<632x16xf32, #tpu.memory_space<vmem_shared>>) dst(%dma_wait3A_62 : memref<632x16xf32, #tpu.memory_space<hbm>>)
      tpu.yield
    }) : () -> ()
    return
  }
}

#map = affine_map<(d0, d1) -> (0, 0, 0)>
#map1 = affine_map<(d0, d1) -> (0, 0)>
module attributes {stable_mosaic.version = 14 : i64} {
  func.func @_agg(%arg0: i32, %arg1: i32, %arg2: memref<2x10000x64xf32, #tpu.memory_space<hbm>>, %arg3: memref<16x160x128xi32, #tpu.memory_space<hbm>>, %arg4: memref<16x160x128xi32, #tpu.memory_space<hbm>>, %arg5: memref<10112x64xf32, #tpu.memory_space<hbm>>, %arg6: memref<2x10112x64xf32, #tpu.memory_space<hbm>>, %arg7: memref<160x128xi32, #tpu.memory_space<vmem>>, %arg8: memref<160x128xi32, #tpu.memory_space<vmem>>, %arg9: memref<5x128x64xf32, #tpu.memory_space<vmem>>, %arg10: memref<10112x64xf32, #tpu.memory_space<vmem_shared>>, %arg11: memref<!tpu.dma_semaphore, #tpu.memory_space<semaphore_mem>>, %arg12: memref<!tpu.dma_semaphore, #tpu.memory_space<semaphore_mem>>, %arg13: memref<!tpu.dma_semaphore, #tpu.memory_space<semaphore_mem>>, %arg14: memref<!tpu.dma_semaphore, #tpu.memory_space<semaphore_mem>>, %arg15: memref<!tpu.dma_semaphore, #tpu.memory_space<semaphore_mem>>, %arg16: memref<!tpu.dma_semaphore, #tpu.memory_space<semaphore_mem>>, %arg17: memref<!tpu.dma_semaphore, #tpu.memory_space<semaphore_mem>>, %arg18: memref<!tpu.dma_semaphore, #tpu.memory_space<semaphore_mem>>, %arg19: memref<!tpu.dma_semaphore, #tpu.memory_space<semaphore_mem>>, %arg20: memref<!tpu.dma_semaphore, #tpu.memory_space<semaphore_mem>>) attributes {dimension_semantics = [#tpu.dimension_semantics<core_parallel>, #tpu.dimension_semantics<subcore_parallel>], iteration_bounds = array<i64: 2, 16>, scalar_prefetch = 0 : i64, scratch_operands = 14 : i64, tpu.core_type = #tpu.core_type<sc_vector_subcore>, window_params = [{transform_indices = #map}, {transform_indices = #map}, {transform_indices = #map}, {transform_indices = #map1}, {transform_indices = #map}]} {
    %dma_start3A = arith.constant 0 : i32
    %dma_start3A_0 = arith.constant 0 : i32
    %dma_start3A_1 = tpu.memref_slice %arg3[%arg1, %dma_start3A, %dma_start3A_0] : memref<16x160x128xi32, #tpu.memory_space<hbm>> -> memref<1x160x128xi32, #tpu.memory_space<hbm>>
    %dma_start3A_2 = tpu.memref_squeeze %dma_start3A_1 : memref<1x160x128xi32, #tpu.memory_space<hbm>> -> memref<160x128xi32, #tpu.memory_space<hbm>>
    %dma_start3A_3 = arith.constant 0 : i32
    %dma_start3A_4 = arith.constant 0 : i32
    %dma_start3A_5 = tpu.memref_slice %arg3[%arg1, %dma_start3A_3, %dma_start3A_4] : memref<16x160x128xi32, #tpu.memory_space<hbm>> -> memref<1x160x128xi32, #tpu.memory_space<hbm>>
    %dma_start3A_6 = tpu.memref_squeeze %dma_start3A_5 : memref<1x160x128xi32, #tpu.memory_space<hbm>> -> memref<160x128xi32, #tpu.memory_space<hbm>>
    tpu.enqueue_dma source(%dma_start3A_6 : memref<160x128xi32, #tpu.memory_space<hbm>>) target(%arg7 : memref<160x128xi32, #tpu.memory_space<vmem>>) target_semaphore(%arg11 : memref<!tpu.dma_semaphore, #tpu.memory_space<semaphore_mem>>)
    %dma_start3A_7 = arith.constant 0 : i32
    %dma_start3A_8 = arith.constant 0 : i32
    %dma_start3A_9 = tpu.memref_slice %arg4[%arg1, %dma_start3A_7, %dma_start3A_8] : memref<16x160x128xi32, #tpu.memory_space<hbm>> -> memref<1x160x128xi32, #tpu.memory_space<hbm>>
    %dma_start3A_10 = tpu.memref_squeeze %dma_start3A_9 : memref<1x160x128xi32, #tpu.memory_space<hbm>> -> memref<160x128xi32, #tpu.memory_space<hbm>>
    %dma_start3A_11 = arith.constant 0 : i32
    %dma_start3A_12 = arith.constant 0 : i32
    %dma_start3A_13 = tpu.memref_slice %arg4[%arg1, %dma_start3A_11, %dma_start3A_12] : memref<16x160x128xi32, #tpu.memory_space<hbm>> -> memref<1x160x128xi32, #tpu.memory_space<hbm>>
    %dma_start3A_14 = tpu.memref_squeeze %dma_start3A_13 : memref<1x160x128xi32, #tpu.memory_space<hbm>> -> memref<160x128xi32, #tpu.memory_space<hbm>>
    tpu.enqueue_dma source(%dma_start3A_14 : memref<160x128xi32, #tpu.memory_space<hbm>>) target(%arg8 : memref<160x128xi32, #tpu.memory_space<vmem>>) target_semaphore(%arg12 : memref<!tpu.dma_semaphore, #tpu.memory_space<semaphore_mem>>)
    %mul3A = arith.constant 632 : i32
    %mul3A_15 = arith.muli %arg1, %mul3A : i32
    %mul3A_16 = arith.constant 632 : i32
    %mul3A_17 = arith.muli %arg1, %mul3A_16 : i32
    %dma_start3A_18 = arith.constant 0 : i32
    %dma_start3A_19 = tpu.memref_slice %arg10[%mul3A_17, %dma_start3A_18] : memref<10112x64xf32, #tpu.memory_space<vmem_shared>> -> memref<632x64xf32, #tpu.memory_space<vmem_shared>>
    %dma_start3A_20 = arith.constant 0 : i32
    %dma_start3A_21 = tpu.memref_slice %arg5[%mul3A_15, %dma_start3A_20] : memref<10112x64xf32, #tpu.memory_space<hbm>> -> memref<632x64xf32, #tpu.memory_space<hbm>>
    tpu.enqueue_dma source(%dma_start3A_21 : memref<632x64xf32, #tpu.memory_space<hbm>>) target(%dma_start3A_19 : memref<632x64xf32, #tpu.memory_space<vmem_shared>>) target_semaphore(%arg16 : memref<!tpu.dma_semaphore, #tpu.memory_space<semaphore_mem>>)
    %dma_wait3A = arith.constant 0 : i32
    %dma_wait3A_22 = arith.constant 0 : i32
    %dma_wait3A_23 = tpu.memref_slice %arg3[%arg1, %dma_wait3A, %dma_wait3A_22] : memref<16x160x128xi32, #tpu.memory_space<hbm>> -> memref<1x160x128xi32, #tpu.memory_space<hbm>>
    %dma_wait3A_24 = tpu.memref_squeeze %dma_wait3A_23 : memref<1x160x128xi32, #tpu.memory_space<hbm>> -> memref<160x128xi32, #tpu.memory_space<hbm>>
    %dma_wait3A_25 = arith.constant 0 : i32
    %dma_wait3A_26 = arith.constant 0 : i32
    %dma_wait3A_27 = tpu.memref_slice %arg3[%arg1, %dma_wait3A_25, %dma_wait3A_26] : memref<16x160x128xi32, #tpu.memory_space<hbm>> -> memref<1x160x128xi32, #tpu.memory_space<hbm>>
    %dma_wait3A_28 = tpu.memref_squeeze %dma_wait3A_27 : memref<1x160x128xi32, #tpu.memory_space<hbm>> -> memref<160x128xi32, #tpu.memory_space<hbm>>
    tpu.wait_dma2 semaphore(%arg11 : memref<!tpu.dma_semaphore, #tpu.memory_space<semaphore_mem>>) src(%dma_wait3A_28 : memref<160x128xi32, #tpu.memory_space<hbm>>) dst(%arg7 : memref<160x128xi32, #tpu.memory_space<vmem>>)
    %dma_wait3A_29 = arith.constant 0 : i32
    %dma_wait3A_30 = arith.constant 0 : i32
    %dma_wait3A_31 = tpu.memref_slice %arg4[%arg1, %dma_wait3A_29, %dma_wait3A_30] : memref<16x160x128xi32, #tpu.memory_space<hbm>> -> memref<1x160x128xi32, #tpu.memory_space<hbm>>
    %dma_wait3A_32 = tpu.memref_squeeze %dma_wait3A_31 : memref<1x160x128xi32, #tpu.memory_space<hbm>> -> memref<160x128xi32, #tpu.memory_space<hbm>>
    %dma_wait3A_33 = arith.constant 0 : i32
    %dma_wait3A_34 = arith.constant 0 : i32
    %dma_wait3A_35 = tpu.memref_slice %arg4[%arg1, %dma_wait3A_33, %dma_wait3A_34] : memref<16x160x128xi32, #tpu.memory_space<hbm>> -> memref<1x160x128xi32, #tpu.memory_space<hbm>>
    %dma_wait3A_36 = tpu.memref_squeeze %dma_wait3A_35 : memref<1x160x128xi32, #tpu.memory_space<hbm>> -> memref<160x128xi32, #tpu.memory_space<hbm>>
    tpu.wait_dma2 semaphore(%arg12 : memref<!tpu.dma_semaphore, #tpu.memory_space<semaphore_mem>>) src(%dma_wait3A_36 : memref<160x128xi32, #tpu.memory_space<hbm>>) dst(%arg8 : memref<160x128xi32, #tpu.memory_space<vmem>>)
    %mul3A_37 = arith.constant 632 : i32
    %mul3A_38 = arith.muli %arg1, %mul3A_37 : i32
    %mul3A_39 = arith.constant 632 : i32
    %mul3A_40 = arith.muli %arg1, %mul3A_39 : i32
    %dma_wait3A_41 = arith.constant 0 : i32
    %dma_wait3A_42 = tpu.memref_slice %arg10[%mul3A_40, %dma_wait3A_41] : memref<10112x64xf32, #tpu.memory_space<vmem_shared>> -> memref<632x64xf32, #tpu.memory_space<vmem_shared>>
    %dma_wait3A_43 = arith.constant 0 : i32
    %dma_wait3A_44 = tpu.memref_slice %arg5[%mul3A_38, %dma_wait3A_43] : memref<10112x64xf32, #tpu.memory_space<hbm>> -> memref<632x64xf32, #tpu.memory_space<hbm>>
    tpu.wait_dma2 semaphore(%arg16 : memref<!tpu.dma_semaphore, #tpu.memory_space<semaphore_mem>>) src(%dma_wait3A_44 : memref<632x64xf32, #tpu.memory_space<hbm>>) dst(%dma_wait3A_42 : memref<632x64xf32, #tpu.memory_space<vmem_shared>>)
    %barrier3A = arith.constant 0 : index
    tpu.barrier barrier_id(%barrier3A)
    %dma_start3A_45 = arith.constant 0 : i32
    %dma_start3A_46 = arith.constant 0 : i32
    %dma_start3A_47 = arith.constant 0 : i32
    %dma_start3A_48 = arith.constant 0 : i32
    %dma_start3A_49 = tpu.memref_slice %arg9[%dma_start3A_46, %dma_start3A_47, %dma_start3A_48] : memref<5x128x64xf32, #tpu.memory_space<vmem>> -> memref<1x128x64xf32, #tpu.memory_space<vmem>>
    %dma_start3A_50 = tpu.memref_squeeze %dma_start3A_49 : memref<1x128x64xf32, #tpu.memory_space<vmem>> -> memref<128x64xf32, #tpu.memory_space<vmem>>
    %dma_start3A_51 = arith.constant 0 : i32
    %dma_start3A_52 = tpu.memref_slice %arg7[%dma_start3A_45, %dma_start3A_51] : memref<160x128xi32, #tpu.memory_space<vmem>> -> memref<1x128xi32, #tpu.memory_space<vmem>>
    %dma_start3A_53 = tpu.memref_squeeze %dma_start3A_52 : memref<1x128xi32, #tpu.memory_space<vmem>> -> memref<128xi32, #tpu.memory_space<vmem>>
    %dma_start3A_54 = arith.constant 0 : i32
    %dma_start3A_55 = arith.constant 0 : i32
    %dma_start3A_56 = tpu.memref_slice %arg2[%arg0, %dma_start3A_54, %dma_start3A_55] : memref<2x10000x64xf32, #tpu.memory_space<hbm>> -> memref<1x10000x64xf32, #tpu.memory_space<hbm>>
    %dma_start3A_57 = tpu.memref_squeeze %dma_start3A_56 : memref<1x10000x64xf32, #tpu.memory_space<hbm>> -> memref<10000x64xf32, #tpu.memory_space<hbm>>
    %dma_start3A_58 = arith.constant 0 : i32
    %dma_start3A_59 = arith.constant 0 : i32
    %dma_start3A_60 = tpu.memref_slice %dma_start3A_57[%dma_start3A_58, %dma_start3A_59] : memref<10000x64xf32, #tpu.memory_space<hbm>> -> memref<10000x64xf32, #tpu.memory_space<hbm>>
    tpu.enqueue_indirect_dma source(%dma_start3A_60 : memref<10000x64xf32, #tpu.memory_space<hbm>>) target(%dma_start3A_50 : memref<128x64xf32, #tpu.memory_space<vmem>>) offsets(%dma_start3A_53 : memref<128xi32, #tpu.memory_space<vmem>>) semaphore(%arg11 : memref<!tpu.dma_semaphore, #tpu.memory_space<semaphore_mem>>)
    %dma_start3A_61 = arith.constant 1 : i32
    %dma_start3A_62 = arith.constant 1 : i32
    %dma_start3A_63 = arith.constant 0 : i32
    %dma_start3A_64 = arith.constant 0 : i32
    %dma_start3A_65 = tpu.memref_slice %arg9[%dma_start3A_62, %dma_start3A_63, %dma_start3A_64] : memref<5x128x64xf32, #tpu.memory_space<vmem>> -> memref<1x128x64xf32, #tpu.memory_space<vmem>>
    %dma_start3A_66 = tpu.memref_squeeze %dma_start3A_65 : memref<1x128x64xf32, #tpu.memory_space<vmem>> -> memref<128x64xf32, #tpu.memory_space<vmem>>
    %dma_start3A_67 = arith.constant 0 : i32
    %dma_start3A_68 = tpu.memref_slice %arg7[%dma_start3A_61, %dma_start3A_67] : memref<160x128xi32, #tpu.memory_space<vmem>> -> memref<1x128xi32, #tpu.memory_space<vmem>>
    %dma_start3A_69 = tpu.memref_squeeze %dma_start3A_68 : memref<1x128xi32, #tpu.memory_space<vmem>> -> memref<128xi32, #tpu.memory_space<vmem>>
    %dma_start3A_70 = arith.constant 0 : i32
    %dma_start3A_71 = arith.constant 0 : i32
    %dma_start3A_72 = tpu.memref_slice %arg2[%arg0, %dma_start3A_70, %dma_start3A_71] : memref<2x10000x64xf32, #tpu.memory_space<hbm>> -> memref<1x10000x64xf32, #tpu.memory_space<hbm>>
    %dma_start3A_73 = tpu.memref_squeeze %dma_start3A_72 : memref<1x10000x64xf32, #tpu.memory_space<hbm>> -> memref<10000x64xf32, #tpu.memory_space<hbm>>
    %dma_start3A_74 = arith.constant 0 : i32
    %dma_start3A_75 = arith.constant 0 : i32
    %dma_start3A_76 = tpu.memref_slice %dma_start3A_73[%dma_start3A_74, %dma_start3A_75] : memref<10000x64xf32, #tpu.memory_space<hbm>> -> memref<10000x64xf32, #tpu.memory_space<hbm>>
    tpu.enqueue_indirect_dma source(%dma_start3A_76 : memref<10000x64xf32, #tpu.memory_space<hbm>>) target(%dma_start3A_66 : memref<128x64xf32, #tpu.memory_space<vmem>>) offsets(%dma_start3A_69 : memref<128xi32, #tpu.memory_space<vmem>>) semaphore(%arg12 : memref<!tpu.dma_semaphore, #tpu.memory_space<semaphore_mem>>)
    %dma_start3A_77 = arith.constant 2 : i32
    %dma_start3A_78 = arith.constant 2 : i32
    %dma_start3A_79 = arith.constant 0 : i32
    %dma_start3A_80 = arith.constant 0 : i32
    %dma_start3A_81 = tpu.memref_slice %arg9[%dma_start3A_78, %dma_start3A_79, %dma_start3A_80] : memref<5x128x64xf32, #tpu.memory_space<vmem>> -> memref<1x128x64xf32, #tpu.memory_space<vmem>>
    %dma_start3A_82 = tpu.memref_squeeze %dma_start3A_81 : memref<1x128x64xf32, #tpu.memory_space<vmem>> -> memref<128x64xf32, #tpu.memory_space<vmem>>
    %dma_start3A_83 = arith.constant 0 : i32
    %dma_start3A_84 = tpu.memref_slice %arg7[%dma_start3A_77, %dma_start3A_83] : memref<160x128xi32, #tpu.memory_space<vmem>> -> memref<1x128xi32, #tpu.memory_space<vmem>>
    %dma_start3A_85 = tpu.memref_squeeze %dma_start3A_84 : memref<1x128xi32, #tpu.memory_space<vmem>> -> memref<128xi32, #tpu.memory_space<vmem>>
    %dma_start3A_86 = arith.constant 0 : i32
    %dma_start3A_87 = arith.constant 0 : i32
    %dma_start3A_88 = tpu.memref_slice %arg2[%arg0, %dma_start3A_86, %dma_start3A_87] : memref<2x10000x64xf32, #tpu.memory_space<hbm>> -> memref<1x10000x64xf32, #tpu.memory_space<hbm>>
    %dma_start3A_89 = tpu.memref_squeeze %dma_start3A_88 : memref<1x10000x64xf32, #tpu.memory_space<hbm>> -> memref<10000x64xf32, #tpu.memory_space<hbm>>
    %dma_start3A_90 = arith.constant 0 : i32
    %dma_start3A_91 = arith.constant 0 : i32
    %dma_start3A_92 = tpu.memref_slice %dma_start3A_89[%dma_start3A_90, %dma_start3A_91] : memref<10000x64xf32, #tpu.memory_space<hbm>> -> memref<10000x64xf32, #tpu.memory_space<hbm>>
    tpu.enqueue_indirect_dma source(%dma_start3A_92 : memref<10000x64xf32, #tpu.memory_space<hbm>>) target(%dma_start3A_82 : memref<128x64xf32, #tpu.memory_space<vmem>>) offsets(%dma_start3A_85 : memref<128xi32, #tpu.memory_space<vmem>>) semaphore(%arg13 : memref<!tpu.dma_semaphore, #tpu.memory_space<semaphore_mem>>)
    %dma_start3A_93 = arith.constant 3 : i32
    %dma_start3A_94 = arith.constant 3 : i32
    %dma_start3A_95 = arith.constant 0 : i32
    %dma_start3A_96 = arith.constant 0 : i32
    %dma_start3A_97 = tpu.memref_slice %arg9[%dma_start3A_94, %dma_start3A_95, %dma_start3A_96] : memref<5x128x64xf32, #tpu.memory_space<vmem>> -> memref<1x128x64xf32, #tpu.memory_space<vmem>>
    %dma_start3A_98 = tpu.memref_squeeze %dma_start3A_97 : memref<1x128x64xf32, #tpu.memory_space<vmem>> -> memref<128x64xf32, #tpu.memory_space<vmem>>
    %dma_start3A_99 = arith.constant 0 : i32
    %dma_start3A_100 = tpu.memref_slice %arg7[%dma_start3A_93, %dma_start3A_99] : memref<160x128xi32, #tpu.memory_space<vmem>> -> memref<1x128xi32, #tpu.memory_space<vmem>>
    %dma_start3A_101 = tpu.memref_squeeze %dma_start3A_100 : memref<1x128xi32, #tpu.memory_space<vmem>> -> memref<128xi32, #tpu.memory_space<vmem>>
    %dma_start3A_102 = arith.constant 0 : i32
    %dma_start3A_103 = arith.constant 0 : i32
    %dma_start3A_104 = tpu.memref_slice %arg2[%arg0, %dma_start3A_102, %dma_start3A_103] : memref<2x10000x64xf32, #tpu.memory_space<hbm>> -> memref<1x10000x64xf32, #tpu.memory_space<hbm>>
    %dma_start3A_105 = tpu.memref_squeeze %dma_start3A_104 : memref<1x10000x64xf32, #tpu.memory_space<hbm>> -> memref<10000x64xf32, #tpu.memory_space<hbm>>
    %dma_start3A_106 = arith.constant 0 : i32
    %dma_start3A_107 = arith.constant 0 : i32
    %dma_start3A_108 = tpu.memref_slice %dma_start3A_105[%dma_start3A_106, %dma_start3A_107] : memref<10000x64xf32, #tpu.memory_space<hbm>> -> memref<10000x64xf32, #tpu.memory_space<hbm>>
    tpu.enqueue_indirect_dma source(%dma_start3A_108 : memref<10000x64xf32, #tpu.memory_space<hbm>>) target(%dma_start3A_98 : memref<128x64xf32, #tpu.memory_space<vmem>>) offsets(%dma_start3A_101 : memref<128xi32, #tpu.memory_space<vmem>>) semaphore(%arg14 : memref<!tpu.dma_semaphore, #tpu.memory_space<semaphore_mem>>)
    %dma_start3A_109 = arith.constant 4 : i32
    %dma_start3A_110 = arith.constant 4 : i32
    %dma_start3A_111 = arith.constant 0 : i32
    %dma_start3A_112 = arith.constant 0 : i32
    %dma_start3A_113 = tpu.memref_slice %arg9[%dma_start3A_110, %dma_start3A_111, %dma_start3A_112] : memref<5x128x64xf32, #tpu.memory_space<vmem>> -> memref<1x128x64xf32, #tpu.memory_space<vmem>>
    %dma_start3A_114 = tpu.memref_squeeze %dma_start3A_113 : memref<1x128x64xf32, #tpu.memory_space<vmem>> -> memref<128x64xf32, #tpu.memory_space<vmem>>
    %dma_start3A_115 = arith.constant 0 : i32
    %dma_start3A_116 = tpu.memref_slice %arg7[%dma_start3A_109, %dma_start3A_115] : memref<160x128xi32, #tpu.memory_space<vmem>> -> memref<1x128xi32, #tpu.memory_space<vmem>>
    %dma_start3A_117 = tpu.memref_squeeze %dma_start3A_116 : memref<1x128xi32, #tpu.memory_space<vmem>> -> memref<128xi32, #tpu.memory_space<vmem>>
    %dma_start3A_118 = arith.constant 0 : i32
    %dma_start3A_119 = arith.constant 0 : i32
    %dma_start3A_120 = tpu.memref_slice %arg2[%arg0, %dma_start3A_118, %dma_start3A_119] : memref<2x10000x64xf32, #tpu.memory_space<hbm>> -> memref<1x10000x64xf32, #tpu.memory_space<hbm>>
    %dma_start3A_121 = tpu.memref_squeeze %dma_start3A_120 : memref<1x10000x64xf32, #tpu.memory_space<hbm>> -> memref<10000x64xf32, #tpu.memory_space<hbm>>
    %dma_start3A_122 = arith.constant 0 : i32
    %dma_start3A_123 = arith.constant 0 : i32
    %dma_start3A_124 = tpu.memref_slice %dma_start3A_121[%dma_start3A_122, %dma_start3A_123] : memref<10000x64xf32, #tpu.memory_space<hbm>> -> memref<10000x64xf32, #tpu.memory_space<hbm>>
    tpu.enqueue_indirect_dma source(%dma_start3A_124 : memref<10000x64xf32, #tpu.memory_space<hbm>>) target(%dma_start3A_114 : memref<128x64xf32, #tpu.memory_space<vmem>>) offsets(%dma_start3A_117 : memref<128xi32, #tpu.memory_space<vmem>>) semaphore(%arg15 : memref<!tpu.dma_semaphore, #tpu.memory_space<semaphore_mem>>)
    %scan3A = arith.constant 0 : i32
    %scan3A_125 = arith.constant 0 : i32
    %scan3A_126 = arith.constant 31 : i32
    %scan3A_127 = arith.addi %scan3A_125, %scan3A_126 : i32
    %scan3A_128 = arith.constant 1 : i32
    %scan3A_129 = scf.for %scan3A_336 = %scan3A_125 to %scan3A_127 step %scan3A_128 iter_args(%scan3A_337 = %scan3A) -> (i32)  : i32 {
      %mul3A_338 = arith.constant 5 : i32
      %mul3A_339 = arith.muli %mul3A_338, %scan3A_336 : i32
      %add3A = arith.constant 0 : i32
      %add3A_340 = arith.addi %mul3A_339, %add3A : i32
      %dma_wait3A_341 = arith.constant 0 : i32
      %dma_wait3A_342 = arith.constant 0 : i32
      %dma_wait3A_343 = arith.constant 0 : i32
      %dma_wait3A_344 = tpu.memref_slice %arg9[%dma_wait3A_341, %dma_wait3A_342, %dma_wait3A_343] : memref<5x128x64xf32, #tpu.memory_space<vmem>> -> memref<1x128x64xf32, #tpu.memory_space<vmem>>
      %dma_wait3A_345 = tpu.memref_squeeze %dma_wait3A_344 : memref<1x128x64xf32, #tpu.memory_space<vmem>> -> memref<128x64xf32, #tpu.memory_space<vmem>>
      %dma_wait3A_346 = arith.constant 0 : i32
      %dma_wait3A_347 = tpu.memref_slice %arg7[%add3A_340, %dma_wait3A_346] : memref<160x128xi32, #tpu.memory_space<vmem>> -> memref<1x128xi32, #tpu.memory_space<vmem>>
      %dma_wait3A_348 = tpu.memref_squeeze %dma_wait3A_347 : memref<1x128xi32, #tpu.memory_space<vmem>> -> memref<128xi32, #tpu.memory_space<vmem>>
      %dma_wait3A_349 = arith.constant 0 : i32
      %dma_wait3A_350 = arith.constant 0 : i32
      %dma_wait3A_351 = tpu.memref_slice %arg2[%arg0, %dma_wait3A_349, %dma_wait3A_350] : memref<2x10000x64xf32, #tpu.memory_space<hbm>> -> memref<1x10000x64xf32, #tpu.memory_space<hbm>>
      %dma_wait3A_352 = tpu.memref_squeeze %dma_wait3A_351 : memref<1x10000x64xf32, #tpu.memory_space<hbm>> -> memref<10000x64xf32, #tpu.memory_space<hbm>>
      %dma_wait3A_353 = arith.constant 0 : i32
      %dma_wait3A_354 = arith.constant 0 : i32
      %dma_wait3A_355 = tpu.memref_slice %dma_wait3A_352[%dma_wait3A_353, %dma_wait3A_354] : memref<10000x64xf32, #tpu.memory_space<hbm>> -> memref<10000x64xf32, #tpu.memory_space<hbm>>
      tpu.wait_indirect_dma semaphore(%arg11 : memref<!tpu.dma_semaphore, #tpu.memory_space<semaphore_mem>>) src(%dma_wait3A_355 : memref<10000x64xf32, #tpu.memory_space<hbm>>) dst(%dma_wait3A_345 : memref<128x64xf32, #tpu.memory_space<vmem>>)
      %dma_start3A_356 = arith.constant 0 : i32
      %dma_start3A_357 = arith.constant 0 : i32
      %dma_start3A_358 = arith.constant 0 : i32
      %dma_start3A_359 = tpu.memref_slice %arg9[%dma_start3A_356, %dma_start3A_357, %dma_start3A_358] : memref<5x128x64xf32, #tpu.memory_space<vmem>> -> memref<1x128x64xf32, #tpu.memory_space<vmem>>
      %dma_start3A_360 = tpu.memref_squeeze %dma_start3A_359 : memref<1x128x64xf32, #tpu.memory_space<vmem>> -> memref<128x64xf32, #tpu.memory_space<vmem>>
      %dma_start3A_361 = arith.constant 0 : i32
      %dma_start3A_362 = tpu.memref_slice %arg8[%add3A_340, %dma_start3A_361] : memref<160x128xi32, #tpu.memory_space<vmem>> -> memref<1x128xi32, #tpu.memory_space<vmem>>
      %dma_start3A_363 = tpu.memref_squeeze %dma_start3A_362 : memref<1x128xi32, #tpu.memory_space<vmem>> -> memref<128xi32, #tpu.memory_space<vmem>>
      %dma_start3A_364 = arith.constant 0 : i32
      %dma_start3A_365 = arith.constant 0 : i32
      %dma_start3A_366 = tpu.memref_slice %arg10[%dma_start3A_364, %dma_start3A_365] : memref<10112x64xf32, #tpu.memory_space<vmem_shared>> -> memref<10112x64xf32, #tpu.memory_space<vmem_shared>>
      tpu.enqueue_indirect_dma source(%dma_start3A_360 : memref<128x64xf32, #tpu.memory_space<vmem>>) target(%dma_start3A_366 : memref<10112x64xf32, #tpu.memory_space<vmem_shared>>) offsets(%dma_start3A_363 : memref<128xi32, #tpu.memory_space<vmem>>) semaphore(%arg16 : memref<!tpu.dma_semaphore, #tpu.memory_space<semaphore_mem>>) {add = true}
      %mul3A_367 = arith.constant 5 : i32
      %mul3A_368 = arith.muli %mul3A_367, %scan3A_336 : i32
      %add3A_369 = arith.constant 1 : i32
      %add3A_370 = arith.addi %mul3A_368, %add3A_369 : i32
      %dma_wait3A_371 = arith.constant 1 : i32
      %dma_wait3A_372 = arith.constant 0 : i32
      %dma_wait3A_373 = arith.constant 0 : i32
      %dma_wait3A_374 = tpu.memref_slice %arg9[%dma_wait3A_371, %dma_wait3A_372, %dma_wait3A_373] : memref<5x128x64xf32, #tpu.memory_space<vmem>> -> memref<1x128x64xf32, #tpu.memory_space<vmem>>
      %dma_wait3A_375 = tpu.memref_squeeze %dma_wait3A_374 : memref<1x128x64xf32, #tpu.memory_space<vmem>> -> memref<128x64xf32, #tpu.memory_space<vmem>>
      %dma_wait3A_376 = arith.constant 0 : i32
      %dma_wait3A_377 = tpu.memref_slice %arg7[%add3A_370, %dma_wait3A_376] : memref<160x128xi32, #tpu.memory_space<vmem>> -> memref<1x128xi32, #tpu.memory_space<vmem>>
      %dma_wait3A_378 = tpu.memref_squeeze %dma_wait3A_377 : memref<1x128xi32, #tpu.memory_space<vmem>> -> memref<128xi32, #tpu.memory_space<vmem>>
      %dma_wait3A_379 = arith.constant 0 : i32
      %dma_wait3A_380 = arith.constant 0 : i32
      %dma_wait3A_381 = tpu.memref_slice %arg2[%arg0, %dma_wait3A_379, %dma_wait3A_380] : memref<2x10000x64xf32, #tpu.memory_space<hbm>> -> memref<1x10000x64xf32, #tpu.memory_space<hbm>>
      %dma_wait3A_382 = tpu.memref_squeeze %dma_wait3A_381 : memref<1x10000x64xf32, #tpu.memory_space<hbm>> -> memref<10000x64xf32, #tpu.memory_space<hbm>>
      %dma_wait3A_383 = arith.constant 0 : i32
      %dma_wait3A_384 = arith.constant 0 : i32
      %dma_wait3A_385 = tpu.memref_slice %dma_wait3A_382[%dma_wait3A_383, %dma_wait3A_384] : memref<10000x64xf32, #tpu.memory_space<hbm>> -> memref<10000x64xf32, #tpu.memory_space<hbm>>
      tpu.wait_indirect_dma semaphore(%arg12 : memref<!tpu.dma_semaphore, #tpu.memory_space<semaphore_mem>>) src(%dma_wait3A_385 : memref<10000x64xf32, #tpu.memory_space<hbm>>) dst(%dma_wait3A_375 : memref<128x64xf32, #tpu.memory_space<vmem>>)
      %dma_start3A_386 = arith.constant 1 : i32
      %dma_start3A_387 = arith.constant 0 : i32
      %dma_start3A_388 = arith.constant 0 : i32
      %dma_start3A_389 = tpu.memref_slice %arg9[%dma_start3A_386, %dma_start3A_387, %dma_start3A_388] : memref<5x128x64xf32, #tpu.memory_space<vmem>> -> memref<1x128x64xf32, #tpu.memory_space<vmem>>
      %dma_start3A_390 = tpu.memref_squeeze %dma_start3A_389 : memref<1x128x64xf32, #tpu.memory_space<vmem>> -> memref<128x64xf32, #tpu.memory_space<vmem>>
      %dma_start3A_391 = arith.constant 0 : i32
      %dma_start3A_392 = tpu.memref_slice %arg8[%add3A_370, %dma_start3A_391] : memref<160x128xi32, #tpu.memory_space<vmem>> -> memref<1x128xi32, #tpu.memory_space<vmem>>
      %dma_start3A_393 = tpu.memref_squeeze %dma_start3A_392 : memref<1x128xi32, #tpu.memory_space<vmem>> -> memref<128xi32, #tpu.memory_space<vmem>>
      %dma_start3A_394 = arith.constant 0 : i32
      %dma_start3A_395 = arith.constant 0 : i32
      %dma_start3A_396 = tpu.memref_slice %arg10[%dma_start3A_394, %dma_start3A_395] : memref<10112x64xf32, #tpu.memory_space<vmem_shared>> -> memref<10112x64xf32, #tpu.memory_space<vmem_shared>>
      tpu.enqueue_indirect_dma source(%dma_start3A_390 : memref<128x64xf32, #tpu.memory_space<vmem>>) target(%dma_start3A_396 : memref<10112x64xf32, #tpu.memory_space<vmem_shared>>) offsets(%dma_start3A_393 : memref<128xi32, #tpu.memory_space<vmem>>) semaphore(%arg17 : memref<!tpu.dma_semaphore, #tpu.memory_space<semaphore_mem>>) {add = true}
      %mul3A_397 = arith.constant 5 : i32
      %mul3A_398 = arith.muli %mul3A_397, %scan3A_336 : i32
      %add3A_399 = arith.constant 2 : i32
      %add3A_400 = arith.addi %mul3A_398, %add3A_399 : i32
      %dma_wait3A_401 = arith.constant 2 : i32
      %dma_wait3A_402 = arith.constant 0 : i32
      %dma_wait3A_403 = arith.constant 0 : i32
      %dma_wait3A_404 = tpu.memref_slice %arg9[%dma_wait3A_401, %dma_wait3A_402, %dma_wait3A_403] : memref<5x128x64xf32, #tpu.memory_space<vmem>> -> memref<1x128x64xf32, #tpu.memory_space<vmem>>
      %dma_wait3A_405 = tpu.memref_squeeze %dma_wait3A_404 : memref<1x128x64xf32, #tpu.memory_space<vmem>> -> memref<128x64xf32, #tpu.memory_space<vmem>>
      %dma_wait3A_406 = arith.constant 0 : i32
      %dma_wait3A_407 = tpu.memref_slice %arg7[%add3A_400, %dma_wait3A_406] : memref<160x128xi32, #tpu.memory_space<vmem>> -> memref<1x128xi32, #tpu.memory_space<vmem>>
      %dma_wait3A_408 = tpu.memref_squeeze %dma_wait3A_407 : memref<1x128xi32, #tpu.memory_space<vmem>> -> memref<128xi32, #tpu.memory_space<vmem>>
      %dma_wait3A_409 = arith.constant 0 : i32
      %dma_wait3A_410 = arith.constant 0 : i32
      %dma_wait3A_411 = tpu.memref_slice %arg2[%arg0, %dma_wait3A_409, %dma_wait3A_410] : memref<2x10000x64xf32, #tpu.memory_space<hbm>> -> memref<1x10000x64xf32, #tpu.memory_space<hbm>>
      %dma_wait3A_412 = tpu.memref_squeeze %dma_wait3A_411 : memref<1x10000x64xf32, #tpu.memory_space<hbm>> -> memref<10000x64xf32, #tpu.memory_space<hbm>>
      %dma_wait3A_413 = arith.constant 0 : i32
      %dma_wait3A_414 = arith.constant 0 : i32
      %dma_wait3A_415 = tpu.memref_slice %dma_wait3A_412[%dma_wait3A_413, %dma_wait3A_414] : memref<10000x64xf32, #tpu.memory_space<hbm>> -> memref<10000x64xf32, #tpu.memory_space<hbm>>
      tpu.wait_indirect_dma semaphore(%arg13 : memref<!tpu.dma_semaphore, #tpu.memory_space<semaphore_mem>>) src(%dma_wait3A_415 : memref<10000x64xf32, #tpu.memory_space<hbm>>) dst(%dma_wait3A_405 : memref<128x64xf32, #tpu.memory_space<vmem>>)
      %dma_start3A_416 = arith.constant 2 : i32
      %dma_start3A_417 = arith.constant 0 : i32
      %dma_start3A_418 = arith.constant 0 : i32
      %dma_start3A_419 = tpu.memref_slice %arg9[%dma_start3A_416, %dma_start3A_417, %dma_start3A_418] : memref<5x128x64xf32, #tpu.memory_space<vmem>> -> memref<1x128x64xf32, #tpu.memory_space<vmem>>
      %dma_start3A_420 = tpu.memref_squeeze %dma_start3A_419 : memref<1x128x64xf32, #tpu.memory_space<vmem>> -> memref<128x64xf32, #tpu.memory_space<vmem>>
      %dma_start3A_421 = arith.constant 0 : i32
      %dma_start3A_422 = tpu.memref_slice %arg8[%add3A_400, %dma_start3A_421] : memref<160x128xi32, #tpu.memory_space<vmem>> -> memref<1x128xi32, #tpu.memory_space<vmem>>
      %dma_start3A_423 = tpu.memref_squeeze %dma_start3A_422 : memref<1x128xi32, #tpu.memory_space<vmem>> -> memref<128xi32, #tpu.memory_space<vmem>>
      %dma_start3A_424 = arith.constant 0 : i32
      %dma_start3A_425 = arith.constant 0 : i32
      %dma_start3A_426 = tpu.memref_slice %arg10[%dma_start3A_424, %dma_start3A_425] : memref<10112x64xf32, #tpu.memory_space<vmem_shared>> -> memref<10112x64xf32, #tpu.memory_space<vmem_shared>>
      tpu.enqueue_indirect_dma source(%dma_start3A_420 : memref<128x64xf32, #tpu.memory_space<vmem>>) target(%dma_start3A_426 : memref<10112x64xf32, #tpu.memory_space<vmem_shared>>) offsets(%dma_start3A_423 : memref<128xi32, #tpu.memory_space<vmem>>) semaphore(%arg18 : memref<!tpu.dma_semaphore, #tpu.memory_space<semaphore_mem>>) {add = true}
      %mul3A_427 = arith.constant 5 : i32
      %mul3A_428 = arith.muli %mul3A_427, %scan3A_336 : i32
      %add3A_429 = arith.constant 3 : i32
      %add3A_430 = arith.addi %mul3A_428, %add3A_429 : i32
      %dma_wait3A_431 = arith.constant 3 : i32
      %dma_wait3A_432 = arith.constant 0 : i32
      %dma_wait3A_433 = arith.constant 0 : i32
      %dma_wait3A_434 = tpu.memref_slice %arg9[%dma_wait3A_431, %dma_wait3A_432, %dma_wait3A_433] : memref<5x128x64xf32, #tpu.memory_space<vmem>> -> memref<1x128x64xf32, #tpu.memory_space<vmem>>
      %dma_wait3A_435 = tpu.memref_squeeze %dma_wait3A_434 : memref<1x128x64xf32, #tpu.memory_space<vmem>> -> memref<128x64xf32, #tpu.memory_space<vmem>>
      %dma_wait3A_436 = arith.constant 0 : i32
      %dma_wait3A_437 = tpu.memref_slice %arg7[%add3A_430, %dma_wait3A_436] : memref<160x128xi32, #tpu.memory_space<vmem>> -> memref<1x128xi32, #tpu.memory_space<vmem>>
      %dma_wait3A_438 = tpu.memref_squeeze %dma_wait3A_437 : memref<1x128xi32, #tpu.memory_space<vmem>> -> memref<128xi32, #tpu.memory_space<vmem>>
      %dma_wait3A_439 = arith.constant 0 : i32
      %dma_wait3A_440 = arith.constant 0 : i32
      %dma_wait3A_441 = tpu.memref_slice %arg2[%arg0, %dma_wait3A_439, %dma_wait3A_440] : memref<2x10000x64xf32, #tpu.memory_space<hbm>> -> memref<1x10000x64xf32, #tpu.memory_space<hbm>>
      %dma_wait3A_442 = tpu.memref_squeeze %dma_wait3A_441 : memref<1x10000x64xf32, #tpu.memory_space<hbm>> -> memref<10000x64xf32, #tpu.memory_space<hbm>>
      %dma_wait3A_443 = arith.constant 0 : i32
      %dma_wait3A_444 = arith.constant 0 : i32
      %dma_wait3A_445 = tpu.memref_slice %dma_wait3A_442[%dma_wait3A_443, %dma_wait3A_444] : memref<10000x64xf32, #tpu.memory_space<hbm>> -> memref<10000x64xf32, #tpu.memory_space<hbm>>
      tpu.wait_indirect_dma semaphore(%arg14 : memref<!tpu.dma_semaphore, #tpu.memory_space<semaphore_mem>>) src(%dma_wait3A_445 : memref<10000x64xf32, #tpu.memory_space<hbm>>) dst(%dma_wait3A_435 : memref<128x64xf32, #tpu.memory_space<vmem>>)
      %dma_start3A_446 = arith.constant 3 : i32
      %dma_start3A_447 = arith.constant 0 : i32
      %dma_start3A_448 = arith.constant 0 : i32
      %dma_start3A_449 = tpu.memref_slice %arg9[%dma_start3A_446, %dma_start3A_447, %dma_start3A_448] : memref<5x128x64xf32, #tpu.memory_space<vmem>> -> memref<1x128x64xf32, #tpu.memory_space<vmem>>
      %dma_start3A_450 = tpu.memref_squeeze %dma_start3A_449 : memref<1x128x64xf32, #tpu.memory_space<vmem>> -> memref<128x64xf32, #tpu.memory_space<vmem>>
      %dma_start3A_451 = arith.constant 0 : i32
      %dma_start3A_452 = tpu.memref_slice %arg8[%add3A_430, %dma_start3A_451] : memref<160x128xi32, #tpu.memory_space<vmem>> -> memref<1x128xi32, #tpu.memory_space<vmem>>
      %dma_start3A_453 = tpu.memref_squeeze %dma_start3A_452 : memref<1x128xi32, #tpu.memory_space<vmem>> -> memref<128xi32, #tpu.memory_space<vmem>>
      %dma_start3A_454 = arith.constant 0 : i32
      %dma_start3A_455 = arith.constant 0 : i32
      %dma_start3A_456 = tpu.memref_slice %arg10[%dma_start3A_454, %dma_start3A_455] : memref<10112x64xf32, #tpu.memory_space<vmem_shared>> -> memref<10112x64xf32, #tpu.memory_space<vmem_shared>>
      tpu.enqueue_indirect_dma source(%dma_start3A_450 : memref<128x64xf32, #tpu.memory_space<vmem>>) target(%dma_start3A_456 : memref<10112x64xf32, #tpu.memory_space<vmem_shared>>) offsets(%dma_start3A_453 : memref<128xi32, #tpu.memory_space<vmem>>) semaphore(%arg19 : memref<!tpu.dma_semaphore, #tpu.memory_space<semaphore_mem>>) {add = true}
      %mul3A_457 = arith.constant 5 : i32
      %mul3A_458 = arith.muli %mul3A_457, %scan3A_336 : i32
      %add3A_459 = arith.constant 4 : i32
      %add3A_460 = arith.addi %mul3A_458, %add3A_459 : i32
      %dma_wait3A_461 = arith.constant 4 : i32
      %dma_wait3A_462 = arith.constant 0 : i32
      %dma_wait3A_463 = arith.constant 0 : i32
      %dma_wait3A_464 = tpu.memref_slice %arg9[%dma_wait3A_461, %dma_wait3A_462, %dma_wait3A_463] : memref<5x128x64xf32, #tpu.memory_space<vmem>> -> memref<1x128x64xf32, #tpu.memory_space<vmem>>
      %dma_wait3A_465 = tpu.memref_squeeze %dma_wait3A_464 : memref<1x128x64xf32, #tpu.memory_space<vmem>> -> memref<128x64xf32, #tpu.memory_space<vmem>>
      %dma_wait3A_466 = arith.constant 0 : i32
      %dma_wait3A_467 = tpu.memref_slice %arg7[%add3A_460, %dma_wait3A_466] : memref<160x128xi32, #tpu.memory_space<vmem>> -> memref<1x128xi32, #tpu.memory_space<vmem>>
      %dma_wait3A_468 = tpu.memref_squeeze %dma_wait3A_467 : memref<1x128xi32, #tpu.memory_space<vmem>> -> memref<128xi32, #tpu.memory_space<vmem>>
      %dma_wait3A_469 = arith.constant 0 : i32
      %dma_wait3A_470 = arith.constant 0 : i32
      %dma_wait3A_471 = tpu.memref_slice %arg2[%arg0, %dma_wait3A_469, %dma_wait3A_470] : memref<2x10000x64xf32, #tpu.memory_space<hbm>> -> memref<1x10000x64xf32, #tpu.memory_space<hbm>>
      %dma_wait3A_472 = tpu.memref_squeeze %dma_wait3A_471 : memref<1x10000x64xf32, #tpu.memory_space<hbm>> -> memref<10000x64xf32, #tpu.memory_space<hbm>>
      %dma_wait3A_473 = arith.constant 0 : i32
      %dma_wait3A_474 = arith.constant 0 : i32
      %dma_wait3A_475 = tpu.memref_slice %dma_wait3A_472[%dma_wait3A_473, %dma_wait3A_474] : memref<10000x64xf32, #tpu.memory_space<hbm>> -> memref<10000x64xf32, #tpu.memory_space<hbm>>
      tpu.wait_indirect_dma semaphore(%arg15 : memref<!tpu.dma_semaphore, #tpu.memory_space<semaphore_mem>>) src(%dma_wait3A_475 : memref<10000x64xf32, #tpu.memory_space<hbm>>) dst(%dma_wait3A_465 : memref<128x64xf32, #tpu.memory_space<vmem>>)
      %dma_start3A_476 = arith.constant 4 : i32
      %dma_start3A_477 = arith.constant 0 : i32
      %dma_start3A_478 = arith.constant 0 : i32
      %dma_start3A_479 = tpu.memref_slice %arg9[%dma_start3A_476, %dma_start3A_477, %dma_start3A_478] : memref<5x128x64xf32, #tpu.memory_space<vmem>> -> memref<1x128x64xf32, #tpu.memory_space<vmem>>
      %dma_start3A_480 = tpu.memref_squeeze %dma_start3A_479 : memref<1x128x64xf32, #tpu.memory_space<vmem>> -> memref<128x64xf32, #tpu.memory_space<vmem>>
      %dma_start3A_481 = arith.constant 0 : i32
      %dma_start3A_482 = tpu.memref_slice %arg8[%add3A_460, %dma_start3A_481] : memref<160x128xi32, #tpu.memory_space<vmem>> -> memref<1x128xi32, #tpu.memory_space<vmem>>
      %dma_start3A_483 = tpu.memref_squeeze %dma_start3A_482 : memref<1x128xi32, #tpu.memory_space<vmem>> -> memref<128xi32, #tpu.memory_space<vmem>>
      %dma_start3A_484 = arith.constant 0 : i32
      %dma_start3A_485 = arith.constant 0 : i32
      %dma_start3A_486 = tpu.memref_slice %arg10[%dma_start3A_484, %dma_start3A_485] : memref<10112x64xf32, #tpu.memory_space<vmem_shared>> -> memref<10112x64xf32, #tpu.memory_space<vmem_shared>>
      tpu.enqueue_indirect_dma source(%dma_start3A_480 : memref<128x64xf32, #tpu.memory_space<vmem>>) target(%dma_start3A_486 : memref<10112x64xf32, #tpu.memory_space<vmem_shared>>) offsets(%dma_start3A_483 : memref<128xi32, #tpu.memory_space<vmem>>) semaphore(%arg20 : memref<!tpu.dma_semaphore, #tpu.memory_space<semaphore_mem>>) {add = true}
      %mul3A_487 = arith.constant 5 : i32
      %mul3A_488 = arith.muli %mul3A_487, %scan3A_336 : i32
      %add3A_489 = arith.constant 0 : i32
      %add3A_490 = arith.addi %mul3A_488, %add3A_489 : i32
      %dma_wait3A_491 = arith.constant 0 : i32
      %dma_wait3A_492 = arith.constant 0 : i32
      %dma_wait3A_493 = arith.constant 0 : i32
      %dma_wait3A_494 = tpu.memref_slice %arg9[%dma_wait3A_491, %dma_wait3A_492, %dma_wait3A_493] : memref<5x128x64xf32, #tpu.memory_space<vmem>> -> memref<1x128x64xf32, #tpu.memory_space<vmem>>
      %dma_wait3A_495 = tpu.memref_squeeze %dma_wait3A_494 : memref<1x128x64xf32, #tpu.memory_space<vmem>> -> memref<128x64xf32, #tpu.memory_space<vmem>>
      %dma_wait3A_496 = arith.constant 0 : i32
      %dma_wait3A_497 = tpu.memref_slice %arg8[%add3A_490, %dma_wait3A_496] : memref<160x128xi32, #tpu.memory_space<vmem>> -> memref<1x128xi32, #tpu.memory_space<vmem>>
      %dma_wait3A_498 = tpu.memref_squeeze %dma_wait3A_497 : memref<1x128xi32, #tpu.memory_space<vmem>> -> memref<128xi32, #tpu.memory_space<vmem>>
      %dma_wait3A_499 = arith.constant 0 : i32
      %dma_wait3A_500 = arith.constant 0 : i32
      %dma_wait3A_501 = tpu.memref_slice %arg10[%dma_wait3A_499, %dma_wait3A_500] : memref<10112x64xf32, #tpu.memory_space<vmem_shared>> -> memref<10112x64xf32, #tpu.memory_space<vmem_shared>>
      tpu.wait_indirect_dma semaphore(%arg16 : memref<!tpu.dma_semaphore, #tpu.memory_space<semaphore_mem>>) src(%dma_wait3A_495 : memref<128x64xf32, #tpu.memory_space<vmem>>) dst(%dma_wait3A_501 : memref<10112x64xf32, #tpu.memory_space<vmem_shared>>)
      %add3A_502 = arith.constant 5 : i32
      %add3A_503 = arith.addi %add3A_490, %add3A_502 : i32
      %dma_start3A_504 = arith.constant 0 : i32
      %dma_start3A_505 = arith.constant 0 : i32
      %dma_start3A_506 = arith.constant 0 : i32
      %dma_start3A_507 = tpu.memref_slice %arg9[%dma_start3A_504, %dma_start3A_505, %dma_start3A_506] : memref<5x128x64xf32, #tpu.memory_space<vmem>> -> memref<1x128x64xf32, #tpu.memory_space<vmem>>
      %dma_start3A_508 = tpu.memref_squeeze %dma_start3A_507 : memref<1x128x64xf32, #tpu.memory_space<vmem>> -> memref<128x64xf32, #tpu.memory_space<vmem>>
      %dma_start3A_509 = arith.constant 0 : i32
      %dma_start3A_510 = tpu.memref_slice %arg7[%add3A_503, %dma_start3A_509] : memref<160x128xi32, #tpu.memory_space<vmem>> -> memref<1x128xi32, #tpu.memory_space<vmem>>
      %dma_start3A_511 = tpu.memref_squeeze %dma_start3A_510 : memref<1x128xi32, #tpu.memory_space<vmem>> -> memref<128xi32, #tpu.memory_space<vmem>>
      %dma_start3A_512 = arith.constant 0 : i32
      %dma_start3A_513 = arith.constant 0 : i32
      %dma_start3A_514 = tpu.memref_slice %arg2[%arg0, %dma_start3A_512, %dma_start3A_513] : memref<2x10000x64xf32, #tpu.memory_space<hbm>> -> memref<1x10000x64xf32, #tpu.memory_space<hbm>>
      %dma_start3A_515 = tpu.memref_squeeze %dma_start3A_514 : memref<1x10000x64xf32, #tpu.memory_space<hbm>> -> memref<10000x64xf32, #tpu.memory_space<hbm>>
      %dma_start3A_516 = arith.constant 0 : i32
      %dma_start3A_517 = arith.constant 0 : i32
      %dma_start3A_518 = tpu.memref_slice %dma_start3A_515[%dma_start3A_516, %dma_start3A_517] : memref<10000x64xf32, #tpu.memory_space<hbm>> -> memref<10000x64xf32, #tpu.memory_space<hbm>>
      tpu.enqueue_indirect_dma source(%dma_start3A_518 : memref<10000x64xf32, #tpu.memory_space<hbm>>) target(%dma_start3A_508 : memref<128x64xf32, #tpu.memory_space<vmem>>) offsets(%dma_start3A_511 : memref<128xi32, #tpu.memory_space<vmem>>) semaphore(%arg11 : memref<!tpu.dma_semaphore, #tpu.memory_space<semaphore_mem>>)
      %mul3A_519 = arith.constant 5 : i32
      %mul3A_520 = arith.muli %mul3A_519, %scan3A_336 : i32
      %add3A_521 = arith.constant 1 : i32
      %add3A_522 = arith.addi %mul3A_520, %add3A_521 : i32
      %dma_wait3A_523 = arith.constant 1 : i32
      %dma_wait3A_524 = arith.constant 0 : i32
      %dma_wait3A_525 = arith.constant 0 : i32
      %dma_wait3A_526 = tpu.memref_slice %arg9[%dma_wait3A_523, %dma_wait3A_524, %dma_wait3A_525] : memref<5x128x64xf32, #tpu.memory_space<vmem>> -> memref<1x128x64xf32, #tpu.memory_space<vmem>>
      %dma_wait3A_527 = tpu.memref_squeeze %dma_wait3A_526 : memref<1x128x64xf32, #tpu.memory_space<vmem>> -> memref<128x64xf32, #tpu.memory_space<vmem>>
      %dma_wait3A_528 = arith.constant 0 : i32
      %dma_wait3A_529 = tpu.memref_slice %arg8[%add3A_522, %dma_wait3A_528] : memref<160x128xi32, #tpu.memory_space<vmem>> -> memref<1x128xi32, #tpu.memory_space<vmem>>
      %dma_wait3A_530 = tpu.memref_squeeze %dma_wait3A_529 : memref<1x128xi32, #tpu.memory_space<vmem>> -> memref<128xi32, #tpu.memory_space<vmem>>
      %dma_wait3A_531 = arith.constant 0 : i32
      %dma_wait3A_532 = arith.constant 0 : i32
      %dma_wait3A_533 = tpu.memref_slice %arg10[%dma_wait3A_531, %dma_wait3A_532] : memref<10112x64xf32, #tpu.memory_space<vmem_shared>> -> memref<10112x64xf32, #tpu.memory_space<vmem_shared>>
      tpu.wait_indirect_dma semaphore(%arg17 : memref<!tpu.dma_semaphore, #tpu.memory_space<semaphore_mem>>) src(%dma_wait3A_527 : memref<128x64xf32, #tpu.memory_space<vmem>>) dst(%dma_wait3A_533 : memref<10112x64xf32, #tpu.memory_space<vmem_shared>>)
      %add3A_534 = arith.constant 5 : i32
      %add3A_535 = arith.addi %add3A_522, %add3A_534 : i32
      %dma_start3A_536 = arith.constant 1 : i32
      %dma_start3A_537 = arith.constant 0 : i32
      %dma_start3A_538 = arith.constant 0 : i32
      %dma_start3A_539 = tpu.memref_slice %arg9[%dma_start3A_536, %dma_start3A_537, %dma_start3A_538] : memref<5x128x64xf32, #tpu.memory_space<vmem>> -> memref<1x128x64xf32, #tpu.memory_space<vmem>>
      %dma_start3A_540 = tpu.memref_squeeze %dma_start3A_539 : memref<1x128x64xf32, #tpu.memory_space<vmem>> -> memref<128x64xf32, #tpu.memory_space<vmem>>
      %dma_start3A_541 = arith.constant 0 : i32
      %dma_start3A_542 = tpu.memref_slice %arg7[%add3A_535, %dma_start3A_541] : memref<160x128xi32, #tpu.memory_space<vmem>> -> memref<1x128xi32, #tpu.memory_space<vmem>>
      %dma_start3A_543 = tpu.memref_squeeze %dma_start3A_542 : memref<1x128xi32, #tpu.memory_space<vmem>> -> memref<128xi32, #tpu.memory_space<vmem>>
      %dma_start3A_544 = arith.constant 0 : i32
      %dma_start3A_545 = arith.constant 0 : i32
      %dma_start3A_546 = tpu.memref_slice %arg2[%arg0, %dma_start3A_544, %dma_start3A_545] : memref<2x10000x64xf32, #tpu.memory_space<hbm>> -> memref<1x10000x64xf32, #tpu.memory_space<hbm>>
      %dma_start3A_547 = tpu.memref_squeeze %dma_start3A_546 : memref<1x10000x64xf32, #tpu.memory_space<hbm>> -> memref<10000x64xf32, #tpu.memory_space<hbm>>
      %dma_start3A_548 = arith.constant 0 : i32
      %dma_start3A_549 = arith.constant 0 : i32
      %dma_start3A_550 = tpu.memref_slice %dma_start3A_547[%dma_start3A_548, %dma_start3A_549] : memref<10000x64xf32, #tpu.memory_space<hbm>> -> memref<10000x64xf32, #tpu.memory_space<hbm>>
      tpu.enqueue_indirect_dma source(%dma_start3A_550 : memref<10000x64xf32, #tpu.memory_space<hbm>>) target(%dma_start3A_540 : memref<128x64xf32, #tpu.memory_space<vmem>>) offsets(%dma_start3A_543 : memref<128xi32, #tpu.memory_space<vmem>>) semaphore(%arg12 : memref<!tpu.dma_semaphore, #tpu.memory_space<semaphore_mem>>)
      %mul3A_551 = arith.constant 5 : i32
      %mul3A_552 = arith.muli %mul3A_551, %scan3A_336 : i32
      %add3A_553 = arith.constant 2 : i32
      %add3A_554 = arith.addi %mul3A_552, %add3A_553 : i32
      %dma_wait3A_555 = arith.constant 2 : i32
      %dma_wait3A_556 = arith.constant 0 : i32
      %dma_wait3A_557 = arith.constant 0 : i32
      %dma_wait3A_558 = tpu.memref_slice %arg9[%dma_wait3A_555, %dma_wait3A_556, %dma_wait3A_557] : memref<5x128x64xf32, #tpu.memory_space<vmem>> -> memref<1x128x64xf32, #tpu.memory_space<vmem>>
      %dma_wait3A_559 = tpu.memref_squeeze %dma_wait3A_558 : memref<1x128x64xf32, #tpu.memory_space<vmem>> -> memref<128x64xf32, #tpu.memory_space<vmem>>
      %dma_wait3A_560 = arith.constant 0 : i32
      %dma_wait3A_561 = tpu.memref_slice %arg8[%add3A_554, %dma_wait3A_560] : memref<160x128xi32, #tpu.memory_space<vmem>> -> memref<1x128xi32, #tpu.memory_space<vmem>>
      %dma_wait3A_562 = tpu.memref_squeeze %dma_wait3A_561 : memref<1x128xi32, #tpu.memory_space<vmem>> -> memref<128xi32, #tpu.memory_space<vmem>>
      %dma_wait3A_563 = arith.constant 0 : i32
      %dma_wait3A_564 = arith.constant 0 : i32
      %dma_wait3A_565 = tpu.memref_slice %arg10[%dma_wait3A_563, %dma_wait3A_564] : memref<10112x64xf32, #tpu.memory_space<vmem_shared>> -> memref<10112x64xf32, #tpu.memory_space<vmem_shared>>
      tpu.wait_indirect_dma semaphore(%arg18 : memref<!tpu.dma_semaphore, #tpu.memory_space<semaphore_mem>>) src(%dma_wait3A_559 : memref<128x64xf32, #tpu.memory_space<vmem>>) dst(%dma_wait3A_565 : memref<10112x64xf32, #tpu.memory_space<vmem_shared>>)
      %add3A_566 = arith.constant 5 : i32
      %add3A_567 = arith.addi %add3A_554, %add3A_566 : i32
      %dma_start3A_568 = arith.constant 2 : i32
      %dma_start3A_569 = arith.constant 0 : i32
      %dma_start3A_570 = arith.constant 0 : i32
      %dma_start3A_571 = tpu.memref_slice %arg9[%dma_start3A_568, %dma_start3A_569, %dma_start3A_570] : memref<5x128x64xf32, #tpu.memory_space<vmem>> -> memref<1x128x64xf32, #tpu.memory_space<vmem>>
      %dma_start3A_572 = tpu.memref_squeeze %dma_start3A_571 : memref<1x128x64xf32, #tpu.memory_space<vmem>> -> memref<128x64xf32, #tpu.memory_space<vmem>>
      %dma_start3A_573 = arith.constant 0 : i32
      %dma_start3A_574 = tpu.memref_slice %arg7[%add3A_567, %dma_start3A_573] : memref<160x128xi32, #tpu.memory_space<vmem>> -> memref<1x128xi32, #tpu.memory_space<vmem>>
      %dma_start3A_575 = tpu.memref_squeeze %dma_start3A_574 : memref<1x128xi32, #tpu.memory_space<vmem>> -> memref<128xi32, #tpu.memory_space<vmem>>
      %dma_start3A_576 = arith.constant 0 : i32
      %dma_start3A_577 = arith.constant 0 : i32
      %dma_start3A_578 = tpu.memref_slice %arg2[%arg0, %dma_start3A_576, %dma_start3A_577] : memref<2x10000x64xf32, #tpu.memory_space<hbm>> -> memref<1x10000x64xf32, #tpu.memory_space<hbm>>
      %dma_start3A_579 = tpu.memref_squeeze %dma_start3A_578 : memref<1x10000x64xf32, #tpu.memory_space<hbm>> -> memref<10000x64xf32, #tpu.memory_space<hbm>>
      %dma_start3A_580 = arith.constant 0 : i32
      %dma_start3A_581 = arith.constant 0 : i32
      %dma_start3A_582 = tpu.memref_slice %dma_start3A_579[%dma_start3A_580, %dma_start3A_581] : memref<10000x64xf32, #tpu.memory_space<hbm>> -> memref<10000x64xf32, #tpu.memory_space<hbm>>
      tpu.enqueue_indirect_dma source(%dma_start3A_582 : memref<10000x64xf32, #tpu.memory_space<hbm>>) target(%dma_start3A_572 : memref<128x64xf32, #tpu.memory_space<vmem>>) offsets(%dma_start3A_575 : memref<128xi32, #tpu.memory_space<vmem>>) semaphore(%arg13 : memref<!tpu.dma_semaphore, #tpu.memory_space<semaphore_mem>>)
      %mul3A_583 = arith.constant 5 : i32
      %mul3A_584 = arith.muli %mul3A_583, %scan3A_336 : i32
      %add3A_585 = arith.constant 3 : i32
      %add3A_586 = arith.addi %mul3A_584, %add3A_585 : i32
      %dma_wait3A_587 = arith.constant 3 : i32
      %dma_wait3A_588 = arith.constant 0 : i32
      %dma_wait3A_589 = arith.constant 0 : i32
      %dma_wait3A_590 = tpu.memref_slice %arg9[%dma_wait3A_587, %dma_wait3A_588, %dma_wait3A_589] : memref<5x128x64xf32, #tpu.memory_space<vmem>> -> memref<1x128x64xf32, #tpu.memory_space<vmem>>
      %dma_wait3A_591 = tpu.memref_squeeze %dma_wait3A_590 : memref<1x128x64xf32, #tpu.memory_space<vmem>> -> memref<128x64xf32, #tpu.memory_space<vmem>>
      %dma_wait3A_592 = arith.constant 0 : i32
      %dma_wait3A_593 = tpu.memref_slice %arg8[%add3A_586, %dma_wait3A_592] : memref<160x128xi32, #tpu.memory_space<vmem>> -> memref<1x128xi32, #tpu.memory_space<vmem>>
      %dma_wait3A_594 = tpu.memref_squeeze %dma_wait3A_593 : memref<1x128xi32, #tpu.memory_space<vmem>> -> memref<128xi32, #tpu.memory_space<vmem>>
      %dma_wait3A_595 = arith.constant 0 : i32
      %dma_wait3A_596 = arith.constant 0 : i32
      %dma_wait3A_597 = tpu.memref_slice %arg10[%dma_wait3A_595, %dma_wait3A_596] : memref<10112x64xf32, #tpu.memory_space<vmem_shared>> -> memref<10112x64xf32, #tpu.memory_space<vmem_shared>>
      tpu.wait_indirect_dma semaphore(%arg19 : memref<!tpu.dma_semaphore, #tpu.memory_space<semaphore_mem>>) src(%dma_wait3A_591 : memref<128x64xf32, #tpu.memory_space<vmem>>) dst(%dma_wait3A_597 : memref<10112x64xf32, #tpu.memory_space<vmem_shared>>)
      %add3A_598 = arith.constant 5 : i32
      %add3A_599 = arith.addi %add3A_586, %add3A_598 : i32
      %dma_start3A_600 = arith.constant 3 : i32
      %dma_start3A_601 = arith.constant 0 : i32
      %dma_start3A_602 = arith.constant 0 : i32
      %dma_start3A_603 = tpu.memref_slice %arg9[%dma_start3A_600, %dma_start3A_601, %dma_start3A_602] : memref<5x128x64xf32, #tpu.memory_space<vmem>> -> memref<1x128x64xf32, #tpu.memory_space<vmem>>
      %dma_start3A_604 = tpu.memref_squeeze %dma_start3A_603 : memref<1x128x64xf32, #tpu.memory_space<vmem>> -> memref<128x64xf32, #tpu.memory_space<vmem>>
      %dma_start3A_605 = arith.constant 0 : i32
      %dma_start3A_606 = tpu.memref_slice %arg7[%add3A_599, %dma_start3A_605] : memref<160x128xi32, #tpu.memory_space<vmem>> -> memref<1x128xi32, #tpu.memory_space<vmem>>
      %dma_start3A_607 = tpu.memref_squeeze %dma_start3A_606 : memref<1x128xi32, #tpu.memory_space<vmem>> -> memref<128xi32, #tpu.memory_space<vmem>>
      %dma_start3A_608 = arith.constant 0 : i32
      %dma_start3A_609 = arith.constant 0 : i32
      %dma_start3A_610 = tpu.memref_slice %arg2[%arg0, %dma_start3A_608, %dma_start3A_609] : memref<2x10000x64xf32, #tpu.memory_space<hbm>> -> memref<1x10000x64xf32, #tpu.memory_space<hbm>>
      %dma_start3A_611 = tpu.memref_squeeze %dma_start3A_610 : memref<1x10000x64xf32, #tpu.memory_space<hbm>> -> memref<10000x64xf32, #tpu.memory_space<hbm>>
      %dma_start3A_612 = arith.constant 0 : i32
      %dma_start3A_613 = arith.constant 0 : i32
      %dma_start3A_614 = tpu.memref_slice %dma_start3A_611[%dma_start3A_612, %dma_start3A_613] : memref<10000x64xf32, #tpu.memory_space<hbm>> -> memref<10000x64xf32, #tpu.memory_space<hbm>>
      tpu.enqueue_indirect_dma source(%dma_start3A_614 : memref<10000x64xf32, #tpu.memory_space<hbm>>) target(%dma_start3A_604 : memref<128x64xf32, #tpu.memory_space<vmem>>) offsets(%dma_start3A_607 : memref<128xi32, #tpu.memory_space<vmem>>) semaphore(%arg14 : memref<!tpu.dma_semaphore, #tpu.memory_space<semaphore_mem>>)
      %mul3A_615 = arith.constant 5 : i32
      %mul3A_616 = arith.muli %mul3A_615, %scan3A_336 : i32
      %add3A_617 = arith.constant 4 : i32
      %add3A_618 = arith.addi %mul3A_616, %add3A_617 : i32
      %dma_wait3A_619 = arith.constant 4 : i32
      %dma_wait3A_620 = arith.constant 0 : i32
      %dma_wait3A_621 = arith.constant 0 : i32
      %dma_wait3A_622 = tpu.memref_slice %arg9[%dma_wait3A_619, %dma_wait3A_620, %dma_wait3A_621] : memref<5x128x64xf32, #tpu.memory_space<vmem>> -> memref<1x128x64xf32, #tpu.memory_space<vmem>>
      %dma_wait3A_623 = tpu.memref_squeeze %dma_wait3A_622 : memref<1x128x64xf32, #tpu.memory_space<vmem>> -> memref<128x64xf32, #tpu.memory_space<vmem>>
      %dma_wait3A_624 = arith.constant 0 : i32
      %dma_wait3A_625 = tpu.memref_slice %arg8[%add3A_618, %dma_wait3A_624] : memref<160x128xi32, #tpu.memory_space<vmem>> -> memref<1x128xi32, #tpu.memory_space<vmem>>
      %dma_wait3A_626 = tpu.memref_squeeze %dma_wait3A_625 : memref<1x128xi32, #tpu.memory_space<vmem>> -> memref<128xi32, #tpu.memory_space<vmem>>
      %dma_wait3A_627 = arith.constant 0 : i32
      %dma_wait3A_628 = arith.constant 0 : i32
      %dma_wait3A_629 = tpu.memref_slice %arg10[%dma_wait3A_627, %dma_wait3A_628] : memref<10112x64xf32, #tpu.memory_space<vmem_shared>> -> memref<10112x64xf32, #tpu.memory_space<vmem_shared>>
      tpu.wait_indirect_dma semaphore(%arg20 : memref<!tpu.dma_semaphore, #tpu.memory_space<semaphore_mem>>) src(%dma_wait3A_623 : memref<128x64xf32, #tpu.memory_space<vmem>>) dst(%dma_wait3A_629 : memref<10112x64xf32, #tpu.memory_space<vmem_shared>>)
      %add3A_630 = arith.constant 5 : i32
      %add3A_631 = arith.addi %add3A_618, %add3A_630 : i32
      %dma_start3A_632 = arith.constant 4 : i32
      %dma_start3A_633 = arith.constant 0 : i32
      %dma_start3A_634 = arith.constant 0 : i32
      %dma_start3A_635 = tpu.memref_slice %arg9[%dma_start3A_632, %dma_start3A_633, %dma_start3A_634] : memref<5x128x64xf32, #tpu.memory_space<vmem>> -> memref<1x128x64xf32, #tpu.memory_space<vmem>>
      %dma_start3A_636 = tpu.memref_squeeze %dma_start3A_635 : memref<1x128x64xf32, #tpu.memory_space<vmem>> -> memref<128x64xf32, #tpu.memory_space<vmem>>
      %dma_start3A_637 = arith.constant 0 : i32
      %dma_start3A_638 = tpu.memref_slice %arg7[%add3A_631, %dma_start3A_637] : memref<160x128xi32, #tpu.memory_space<vmem>> -> memref<1x128xi32, #tpu.memory_space<vmem>>
      %dma_start3A_639 = tpu.memref_squeeze %dma_start3A_638 : memref<1x128xi32, #tpu.memory_space<vmem>> -> memref<128xi32, #tpu.memory_space<vmem>>
      %dma_start3A_640 = arith.constant 0 : i32
      %dma_start3A_641 = arith.constant 0 : i32
      %dma_start3A_642 = tpu.memref_slice %arg2[%arg0, %dma_start3A_640, %dma_start3A_641] : memref<2x10000x64xf32, #tpu.memory_space<hbm>> -> memref<1x10000x64xf32, #tpu.memory_space<hbm>>
      %dma_start3A_643 = tpu.memref_squeeze %dma_start3A_642 : memref<1x10000x64xf32, #tpu.memory_space<hbm>> -> memref<10000x64xf32, #tpu.memory_space<hbm>>
      %dma_start3A_644 = arith.constant 0 : i32
      %dma_start3A_645 = arith.constant 0 : i32
      %dma_start3A_646 = tpu.memref_slice %dma_start3A_643[%dma_start3A_644, %dma_start3A_645] : memref<10000x64xf32, #tpu.memory_space<hbm>> -> memref<10000x64xf32, #tpu.memory_space<hbm>>
      tpu.enqueue_indirect_dma source(%dma_start3A_646 : memref<10000x64xf32, #tpu.memory_space<hbm>>) target(%dma_start3A_636 : memref<128x64xf32, #tpu.memory_space<vmem>>) offsets(%dma_start3A_639 : memref<128xi32, #tpu.memory_space<vmem>>) semaphore(%arg15 : memref<!tpu.dma_semaphore, #tpu.memory_space<semaphore_mem>>)
      %scan3A_647 = arith.constant 0 : i32
      scf.yield %scan3A_647 : i32
    }
    %scan3A_130 = arith.constant 31 : i32
    %dma_wait3A_131 = arith.constant 155 : i32
    %dma_wait3A_132 = arith.constant 0 : i32
    %dma_wait3A_133 = arith.constant 0 : i32
    %dma_wait3A_134 = arith.constant 0 : i32
    %dma_wait3A_135 = tpu.memref_slice %arg9[%dma_wait3A_132, %dma_wait3A_133, %dma_wait3A_134] : memref<5x128x64xf32, #tpu.memory_space<vmem>> -> memref<1x128x64xf32, #tpu.memory_space<vmem>>
    %dma_wait3A_136 = tpu.memref_squeeze %dma_wait3A_135 : memref<1x128x64xf32, #tpu.memory_space<vmem>> -> memref<128x64xf32, #tpu.memory_space<vmem>>
    %dma_wait3A_137 = arith.constant 0 : i32
    %dma_wait3A_138 = tpu.memref_slice %arg7[%dma_wait3A_131, %dma_wait3A_137] : memref<160x128xi32, #tpu.memory_space<vmem>> -> memref<1x128xi32, #tpu.memory_space<vmem>>
    %dma_wait3A_139 = tpu.memref_squeeze %dma_wait3A_138 : memref<1x128xi32, #tpu.memory_space<vmem>> -> memref<128xi32, #tpu.memory_space<vmem>>
    %dma_wait3A_140 = arith.constant 0 : i32
    %dma_wait3A_141 = arith.constant 0 : i32
    %dma_wait3A_142 = tpu.memref_slice %arg2[%arg0, %dma_wait3A_140, %dma_wait3A_141] : memref<2x10000x64xf32, #tpu.memory_space<hbm>> -> memref<1x10000x64xf32, #tpu.memory_space<hbm>>
    %dma_wait3A_143 = tpu.memref_squeeze %dma_wait3A_142 : memref<1x10000x64xf32, #tpu.memory_space<hbm>> -> memref<10000x64xf32, #tpu.memory_space<hbm>>
    %dma_wait3A_144 = arith.constant 0 : i32
    %dma_wait3A_145 = arith.constant 0 : i32
    %dma_wait3A_146 = tpu.memref_slice %dma_wait3A_143[%dma_wait3A_144, %dma_wait3A_145] : memref<10000x64xf32, #tpu.memory_space<hbm>> -> memref<10000x64xf32, #tpu.memory_space<hbm>>
    tpu.wait_indirect_dma semaphore(%arg11 : memref<!tpu.dma_semaphore, #tpu.memory_space<semaphore_mem>>) src(%dma_wait3A_146 : memref<10000x64xf32, #tpu.memory_space<hbm>>) dst(%dma_wait3A_136 : memref<128x64xf32, #tpu.memory_space<vmem>>)
    %dma_start3A_147 = arith.constant 0 : i32
    %dma_start3A_148 = arith.constant 155 : i32
    %dma_start3A_149 = arith.constant 0 : i32
    %dma_start3A_150 = arith.constant 0 : i32
    %dma_start3A_151 = tpu.memref_slice %arg9[%dma_start3A_147, %dma_start3A_149, %dma_start3A_150] : memref<5x128x64xf32, #tpu.memory_space<vmem>> -> memref<1x128x64xf32, #tpu.memory_space<vmem>>
    %dma_start3A_152 = tpu.memref_squeeze %dma_start3A_151 : memref<1x128x64xf32, #tpu.memory_space<vmem>> -> memref<128x64xf32, #tpu.memory_space<vmem>>
    %dma_start3A_153 = arith.constant 0 : i32
    %dma_start3A_154 = tpu.memref_slice %arg8[%dma_start3A_148, %dma_start3A_153] : memref<160x128xi32, #tpu.memory_space<vmem>> -> memref<1x128xi32, #tpu.memory_space<vmem>>
    %dma_start3A_155 = tpu.memref_squeeze %dma_start3A_154 : memref<1x128xi32, #tpu.memory_space<vmem>> -> memref<128xi32, #tpu.memory_space<vmem>>
    %dma_start3A_156 = arith.constant 0 : i32
    %dma_start3A_157 = arith.constant 0 : i32
    %dma_start3A_158 = tpu.memref_slice %arg10[%dma_start3A_156, %dma_start3A_157] : memref<10112x64xf32, #tpu.memory_space<vmem_shared>> -> memref<10112x64xf32, #tpu.memory_space<vmem_shared>>
    tpu.enqueue_indirect_dma source(%dma_start3A_152 : memref<128x64xf32, #tpu.memory_space<vmem>>) target(%dma_start3A_158 : memref<10112x64xf32, #tpu.memory_space<vmem_shared>>) offsets(%dma_start3A_155 : memref<128xi32, #tpu.memory_space<vmem>>) semaphore(%arg16 : memref<!tpu.dma_semaphore, #tpu.memory_space<semaphore_mem>>) {add = true}
    %dma_wait3A_159 = arith.constant 156 : i32
    %dma_wait3A_160 = arith.constant 1 : i32
    %dma_wait3A_161 = arith.constant 0 : i32
    %dma_wait3A_162 = arith.constant 0 : i32
    %dma_wait3A_163 = tpu.memref_slice %arg9[%dma_wait3A_160, %dma_wait3A_161, %dma_wait3A_162] : memref<5x128x64xf32, #tpu.memory_space<vmem>> -> memref<1x128x64xf32, #tpu.memory_space<vmem>>
    %dma_wait3A_164 = tpu.memref_squeeze %dma_wait3A_163 : memref<1x128x64xf32, #tpu.memory_space<vmem>> -> memref<128x64xf32, #tpu.memory_space<vmem>>
    %dma_wait3A_165 = arith.constant 0 : i32
    %dma_wait3A_166 = tpu.memref_slice %arg7[%dma_wait3A_159, %dma_wait3A_165] : memref<160x128xi32, #tpu.memory_space<vmem>> -> memref<1x128xi32, #tpu.memory_space<vmem>>
    %dma_wait3A_167 = tpu.memref_squeeze %dma_wait3A_166 : memref<1x128xi32, #tpu.memory_space<vmem>> -> memref<128xi32, #tpu.memory_space<vmem>>
    %dma_wait3A_168 = arith.constant 0 : i32
    %dma_wait3A_169 = arith.constant 0 : i32
    %dma_wait3A_170 = tpu.memref_slice %arg2[%arg0, %dma_wait3A_168, %dma_wait3A_169] : memref<2x10000x64xf32, #tpu.memory_space<hbm>> -> memref<1x10000x64xf32, #tpu.memory_space<hbm>>
    %dma_wait3A_171 = tpu.memref_squeeze %dma_wait3A_170 : memref<1x10000x64xf32, #tpu.memory_space<hbm>> -> memref<10000x64xf32, #tpu.memory_space<hbm>>
    %dma_wait3A_172 = arith.constant 0 : i32
    %dma_wait3A_173 = arith.constant 0 : i32
    %dma_wait3A_174 = tpu.memref_slice %dma_wait3A_171[%dma_wait3A_172, %dma_wait3A_173] : memref<10000x64xf32, #tpu.memory_space<hbm>> -> memref<10000x64xf32, #tpu.memory_space<hbm>>
    tpu.wait_indirect_dma semaphore(%arg12 : memref<!tpu.dma_semaphore, #tpu.memory_space<semaphore_mem>>) src(%dma_wait3A_174 : memref<10000x64xf32, #tpu.memory_space<hbm>>) dst(%dma_wait3A_164 : memref<128x64xf32, #tpu.memory_space<vmem>>)
    %dma_start3A_175 = arith.constant 1 : i32
    %dma_start3A_176 = arith.constant 156 : i32
    %dma_start3A_177 = arith.constant 0 : i32
    %dma_start3A_178 = arith.constant 0 : i32
    %dma_start3A_179 = tpu.memref_slice %arg9[%dma_start3A_175, %dma_start3A_177, %dma_start3A_178] : memref<5x128x64xf32, #tpu.memory_space<vmem>> -> memref<1x128x64xf32, #tpu.memory_space<vmem>>
    %dma_start3A_180 = tpu.memref_squeeze %dma_start3A_179 : memref<1x128x64xf32, #tpu.memory_space<vmem>> -> memref<128x64xf32, #tpu.memory_space<vmem>>
    %dma_start3A_181 = arith.constant 0 : i32
    %dma_start3A_182 = tpu.memref_slice %arg8[%dma_start3A_176, %dma_start3A_181] : memref<160x128xi32, #tpu.memory_space<vmem>> -> memref<1x128xi32, #tpu.memory_space<vmem>>
    %dma_start3A_183 = tpu.memref_squeeze %dma_start3A_182 : memref<1x128xi32, #tpu.memory_space<vmem>> -> memref<128xi32, #tpu.memory_space<vmem>>
    %dma_start3A_184 = arith.constant 0 : i32
    %dma_start3A_185 = arith.constant 0 : i32
    %dma_start3A_186 = tpu.memref_slice %arg10[%dma_start3A_184, %dma_start3A_185] : memref<10112x64xf32, #tpu.memory_space<vmem_shared>> -> memref<10112x64xf32, #tpu.memory_space<vmem_shared>>
    tpu.enqueue_indirect_dma source(%dma_start3A_180 : memref<128x64xf32, #tpu.memory_space<vmem>>) target(%dma_start3A_186 : memref<10112x64xf32, #tpu.memory_space<vmem_shared>>) offsets(%dma_start3A_183 : memref<128xi32, #tpu.memory_space<vmem>>) semaphore(%arg17 : memref<!tpu.dma_semaphore, #tpu.memory_space<semaphore_mem>>) {add = true}
    %dma_wait3A_187 = arith.constant 157 : i32
    %dma_wait3A_188 = arith.constant 2 : i32
    %dma_wait3A_189 = arith.constant 0 : i32
    %dma_wait3A_190 = arith.constant 0 : i32
    %dma_wait3A_191 = tpu.memref_slice %arg9[%dma_wait3A_188, %dma_wait3A_189, %dma_wait3A_190] : memref<5x128x64xf32, #tpu.memory_space<vmem>> -> memref<1x128x64xf32, #tpu.memory_space<vmem>>
    %dma_wait3A_192 = tpu.memref_squeeze %dma_wait3A_191 : memref<1x128x64xf32, #tpu.memory_space<vmem>> -> memref<128x64xf32, #tpu.memory_space<vmem>>
    %dma_wait3A_193 = arith.constant 0 : i32
    %dma_wait3A_194 = tpu.memref_slice %arg7[%dma_wait3A_187, %dma_wait3A_193] : memref<160x128xi32, #tpu.memory_space<vmem>> -> memref<1x128xi32, #tpu.memory_space<vmem>>
    %dma_wait3A_195 = tpu.memref_squeeze %dma_wait3A_194 : memref<1x128xi32, #tpu.memory_space<vmem>> -> memref<128xi32, #tpu.memory_space<vmem>>
    %dma_wait3A_196 = arith.constant 0 : i32
    %dma_wait3A_197 = arith.constant 0 : i32
    %dma_wait3A_198 = tpu.memref_slice %arg2[%arg0, %dma_wait3A_196, %dma_wait3A_197] : memref<2x10000x64xf32, #tpu.memory_space<hbm>> -> memref<1x10000x64xf32, #tpu.memory_space<hbm>>
    %dma_wait3A_199 = tpu.memref_squeeze %dma_wait3A_198 : memref<1x10000x64xf32, #tpu.memory_space<hbm>> -> memref<10000x64xf32, #tpu.memory_space<hbm>>
    %dma_wait3A_200 = arith.constant 0 : i32
    %dma_wait3A_201 = arith.constant 0 : i32
    %dma_wait3A_202 = tpu.memref_slice %dma_wait3A_199[%dma_wait3A_200, %dma_wait3A_201] : memref<10000x64xf32, #tpu.memory_space<hbm>> -> memref<10000x64xf32, #tpu.memory_space<hbm>>
    tpu.wait_indirect_dma semaphore(%arg13 : memref<!tpu.dma_semaphore, #tpu.memory_space<semaphore_mem>>) src(%dma_wait3A_202 : memref<10000x64xf32, #tpu.memory_space<hbm>>) dst(%dma_wait3A_192 : memref<128x64xf32, #tpu.memory_space<vmem>>)
    %dma_start3A_203 = arith.constant 2 : i32
    %dma_start3A_204 = arith.constant 157 : i32
    %dma_start3A_205 = arith.constant 0 : i32
    %dma_start3A_206 = arith.constant 0 : i32
    %dma_start3A_207 = tpu.memref_slice %arg9[%dma_start3A_203, %dma_start3A_205, %dma_start3A_206] : memref<5x128x64xf32, #tpu.memory_space<vmem>> -> memref<1x128x64xf32, #tpu.memory_space<vmem>>
    %dma_start3A_208 = tpu.memref_squeeze %dma_start3A_207 : memref<1x128x64xf32, #tpu.memory_space<vmem>> -> memref<128x64xf32, #tpu.memory_space<vmem>>
    %dma_start3A_209 = arith.constant 0 : i32
    %dma_start3A_210 = tpu.memref_slice %arg8[%dma_start3A_204, %dma_start3A_209] : memref<160x128xi32, #tpu.memory_space<vmem>> -> memref<1x128xi32, #tpu.memory_space<vmem>>
    %dma_start3A_211 = tpu.memref_squeeze %dma_start3A_210 : memref<1x128xi32, #tpu.memory_space<vmem>> -> memref<128xi32, #tpu.memory_space<vmem>>
    %dma_start3A_212 = arith.constant 0 : i32
    %dma_start3A_213 = arith.constant 0 : i32
    %dma_start3A_214 = tpu.memref_slice %arg10[%dma_start3A_212, %dma_start3A_213] : memref<10112x64xf32, #tpu.memory_space<vmem_shared>> -> memref<10112x64xf32, #tpu.memory_space<vmem_shared>>
    tpu.enqueue_indirect_dma source(%dma_start3A_208 : memref<128x64xf32, #tpu.memory_space<vmem>>) target(%dma_start3A_214 : memref<10112x64xf32, #tpu.memory_space<vmem_shared>>) offsets(%dma_start3A_211 : memref<128xi32, #tpu.memory_space<vmem>>) semaphore(%arg18 : memref<!tpu.dma_semaphore, #tpu.memory_space<semaphore_mem>>) {add = true}
    %dma_wait3A_215 = arith.constant 158 : i32
    %dma_wait3A_216 = arith.constant 3 : i32
    %dma_wait3A_217 = arith.constant 0 : i32
    %dma_wait3A_218 = arith.constant 0 : i32
    %dma_wait3A_219 = tpu.memref_slice %arg9[%dma_wait3A_216, %dma_wait3A_217, %dma_wait3A_218] : memref<5x128x64xf32, #tpu.memory_space<vmem>> -> memref<1x128x64xf32, #tpu.memory_space<vmem>>
    %dma_wait3A_220 = tpu.memref_squeeze %dma_wait3A_219 : memref<1x128x64xf32, #tpu.memory_space<vmem>> -> memref<128x64xf32, #tpu.memory_space<vmem>>
    %dma_wait3A_221 = arith.constant 0 : i32
    %dma_wait3A_222 = tpu.memref_slice %arg7[%dma_wait3A_215, %dma_wait3A_221] : memref<160x128xi32, #tpu.memory_space<vmem>> -> memref<1x128xi32, #tpu.memory_space<vmem>>
    %dma_wait3A_223 = tpu.memref_squeeze %dma_wait3A_222 : memref<1x128xi32, #tpu.memory_space<vmem>> -> memref<128xi32, #tpu.memory_space<vmem>>
    %dma_wait3A_224 = arith.constant 0 : i32
    %dma_wait3A_225 = arith.constant 0 : i32
    %dma_wait3A_226 = tpu.memref_slice %arg2[%arg0, %dma_wait3A_224, %dma_wait3A_225] : memref<2x10000x64xf32, #tpu.memory_space<hbm>> -> memref<1x10000x64xf32, #tpu.memory_space<hbm>>
    %dma_wait3A_227 = tpu.memref_squeeze %dma_wait3A_226 : memref<1x10000x64xf32, #tpu.memory_space<hbm>> -> memref<10000x64xf32, #tpu.memory_space<hbm>>
    %dma_wait3A_228 = arith.constant 0 : i32
    %dma_wait3A_229 = arith.constant 0 : i32
    %dma_wait3A_230 = tpu.memref_slice %dma_wait3A_227[%dma_wait3A_228, %dma_wait3A_229] : memref<10000x64xf32, #tpu.memory_space<hbm>> -> memref<10000x64xf32, #tpu.memory_space<hbm>>
    tpu.wait_indirect_dma semaphore(%arg14 : memref<!tpu.dma_semaphore, #tpu.memory_space<semaphore_mem>>) src(%dma_wait3A_230 : memref<10000x64xf32, #tpu.memory_space<hbm>>) dst(%dma_wait3A_220 : memref<128x64xf32, #tpu.memory_space<vmem>>)
    %dma_start3A_231 = arith.constant 3 : i32
    %dma_start3A_232 = arith.constant 158 : i32
    %dma_start3A_233 = arith.constant 0 : i32
    %dma_start3A_234 = arith.constant 0 : i32
    %dma_start3A_235 = tpu.memref_slice %arg9[%dma_start3A_231, %dma_start3A_233, %dma_start3A_234] : memref<5x128x64xf32, #tpu.memory_space<vmem>> -> memref<1x128x64xf32, #tpu.memory_space<vmem>>
    %dma_start3A_236 = tpu.memref_squeeze %dma_start3A_235 : memref<1x128x64xf32, #tpu.memory_space<vmem>> -> memref<128x64xf32, #tpu.memory_space<vmem>>
    %dma_start3A_237 = arith.constant 0 : i32
    %dma_start3A_238 = tpu.memref_slice %arg8[%dma_start3A_232, %dma_start3A_237] : memref<160x128xi32, #tpu.memory_space<vmem>> -> memref<1x128xi32, #tpu.memory_space<vmem>>
    %dma_start3A_239 = tpu.memref_squeeze %dma_start3A_238 : memref<1x128xi32, #tpu.memory_space<vmem>> -> memref<128xi32, #tpu.memory_space<vmem>>
    %dma_start3A_240 = arith.constant 0 : i32
    %dma_start3A_241 = arith.constant 0 : i32
    %dma_start3A_242 = tpu.memref_slice %arg10[%dma_start3A_240, %dma_start3A_241] : memref<10112x64xf32, #tpu.memory_space<vmem_shared>> -> memref<10112x64xf32, #tpu.memory_space<vmem_shared>>
    tpu.enqueue_indirect_dma source(%dma_start3A_236 : memref<128x64xf32, #tpu.memory_space<vmem>>) target(%dma_start3A_242 : memref<10112x64xf32, #tpu.memory_space<vmem_shared>>) offsets(%dma_start3A_239 : memref<128xi32, #tpu.memory_space<vmem>>) semaphore(%arg19 : memref<!tpu.dma_semaphore, #tpu.memory_space<semaphore_mem>>) {add = true}
    %dma_wait3A_243 = arith.constant 159 : i32
    %dma_wait3A_244 = arith.constant 4 : i32
    %dma_wait3A_245 = arith.constant 0 : i32
    %dma_wait3A_246 = arith.constant 0 : i32
    %dma_wait3A_247 = tpu.memref_slice %arg9[%dma_wait3A_244, %dma_wait3A_245, %dma_wait3A_246] : memref<5x128x64xf32, #tpu.memory_space<vmem>> -> memref<1x128x64xf32, #tpu.memory_space<vmem>>
    %dma_wait3A_248 = tpu.memref_squeeze %dma_wait3A_247 : memref<1x128x64xf32, #tpu.memory_space<vmem>> -> memref<128x64xf32, #tpu.memory_space<vmem>>
    %dma_wait3A_249 = arith.constant 0 : i32
    %dma_wait3A_250 = tpu.memref_slice %arg7[%dma_wait3A_243, %dma_wait3A_249] : memref<160x128xi32, #tpu.memory_space<vmem>> -> memref<1x128xi32, #tpu.memory_space<vmem>>
    %dma_wait3A_251 = tpu.memref_squeeze %dma_wait3A_250 : memref<1x128xi32, #tpu.memory_space<vmem>> -> memref<128xi32, #tpu.memory_space<vmem>>
    %dma_wait3A_252 = arith.constant 0 : i32
    %dma_wait3A_253 = arith.constant 0 : i32
    %dma_wait3A_254 = tpu.memref_slice %arg2[%arg0, %dma_wait3A_252, %dma_wait3A_253] : memref<2x10000x64xf32, #tpu.memory_space<hbm>> -> memref<1x10000x64xf32, #tpu.memory_space<hbm>>
    %dma_wait3A_255 = tpu.memref_squeeze %dma_wait3A_254 : memref<1x10000x64xf32, #tpu.memory_space<hbm>> -> memref<10000x64xf32, #tpu.memory_space<hbm>>
    %dma_wait3A_256 = arith.constant 0 : i32
    %dma_wait3A_257 = arith.constant 0 : i32
    %dma_wait3A_258 = tpu.memref_slice %dma_wait3A_255[%dma_wait3A_256, %dma_wait3A_257] : memref<10000x64xf32, #tpu.memory_space<hbm>> -> memref<10000x64xf32, #tpu.memory_space<hbm>>
    tpu.wait_indirect_dma semaphore(%arg15 : memref<!tpu.dma_semaphore, #tpu.memory_space<semaphore_mem>>) src(%dma_wait3A_258 : memref<10000x64xf32, #tpu.memory_space<hbm>>) dst(%dma_wait3A_248 : memref<128x64xf32, #tpu.memory_space<vmem>>)
    %dma_start3A_259 = arith.constant 4 : i32
    %dma_start3A_260 = arith.constant 159 : i32
    %dma_start3A_261 = arith.constant 0 : i32
    %dma_start3A_262 = arith.constant 0 : i32
    %dma_start3A_263 = tpu.memref_slice %arg9[%dma_start3A_259, %dma_start3A_261, %dma_start3A_262] : memref<5x128x64xf32, #tpu.memory_space<vmem>> -> memref<1x128x64xf32, #tpu.memory_space<vmem>>
    %dma_start3A_264 = tpu.memref_squeeze %dma_start3A_263 : memref<1x128x64xf32, #tpu.memory_space<vmem>> -> memref<128x64xf32, #tpu.memory_space<vmem>>
    %dma_start3A_265 = arith.constant 0 : i32
    %dma_start3A_266 = tpu.memref_slice %arg8[%dma_start3A_260, %dma_start3A_265] : memref<160x128xi32, #tpu.memory_space<vmem>> -> memref<1x128xi32, #tpu.memory_space<vmem>>
    %dma_start3A_267 = tpu.memref_squeeze %dma_start3A_266 : memref<1x128xi32, #tpu.memory_space<vmem>> -> memref<128xi32, #tpu.memory_space<vmem>>
    %dma_start3A_268 = arith.constant 0 : i32
    %dma_start3A_269 = arith.constant 0 : i32
    %dma_start3A_270 = tpu.memref_slice %arg10[%dma_start3A_268, %dma_start3A_269] : memref<10112x64xf32, #tpu.memory_space<vmem_shared>> -> memref<10112x64xf32, #tpu.memory_space<vmem_shared>>
    tpu.enqueue_indirect_dma source(%dma_start3A_264 : memref<128x64xf32, #tpu.memory_space<vmem>>) target(%dma_start3A_270 : memref<10112x64xf32, #tpu.memory_space<vmem_shared>>) offsets(%dma_start3A_267 : memref<128xi32, #tpu.memory_space<vmem>>) semaphore(%arg20 : memref<!tpu.dma_semaphore, #tpu.memory_space<semaphore_mem>>) {add = true}
    %dma_wait3A_271 = arith.constant 0 : i32
    %dma_wait3A_272 = arith.constant 155 : i32
    %dma_wait3A_273 = arith.constant 0 : i32
    %dma_wait3A_274 = arith.constant 0 : i32
    %dma_wait3A_275 = tpu.memref_slice %arg9[%dma_wait3A_271, %dma_wait3A_273, %dma_wait3A_274] : memref<5x128x64xf32, #tpu.memory_space<vmem>> -> memref<1x128x64xf32, #tpu.memory_space<vmem>>
    %dma_wait3A_276 = tpu.memref_squeeze %dma_wait3A_275 : memref<1x128x64xf32, #tpu.memory_space<vmem>> -> memref<128x64xf32, #tpu.memory_space<vmem>>
    %dma_wait3A_277 = arith.constant 0 : i32
    %dma_wait3A_278 = tpu.memref_slice %arg8[%dma_wait3A_272, %dma_wait3A_277] : memref<160x128xi32, #tpu.memory_space<vmem>> -> memref<1x128xi32, #tpu.memory_space<vmem>>
    %dma_wait3A_279 = tpu.memref_squeeze %dma_wait3A_278 : memref<1x128xi32, #tpu.memory_space<vmem>> -> memref<128xi32, #tpu.memory_space<vmem>>
    %dma_wait3A_280 = arith.constant 0 : i32
    %dma_wait3A_281 = arith.constant 0 : i32
    %dma_wait3A_282 = tpu.memref_slice %arg10[%dma_wait3A_280, %dma_wait3A_281] : memref<10112x64xf32, #tpu.memory_space<vmem_shared>> -> memref<10112x64xf32, #tpu.memory_space<vmem_shared>>
    tpu.wait_indirect_dma semaphore(%arg16 : memref<!tpu.dma_semaphore, #tpu.memory_space<semaphore_mem>>) src(%dma_wait3A_276 : memref<128x64xf32, #tpu.memory_space<vmem>>) dst(%dma_wait3A_282 : memref<10112x64xf32, #tpu.memory_space<vmem_shared>>)
    %dma_wait3A_283 = arith.constant 1 : i32
    %dma_wait3A_284 = arith.constant 156 : i32
    %dma_wait3A_285 = arith.constant 0 : i32
    %dma_wait3A_286 = arith.constant 0 : i32
    %dma_wait3A_287 = tpu.memref_slice %arg9[%dma_wait3A_283, %dma_wait3A_285, %dma_wait3A_286] : memref<5x128x64xf32, #tpu.memory_space<vmem>> -> memref<1x128x64xf32, #tpu.memory_space<vmem>>
    %dma_wait3A_288 = tpu.memref_squeeze %dma_wait3A_287 : memref<1x128x64xf32, #tpu.memory_space<vmem>> -> memref<128x64xf32, #tpu.memory_space<vmem>>
    %dma_wait3A_289 = arith.constant 0 : i32
    %dma_wait3A_290 = tpu.memref_slice %arg8[%dma_wait3A_284, %dma_wait3A_289] : memref<160x128xi32, #tpu.memory_space<vmem>> -> memref<1x128xi32, #tpu.memory_space<vmem>>
    %dma_wait3A_291 = tpu.memref_squeeze %dma_wait3A_290 : memref<1x128xi32, #tpu.memory_space<vmem>> -> memref<128xi32, #tpu.memory_space<vmem>>
    %dma_wait3A_292 = arith.constant 0 : i32
    %dma_wait3A_293 = arith.constant 0 : i32
    %dma_wait3A_294 = tpu.memref_slice %arg10[%dma_wait3A_292, %dma_wait3A_293] : memref<10112x64xf32, #tpu.memory_space<vmem_shared>> -> memref<10112x64xf32, #tpu.memory_space<vmem_shared>>
    tpu.wait_indirect_dma semaphore(%arg17 : memref<!tpu.dma_semaphore, #tpu.memory_space<semaphore_mem>>) src(%dma_wait3A_288 : memref<128x64xf32, #tpu.memory_space<vmem>>) dst(%dma_wait3A_294 : memref<10112x64xf32, #tpu.memory_space<vmem_shared>>)
    %dma_wait3A_295 = arith.constant 2 : i32
    %dma_wait3A_296 = arith.constant 157 : i32
    %dma_wait3A_297 = arith.constant 0 : i32
    %dma_wait3A_298 = arith.constant 0 : i32
    %dma_wait3A_299 = tpu.memref_slice %arg9[%dma_wait3A_295, %dma_wait3A_297, %dma_wait3A_298] : memref<5x128x64xf32, #tpu.memory_space<vmem>> -> memref<1x128x64xf32, #tpu.memory_space<vmem>>
    %dma_wait3A_300 = tpu.memref_squeeze %dma_wait3A_299 : memref<1x128x64xf32, #tpu.memory_space<vmem>> -> memref<128x64xf32, #tpu.memory_space<vmem>>
    %dma_wait3A_301 = arith.constant 0 : i32
    %dma_wait3A_302 = tpu.memref_slice %arg8[%dma_wait3A_296, %dma_wait3A_301] : memref<160x128xi32, #tpu.memory_space<vmem>> -> memref<1x128xi32, #tpu.memory_space<vmem>>
    %dma_wait3A_303 = tpu.memref_squeeze %dma_wait3A_302 : memref<1x128xi32, #tpu.memory_space<vmem>> -> memref<128xi32, #tpu.memory_space<vmem>>
    %dma_wait3A_304 = arith.constant 0 : i32
    %dma_wait3A_305 = arith.constant 0 : i32
    %dma_wait3A_306 = tpu.memref_slice %arg10[%dma_wait3A_304, %dma_wait3A_305] : memref<10112x64xf32, #tpu.memory_space<vmem_shared>> -> memref<10112x64xf32, #tpu.memory_space<vmem_shared>>
    tpu.wait_indirect_dma semaphore(%arg18 : memref<!tpu.dma_semaphore, #tpu.memory_space<semaphore_mem>>) src(%dma_wait3A_300 : memref<128x64xf32, #tpu.memory_space<vmem>>) dst(%dma_wait3A_306 : memref<10112x64xf32, #tpu.memory_space<vmem_shared>>)
    %dma_wait3A_307 = arith.constant 3 : i32
    %dma_wait3A_308 = arith.constant 158 : i32
    %dma_wait3A_309 = arith.constant 0 : i32
    %dma_wait3A_310 = arith.constant 0 : i32
    %dma_wait3A_311 = tpu.memref_slice %arg9[%dma_wait3A_307, %dma_wait3A_309, %dma_wait3A_310] : memref<5x128x64xf32, #tpu.memory_space<vmem>> -> memref<1x128x64xf32, #tpu.memory_space<vmem>>
    %dma_wait3A_312 = tpu.memref_squeeze %dma_wait3A_311 : memref<1x128x64xf32, #tpu.memory_space<vmem>> -> memref<128x64xf32, #tpu.memory_space<vmem>>
    %dma_wait3A_313 = arith.constant 0 : i32
    %dma_wait3A_314 = tpu.memref_slice %arg8[%dma_wait3A_308, %dma_wait3A_313] : memref<160x128xi32, #tpu.memory_space<vmem>> -> memref<1x128xi32, #tpu.memory_space<vmem>>
    %dma_wait3A_315 = tpu.memref_squeeze %dma_wait3A_314 : memref<1x128xi32, #tpu.memory_space<vmem>> -> memref<128xi32, #tpu.memory_space<vmem>>
    %dma_wait3A_316 = arith.constant 0 : i32
    %dma_wait3A_317 = arith.constant 0 : i32
    %dma_wait3A_318 = tpu.memref_slice %arg10[%dma_wait3A_316, %dma_wait3A_317] : memref<10112x64xf32, #tpu.memory_space<vmem_shared>> -> memref<10112x64xf32, #tpu.memory_space<vmem_shared>>
    tpu.wait_indirect_dma semaphore(%arg19 : memref<!tpu.dma_semaphore, #tpu.memory_space<semaphore_mem>>) src(%dma_wait3A_312 : memref<128x64xf32, #tpu.memory_space<vmem>>) dst(%dma_wait3A_318 : memref<10112x64xf32, #tpu.memory_space<vmem_shared>>)
    %dma_wait3A_319 = arith.constant 4 : i32
    %dma_wait3A_320 = arith.constant 159 : i32
    %dma_wait3A_321 = arith.constant 0 : i32
    %dma_wait3A_322 = arith.constant 0 : i32
    %dma_wait3A_323 = tpu.memref_slice %arg9[%dma_wait3A_319, %dma_wait3A_321, %dma_wait3A_322] : memref<5x128x64xf32, #tpu.memory_space<vmem>> -> memref<1x128x64xf32, #tpu.memory_space<vmem>>
    %dma_wait3A_324 = tpu.memref_squeeze %dma_wait3A_323 : memref<1x128x64xf32, #tpu.memory_space<vmem>> -> memref<128x64xf32, #tpu.memory_space<vmem>>
    %dma_wait3A_325 = arith.constant 0 : i32
    %dma_wait3A_326 = tpu.memref_slice %arg8[%dma_wait3A_320, %dma_wait3A_325] : memref<160x128xi32, #tpu.memory_space<vmem>> -> memref<1x128xi32, #tpu.memory_space<vmem>>
    %dma_wait3A_327 = tpu.memref_squeeze %dma_wait3A_326 : memref<1x128xi32, #tpu.memory_space<vmem>> -> memref<128xi32, #tpu.memory_space<vmem>>
    %dma_wait3A_328 = arith.constant 0 : i32
    %dma_wait3A_329 = arith.constant 0 : i32
    %dma_wait3A_330 = tpu.memref_slice %arg10[%dma_wait3A_328, %dma_wait3A_329] : memref<10112x64xf32, #tpu.memory_space<vmem_shared>> -> memref<10112x64xf32, #tpu.memory_space<vmem_shared>>
    tpu.wait_indirect_dma semaphore(%arg20 : memref<!tpu.dma_semaphore, #tpu.memory_space<semaphore_mem>>) src(%dma_wait3A_324 : memref<128x64xf32, #tpu.memory_space<vmem>>) dst(%dma_wait3A_330 : memref<10112x64xf32, #tpu.memory_space<vmem_shared>>)
    %barrier3A_331 = arith.constant 0 : index
    tpu.barrier barrier_id(%barrier3A_331)
    %mul3A_332 = arith.constant 632 : i32
    %mul3A_333 = arith.muli %arg1, %mul3A_332 : i32
    %mul3A_334 = arith.constant 632 : i32
    %mul3A_335 = arith.muli %arg1, %mul3A_334 : i32
    "tpu.region"() ({
      %run_scoped3A = tpu.sem_alloc : memref<!tpu.dma_semaphore, #tpu.memory_space<semaphore_mem>>
      %dma_start3A_336 = arith.constant 0 : i32
      %dma_start3A_337 = arith.constant 0 : i32
      %dma_start3A_338 = tpu.memref_slice %arg6[%arg0, %dma_start3A_336, %dma_start3A_337] : memref<2x10112x64xf32, #tpu.memory_space<hbm>> -> memref<1x10112x64xf32, #tpu.memory_space<hbm>>
      %dma_start3A_339 = tpu.memref_squeeze %dma_start3A_338 : memref<1x10112x64xf32, #tpu.memory_space<hbm>> -> memref<10112x64xf32, #tpu.memory_space<hbm>>
      %dma_start3A_340 = arith.constant 0 : i32
      %dma_start3A_341 = tpu.memref_slice %dma_start3A_339[%mul3A_335, %dma_start3A_340] : memref<10112x64xf32, #tpu.memory_space<hbm>> -> memref<632x64xf32, #tpu.memory_space<hbm>>
      %dma_start3A_342 = arith.constant 0 : i32
      %dma_start3A_343 = tpu.memref_slice %arg10[%mul3A_333, %dma_start3A_342] : memref<10112x64xf32, #tpu.memory_space<vmem_shared>> -> memref<632x64xf32, #tpu.memory_space<vmem_shared>>
      tpu.enqueue_dma source(%dma_start3A_343 : memref<632x64xf32, #tpu.memory_space<vmem_shared>>) target(%dma_start3A_341 : memref<632x64xf32, #tpu.memory_space<hbm>>) target_semaphore(%run_scoped3A : memref<!tpu.dma_semaphore, #tpu.memory_space<semaphore_mem>>)
      %dma_wait3A_344 = arith.constant 0 : i32
      %dma_wait3A_345 = arith.constant 0 : i32
      %dma_wait3A_346 = tpu.memref_slice %arg6[%arg0, %dma_wait3A_344, %dma_wait3A_345] : memref<2x10112x64xf32, #tpu.memory_space<hbm>> -> memref<1x10112x64xf32, #tpu.memory_space<hbm>>
      %dma_wait3A_347 = tpu.memref_squeeze %dma_wait3A_346 : memref<1x10112x64xf32, #tpu.memory_space<hbm>> -> memref<10112x64xf32, #tpu.memory_space<hbm>>
      %dma_wait3A_348 = arith.constant 0 : i32
      %dma_wait3A_349 = tpu.memref_slice %dma_wait3A_347[%mul3A_335, %dma_wait3A_348] : memref<10112x64xf32, #tpu.memory_space<hbm>> -> memref<632x64xf32, #tpu.memory_space<hbm>>
      %dma_wait3A_350 = arith.constant 0 : i32
      %dma_wait3A_351 = tpu.memref_slice %arg10[%mul3A_333, %dma_wait3A_350] : memref<10112x64xf32, #tpu.memory_space<vmem_shared>> -> memref<632x64xf32, #tpu.memory_space<vmem_shared>>
      tpu.wait_dma2 semaphore(%run_scoped3A : memref<!tpu.dma_semaphore, #tpu.memory_space<semaphore_mem>>) src(%dma_wait3A_351 : memref<632x64xf32, #tpu.memory_space<vmem_shared>>) dst(%dma_wait3A_349 : memref<632x64xf32, #tpu.memory_space<hbm>>)
      tpu.yield
    }) : () -> ()
    return
  }
}

#map = affine_map<(d0, d1) -> (0, 0, 0)>
#map1 = affine_map<(d0, d1) -> (0, 0)>
module attributes {stable_mosaic.version = 14 : i64} {
  func.func @_agg(%arg0: i32, %arg1: i32, %arg2: memref<2x10000x64xf32, #tpu.memory_space<hbm>>, %arg3: memref<16x160x128xi32, #tpu.memory_space<hbm>>, %arg4: memref<16x160x128xi32, #tpu.memory_space<hbm>>, %arg5: memref<10112x64xf32, #tpu.memory_space<hbm>>, %arg6: memref<2x10112x64xf32, #tpu.memory_space<hbm>>, %arg7: memref<160x128xi32, #tpu.memory_space<vmem>>, %arg8: memref<160x128xi32, #tpu.memory_space<vmem>>, %arg9: memref<5x128x64xf32, #tpu.memory_space<vmem>>, %arg10: memref<10112x64xf32, #tpu.memory_space<vmem_shared>>, %arg11: memref<!tpu.dma_semaphore, #tpu.memory_space<semaphore_mem>>, %arg12: memref<!tpu.dma_semaphore, #tpu.memory_space<semaphore_mem>>, %arg13: memref<!tpu.dma_semaphore, #tpu.memory_space<semaphore_mem>>, %arg14: memref<!tpu.dma_semaphore, #tpu.memory_space<semaphore_mem>>, %arg15: memref<!tpu.dma_semaphore, #tpu.memory_space<semaphore_mem>>, %arg16: memref<!tpu.dma_semaphore, #tpu.memory_space<semaphore_mem>>, %arg17: memref<!tpu.dma_semaphore, #tpu.memory_space<semaphore_mem>>, %arg18: memref<!tpu.dma_semaphore, #tpu.memory_space<semaphore_mem>>, %arg19: memref<!tpu.dma_semaphore, #tpu.memory_space<semaphore_mem>>, %arg20: memref<!tpu.dma_semaphore, #tpu.memory_space<semaphore_mem>>) attributes {dimension_semantics = [#tpu.dimension_semantics<core_parallel>, #tpu.dimension_semantics<subcore_parallel>], iteration_bounds = array<i64: 2, 16>, scalar_prefetch = 0 : i64, scratch_operands = 14 : i64, tpu.core_type = #tpu.core_type<sc_vector_subcore>, window_params = [{transform_indices = #map}, {transform_indices = #map}, {transform_indices = #map}, {transform_indices = #map1}, {transform_indices = #map}]} {
    %dma_start3A = arith.constant 0 : i32
    %dma_start3A_0 = arith.constant 0 : i32
    %dma_start3A_1 = tpu.memref_slice %arg3[%arg1, %dma_start3A, %dma_start3A_0] : memref<16x160x128xi32, #tpu.memory_space<hbm>> -> memref<1x160x128xi32, #tpu.memory_space<hbm>>
    %dma_start3A_2 = tpu.memref_squeeze %dma_start3A_1 : memref<1x160x128xi32, #tpu.memory_space<hbm>> -> memref<160x128xi32, #tpu.memory_space<hbm>>
    %dma_start3A_3 = arith.constant 0 : i32
    %dma_start3A_4 = arith.constant 0 : i32
    %dma_start3A_5 = tpu.memref_slice %arg3[%arg1, %dma_start3A_3, %dma_start3A_4] : memref<16x160x128xi32, #tpu.memory_space<hbm>> -> memref<1x160x128xi32, #tpu.memory_space<hbm>>
    %dma_start3A_6 = tpu.memref_squeeze %dma_start3A_5 : memref<1x160x128xi32, #tpu.memory_space<hbm>> -> memref<160x128xi32, #tpu.memory_space<hbm>>
    tpu.enqueue_dma source(%dma_start3A_6 : memref<160x128xi32, #tpu.memory_space<hbm>>) target(%arg7 : memref<160x128xi32, #tpu.memory_space<vmem>>) target_semaphore(%arg11 : memref<!tpu.dma_semaphore, #tpu.memory_space<semaphore_mem>>)
    %dma_start3A_7 = arith.constant 0 : i32
    %dma_start3A_8 = arith.constant 0 : i32
    %dma_start3A_9 = tpu.memref_slice %arg4[%arg1, %dma_start3A_7, %dma_start3A_8] : memref<16x160x128xi32, #tpu.memory_space<hbm>> -> memref<1x160x128xi32, #tpu.memory_space<hbm>>
    %dma_start3A_10 = tpu.memref_squeeze %dma_start3A_9 : memref<1x160x128xi32, #tpu.memory_space<hbm>> -> memref<160x128xi32, #tpu.memory_space<hbm>>
    %dma_start3A_11 = arith.constant 0 : i32
    %dma_start3A_12 = arith.constant 0 : i32
    %dma_start3A_13 = tpu.memref_slice %arg4[%arg1, %dma_start3A_11, %dma_start3A_12] : memref<16x160x128xi32, #tpu.memory_space<hbm>> -> memref<1x160x128xi32, #tpu.memory_space<hbm>>
    %dma_start3A_14 = tpu.memref_squeeze %dma_start3A_13 : memref<1x160x128xi32, #tpu.memory_space<hbm>> -> memref<160x128xi32, #tpu.memory_space<hbm>>
    tpu.enqueue_dma source(%dma_start3A_14 : memref<160x128xi32, #tpu.memory_space<hbm>>) target(%arg8 : memref<160x128xi32, #tpu.memory_space<vmem>>) target_semaphore(%arg12 : memref<!tpu.dma_semaphore, #tpu.memory_space<semaphore_mem>>)
    %mul3A = arith.constant 632 : i32
    %mul3A_15 = arith.muli %arg1, %mul3A : i32
    %mul3A_16 = arith.constant 632 : i32
    %mul3A_17 = arith.muli %arg1, %mul3A_16 : i32
    %dma_start3A_18 = arith.constant 0 : i32
    %dma_start3A_19 = tpu.memref_slice %arg10[%mul3A_17, %dma_start3A_18] : memref<10112x64xf32, #tpu.memory_space<vmem_shared>> -> memref<632x64xf32, #tpu.memory_space<vmem_shared>>
    %dma_start3A_20 = arith.constant 0 : i32
    %dma_start3A_21 = tpu.memref_slice %arg5[%mul3A_15, %dma_start3A_20] : memref<10112x64xf32, #tpu.memory_space<hbm>> -> memref<632x64xf32, #tpu.memory_space<hbm>>
    tpu.enqueue_dma source(%dma_start3A_21 : memref<632x64xf32, #tpu.memory_space<hbm>>) target(%dma_start3A_19 : memref<632x64xf32, #tpu.memory_space<vmem_shared>>) target_semaphore(%arg16 : memref<!tpu.dma_semaphore, #tpu.memory_space<semaphore_mem>>)
    %dma_wait3A = arith.constant 0 : i32
    %dma_wait3A_22 = arith.constant 0 : i32
    %dma_wait3A_23 = tpu.memref_slice %arg3[%arg1, %dma_wait3A, %dma_wait3A_22] : memref<16x160x128xi32, #tpu.memory_space<hbm>> -> memref<1x160x128xi32, #tpu.memory_space<hbm>>
    %dma_wait3A_24 = tpu.memref_squeeze %dma_wait3A_23 : memref<1x160x128xi32, #tpu.memory_space<hbm>> -> memref<160x128xi32, #tpu.memory_space<hbm>>
    %dma_wait3A_25 = arith.constant 0 : i32
    %dma_wait3A_26 = arith.constant 0 : i32
    %dma_wait3A_27 = tpu.memref_slice %arg3[%arg1, %dma_wait3A_25, %dma_wait3A_26] : memref<16x160x128xi32, #tpu.memory_space<hbm>> -> memref<1x160x128xi32, #tpu.memory_space<hbm>>
    %dma_wait3A_28 = tpu.memref_squeeze %dma_wait3A_27 : memref<1x160x128xi32, #tpu.memory_space<hbm>> -> memref<160x128xi32, #tpu.memory_space<hbm>>
    tpu.wait_dma2 semaphore(%arg11 : memref<!tpu.dma_semaphore, #tpu.memory_space<semaphore_mem>>) src(%dma_wait3A_28 : memref<160x128xi32, #tpu.memory_space<hbm>>) dst(%arg7 : memref<160x128xi32, #tpu.memory_space<vmem>>)
    %dma_wait3A_29 = arith.constant 0 : i32
    %dma_wait3A_30 = arith.constant 0 : i32
    %dma_wait3A_31 = tpu.memref_slice %arg4[%arg1, %dma_wait3A_29, %dma_wait3A_30] : memref<16x160x128xi32, #tpu.memory_space<hbm>> -> memref<1x160x128xi32, #tpu.memory_space<hbm>>
    %dma_wait3A_32 = tpu.memref_squeeze %dma_wait3A_31 : memref<1x160x128xi32, #tpu.memory_space<hbm>> -> memref<160x128xi32, #tpu.memory_space<hbm>>
    %dma_wait3A_33 = arith.constant 0 : i32
    %dma_wait3A_34 = arith.constant 0 : i32
    %dma_wait3A_35 = tpu.memref_slice %arg4[%arg1, %dma_wait3A_33, %dma_wait3A_34] : memref<16x160x128xi32, #tpu.memory_space<hbm>> -> memref<1x160x128xi32, #tpu.memory_space<hbm>>
    %dma_wait3A_36 = tpu.memref_squeeze %dma_wait3A_35 : memref<1x160x128xi32, #tpu.memory_space<hbm>> -> memref<160x128xi32, #tpu.memory_space<hbm>>
    tpu.wait_dma2 semaphore(%arg12 : memref<!tpu.dma_semaphore, #tpu.memory_space<semaphore_mem>>) src(%dma_wait3A_36 : memref<160x128xi32, #tpu.memory_space<hbm>>) dst(%arg8 : memref<160x128xi32, #tpu.memory_space<vmem>>)
    %mul3A_37 = arith.constant 632 : i32
    %mul3A_38 = arith.muli %arg1, %mul3A_37 : i32
    %mul3A_39 = arith.constant 632 : i32
    %mul3A_40 = arith.muli %arg1, %mul3A_39 : i32
    %dma_wait3A_41 = arith.constant 0 : i32
    %dma_wait3A_42 = tpu.memref_slice %arg10[%mul3A_40, %dma_wait3A_41] : memref<10112x64xf32, #tpu.memory_space<vmem_shared>> -> memref<632x64xf32, #tpu.memory_space<vmem_shared>>
    %dma_wait3A_43 = arith.constant 0 : i32
    %dma_wait3A_44 = tpu.memref_slice %arg5[%mul3A_38, %dma_wait3A_43] : memref<10112x64xf32, #tpu.memory_space<hbm>> -> memref<632x64xf32, #tpu.memory_space<hbm>>
    tpu.wait_dma2 semaphore(%arg16 : memref<!tpu.dma_semaphore, #tpu.memory_space<semaphore_mem>>) src(%dma_wait3A_44 : memref<632x64xf32, #tpu.memory_space<hbm>>) dst(%dma_wait3A_42 : memref<632x64xf32, #tpu.memory_space<vmem_shared>>)
    %barrier3A = arith.constant 0 : index
    tpu.barrier barrier_id(%barrier3A)
    %dma_start3A_45 = arith.constant 0 : i32
    %dma_start3A_46 = arith.constant 0 : i32
    %dma_start3A_47 = arith.constant 0 : i32
    %dma_start3A_48 = arith.constant 0 : i32
    %dma_start3A_49 = tpu.memref_slice %arg9[%dma_start3A_46, %dma_start3A_47, %dma_start3A_48] : memref<5x128x64xf32, #tpu.memory_space<vmem>> -> memref<1x128x64xf32, #tpu.memory_space<vmem>>
    %dma_start3A_50 = tpu.memref_squeeze %dma_start3A_49 : memref<1x128x64xf32, #tpu.memory_space<vmem>> -> memref<128x64xf32, #tpu.memory_space<vmem>>
    %dma_start3A_51 = arith.constant 0 : i32
    %dma_start3A_52 = tpu.memref_slice %arg7[%dma_start3A_45, %dma_start3A_51] : memref<160x128xi32, #tpu.memory_space<vmem>> -> memref<1x128xi32, #tpu.memory_space<vmem>>
    %dma_start3A_53 = tpu.memref_squeeze %dma_start3A_52 : memref<1x128xi32, #tpu.memory_space<vmem>> -> memref<128xi32, #tpu.memory_space<vmem>>
    %dma_start3A_54 = arith.constant 0 : i32
    %dma_start3A_55 = arith.constant 0 : i32
    %dma_start3A_56 = tpu.memref_slice %arg2[%arg0, %dma_start3A_54, %dma_start3A_55] : memref<2x10000x64xf32, #tpu.memory_space<hbm>> -> memref<1x10000x64xf32, #tpu.memory_space<hbm>>
    %dma_start3A_57 = tpu.memref_squeeze %dma_start3A_56 : memref<1x10000x64xf32, #tpu.memory_space<hbm>> -> memref<10000x64xf32, #tpu.memory_space<hbm>>
    %dma_start3A_58 = arith.constant 0 : i32
    %dma_start3A_59 = arith.constant 0 : i32
    %dma_start3A_60 = tpu.memref_slice %dma_start3A_57[%dma_start3A_58, %dma_start3A_59] : memref<10000x64xf32, #tpu.memory_space<hbm>> -> memref<10000x64xf32, #tpu.memory_space<hbm>>
    tpu.enqueue_indirect_dma source(%dma_start3A_60 : memref<10000x64xf32, #tpu.memory_space<hbm>>) target(%dma_start3A_50 : memref<128x64xf32, #tpu.memory_space<vmem>>) offsets(%dma_start3A_53 : memref<128xi32, #tpu.memory_space<vmem>>) semaphore(%arg11 : memref<!tpu.dma_semaphore, #tpu.memory_space<semaphore_mem>>)
    %dma_start3A_61 = arith.constant 1 : i32
    %dma_start3A_62 = arith.constant 1 : i32
    %dma_start3A_63 = arith.constant 0 : i32
    %dma_start3A_64 = arith.constant 0 : i32
    %dma_start3A_65 = tpu.memref_slice %arg9[%dma_start3A_62, %dma_start3A_63, %dma_start3A_64] : memref<5x128x64xf32, #tpu.memory_space<vmem>> -> memref<1x128x64xf32, #tpu.memory_space<vmem>>
    %dma_start3A_66 = tpu.memref_squeeze %dma_start3A_65 : memref<1x128x64xf32, #tpu.memory_space<vmem>> -> memref<128x64xf32, #tpu.memory_space<vmem>>
    %dma_start3A_67 = arith.constant 0 : i32
    %dma_start3A_68 = tpu.memref_slice %arg7[%dma_start3A_61, %dma_start3A_67] : memref<160x128xi32, #tpu.memory_space<vmem>> -> memref<1x128xi32, #tpu.memory_space<vmem>>
    %dma_start3A_69 = tpu.memref_squeeze %dma_start3A_68 : memref<1x128xi32, #tpu.memory_space<vmem>> -> memref<128xi32, #tpu.memory_space<vmem>>
    %dma_start3A_70 = arith.constant 0 : i32
    %dma_start3A_71 = arith.constant 0 : i32
    %dma_start3A_72 = tpu.memref_slice %arg2[%arg0, %dma_start3A_70, %dma_start3A_71] : memref<2x10000x64xf32, #tpu.memory_space<hbm>> -> memref<1x10000x64xf32, #tpu.memory_space<hbm>>
    %dma_start3A_73 = tpu.memref_squeeze %dma_start3A_72 : memref<1x10000x64xf32, #tpu.memory_space<hbm>> -> memref<10000x64xf32, #tpu.memory_space<hbm>>
    %dma_start3A_74 = arith.constant 0 : i32
    %dma_start3A_75 = arith.constant 0 : i32
    %dma_start3A_76 = tpu.memref_slice %dma_start3A_73[%dma_start3A_74, %dma_start3A_75] : memref<10000x64xf32, #tpu.memory_space<hbm>> -> memref<10000x64xf32, #tpu.memory_space<hbm>>
    tpu.enqueue_indirect_dma source(%dma_start3A_76 : memref<10000x64xf32, #tpu.memory_space<hbm>>) target(%dma_start3A_66 : memref<128x64xf32, #tpu.memory_space<vmem>>) offsets(%dma_start3A_69 : memref<128xi32, #tpu.memory_space<vmem>>) semaphore(%arg12 : memref<!tpu.dma_semaphore, #tpu.memory_space<semaphore_mem>>)
    %dma_start3A_77 = arith.constant 2 : i32
    %dma_start3A_78 = arith.constant 2 : i32
    %dma_start3A_79 = arith.constant 0 : i32
    %dma_start3A_80 = arith.constant 0 : i32
    %dma_start3A_81 = tpu.memref_slice %arg9[%dma_start3A_78, %dma_start3A_79, %dma_start3A_80] : memref<5x128x64xf32, #tpu.memory_space<vmem>> -> memref<1x128x64xf32, #tpu.memory_space<vmem>>
    %dma_start3A_82 = tpu.memref_squeeze %dma_start3A_81 : memref<1x128x64xf32, #tpu.memory_space<vmem>> -> memref<128x64xf32, #tpu.memory_space<vmem>>
    %dma_start3A_83 = arith.constant 0 : i32
    %dma_start3A_84 = tpu.memref_slice %arg7[%dma_start3A_77, %dma_start3A_83] : memref<160x128xi32, #tpu.memory_space<vmem>> -> memref<1x128xi32, #tpu.memory_space<vmem>>
    %dma_start3A_85 = tpu.memref_squeeze %dma_start3A_84 : memref<1x128xi32, #tpu.memory_space<vmem>> -> memref<128xi32, #tpu.memory_space<vmem>>
    %dma_start3A_86 = arith.constant 0 : i32
    %dma_start3A_87 = arith.constant 0 : i32
    %dma_start3A_88 = tpu.memref_slice %arg2[%arg0, %dma_start3A_86, %dma_start3A_87] : memref<2x10000x64xf32, #tpu.memory_space<hbm>> -> memref<1x10000x64xf32, #tpu.memory_space<hbm>>
    %dma_start3A_89 = tpu.memref_squeeze %dma_start3A_88 : memref<1x10000x64xf32, #tpu.memory_space<hbm>> -> memref<10000x64xf32, #tpu.memory_space<hbm>>
    %dma_start3A_90 = arith.constant 0 : i32
    %dma_start3A_91 = arith.constant 0 : i32
    %dma_start3A_92 = tpu.memref_slice %dma_start3A_89[%dma_start3A_90, %dma_start3A_91] : memref<10000x64xf32, #tpu.memory_space<hbm>> -> memref<10000x64xf32, #tpu.memory_space<hbm>>
    tpu.enqueue_indirect_dma source(%dma_start3A_92 : memref<10000x64xf32, #tpu.memory_space<hbm>>) target(%dma_start3A_82 : memref<128x64xf32, #tpu.memory_space<vmem>>) offsets(%dma_start3A_85 : memref<128xi32, #tpu.memory_space<vmem>>) semaphore(%arg13 : memref<!tpu.dma_semaphore, #tpu.memory_space<semaphore_mem>>)
    %dma_start3A_93 = arith.constant 3 : i32
    %dma_start3A_94 = arith.constant 3 : i32
    %dma_start3A_95 = arith.constant 0 : i32
    %dma_start3A_96 = arith.constant 0 : i32
    %dma_start3A_97 = tpu.memref_slice %arg9[%dma_start3A_94, %dma_start3A_95, %dma_start3A_96] : memref<5x128x64xf32, #tpu.memory_space<vmem>> -> memref<1x128x64xf32, #tpu.memory_space<vmem>>
    %dma_start3A_98 = tpu.memref_squeeze %dma_start3A_97 : memref<1x128x64xf32, #tpu.memory_space<vmem>> -> memref<128x64xf32, #tpu.memory_space<vmem>>
    %dma_start3A_99 = arith.constant 0 : i32
    %dma_start3A_100 = tpu.memref_slice %arg7[%dma_start3A_93, %dma_start3A_99] : memref<160x128xi32, #tpu.memory_space<vmem>> -> memref<1x128xi32, #tpu.memory_space<vmem>>
    %dma_start3A_101 = tpu.memref_squeeze %dma_start3A_100 : memref<1x128xi32, #tpu.memory_space<vmem>> -> memref<128xi32, #tpu.memory_space<vmem>>
    %dma_start3A_102 = arith.constant 0 : i32
    %dma_start3A_103 = arith.constant 0 : i32
    %dma_start3A_104 = tpu.memref_slice %arg2[%arg0, %dma_start3A_102, %dma_start3A_103] : memref<2x10000x64xf32, #tpu.memory_space<hbm>> -> memref<1x10000x64xf32, #tpu.memory_space<hbm>>
    %dma_start3A_105 = tpu.memref_squeeze %dma_start3A_104 : memref<1x10000x64xf32, #tpu.memory_space<hbm>> -> memref<10000x64xf32, #tpu.memory_space<hbm>>
    %dma_start3A_106 = arith.constant 0 : i32
    %dma_start3A_107 = arith.constant 0 : i32
    %dma_start3A_108 = tpu.memref_slice %dma_start3A_105[%dma_start3A_106, %dma_start3A_107] : memref<10000x64xf32, #tpu.memory_space<hbm>> -> memref<10000x64xf32, #tpu.memory_space<hbm>>
    tpu.enqueue_indirect_dma source(%dma_start3A_108 : memref<10000x64xf32, #tpu.memory_space<hbm>>) target(%dma_start3A_98 : memref<128x64xf32, #tpu.memory_space<vmem>>) offsets(%dma_start3A_101 : memref<128xi32, #tpu.memory_space<vmem>>) semaphore(%arg14 : memref<!tpu.dma_semaphore, #tpu.memory_space<semaphore_mem>>)
    %dma_start3A_109 = arith.constant 4 : i32
    %dma_start3A_110 = arith.constant 4 : i32
    %dma_start3A_111 = arith.constant 0 : i32
    %dma_start3A_112 = arith.constant 0 : i32
    %dma_start3A_113 = tpu.memref_slice %arg9[%dma_start3A_110, %dma_start3A_111, %dma_start3A_112] : memref<5x128x64xf32, #tpu.memory_space<vmem>> -> memref<1x128x64xf32, #tpu.memory_space<vmem>>
    %dma_start3A_114 = tpu.memref_squeeze %dma_start3A_113 : memref<1x128x64xf32, #tpu.memory_space<vmem>> -> memref<128x64xf32, #tpu.memory_space<vmem>>
    %dma_start3A_115 = arith.constant 0 : i32
    %dma_start3A_116 = tpu.memref_slice %arg7[%dma_start3A_109, %dma_start3A_115] : memref<160x128xi32, #tpu.memory_space<vmem>> -> memref<1x128xi32, #tpu.memory_space<vmem>>
    %dma_start3A_117 = tpu.memref_squeeze %dma_start3A_116 : memref<1x128xi32, #tpu.memory_space<vmem>> -> memref<128xi32, #tpu.memory_space<vmem>>
    %dma_start3A_118 = arith.constant 0 : i32
    %dma_start3A_119 = arith.constant 0 : i32
    %dma_start3A_120 = tpu.memref_slice %arg2[%arg0, %dma_start3A_118, %dma_start3A_119] : memref<2x10000x64xf32, #tpu.memory_space<hbm>> -> memref<1x10000x64xf32, #tpu.memory_space<hbm>>
    %dma_start3A_121 = tpu.memref_squeeze %dma_start3A_120 : memref<1x10000x64xf32, #tpu.memory_space<hbm>> -> memref<10000x64xf32, #tpu.memory_space<hbm>>
    %dma_start3A_122 = arith.constant 0 : i32
    %dma_start3A_123 = arith.constant 0 : i32
    %dma_start3A_124 = tpu.memref_slice %dma_start3A_121[%dma_start3A_122, %dma_start3A_123] : memref<10000x64xf32, #tpu.memory_space<hbm>> -> memref<10000x64xf32, #tpu.memory_space<hbm>>
    tpu.enqueue_indirect_dma source(%dma_start3A_124 : memref<10000x64xf32, #tpu.memory_space<hbm>>) target(%dma_start3A_114 : memref<128x64xf32, #tpu.memory_space<vmem>>) offsets(%dma_start3A_117 : memref<128xi32, #tpu.memory_space<vmem>>) semaphore(%arg15 : memref<!tpu.dma_semaphore, #tpu.memory_space<semaphore_mem>>)
    %scan3A = arith.constant 0 : i32
    %scan3A_125 = arith.constant 0 : i32
    %scan3A_126 = arith.constant 31 : i32
    %scan3A_127 = arith.addi %scan3A_125, %scan3A_126 : i32
    %scan3A_128 = arith.constant 1 : i32
    %scan3A_129 = scf.for %scan3A_336 = %scan3A_125 to %scan3A_127 step %scan3A_128 iter_args(%scan3A_337 = %scan3A) -> (i32)  : i32 {
      %mul3A_338 = arith.constant 5 : i32
      %mul3A_339 = arith.muli %mul3A_338, %scan3A_336 : i32
      %add3A = arith.constant 0 : i32
      %add3A_340 = arith.addi %mul3A_339, %add3A : i32
      %dma_wait3A_341 = arith.constant 0 : i32
      %dma_wait3A_342 = arith.constant 0 : i32
      %dma_wait3A_343 = arith.constant 0 : i32
      %dma_wait3A_344 = tpu.memref_slice %arg9[%dma_wait3A_341, %dma_wait3A_342, %dma_wait3A_343] : memref<5x128x64xf32, #tpu.memory_space<vmem>> -> memref<1x128x64xf32, #tpu.memory_space<vmem>>
      %dma_wait3A_345 = tpu.memref_squeeze %dma_wait3A_344 : memref<1x128x64xf32, #tpu.memory_space<vmem>> -> memref<128x64xf32, #tpu.memory_space<vmem>>
      %dma_wait3A_346 = arith.constant 0 : i32
      %dma_wait3A_347 = tpu.memref_slice %arg7[%add3A_340, %dma_wait3A_346] : memref<160x128xi32, #tpu.memory_space<vmem>> -> memref<1x128xi32, #tpu.memory_space<vmem>>
      %dma_wait3A_348 = tpu.memref_squeeze %dma_wait3A_347 : memref<1x128xi32, #tpu.memory_space<vmem>> -> memref<128xi32, #tpu.memory_space<vmem>>
      %dma_wait3A_349 = arith.constant 0 : i32
      %dma_wait3A_350 = arith.constant 0 : i32
      %dma_wait3A_351 = tpu.memref_slice %arg2[%arg0, %dma_wait3A_349, %dma_wait3A_350] : memref<2x10000x64xf32, #tpu.memory_space<hbm>> -> memref<1x10000x64xf32, #tpu.memory_space<hbm>>
      %dma_wait3A_352 = tpu.memref_squeeze %dma_wait3A_351 : memref<1x10000x64xf32, #tpu.memory_space<hbm>> -> memref<10000x64xf32, #tpu.memory_space<hbm>>
      %dma_wait3A_353 = arith.constant 0 : i32
      %dma_wait3A_354 = arith.constant 0 : i32
      %dma_wait3A_355 = tpu.memref_slice %dma_wait3A_352[%dma_wait3A_353, %dma_wait3A_354] : memref<10000x64xf32, #tpu.memory_space<hbm>> -> memref<10000x64xf32, #tpu.memory_space<hbm>>
      tpu.wait_indirect_dma semaphore(%arg11 : memref<!tpu.dma_semaphore, #tpu.memory_space<semaphore_mem>>) src(%dma_wait3A_355 : memref<10000x64xf32, #tpu.memory_space<hbm>>) dst(%dma_wait3A_345 : memref<128x64xf32, #tpu.memory_space<vmem>>)
      %dma_start3A_356 = arith.constant 0 : i32
      %dma_start3A_357 = arith.constant 0 : i32
      %dma_start3A_358 = arith.constant 0 : i32
      %dma_start3A_359 = tpu.memref_slice %arg9[%dma_start3A_356, %dma_start3A_357, %dma_start3A_358] : memref<5x128x64xf32, #tpu.memory_space<vmem>> -> memref<1x128x64xf32, #tpu.memory_space<vmem>>
      %dma_start3A_360 = tpu.memref_squeeze %dma_start3A_359 : memref<1x128x64xf32, #tpu.memory_space<vmem>> -> memref<128x64xf32, #tpu.memory_space<vmem>>
      %dma_start3A_361 = arith.constant 0 : i32
      %dma_start3A_362 = tpu.memref_slice %arg8[%add3A_340, %dma_start3A_361] : memref<160x128xi32, #tpu.memory_space<vmem>> -> memref<1x128xi32, #tpu.memory_space<vmem>>
      %dma_start3A_363 = tpu.memref_squeeze %dma_start3A_362 : memref<1x128xi32, #tpu.memory_space<vmem>> -> memref<128xi32, #tpu.memory_space<vmem>>
      %dma_start3A_364 = arith.constant 0 : i32
      %dma_start3A_365 = arith.constant 0 : i32
      %dma_start3A_366 = tpu.memref_slice %arg10[%dma_start3A_364, %dma_start3A_365] : memref<10112x64xf32, #tpu.memory_space<vmem_shared>> -> memref<10112x64xf32, #tpu.memory_space<vmem_shared>>
      tpu.enqueue_indirect_dma source(%dma_start3A_360 : memref<128x64xf32, #tpu.memory_space<vmem>>) target(%dma_start3A_366 : memref<10112x64xf32, #tpu.memory_space<vmem_shared>>) offsets(%dma_start3A_363 : memref<128xi32, #tpu.memory_space<vmem>>) semaphore(%arg16 : memref<!tpu.dma_semaphore, #tpu.memory_space<semaphore_mem>>) {add = true}
      %mul3A_367 = arith.constant 5 : i32
      %mul3A_368 = arith.muli %mul3A_367, %scan3A_336 : i32
      %add3A_369 = arith.constant 1 : i32
      %add3A_370 = arith.addi %mul3A_368, %add3A_369 : i32
      %dma_wait3A_371 = arith.constant 1 : i32
      %dma_wait3A_372 = arith.constant 0 : i32
      %dma_wait3A_373 = arith.constant 0 : i32
      %dma_wait3A_374 = tpu.memref_slice %arg9[%dma_wait3A_371, %dma_wait3A_372, %dma_wait3A_373] : memref<5x128x64xf32, #tpu.memory_space<vmem>> -> memref<1x128x64xf32, #tpu.memory_space<vmem>>
      %dma_wait3A_375 = tpu.memref_squeeze %dma_wait3A_374 : memref<1x128x64xf32, #tpu.memory_space<vmem>> -> memref<128x64xf32, #tpu.memory_space<vmem>>
      %dma_wait3A_376 = arith.constant 0 : i32
      %dma_wait3A_377 = tpu.memref_slice %arg7[%add3A_370, %dma_wait3A_376] : memref<160x128xi32, #tpu.memory_space<vmem>> -> memref<1x128xi32, #tpu.memory_space<vmem>>
      %dma_wait3A_378 = tpu.memref_squeeze %dma_wait3A_377 : memref<1x128xi32, #tpu.memory_space<vmem>> -> memref<128xi32, #tpu.memory_space<vmem>>
      %dma_wait3A_379 = arith.constant 0 : i32
      %dma_wait3A_380 = arith.constant 0 : i32
      %dma_wait3A_381 = tpu.memref_slice %arg2[%arg0, %dma_wait3A_379, %dma_wait3A_380] : memref<2x10000x64xf32, #tpu.memory_space<hbm>> -> memref<1x10000x64xf32, #tpu.memory_space<hbm>>
      %dma_wait3A_382 = tpu.memref_squeeze %dma_wait3A_381 : memref<1x10000x64xf32, #tpu.memory_space<hbm>> -> memref<10000x64xf32, #tpu.memory_space<hbm>>
      %dma_wait3A_383 = arith.constant 0 : i32
      %dma_wait3A_384 = arith.constant 0 : i32
      %dma_wait3A_385 = tpu.memref_slice %dma_wait3A_382[%dma_wait3A_383, %dma_wait3A_384] : memref<10000x64xf32, #tpu.memory_space<hbm>> -> memref<10000x64xf32, #tpu.memory_space<hbm>>
      tpu.wait_indirect_dma semaphore(%arg12 : memref<!tpu.dma_semaphore, #tpu.memory_space<semaphore_mem>>) src(%dma_wait3A_385 : memref<10000x64xf32, #tpu.memory_space<hbm>>) dst(%dma_wait3A_375 : memref<128x64xf32, #tpu.memory_space<vmem>>)
      %dma_start3A_386 = arith.constant 1 : i32
      %dma_start3A_387 = arith.constant 0 : i32
      %dma_start3A_388 = arith.constant 0 : i32
      %dma_start3A_389 = tpu.memref_slice %arg9[%dma_start3A_386, %dma_start3A_387, %dma_start3A_388] : memref<5x128x64xf32, #tpu.memory_space<vmem>> -> memref<1x128x64xf32, #tpu.memory_space<vmem>>
      %dma_start3A_390 = tpu.memref_squeeze %dma_start3A_389 : memref<1x128x64xf32, #tpu.memory_space<vmem>> -> memref<128x64xf32, #tpu.memory_space<vmem>>
      %dma_start3A_391 = arith.constant 0 : i32
      %dma_start3A_392 = tpu.memref_slice %arg8[%add3A_370, %dma_start3A_391] : memref<160x128xi32, #tpu.memory_space<vmem>> -> memref<1x128xi32, #tpu.memory_space<vmem>>
      %dma_start3A_393 = tpu.memref_squeeze %dma_start3A_392 : memref<1x128xi32, #tpu.memory_space<vmem>> -> memref<128xi32, #tpu.memory_space<vmem>>
      %dma_start3A_394 = arith.constant 0 : i32
      %dma_start3A_395 = arith.constant 0 : i32
      %dma_start3A_396 = tpu.memref_slice %arg10[%dma_start3A_394, %dma_start3A_395] : memref<10112x64xf32, #tpu.memory_space<vmem_shared>> -> memref<10112x64xf32, #tpu.memory_space<vmem_shared>>
      tpu.enqueue_indirect_dma source(%dma_start3A_390 : memref<128x64xf32, #tpu.memory_space<vmem>>) target(%dma_start3A_396 : memref<10112x64xf32, #tpu.memory_space<vmem_shared>>) offsets(%dma_start3A_393 : memref<128xi32, #tpu.memory_space<vmem>>) semaphore(%arg17 : memref<!tpu.dma_semaphore, #tpu.memory_space<semaphore_mem>>) {add = true}
      %mul3A_397 = arith.constant 5 : i32
      %mul3A_398 = arith.muli %mul3A_397, %scan3A_336 : i32
      %add3A_399 = arith.constant 2 : i32
      %add3A_400 = arith.addi %mul3A_398, %add3A_399 : i32
      %dma_wait3A_401 = arith.constant 2 : i32
      %dma_wait3A_402 = arith.constant 0 : i32
      %dma_wait3A_403 = arith.constant 0 : i32
      %dma_wait3A_404 = tpu.memref_slice %arg9[%dma_wait3A_401, %dma_wait3A_402, %dma_wait3A_403] : memref<5x128x64xf32, #tpu.memory_space<vmem>> -> memref<1x128x64xf32, #tpu.memory_space<vmem>>
      %dma_wait3A_405 = tpu.memref_squeeze %dma_wait3A_404 : memref<1x128x64xf32, #tpu.memory_space<vmem>> -> memref<128x64xf32, #tpu.memory_space<vmem>>
      %dma_wait3A_406 = arith.constant 0 : i32
      %dma_wait3A_407 = tpu.memref_slice %arg7[%add3A_400, %dma_wait3A_406] : memref<160x128xi32, #tpu.memory_space<vmem>> -> memref<1x128xi32, #tpu.memory_space<vmem>>
      %dma_wait3A_408 = tpu.memref_squeeze %dma_wait3A_407 : memref<1x128xi32, #tpu.memory_space<vmem>> -> memref<128xi32, #tpu.memory_space<vmem>>
      %dma_wait3A_409 = arith.constant 0 : i32
      %dma_wait3A_410 = arith.constant 0 : i32
      %dma_wait3A_411 = tpu.memref_slice %arg2[%arg0, %dma_wait3A_409, %dma_wait3A_410] : memref<2x10000x64xf32, #tpu.memory_space<hbm>> -> memref<1x10000x64xf32, #tpu.memory_space<hbm>>
      %dma_wait3A_412 = tpu.memref_squeeze %dma_wait3A_411 : memref<1x10000x64xf32, #tpu.memory_space<hbm>> -> memref<10000x64xf32, #tpu.memory_space<hbm>>
      %dma_wait3A_413 = arith.constant 0 : i32
      %dma_wait3A_414 = arith.constant 0 : i32
      %dma_wait3A_415 = tpu.memref_slice %dma_wait3A_412[%dma_wait3A_413, %dma_wait3A_414] : memref<10000x64xf32, #tpu.memory_space<hbm>> -> memref<10000x64xf32, #tpu.memory_space<hbm>>
      tpu.wait_indirect_dma semaphore(%arg13 : memref<!tpu.dma_semaphore, #tpu.memory_space<semaphore_mem>>) src(%dma_wait3A_415 : memref<10000x64xf32, #tpu.memory_space<hbm>>) dst(%dma_wait3A_405 : memref<128x64xf32, #tpu.memory_space<vmem>>)
      %dma_start3A_416 = arith.constant 2 : i32
      %dma_start3A_417 = arith.constant 0 : i32
      %dma_start3A_418 = arith.constant 0 : i32
      %dma_start3A_419 = tpu.memref_slice %arg9[%dma_start3A_416, %dma_start3A_417, %dma_start3A_418] : memref<5x128x64xf32, #tpu.memory_space<vmem>> -> memref<1x128x64xf32, #tpu.memory_space<vmem>>
      %dma_start3A_420 = tpu.memref_squeeze %dma_start3A_419 : memref<1x128x64xf32, #tpu.memory_space<vmem>> -> memref<128x64xf32, #tpu.memory_space<vmem>>
      %dma_start3A_421 = arith.constant 0 : i32
      %dma_start3A_422 = tpu.memref_slice %arg8[%add3A_400, %dma_start3A_421] : memref<160x128xi32, #tpu.memory_space<vmem>> -> memref<1x128xi32, #tpu.memory_space<vmem>>
      %dma_start3A_423 = tpu.memref_squeeze %dma_start3A_422 : memref<1x128xi32, #tpu.memory_space<vmem>> -> memref<128xi32, #tpu.memory_space<vmem>>
      %dma_start3A_424 = arith.constant 0 : i32
      %dma_start3A_425 = arith.constant 0 : i32
      %dma_start3A_426 = tpu.memref_slice %arg10[%dma_start3A_424, %dma_start3A_425] : memref<10112x64xf32, #tpu.memory_space<vmem_shared>> -> memref<10112x64xf32, #tpu.memory_space<vmem_shared>>
      tpu.enqueue_indirect_dma source(%dma_start3A_420 : memref<128x64xf32, #tpu.memory_space<vmem>>) target(%dma_start3A_426 : memref<10112x64xf32, #tpu.memory_space<vmem_shared>>) offsets(%dma_start3A_423 : memref<128xi32, #tpu.memory_space<vmem>>) semaphore(%arg18 : memref<!tpu.dma_semaphore, #tpu.memory_space<semaphore_mem>>) {add = true}
      %mul3A_427 = arith.constant 5 : i32
      %mul3A_428 = arith.muli %mul3A_427, %scan3A_336 : i32
      %add3A_429 = arith.constant 3 : i32
      %add3A_430 = arith.addi %mul3A_428, %add3A_429 : i32
      %dma_wait3A_431 = arith.constant 3 : i32
      %dma_wait3A_432 = arith.constant 0 : i32
      %dma_wait3A_433 = arith.constant 0 : i32
      %dma_wait3A_434 = tpu.memref_slice %arg9[%dma_wait3A_431, %dma_wait3A_432, %dma_wait3A_433] : memref<5x128x64xf32, #tpu.memory_space<vmem>> -> memref<1x128x64xf32, #tpu.memory_space<vmem>>
      %dma_wait3A_435 = tpu.memref_squeeze %dma_wait3A_434 : memref<1x128x64xf32, #tpu.memory_space<vmem>> -> memref<128x64xf32, #tpu.memory_space<vmem>>
      %dma_wait3A_436 = arith.constant 0 : i32
      %dma_wait3A_437 = tpu.memref_slice %arg7[%add3A_430, %dma_wait3A_436] : memref<160x128xi32, #tpu.memory_space<vmem>> -> memref<1x128xi32, #tpu.memory_space<vmem>>
      %dma_wait3A_438 = tpu.memref_squeeze %dma_wait3A_437 : memref<1x128xi32, #tpu.memory_space<vmem>> -> memref<128xi32, #tpu.memory_space<vmem>>
      %dma_wait3A_439 = arith.constant 0 : i32
      %dma_wait3A_440 = arith.constant 0 : i32
      %dma_wait3A_441 = tpu.memref_slice %arg2[%arg0, %dma_wait3A_439, %dma_wait3A_440] : memref<2x10000x64xf32, #tpu.memory_space<hbm>> -> memref<1x10000x64xf32, #tpu.memory_space<hbm>>
      %dma_wait3A_442 = tpu.memref_squeeze %dma_wait3A_441 : memref<1x10000x64xf32, #tpu.memory_space<hbm>> -> memref<10000x64xf32, #tpu.memory_space<hbm>>
      %dma_wait3A_443 = arith.constant 0 : i32
      %dma_wait3A_444 = arith.constant 0 : i32
      %dma_wait3A_445 = tpu.memref_slice %dma_wait3A_442[%dma_wait3A_443, %dma_wait3A_444] : memref<10000x64xf32, #tpu.memory_space<hbm>> -> memref<10000x64xf32, #tpu.memory_space<hbm>>
      tpu.wait_indirect_dma semaphore(%arg14 : memref<!tpu.dma_semaphore, #tpu.memory_space<semaphore_mem>>) src(%dma_wait3A_445 : memref<10000x64xf32, #tpu.memory_space<hbm>>) dst(%dma_wait3A_435 : memref<128x64xf32, #tpu.memory_space<vmem>>)
      %dma_start3A_446 = arith.constant 3 : i32
      %dma_start3A_447 = arith.constant 0 : i32
      %dma_start3A_448 = arith.constant 0 : i32
      %dma_start3A_449 = tpu.memref_slice %arg9[%dma_start3A_446, %dma_start3A_447, %dma_start3A_448] : memref<5x128x64xf32, #tpu.memory_space<vmem>> -> memref<1x128x64xf32, #tpu.memory_space<vmem>>
      %dma_start3A_450 = tpu.memref_squeeze %dma_start3A_449 : memref<1x128x64xf32, #tpu.memory_space<vmem>> -> memref<128x64xf32, #tpu.memory_space<vmem>>
      %dma_start3A_451 = arith.constant 0 : i32
      %dma_start3A_452 = tpu.memref_slice %arg8[%add3A_430, %dma_start3A_451] : memref<160x128xi32, #tpu.memory_space<vmem>> -> memref<1x128xi32, #tpu.memory_space<vmem>>
      %dma_start3A_453 = tpu.memref_squeeze %dma_start3A_452 : memref<1x128xi32, #tpu.memory_space<vmem>> -> memref<128xi32, #tpu.memory_space<vmem>>
      %dma_start3A_454 = arith.constant 0 : i32
      %dma_start3A_455 = arith.constant 0 : i32
      %dma_start3A_456 = tpu.memref_slice %arg10[%dma_start3A_454, %dma_start3A_455] : memref<10112x64xf32, #tpu.memory_space<vmem_shared>> -> memref<10112x64xf32, #tpu.memory_space<vmem_shared>>
      tpu.enqueue_indirect_dma source(%dma_start3A_450 : memref<128x64xf32, #tpu.memory_space<vmem>>) target(%dma_start3A_456 : memref<10112x64xf32, #tpu.memory_space<vmem_shared>>) offsets(%dma_start3A_453 : memref<128xi32, #tpu.memory_space<vmem>>) semaphore(%arg19 : memref<!tpu.dma_semaphore, #tpu.memory_space<semaphore_mem>>) {add = true}
      %mul3A_457 = arith.constant 5 : i32
      %mul3A_458 = arith.muli %mul3A_457, %scan3A_336 : i32
      %add3A_459 = arith.constant 4 : i32
      %add3A_460 = arith.addi %mul3A_458, %add3A_459 : i32
      %dma_wait3A_461 = arith.constant 4 : i32
      %dma_wait3A_462 = arith.constant 0 : i32
      %dma_wait3A_463 = arith.constant 0 : i32
      %dma_wait3A_464 = tpu.memref_slice %arg9[%dma_wait3A_461, %dma_wait3A_462, %dma_wait3A_463] : memref<5x128x64xf32, #tpu.memory_space<vmem>> -> memref<1x128x64xf32, #tpu.memory_space<vmem>>
      %dma_wait3A_465 = tpu.memref_squeeze %dma_wait3A_464 : memref<1x128x64xf32, #tpu.memory_space<vmem>> -> memref<128x64xf32, #tpu.memory_space<vmem>>
      %dma_wait3A_466 = arith.constant 0 : i32
      %dma_wait3A_467 = tpu.memref_slice %arg7[%add3A_460, %dma_wait3A_466] : memref<160x128xi32, #tpu.memory_space<vmem>> -> memref<1x128xi32, #tpu.memory_space<vmem>>
      %dma_wait3A_468 = tpu.memref_squeeze %dma_wait3A_467 : memref<1x128xi32, #tpu.memory_space<vmem>> -> memref<128xi32, #tpu.memory_space<vmem>>
      %dma_wait3A_469 = arith.constant 0 : i32
      %dma_wait3A_470 = arith.constant 0 : i32
      %dma_wait3A_471 = tpu.memref_slice %arg2[%arg0, %dma_wait3A_469, %dma_wait3A_470] : memref<2x10000x64xf32, #tpu.memory_space<hbm>> -> memref<1x10000x64xf32, #tpu.memory_space<hbm>>
      %dma_wait3A_472 = tpu.memref_squeeze %dma_wait3A_471 : memref<1x10000x64xf32, #tpu.memory_space<hbm>> -> memref<10000x64xf32, #tpu.memory_space<hbm>>
      %dma_wait3A_473 = arith.constant 0 : i32
      %dma_wait3A_474 = arith.constant 0 : i32
      %dma_wait3A_475 = tpu.memref_slice %dma_wait3A_472[%dma_wait3A_473, %dma_wait3A_474] : memref<10000x64xf32, #tpu.memory_space<hbm>> -> memref<10000x64xf32, #tpu.memory_space<hbm>>
      tpu.wait_indirect_dma semaphore(%arg15 : memref<!tpu.dma_semaphore, #tpu.memory_space<semaphore_mem>>) src(%dma_wait3A_475 : memref<10000x64xf32, #tpu.memory_space<hbm>>) dst(%dma_wait3A_465 : memref<128x64xf32, #tpu.memory_space<vmem>>)
      %dma_start3A_476 = arith.constant 4 : i32
      %dma_start3A_477 = arith.constant 0 : i32
      %dma_start3A_478 = arith.constant 0 : i32
      %dma_start3A_479 = tpu.memref_slice %arg9[%dma_start3A_476, %dma_start3A_477, %dma_start3A_478] : memref<5x128x64xf32, #tpu.memory_space<vmem>> -> memref<1x128x64xf32, #tpu.memory_space<vmem>>
      %dma_start3A_480 = tpu.memref_squeeze %dma_start3A_479 : memref<1x128x64xf32, #tpu.memory_space<vmem>> -> memref<128x64xf32, #tpu.memory_space<vmem>>
      %dma_start3A_481 = arith.constant 0 : i32
      %dma_start3A_482 = tpu.memref_slice %arg8[%add3A_460, %dma_start3A_481] : memref<160x128xi32, #tpu.memory_space<vmem>> -> memref<1x128xi32, #tpu.memory_space<vmem>>
      %dma_start3A_483 = tpu.memref_squeeze %dma_start3A_482 : memref<1x128xi32, #tpu.memory_space<vmem>> -> memref<128xi32, #tpu.memory_space<vmem>>
      %dma_start3A_484 = arith.constant 0 : i32
      %dma_start3A_485 = arith.constant 0 : i32
      %dma_start3A_486 = tpu.memref_slice %arg10[%dma_start3A_484, %dma_start3A_485] : memref<10112x64xf32, #tpu.memory_space<vmem_shared>> -> memref<10112x64xf32, #tpu.memory_space<vmem_shared>>
      tpu.enqueue_indirect_dma source(%dma_start3A_480 : memref<128x64xf32, #tpu.memory_space<vmem>>) target(%dma_start3A_486 : memref<10112x64xf32, #tpu.memory_space<vmem_shared>>) offsets(%dma_start3A_483 : memref<128xi32, #tpu.memory_space<vmem>>) semaphore(%arg20 : memref<!tpu.dma_semaphore, #tpu.memory_space<semaphore_mem>>) {add = true}
      %mul3A_487 = arith.constant 5 : i32
      %mul3A_488 = arith.muli %mul3A_487, %scan3A_336 : i32
      %add3A_489 = arith.constant 0 : i32
      %add3A_490 = arith.addi %mul3A_488, %add3A_489 : i32
      %dma_wait3A_491 = arith.constant 0 : i32
      %dma_wait3A_492 = arith.constant 0 : i32
      %dma_wait3A_493 = arith.constant 0 : i32
      %dma_wait3A_494 = tpu.memref_slice %arg9[%dma_wait3A_491, %dma_wait3A_492, %dma_wait3A_493] : memref<5x128x64xf32, #tpu.memory_space<vmem>> -> memref<1x128x64xf32, #tpu.memory_space<vmem>>
      %dma_wait3A_495 = tpu.memref_squeeze %dma_wait3A_494 : memref<1x128x64xf32, #tpu.memory_space<vmem>> -> memref<128x64xf32, #tpu.memory_space<vmem>>
      %dma_wait3A_496 = arith.constant 0 : i32
      %dma_wait3A_497 = tpu.memref_slice %arg8[%add3A_490, %dma_wait3A_496] : memref<160x128xi32, #tpu.memory_space<vmem>> -> memref<1x128xi32, #tpu.memory_space<vmem>>
      %dma_wait3A_498 = tpu.memref_squeeze %dma_wait3A_497 : memref<1x128xi32, #tpu.memory_space<vmem>> -> memref<128xi32, #tpu.memory_space<vmem>>
      %dma_wait3A_499 = arith.constant 0 : i32
      %dma_wait3A_500 = arith.constant 0 : i32
      %dma_wait3A_501 = tpu.memref_slice %arg10[%dma_wait3A_499, %dma_wait3A_500] : memref<10112x64xf32, #tpu.memory_space<vmem_shared>> -> memref<10112x64xf32, #tpu.memory_space<vmem_shared>>
      tpu.wait_indirect_dma semaphore(%arg16 : memref<!tpu.dma_semaphore, #tpu.memory_space<semaphore_mem>>) src(%dma_wait3A_495 : memref<128x64xf32, #tpu.memory_space<vmem>>) dst(%dma_wait3A_501 : memref<10112x64xf32, #tpu.memory_space<vmem_shared>>)
      %add3A_502 = arith.constant 5 : i32
      %add3A_503 = arith.addi %add3A_490, %add3A_502 : i32
      %dma_start3A_504 = arith.constant 0 : i32
      %dma_start3A_505 = arith.constant 0 : i32
      %dma_start3A_506 = arith.constant 0 : i32
      %dma_start3A_507 = tpu.memref_slice %arg9[%dma_start3A_504, %dma_start3A_505, %dma_start3A_506] : memref<5x128x64xf32, #tpu.memory_space<vmem>> -> memref<1x128x64xf32, #tpu.memory_space<vmem>>
      %dma_start3A_508 = tpu.memref_squeeze %dma_start3A_507 : memref<1x128x64xf32, #tpu.memory_space<vmem>> -> memref<128x64xf32, #tpu.memory_space<vmem>>
      %dma_start3A_509 = arith.constant 0 : i32
      %dma_start3A_510 = tpu.memref_slice %arg7[%add3A_503, %dma_start3A_509] : memref<160x128xi32, #tpu.memory_space<vmem>> -> memref<1x128xi32, #tpu.memory_space<vmem>>
      %dma_start3A_511 = tpu.memref_squeeze %dma_start3A_510 : memref<1x128xi32, #tpu.memory_space<vmem>> -> memref<128xi32, #tpu.memory_space<vmem>>
      %dma_start3A_512 = arith.constant 0 : i32
      %dma_start3A_513 = arith.constant 0 : i32
      %dma_start3A_514 = tpu.memref_slice %arg2[%arg0, %dma_start3A_512, %dma_start3A_513] : memref<2x10000x64xf32, #tpu.memory_space<hbm>> -> memref<1x10000x64xf32, #tpu.memory_space<hbm>>
      %dma_start3A_515 = tpu.memref_squeeze %dma_start3A_514 : memref<1x10000x64xf32, #tpu.memory_space<hbm>> -> memref<10000x64xf32, #tpu.memory_space<hbm>>
      %dma_start3A_516 = arith.constant 0 : i32
      %dma_start3A_517 = arith.constant 0 : i32
      %dma_start3A_518 = tpu.memref_slice %dma_start3A_515[%dma_start3A_516, %dma_start3A_517] : memref<10000x64xf32, #tpu.memory_space<hbm>> -> memref<10000x64xf32, #tpu.memory_space<hbm>>
      tpu.enqueue_indirect_dma source(%dma_start3A_518 : memref<10000x64xf32, #tpu.memory_space<hbm>>) target(%dma_start3A_508 : memref<128x64xf32, #tpu.memory_space<vmem>>) offsets(%dma_start3A_511 : memref<128xi32, #tpu.memory_space<vmem>>) semaphore(%arg11 : memref<!tpu.dma_semaphore, #tpu.memory_space<semaphore_mem>>)
      %mul3A_519 = arith.constant 5 : i32
      %mul3A_520 = arith.muli %mul3A_519, %scan3A_336 : i32
      %add3A_521 = arith.constant 1 : i32
      %add3A_522 = arith.addi %mul3A_520, %add3A_521 : i32
      %dma_wait3A_523 = arith.constant 1 : i32
      %dma_wait3A_524 = arith.constant 0 : i32
      %dma_wait3A_525 = arith.constant 0 : i32
      %dma_wait3A_526 = tpu.memref_slice %arg9[%dma_wait3A_523, %dma_wait3A_524, %dma_wait3A_525] : memref<5x128x64xf32, #tpu.memory_space<vmem>> -> memref<1x128x64xf32, #tpu.memory_space<vmem>>
      %dma_wait3A_527 = tpu.memref_squeeze %dma_wait3A_526 : memref<1x128x64xf32, #tpu.memory_space<vmem>> -> memref<128x64xf32, #tpu.memory_space<vmem>>
      %dma_wait3A_528 = arith.constant 0 : i32
      %dma_wait3A_529 = tpu.memref_slice %arg8[%add3A_522, %dma_wait3A_528] : memref<160x128xi32, #tpu.memory_space<vmem>> -> memref<1x128xi32, #tpu.memory_space<vmem>>
      %dma_wait3A_530 = tpu.memref_squeeze %dma_wait3A_529 : memref<1x128xi32, #tpu.memory_space<vmem>> -> memref<128xi32, #tpu.memory_space<vmem>>
      %dma_wait3A_531 = arith.constant 0 : i32
      %dma_wait3A_532 = arith.constant 0 : i32
      %dma_wait3A_533 = tpu.memref_slice %arg10[%dma_wait3A_531, %dma_wait3A_532] : memref<10112x64xf32, #tpu.memory_space<vmem_shared>> -> memref<10112x64xf32, #tpu.memory_space<vmem_shared>>
      tpu.wait_indirect_dma semaphore(%arg17 : memref<!tpu.dma_semaphore, #tpu.memory_space<semaphore_mem>>) src(%dma_wait3A_527 : memref<128x64xf32, #tpu.memory_space<vmem>>) dst(%dma_wait3A_533 : memref<10112x64xf32, #tpu.memory_space<vmem_shared>>)
      %add3A_534 = arith.constant 5 : i32
      %add3A_535 = arith.addi %add3A_522, %add3A_534 : i32
      %dma_start3A_536 = arith.constant 1 : i32
      %dma_start3A_537 = arith.constant 0 : i32
      %dma_start3A_538 = arith.constant 0 : i32
      %dma_start3A_539 = tpu.memref_slice %arg9[%dma_start3A_536, %dma_start3A_537, %dma_start3A_538] : memref<5x128x64xf32, #tpu.memory_space<vmem>> -> memref<1x128x64xf32, #tpu.memory_space<vmem>>
      %dma_start3A_540 = tpu.memref_squeeze %dma_start3A_539 : memref<1x128x64xf32, #tpu.memory_space<vmem>> -> memref<128x64xf32, #tpu.memory_space<vmem>>
      %dma_start3A_541 = arith.constant 0 : i32
      %dma_start3A_542 = tpu.memref_slice %arg7[%add3A_535, %dma_start3A_541] : memref<160x128xi32, #tpu.memory_space<vmem>> -> memref<1x128xi32, #tpu.memory_space<vmem>>
      %dma_start3A_543 = tpu.memref_squeeze %dma_start3A_542 : memref<1x128xi32, #tpu.memory_space<vmem>> -> memref<128xi32, #tpu.memory_space<vmem>>
      %dma_start3A_544 = arith.constant 0 : i32
      %dma_start3A_545 = arith.constant 0 : i32
      %dma_start3A_546 = tpu.memref_slice %arg2[%arg0, %dma_start3A_544, %dma_start3A_545] : memref<2x10000x64xf32, #tpu.memory_space<hbm>> -> memref<1x10000x64xf32, #tpu.memory_space<hbm>>
      %dma_start3A_547 = tpu.memref_squeeze %dma_start3A_546 : memref<1x10000x64xf32, #tpu.memory_space<hbm>> -> memref<10000x64xf32, #tpu.memory_space<hbm>>
      %dma_start3A_548 = arith.constant 0 : i32
      %dma_start3A_549 = arith.constant 0 : i32
      %dma_start3A_550 = tpu.memref_slice %dma_start3A_547[%dma_start3A_548, %dma_start3A_549] : memref<10000x64xf32, #tpu.memory_space<hbm>> -> memref<10000x64xf32, #tpu.memory_space<hbm>>
      tpu.enqueue_indirect_dma source(%dma_start3A_550 : memref<10000x64xf32, #tpu.memory_space<hbm>>) target(%dma_start3A_540 : memref<128x64xf32, #tpu.memory_space<vmem>>) offsets(%dma_start3A_543 : memref<128xi32, #tpu.memory_space<vmem>>) semaphore(%arg12 : memref<!tpu.dma_semaphore, #tpu.memory_space<semaphore_mem>>)
      %mul3A_551 = arith.constant 5 : i32
      %mul3A_552 = arith.muli %mul3A_551, %scan3A_336 : i32
      %add3A_553 = arith.constant 2 : i32
      %add3A_554 = arith.addi %mul3A_552, %add3A_553 : i32
      %dma_wait3A_555 = arith.constant 2 : i32
      %dma_wait3A_556 = arith.constant 0 : i32
      %dma_wait3A_557 = arith.constant 0 : i32
      %dma_wait3A_558 = tpu.memref_slice %arg9[%dma_wait3A_555, %dma_wait3A_556, %dma_wait3A_557] : memref<5x128x64xf32, #tpu.memory_space<vmem>> -> memref<1x128x64xf32, #tpu.memory_space<vmem>>
      %dma_wait3A_559 = tpu.memref_squeeze %dma_wait3A_558 : memref<1x128x64xf32, #tpu.memory_space<vmem>> -> memref<128x64xf32, #tpu.memory_space<vmem>>
      %dma_wait3A_560 = arith.constant 0 : i32
      %dma_wait3A_561 = tpu.memref_slice %arg8[%add3A_554, %dma_wait3A_560] : memref<160x128xi32, #tpu.memory_space<vmem>> -> memref<1x128xi32, #tpu.memory_space<vmem>>
      %dma_wait3A_562 = tpu.memref_squeeze %dma_wait3A_561 : memref<1x128xi32, #tpu.memory_space<vmem>> -> memref<128xi32, #tpu.memory_space<vmem>>
      %dma_wait3A_563 = arith.constant 0 : i32
      %dma_wait3A_564 = arith.constant 0 : i32
      %dma_wait3A_565 = tpu.memref_slice %arg10[%dma_wait3A_563, %dma_wait3A_564] : memref<10112x64xf32, #tpu.memory_space<vmem_shared>> -> memref<10112x64xf32, #tpu.memory_space<vmem_shared>>
      tpu.wait_indirect_dma semaphore(%arg18 : memref<!tpu.dma_semaphore, #tpu.memory_space<semaphore_mem>>) src(%dma_wait3A_559 : memref<128x64xf32, #tpu.memory_space<vmem>>) dst(%dma_wait3A_565 : memref<10112x64xf32, #tpu.memory_space<vmem_shared>>)
      %add3A_566 = arith.constant 5 : i32
      %add3A_567 = arith.addi %add3A_554, %add3A_566 : i32
      %dma_start3A_568 = arith.constant 2 : i32
      %dma_start3A_569 = arith.constant 0 : i32
      %dma_start3A_570 = arith.constant 0 : i32
      %dma_start3A_571 = tpu.memref_slice %arg9[%dma_start3A_568, %dma_start3A_569, %dma_start3A_570] : memref<5x128x64xf32, #tpu.memory_space<vmem>> -> memref<1x128x64xf32, #tpu.memory_space<vmem>>
      %dma_start3A_572 = tpu.memref_squeeze %dma_start3A_571 : memref<1x128x64xf32, #tpu.memory_space<vmem>> -> memref<128x64xf32, #tpu.memory_space<vmem>>
      %dma_start3A_573 = arith.constant 0 : i32
      %dma_start3A_574 = tpu.memref_slice %arg7[%add3A_567, %dma_start3A_573] : memref<160x128xi32, #tpu.memory_space<vmem>> -> memref<1x128xi32, #tpu.memory_space<vmem>>
      %dma_start3A_575 = tpu.memref_squeeze %dma_start3A_574 : memref<1x128xi32, #tpu.memory_space<vmem>> -> memref<128xi32, #tpu.memory_space<vmem>>
      %dma_start3A_576 = arith.constant 0 : i32
      %dma_start3A_577 = arith.constant 0 : i32
      %dma_start3A_578 = tpu.memref_slice %arg2[%arg0, %dma_start3A_576, %dma_start3A_577] : memref<2x10000x64xf32, #tpu.memory_space<hbm>> -> memref<1x10000x64xf32, #tpu.memory_space<hbm>>
      %dma_start3A_579 = tpu.memref_squeeze %dma_start3A_578 : memref<1x10000x64xf32, #tpu.memory_space<hbm>> -> memref<10000x64xf32, #tpu.memory_space<hbm>>
      %dma_start3A_580 = arith.constant 0 : i32
      %dma_start3A_581 = arith.constant 0 : i32
      %dma_start3A_582 = tpu.memref_slice %dma_start3A_579[%dma_start3A_580, %dma_start3A_581] : memref<10000x64xf32, #tpu.memory_space<hbm>> -> memref<10000x64xf32, #tpu.memory_space<hbm>>
      tpu.enqueue_indirect_dma source(%dma_start3A_582 : memref<10000x64xf32, #tpu.memory_space<hbm>>) target(%dma_start3A_572 : memref<128x64xf32, #tpu.memory_space<vmem>>) offsets(%dma_start3A_575 : memref<128xi32, #tpu.memory_space<vmem>>) semaphore(%arg13 : memref<!tpu.dma_semaphore, #tpu.memory_space<semaphore_mem>>)
      %mul3A_583 = arith.constant 5 : i32
      %mul3A_584 = arith.muli %mul3A_583, %scan3A_336 : i32
      %add3A_585 = arith.constant 3 : i32
      %add3A_586 = arith.addi %mul3A_584, %add3A_585 : i32
      %dma_wait3A_587 = arith.constant 3 : i32
      %dma_wait3A_588 = arith.constant 0 : i32
      %dma_wait3A_589 = arith.constant 0 : i32
      %dma_wait3A_590 = tpu.memref_slice %arg9[%dma_wait3A_587, %dma_wait3A_588, %dma_wait3A_589] : memref<5x128x64xf32, #tpu.memory_space<vmem>> -> memref<1x128x64xf32, #tpu.memory_space<vmem>>
      %dma_wait3A_591 = tpu.memref_squeeze %dma_wait3A_590 : memref<1x128x64xf32, #tpu.memory_space<vmem>> -> memref<128x64xf32, #tpu.memory_space<vmem>>
      %dma_wait3A_592 = arith.constant 0 : i32
      %dma_wait3A_593 = tpu.memref_slice %arg8[%add3A_586, %dma_wait3A_592] : memref<160x128xi32, #tpu.memory_space<vmem>> -> memref<1x128xi32, #tpu.memory_space<vmem>>
      %dma_wait3A_594 = tpu.memref_squeeze %dma_wait3A_593 : memref<1x128xi32, #tpu.memory_space<vmem>> -> memref<128xi32, #tpu.memory_space<vmem>>
      %dma_wait3A_595 = arith.constant 0 : i32
      %dma_wait3A_596 = arith.constant 0 : i32
      %dma_wait3A_597 = tpu.memref_slice %arg10[%dma_wait3A_595, %dma_wait3A_596] : memref<10112x64xf32, #tpu.memory_space<vmem_shared>> -> memref<10112x64xf32, #tpu.memory_space<vmem_shared>>
      tpu.wait_indirect_dma semaphore(%arg19 : memref<!tpu.dma_semaphore, #tpu.memory_space<semaphore_mem>>) src(%dma_wait3A_591 : memref<128x64xf32, #tpu.memory_space<vmem>>) dst(%dma_wait3A_597 : memref<10112x64xf32, #tpu.memory_space<vmem_shared>>)
      %add3A_598 = arith.constant 5 : i32
      %add3A_599 = arith.addi %add3A_586, %add3A_598 : i32
      %dma_start3A_600 = arith.constant 3 : i32
      %dma_start3A_601 = arith.constant 0 : i32
      %dma_start3A_602 = arith.constant 0 : i32
      %dma_start3A_603 = tpu.memref_slice %arg9[%dma_start3A_600, %dma_start3A_601, %dma_start3A_602] : memref<5x128x64xf32, #tpu.memory_space<vmem>> -> memref<1x128x64xf32, #tpu.memory_space<vmem>>
      %dma_start3A_604 = tpu.memref_squeeze %dma_start3A_603 : memref<1x128x64xf32, #tpu.memory_space<vmem>> -> memref<128x64xf32, #tpu.memory_space<vmem>>
      %dma_start3A_605 = arith.constant 0 : i32
      %dma_start3A_606 = tpu.memref_slice %arg7[%add3A_599, %dma_start3A_605] : memref<160x128xi32, #tpu.memory_space<vmem>> -> memref<1x128xi32, #tpu.memory_space<vmem>>
      %dma_start3A_607 = tpu.memref_squeeze %dma_start3A_606 : memref<1x128xi32, #tpu.memory_space<vmem>> -> memref<128xi32, #tpu.memory_space<vmem>>
      %dma_start3A_608 = arith.constant 0 : i32
      %dma_start3A_609 = arith.constant 0 : i32
      %dma_start3A_610 = tpu.memref_slice %arg2[%arg0, %dma_start3A_608, %dma_start3A_609] : memref<2x10000x64xf32, #tpu.memory_space<hbm>> -> memref<1x10000x64xf32, #tpu.memory_space<hbm>>
      %dma_start3A_611 = tpu.memref_squeeze %dma_start3A_610 : memref<1x10000x64xf32, #tpu.memory_space<hbm>> -> memref<10000x64xf32, #tpu.memory_space<hbm>>
      %dma_start3A_612 = arith.constant 0 : i32
      %dma_start3A_613 = arith.constant 0 : i32
      %dma_start3A_614 = tpu.memref_slice %dma_start3A_611[%dma_start3A_612, %dma_start3A_613] : memref<10000x64xf32, #tpu.memory_space<hbm>> -> memref<10000x64xf32, #tpu.memory_space<hbm>>
      tpu.enqueue_indirect_dma source(%dma_start3A_614 : memref<10000x64xf32, #tpu.memory_space<hbm>>) target(%dma_start3A_604 : memref<128x64xf32, #tpu.memory_space<vmem>>) offsets(%dma_start3A_607 : memref<128xi32, #tpu.memory_space<vmem>>) semaphore(%arg14 : memref<!tpu.dma_semaphore, #tpu.memory_space<semaphore_mem>>)
      %mul3A_615 = arith.constant 5 : i32
      %mul3A_616 = arith.muli %mul3A_615, %scan3A_336 : i32
      %add3A_617 = arith.constant 4 : i32
      %add3A_618 = arith.addi %mul3A_616, %add3A_617 : i32
      %dma_wait3A_619 = arith.constant 4 : i32
      %dma_wait3A_620 = arith.constant 0 : i32
      %dma_wait3A_621 = arith.constant 0 : i32
      %dma_wait3A_622 = tpu.memref_slice %arg9[%dma_wait3A_619, %dma_wait3A_620, %dma_wait3A_621] : memref<5x128x64xf32, #tpu.memory_space<vmem>> -> memref<1x128x64xf32, #tpu.memory_space<vmem>>
      %dma_wait3A_623 = tpu.memref_squeeze %dma_wait3A_622 : memref<1x128x64xf32, #tpu.memory_space<vmem>> -> memref<128x64xf32, #tpu.memory_space<vmem>>
      %dma_wait3A_624 = arith.constant 0 : i32
      %dma_wait3A_625 = tpu.memref_slice %arg8[%add3A_618, %dma_wait3A_624] : memref<160x128xi32, #tpu.memory_space<vmem>> -> memref<1x128xi32, #tpu.memory_space<vmem>>
      %dma_wait3A_626 = tpu.memref_squeeze %dma_wait3A_625 : memref<1x128xi32, #tpu.memory_space<vmem>> -> memref<128xi32, #tpu.memory_space<vmem>>
      %dma_wait3A_627 = arith.constant 0 : i32
      %dma_wait3A_628 = arith.constant 0 : i32
      %dma_wait3A_629 = tpu.memref_slice %arg10[%dma_wait3A_627, %dma_wait3A_628] : memref<10112x64xf32, #tpu.memory_space<vmem_shared>> -> memref<10112x64xf32, #tpu.memory_space<vmem_shared>>
      tpu.wait_indirect_dma semaphore(%arg20 : memref<!tpu.dma_semaphore, #tpu.memory_space<semaphore_mem>>) src(%dma_wait3A_623 : memref<128x64xf32, #tpu.memory_space<vmem>>) dst(%dma_wait3A_629 : memref<10112x64xf32, #tpu.memory_space<vmem_shared>>)
      %add3A_630 = arith.constant 5 : i32
      %add3A_631 = arith.addi %add3A_618, %add3A_630 : i32
      %dma_start3A_632 = arith.constant 4 : i32
      %dma_start3A_633 = arith.constant 0 : i32
      %dma_start3A_634 = arith.constant 0 : i32
      %dma_start3A_635 = tpu.memref_slice %arg9[%dma_start3A_632, %dma_start3A_633, %dma_start3A_634] : memref<5x128x64xf32, #tpu.memory_space<vmem>> -> memref<1x128x64xf32, #tpu.memory_space<vmem>>
      %dma_start3A_636 = tpu.memref_squeeze %dma_start3A_635 : memref<1x128x64xf32, #tpu.memory_space<vmem>> -> memref<128x64xf32, #tpu.memory_space<vmem>>
      %dma_start3A_637 = arith.constant 0 : i32
      %dma_start3A_638 = tpu.memref_slice %arg7[%add3A_631, %dma_start3A_637] : memref<160x128xi32, #tpu.memory_space<vmem>> -> memref<1x128xi32, #tpu.memory_space<vmem>>
      %dma_start3A_639 = tpu.memref_squeeze %dma_start3A_638 : memref<1x128xi32, #tpu.memory_space<vmem>> -> memref<128xi32, #tpu.memory_space<vmem>>
      %dma_start3A_640 = arith.constant 0 : i32
      %dma_start3A_641 = arith.constant 0 : i32
      %dma_start3A_642 = tpu.memref_slice %arg2[%arg0, %dma_start3A_640, %dma_start3A_641] : memref<2x10000x64xf32, #tpu.memory_space<hbm>> -> memref<1x10000x64xf32, #tpu.memory_space<hbm>>
      %dma_start3A_643 = tpu.memref_squeeze %dma_start3A_642 : memref<1x10000x64xf32, #tpu.memory_space<hbm>> -> memref<10000x64xf32, #tpu.memory_space<hbm>>
      %dma_start3A_644 = arith.constant 0 : i32
      %dma_start3A_645 = arith.constant 0 : i32
      %dma_start3A_646 = tpu.memref_slice %dma_start3A_643[%dma_start3A_644, %dma_start3A_645] : memref<10000x64xf32, #tpu.memory_space<hbm>> -> memref<10000x64xf32, #tpu.memory_space<hbm>>
      tpu.enqueue_indirect_dma source(%dma_start3A_646 : memref<10000x64xf32, #tpu.memory_space<hbm>>) target(%dma_start3A_636 : memref<128x64xf32, #tpu.memory_space<vmem>>) offsets(%dma_start3A_639 : memref<128xi32, #tpu.memory_space<vmem>>) semaphore(%arg15 : memref<!tpu.dma_semaphore, #tpu.memory_space<semaphore_mem>>)
      %scan3A_647 = arith.constant 0 : i32
      scf.yield %scan3A_647 : i32
    }
    %scan3A_130 = arith.constant 31 : i32
    %dma_wait3A_131 = arith.constant 155 : i32
    %dma_wait3A_132 = arith.constant 0 : i32
    %dma_wait3A_133 = arith.constant 0 : i32
    %dma_wait3A_134 = arith.constant 0 : i32
    %dma_wait3A_135 = tpu.memref_slice %arg9[%dma_wait3A_132, %dma_wait3A_133, %dma_wait3A_134] : memref<5x128x64xf32, #tpu.memory_space<vmem>> -> memref<1x128x64xf32, #tpu.memory_space<vmem>>
    %dma_wait3A_136 = tpu.memref_squeeze %dma_wait3A_135 : memref<1x128x64xf32, #tpu.memory_space<vmem>> -> memref<128x64xf32, #tpu.memory_space<vmem>>
    %dma_wait3A_137 = arith.constant 0 : i32
    %dma_wait3A_138 = tpu.memref_slice %arg7[%dma_wait3A_131, %dma_wait3A_137] : memref<160x128xi32, #tpu.memory_space<vmem>> -> memref<1x128xi32, #tpu.memory_space<vmem>>
    %dma_wait3A_139 = tpu.memref_squeeze %dma_wait3A_138 : memref<1x128xi32, #tpu.memory_space<vmem>> -> memref<128xi32, #tpu.memory_space<vmem>>
    %dma_wait3A_140 = arith.constant 0 : i32
    %dma_wait3A_141 = arith.constant 0 : i32
    %dma_wait3A_142 = tpu.memref_slice %arg2[%arg0, %dma_wait3A_140, %dma_wait3A_141] : memref<2x10000x64xf32, #tpu.memory_space<hbm>> -> memref<1x10000x64xf32, #tpu.memory_space<hbm>>
    %dma_wait3A_143 = tpu.memref_squeeze %dma_wait3A_142 : memref<1x10000x64xf32, #tpu.memory_space<hbm>> -> memref<10000x64xf32, #tpu.memory_space<hbm>>
    %dma_wait3A_144 = arith.constant 0 : i32
    %dma_wait3A_145 = arith.constant 0 : i32
    %dma_wait3A_146 = tpu.memref_slice %dma_wait3A_143[%dma_wait3A_144, %dma_wait3A_145] : memref<10000x64xf32, #tpu.memory_space<hbm>> -> memref<10000x64xf32, #tpu.memory_space<hbm>>
    tpu.wait_indirect_dma semaphore(%arg11 : memref<!tpu.dma_semaphore, #tpu.memory_space<semaphore_mem>>) src(%dma_wait3A_146 : memref<10000x64xf32, #tpu.memory_space<hbm>>) dst(%dma_wait3A_136 : memref<128x64xf32, #tpu.memory_space<vmem>>)
    %dma_start3A_147 = arith.constant 0 : i32
    %dma_start3A_148 = arith.constant 155 : i32
    %dma_start3A_149 = arith.constant 0 : i32
    %dma_start3A_150 = arith.constant 0 : i32
    %dma_start3A_151 = tpu.memref_slice %arg9[%dma_start3A_147, %dma_start3A_149, %dma_start3A_150] : memref<5x128x64xf32, #tpu.memory_space<vmem>> -> memref<1x128x64xf32, #tpu.memory_space<vmem>>
    %dma_start3A_152 = tpu.memref_squeeze %dma_start3A_151 : memref<1x128x64xf32, #tpu.memory_space<vmem>> -> memref<128x64xf32, #tpu.memory_space<vmem>>
    %dma_start3A_153 = arith.constant 0 : i32
    %dma_start3A_154 = tpu.memref_slice %arg8[%dma_start3A_148, %dma_start3A_153] : memref<160x128xi32, #tpu.memory_space<vmem>> -> memref<1x128xi32, #tpu.memory_space<vmem>>
    %dma_start3A_155 = tpu.memref_squeeze %dma_start3A_154 : memref<1x128xi32, #tpu.memory_space<vmem>> -> memref<128xi32, #tpu.memory_space<vmem>>
    %dma_start3A_156 = arith.constant 0 : i32
    %dma_start3A_157 = arith.constant 0 : i32
    %dma_start3A_158 = tpu.memref_slice %arg10[%dma_start3A_156, %dma_start3A_157] : memref<10112x64xf32, #tpu.memory_space<vmem_shared>> -> memref<10112x64xf32, #tpu.memory_space<vmem_shared>>
    tpu.enqueue_indirect_dma source(%dma_start3A_152 : memref<128x64xf32, #tpu.memory_space<vmem>>) target(%dma_start3A_158 : memref<10112x64xf32, #tpu.memory_space<vmem_shared>>) offsets(%dma_start3A_155 : memref<128xi32, #tpu.memory_space<vmem>>) semaphore(%arg16 : memref<!tpu.dma_semaphore, #tpu.memory_space<semaphore_mem>>) {add = true}
    %dma_wait3A_159 = arith.constant 156 : i32
    %dma_wait3A_160 = arith.constant 1 : i32
    %dma_wait3A_161 = arith.constant 0 : i32
    %dma_wait3A_162 = arith.constant 0 : i32
    %dma_wait3A_163 = tpu.memref_slice %arg9[%dma_wait3A_160, %dma_wait3A_161, %dma_wait3A_162] : memref<5x128x64xf32, #tpu.memory_space<vmem>> -> memref<1x128x64xf32, #tpu.memory_space<vmem>>
    %dma_wait3A_164 = tpu.memref_squeeze %dma_wait3A_163 : memref<1x128x64xf32, #tpu.memory_space<vmem>> -> memref<128x64xf32, #tpu.memory_space<vmem>>
    %dma_wait3A_165 = arith.constant 0 : i32
    %dma_wait3A_166 = tpu.memref_slice %arg7[%dma_wait3A_159, %dma_wait3A_165] : memref<160x128xi32, #tpu.memory_space<vmem>> -> memref<1x128xi32, #tpu.memory_space<vmem>>
    %dma_wait3A_167 = tpu.memref_squeeze %dma_wait3A_166 : memref<1x128xi32, #tpu.memory_space<vmem>> -> memref<128xi32, #tpu.memory_space<vmem>>
    %dma_wait3A_168 = arith.constant 0 : i32
    %dma_wait3A_169 = arith.constant 0 : i32
    %dma_wait3A_170 = tpu.memref_slice %arg2[%arg0, %dma_wait3A_168, %dma_wait3A_169] : memref<2x10000x64xf32, #tpu.memory_space<hbm>> -> memref<1x10000x64xf32, #tpu.memory_space<hbm>>
    %dma_wait3A_171 = tpu.memref_squeeze %dma_wait3A_170 : memref<1x10000x64xf32, #tpu.memory_space<hbm>> -> memref<10000x64xf32, #tpu.memory_space<hbm>>
    %dma_wait3A_172 = arith.constant 0 : i32
    %dma_wait3A_173 = arith.constant 0 : i32
    %dma_wait3A_174 = tpu.memref_slice %dma_wait3A_171[%dma_wait3A_172, %dma_wait3A_173] : memref<10000x64xf32, #tpu.memory_space<hbm>> -> memref<10000x64xf32, #tpu.memory_space<hbm>>
    tpu.wait_indirect_dma semaphore(%arg12 : memref<!tpu.dma_semaphore, #tpu.memory_space<semaphore_mem>>) src(%dma_wait3A_174 : memref<10000x64xf32, #tpu.memory_space<hbm>>) dst(%dma_wait3A_164 : memref<128x64xf32, #tpu.memory_space<vmem>>)
    %dma_start3A_175 = arith.constant 1 : i32
    %dma_start3A_176 = arith.constant 156 : i32
    %dma_start3A_177 = arith.constant 0 : i32
    %dma_start3A_178 = arith.constant 0 : i32
    %dma_start3A_179 = tpu.memref_slice %arg9[%dma_start3A_175, %dma_start3A_177, %dma_start3A_178] : memref<5x128x64xf32, #tpu.memory_space<vmem>> -> memref<1x128x64xf32, #tpu.memory_space<vmem>>
    %dma_start3A_180 = tpu.memref_squeeze %dma_start3A_179 : memref<1x128x64xf32, #tpu.memory_space<vmem>> -> memref<128x64xf32, #tpu.memory_space<vmem>>
    %dma_start3A_181 = arith.constant 0 : i32
    %dma_start3A_182 = tpu.memref_slice %arg8[%dma_start3A_176, %dma_start3A_181] : memref<160x128xi32, #tpu.memory_space<vmem>> -> memref<1x128xi32, #tpu.memory_space<vmem>>
    %dma_start3A_183 = tpu.memref_squeeze %dma_start3A_182 : memref<1x128xi32, #tpu.memory_space<vmem>> -> memref<128xi32, #tpu.memory_space<vmem>>
    %dma_start3A_184 = arith.constant 0 : i32
    %dma_start3A_185 = arith.constant 0 : i32
    %dma_start3A_186 = tpu.memref_slice %arg10[%dma_start3A_184, %dma_start3A_185] : memref<10112x64xf32, #tpu.memory_space<vmem_shared>> -> memref<10112x64xf32, #tpu.memory_space<vmem_shared>>
    tpu.enqueue_indirect_dma source(%dma_start3A_180 : memref<128x64xf32, #tpu.memory_space<vmem>>) target(%dma_start3A_186 : memref<10112x64xf32, #tpu.memory_space<vmem_shared>>) offsets(%dma_start3A_183 : memref<128xi32, #tpu.memory_space<vmem>>) semaphore(%arg17 : memref<!tpu.dma_semaphore, #tpu.memory_space<semaphore_mem>>) {add = true}
    %dma_wait3A_187 = arith.constant 157 : i32
    %dma_wait3A_188 = arith.constant 2 : i32
    %dma_wait3A_189 = arith.constant 0 : i32
    %dma_wait3A_190 = arith.constant 0 : i32
    %dma_wait3A_191 = tpu.memref_slice %arg9[%dma_wait3A_188, %dma_wait3A_189, %dma_wait3A_190] : memref<5x128x64xf32, #tpu.memory_space<vmem>> -> memref<1x128x64xf32, #tpu.memory_space<vmem>>
    %dma_wait3A_192 = tpu.memref_squeeze %dma_wait3A_191 : memref<1x128x64xf32, #tpu.memory_space<vmem>> -> memref<128x64xf32, #tpu.memory_space<vmem>>
    %dma_wait3A_193 = arith.constant 0 : i32
    %dma_wait3A_194 = tpu.memref_slice %arg7[%dma_wait3A_187, %dma_wait3A_193] : memref<160x128xi32, #tpu.memory_space<vmem>> -> memref<1x128xi32, #tpu.memory_space<vmem>>
    %dma_wait3A_195 = tpu.memref_squeeze %dma_wait3A_194 : memref<1x128xi32, #tpu.memory_space<vmem>> -> memref<128xi32, #tpu.memory_space<vmem>>
    %dma_wait3A_196 = arith.constant 0 : i32
    %dma_wait3A_197 = arith.constant 0 : i32
    %dma_wait3A_198 = tpu.memref_slice %arg2[%arg0, %dma_wait3A_196, %dma_wait3A_197] : memref<2x10000x64xf32, #tpu.memory_space<hbm>> -> memref<1x10000x64xf32, #tpu.memory_space<hbm>>
    %dma_wait3A_199 = tpu.memref_squeeze %dma_wait3A_198 : memref<1x10000x64xf32, #tpu.memory_space<hbm>> -> memref<10000x64xf32, #tpu.memory_space<hbm>>
    %dma_wait3A_200 = arith.constant 0 : i32
    %dma_wait3A_201 = arith.constant 0 : i32
    %dma_wait3A_202 = tpu.memref_slice %dma_wait3A_199[%dma_wait3A_200, %dma_wait3A_201] : memref<10000x64xf32, #tpu.memory_space<hbm>> -> memref<10000x64xf32, #tpu.memory_space<hbm>>
    tpu.wait_indirect_dma semaphore(%arg13 : memref<!tpu.dma_semaphore, #tpu.memory_space<semaphore_mem>>) src(%dma_wait3A_202 : memref<10000x64xf32, #tpu.memory_space<hbm>>) dst(%dma_wait3A_192 : memref<128x64xf32, #tpu.memory_space<vmem>>)
    %dma_start3A_203 = arith.constant 2 : i32
    %dma_start3A_204 = arith.constant 157 : i32
    %dma_start3A_205 = arith.constant 0 : i32
    %dma_start3A_206 = arith.constant 0 : i32
    %dma_start3A_207 = tpu.memref_slice %arg9[%dma_start3A_203, %dma_start3A_205, %dma_start3A_206] : memref<5x128x64xf32, #tpu.memory_space<vmem>> -> memref<1x128x64xf32, #tpu.memory_space<vmem>>
    %dma_start3A_208 = tpu.memref_squeeze %dma_start3A_207 : memref<1x128x64xf32, #tpu.memory_space<vmem>> -> memref<128x64xf32, #tpu.memory_space<vmem>>
    %dma_start3A_209 = arith.constant 0 : i32
    %dma_start3A_210 = tpu.memref_slice %arg8[%dma_start3A_204, %dma_start3A_209] : memref<160x128xi32, #tpu.memory_space<vmem>> -> memref<1x128xi32, #tpu.memory_space<vmem>>
    %dma_start3A_211 = tpu.memref_squeeze %dma_start3A_210 : memref<1x128xi32, #tpu.memory_space<vmem>> -> memref<128xi32, #tpu.memory_space<vmem>>
    %dma_start3A_212 = arith.constant 0 : i32
    %dma_start3A_213 = arith.constant 0 : i32
    %dma_start3A_214 = tpu.memref_slice %arg10[%dma_start3A_212, %dma_start3A_213] : memref<10112x64xf32, #tpu.memory_space<vmem_shared>> -> memref<10112x64xf32, #tpu.memory_space<vmem_shared>>
    tpu.enqueue_indirect_dma source(%dma_start3A_208 : memref<128x64xf32, #tpu.memory_space<vmem>>) target(%dma_start3A_214 : memref<10112x64xf32, #tpu.memory_space<vmem_shared>>) offsets(%dma_start3A_211 : memref<128xi32, #tpu.memory_space<vmem>>) semaphore(%arg18 : memref<!tpu.dma_semaphore, #tpu.memory_space<semaphore_mem>>) {add = true}
    %dma_wait3A_215 = arith.constant 158 : i32
    %dma_wait3A_216 = arith.constant 3 : i32
    %dma_wait3A_217 = arith.constant 0 : i32
    %dma_wait3A_218 = arith.constant 0 : i32
    %dma_wait3A_219 = tpu.memref_slice %arg9[%dma_wait3A_216, %dma_wait3A_217, %dma_wait3A_218] : memref<5x128x64xf32, #tpu.memory_space<vmem>> -> memref<1x128x64xf32, #tpu.memory_space<vmem>>
    %dma_wait3A_220 = tpu.memref_squeeze %dma_wait3A_219 : memref<1x128x64xf32, #tpu.memory_space<vmem>> -> memref<128x64xf32, #tpu.memory_space<vmem>>
    %dma_wait3A_221 = arith.constant 0 : i32
    %dma_wait3A_222 = tpu.memref_slice %arg7[%dma_wait3A_215, %dma_wait3A_221] : memref<160x128xi32, #tpu.memory_space<vmem>> -> memref<1x128xi32, #tpu.memory_space<vmem>>
    %dma_wait3A_223 = tpu.memref_squeeze %dma_wait3A_222 : memref<1x128xi32, #tpu.memory_space<vmem>> -> memref<128xi32, #tpu.memory_space<vmem>>
    %dma_wait3A_224 = arith.constant 0 : i32
    %dma_wait3A_225 = arith.constant 0 : i32
    %dma_wait3A_226 = tpu.memref_slice %arg2[%arg0, %dma_wait3A_224, %dma_wait3A_225] : memref<2x10000x64xf32, #tpu.memory_space<hbm>> -> memref<1x10000x64xf32, #tpu.memory_space<hbm>>
    %dma_wait3A_227 = tpu.memref_squeeze %dma_wait3A_226 : memref<1x10000x64xf32, #tpu.memory_space<hbm>> -> memref<10000x64xf32, #tpu.memory_space<hbm>>
    %dma_wait3A_228 = arith.constant 0 : i32
    %dma_wait3A_229 = arith.constant 0 : i32
    %dma_wait3A_230 = tpu.memref_slice %dma_wait3A_227[%dma_wait3A_228, %dma_wait3A_229] : memref<10000x64xf32, #tpu.memory_space<hbm>> -> memref<10000x64xf32, #tpu.memory_space<hbm>>
    tpu.wait_indirect_dma semaphore(%arg14 : memref<!tpu.dma_semaphore, #tpu.memory_space<semaphore_mem>>) src(%dma_wait3A_230 : memref<10000x64xf32, #tpu.memory_space<hbm>>) dst(%dma_wait3A_220 : memref<128x64xf32, #tpu.memory_space<vmem>>)
    %dma_start3A_231 = arith.constant 3 : i32
    %dma_start3A_232 = arith.constant 158 : i32
    %dma_start3A_233 = arith.constant 0 : i32
    %dma_start3A_234 = arith.constant 0 : i32
    %dma_start3A_235 = tpu.memref_slice %arg9[%dma_start3A_231, %dma_start3A_233, %dma_start3A_234] : memref<5x128x64xf32, #tpu.memory_space<vmem>> -> memref<1x128x64xf32, #tpu.memory_space<vmem>>
    %dma_start3A_236 = tpu.memref_squeeze %dma_start3A_235 : memref<1x128x64xf32, #tpu.memory_space<vmem>> -> memref<128x64xf32, #tpu.memory_space<vmem>>
    %dma_start3A_237 = arith.constant 0 : i32
    %dma_start3A_238 = tpu.memref_slice %arg8[%dma_start3A_232, %dma_start3A_237] : memref<160x128xi32, #tpu.memory_space<vmem>> -> memref<1x128xi32, #tpu.memory_space<vmem>>
    %dma_start3A_239 = tpu.memref_squeeze %dma_start3A_238 : memref<1x128xi32, #tpu.memory_space<vmem>> -> memref<128xi32, #tpu.memory_space<vmem>>
    %dma_start3A_240 = arith.constant 0 : i32
    %dma_start3A_241 = arith.constant 0 : i32
    %dma_start3A_242 = tpu.memref_slice %arg10[%dma_start3A_240, %dma_start3A_241] : memref<10112x64xf32, #tpu.memory_space<vmem_shared>> -> memref<10112x64xf32, #tpu.memory_space<vmem_shared>>
    tpu.enqueue_indirect_dma source(%dma_start3A_236 : memref<128x64xf32, #tpu.memory_space<vmem>>) target(%dma_start3A_242 : memref<10112x64xf32, #tpu.memory_space<vmem_shared>>) offsets(%dma_start3A_239 : memref<128xi32, #tpu.memory_space<vmem>>) semaphore(%arg19 : memref<!tpu.dma_semaphore, #tpu.memory_space<semaphore_mem>>) {add = true}
    %dma_wait3A_243 = arith.constant 159 : i32
    %dma_wait3A_244 = arith.constant 4 : i32
    %dma_wait3A_245 = arith.constant 0 : i32
    %dma_wait3A_246 = arith.constant 0 : i32
    %dma_wait3A_247 = tpu.memref_slice %arg9[%dma_wait3A_244, %dma_wait3A_245, %dma_wait3A_246] : memref<5x128x64xf32, #tpu.memory_space<vmem>> -> memref<1x128x64xf32, #tpu.memory_space<vmem>>
    %dma_wait3A_248 = tpu.memref_squeeze %dma_wait3A_247 : memref<1x128x64xf32, #tpu.memory_space<vmem>> -> memref<128x64xf32, #tpu.memory_space<vmem>>
    %dma_wait3A_249 = arith.constant 0 : i32
    %dma_wait3A_250 = tpu.memref_slice %arg7[%dma_wait3A_243, %dma_wait3A_249] : memref<160x128xi32, #tpu.memory_space<vmem>> -> memref<1x128xi32, #tpu.memory_space<vmem>>
    %dma_wait3A_251 = tpu.memref_squeeze %dma_wait3A_250 : memref<1x128xi32, #tpu.memory_space<vmem>> -> memref<128xi32, #tpu.memory_space<vmem>>
    %dma_wait3A_252 = arith.constant 0 : i32
    %dma_wait3A_253 = arith.constant 0 : i32
    %dma_wait3A_254 = tpu.memref_slice %arg2[%arg0, %dma_wait3A_252, %dma_wait3A_253] : memref<2x10000x64xf32, #tpu.memory_space<hbm>> -> memref<1x10000x64xf32, #tpu.memory_space<hbm>>
    %dma_wait3A_255 = tpu.memref_squeeze %dma_wait3A_254 : memref<1x10000x64xf32, #tpu.memory_space<hbm>> -> memref<10000x64xf32, #tpu.memory_space<hbm>>
    %dma_wait3A_256 = arith.constant 0 : i32
    %dma_wait3A_257 = arith.constant 0 : i32
    %dma_wait3A_258 = tpu.memref_slice %dma_wait3A_255[%dma_wait3A_256, %dma_wait3A_257] : memref<10000x64xf32, #tpu.memory_space<hbm>> -> memref<10000x64xf32, #tpu.memory_space<hbm>>
    tpu.wait_indirect_dma semaphore(%arg15 : memref<!tpu.dma_semaphore, #tpu.memory_space<semaphore_mem>>) src(%dma_wait3A_258 : memref<10000x64xf32, #tpu.memory_space<hbm>>) dst(%dma_wait3A_248 : memref<128x64xf32, #tpu.memory_space<vmem>>)
    %dma_start3A_259 = arith.constant 4 : i32
    %dma_start3A_260 = arith.constant 159 : i32
    %dma_start3A_261 = arith.constant 0 : i32
    %dma_start3A_262 = arith.constant 0 : i32
    %dma_start3A_263 = tpu.memref_slice %arg9[%dma_start3A_259, %dma_start3A_261, %dma_start3A_262] : memref<5x128x64xf32, #tpu.memory_space<vmem>> -> memref<1x128x64xf32, #tpu.memory_space<vmem>>
    %dma_start3A_264 = tpu.memref_squeeze %dma_start3A_263 : memref<1x128x64xf32, #tpu.memory_space<vmem>> -> memref<128x64xf32, #tpu.memory_space<vmem>>
    %dma_start3A_265 = arith.constant 0 : i32
    %dma_start3A_266 = tpu.memref_slice %arg8[%dma_start3A_260, %dma_start3A_265] : memref<160x128xi32, #tpu.memory_space<vmem>> -> memref<1x128xi32, #tpu.memory_space<vmem>>
    %dma_start3A_267 = tpu.memref_squeeze %dma_start3A_266 : memref<1x128xi32, #tpu.memory_space<vmem>> -> memref<128xi32, #tpu.memory_space<vmem>>
    %dma_start3A_268 = arith.constant 0 : i32
    %dma_start3A_269 = arith.constant 0 : i32
    %dma_start3A_270 = tpu.memref_slice %arg10[%dma_start3A_268, %dma_start3A_269] : memref<10112x64xf32, #tpu.memory_space<vmem_shared>> -> memref<10112x64xf32, #tpu.memory_space<vmem_shared>>
    tpu.enqueue_indirect_dma source(%dma_start3A_264 : memref<128x64xf32, #tpu.memory_space<vmem>>) target(%dma_start3A_270 : memref<10112x64xf32, #tpu.memory_space<vmem_shared>>) offsets(%dma_start3A_267 : memref<128xi32, #tpu.memory_space<vmem>>) semaphore(%arg20 : memref<!tpu.dma_semaphore, #tpu.memory_space<semaphore_mem>>) {add = true}
    %dma_wait3A_271 = arith.constant 0 : i32
    %dma_wait3A_272 = arith.constant 155 : i32
    %dma_wait3A_273 = arith.constant 0 : i32
    %dma_wait3A_274 = arith.constant 0 : i32
    %dma_wait3A_275 = tpu.memref_slice %arg9[%dma_wait3A_271, %dma_wait3A_273, %dma_wait3A_274] : memref<5x128x64xf32, #tpu.memory_space<vmem>> -> memref<1x128x64xf32, #tpu.memory_space<vmem>>
    %dma_wait3A_276 = tpu.memref_squeeze %dma_wait3A_275 : memref<1x128x64xf32, #tpu.memory_space<vmem>> -> memref<128x64xf32, #tpu.memory_space<vmem>>
    %dma_wait3A_277 = arith.constant 0 : i32
    %dma_wait3A_278 = tpu.memref_slice %arg8[%dma_wait3A_272, %dma_wait3A_277] : memref<160x128xi32, #tpu.memory_space<vmem>> -> memref<1x128xi32, #tpu.memory_space<vmem>>
    %dma_wait3A_279 = tpu.memref_squeeze %dma_wait3A_278 : memref<1x128xi32, #tpu.memory_space<vmem>> -> memref<128xi32, #tpu.memory_space<vmem>>
    %dma_wait3A_280 = arith.constant 0 : i32
    %dma_wait3A_281 = arith.constant 0 : i32
    %dma_wait3A_282 = tpu.memref_slice %arg10[%dma_wait3A_280, %dma_wait3A_281] : memref<10112x64xf32, #tpu.memory_space<vmem_shared>> -> memref<10112x64xf32, #tpu.memory_space<vmem_shared>>
    tpu.wait_indirect_dma semaphore(%arg16 : memref<!tpu.dma_semaphore, #tpu.memory_space<semaphore_mem>>) src(%dma_wait3A_276 : memref<128x64xf32, #tpu.memory_space<vmem>>) dst(%dma_wait3A_282 : memref<10112x64xf32, #tpu.memory_space<vmem_shared>>)
    %dma_wait3A_283 = arith.constant 1 : i32
    %dma_wait3A_284 = arith.constant 156 : i32
    %dma_wait3A_285 = arith.constant 0 : i32
    %dma_wait3A_286 = arith.constant 0 : i32
    %dma_wait3A_287 = tpu.memref_slice %arg9[%dma_wait3A_283, %dma_wait3A_285, %dma_wait3A_286] : memref<5x128x64xf32, #tpu.memory_space<vmem>> -> memref<1x128x64xf32, #tpu.memory_space<vmem>>
    %dma_wait3A_288 = tpu.memref_squeeze %dma_wait3A_287 : memref<1x128x64xf32, #tpu.memory_space<vmem>> -> memref<128x64xf32, #tpu.memory_space<vmem>>
    %dma_wait3A_289 = arith.constant 0 : i32
    %dma_wait3A_290 = tpu.memref_slice %arg8[%dma_wait3A_284, %dma_wait3A_289] : memref<160x128xi32, #tpu.memory_space<vmem>> -> memref<1x128xi32, #tpu.memory_space<vmem>>
    %dma_wait3A_291 = tpu.memref_squeeze %dma_wait3A_290 : memref<1x128xi32, #tpu.memory_space<vmem>> -> memref<128xi32, #tpu.memory_space<vmem>>
    %dma_wait3A_292 = arith.constant 0 : i32
    %dma_wait3A_293 = arith.constant 0 : i32
    %dma_wait3A_294 = tpu.memref_slice %arg10[%dma_wait3A_292, %dma_wait3A_293] : memref<10112x64xf32, #tpu.memory_space<vmem_shared>> -> memref<10112x64xf32, #tpu.memory_space<vmem_shared>>
    tpu.wait_indirect_dma semaphore(%arg17 : memref<!tpu.dma_semaphore, #tpu.memory_space<semaphore_mem>>) src(%dma_wait3A_288 : memref<128x64xf32, #tpu.memory_space<vmem>>) dst(%dma_wait3A_294 : memref<10112x64xf32, #tpu.memory_space<vmem_shared>>)
    %dma_wait3A_295 = arith.constant 2 : i32
    %dma_wait3A_296 = arith.constant 157 : i32
    %dma_wait3A_297 = arith.constant 0 : i32
    %dma_wait3A_298 = arith.constant 0 : i32
    %dma_wait3A_299 = tpu.memref_slice %arg9[%dma_wait3A_295, %dma_wait3A_297, %dma_wait3A_298] : memref<5x128x64xf32, #tpu.memory_space<vmem>> -> memref<1x128x64xf32, #tpu.memory_space<vmem>>
    %dma_wait3A_300 = tpu.memref_squeeze %dma_wait3A_299 : memref<1x128x64xf32, #tpu.memory_space<vmem>> -> memref<128x64xf32, #tpu.memory_space<vmem>>
    %dma_wait3A_301 = arith.constant 0 : i32
    %dma_wait3A_302 = tpu.memref_slice %arg8[%dma_wait3A_296, %dma_wait3A_301] : memref<160x128xi32, #tpu.memory_space<vmem>> -> memref<1x128xi32, #tpu.memory_space<vmem>>
    %dma_wait3A_303 = tpu.memref_squeeze %dma_wait3A_302 : memref<1x128xi32, #tpu.memory_space<vmem>> -> memref<128xi32, #tpu.memory_space<vmem>>
    %dma_wait3A_304 = arith.constant 0 : i32
    %dma_wait3A_305 = arith.constant 0 : i32
    %dma_wait3A_306 = tpu.memref_slice %arg10[%dma_wait3A_304, %dma_wait3A_305] : memref<10112x64xf32, #tpu.memory_space<vmem_shared>> -> memref<10112x64xf32, #tpu.memory_space<vmem_shared>>
    tpu.wait_indirect_dma semaphore(%arg18 : memref<!tpu.dma_semaphore, #tpu.memory_space<semaphore_mem>>) src(%dma_wait3A_300 : memref<128x64xf32, #tpu.memory_space<vmem>>) dst(%dma_wait3A_306 : memref<10112x64xf32, #tpu.memory_space<vmem_shared>>)
    %dma_wait3A_307 = arith.constant 3 : i32
    %dma_wait3A_308 = arith.constant 158 : i32
    %dma_wait3A_309 = arith.constant 0 : i32
    %dma_wait3A_310 = arith.constant 0 : i32
    %dma_wait3A_311 = tpu.memref_slice %arg9[%dma_wait3A_307, %dma_wait3A_309, %dma_wait3A_310] : memref<5x128x64xf32, #tpu.memory_space<vmem>> -> memref<1x128x64xf32, #tpu.memory_space<vmem>>
    %dma_wait3A_312 = tpu.memref_squeeze %dma_wait3A_311 : memref<1x128x64xf32, #tpu.memory_space<vmem>> -> memref<128x64xf32, #tpu.memory_space<vmem>>
    %dma_wait3A_313 = arith.constant 0 : i32
    %dma_wait3A_314 = tpu.memref_slice %arg8[%dma_wait3A_308, %dma_wait3A_313] : memref<160x128xi32, #tpu.memory_space<vmem>> -> memref<1x128xi32, #tpu.memory_space<vmem>>
    %dma_wait3A_315 = tpu.memref_squeeze %dma_wait3A_314 : memref<1x128xi32, #tpu.memory_space<vmem>> -> memref<128xi32, #tpu.memory_space<vmem>>
    %dma_wait3A_316 = arith.constant 0 : i32
    %dma_wait3A_317 = arith.constant 0 : i32
    %dma_wait3A_318 = tpu.memref_slice %arg10[%dma_wait3A_316, %dma_wait3A_317] : memref<10112x64xf32, #tpu.memory_space<vmem_shared>> -> memref<10112x64xf32, #tpu.memory_space<vmem_shared>>
    tpu.wait_indirect_dma semaphore(%arg19 : memref<!tpu.dma_semaphore, #tpu.memory_space<semaphore_mem>>) src(%dma_wait3A_312 : memref<128x64xf32, #tpu.memory_space<vmem>>) dst(%dma_wait3A_318 : memref<10112x64xf32, #tpu.memory_space<vmem_shared>>)
    %dma_wait3A_319 = arith.constant 4 : i32
    %dma_wait3A_320 = arith.constant 159 : i32
    %dma_wait3A_321 = arith.constant 0 : i32
    %dma_wait3A_322 = arith.constant 0 : i32
    %dma_wait3A_323 = tpu.memref_slice %arg9[%dma_wait3A_319, %dma_wait3A_321, %dma_wait3A_322] : memref<5x128x64xf32, #tpu.memory_space<vmem>> -> memref<1x128x64xf32, #tpu.memory_space<vmem>>
    %dma_wait3A_324 = tpu.memref_squeeze %dma_wait3A_323 : memref<1x128x64xf32, #tpu.memory_space<vmem>> -> memref<128x64xf32, #tpu.memory_space<vmem>>
    %dma_wait3A_325 = arith.constant 0 : i32
    %dma_wait3A_326 = tpu.memref_slice %arg8[%dma_wait3A_320, %dma_wait3A_325] : memref<160x128xi32, #tpu.memory_space<vmem>> -> memref<1x128xi32, #tpu.memory_space<vmem>>
    %dma_wait3A_327 = tpu.memref_squeeze %dma_wait3A_326 : memref<1x128xi32, #tpu.memory_space<vmem>> -> memref<128xi32, #tpu.memory_space<vmem>>
    %dma_wait3A_328 = arith.constant 0 : i32
    %dma_wait3A_329 = arith.constant 0 : i32
    %dma_wait3A_330 = tpu.memref_slice %arg10[%dma_wait3A_328, %dma_wait3A_329] : memref<10112x64xf32, #tpu.memory_space<vmem_shared>> -> memref<10112x64xf32, #tpu.memory_space<vmem_shared>>
    tpu.wait_indirect_dma semaphore(%arg20 : memref<!tpu.dma_semaphore, #tpu.memory_space<semaphore_mem>>) src(%dma_wait3A_324 : memref<128x64xf32, #tpu.memory_space<vmem>>) dst(%dma_wait3A_330 : memref<10112x64xf32, #tpu.memory_space<vmem_shared>>)
    %barrier3A_331 = arith.constant 0 : index
    tpu.barrier barrier_id(%barrier3A_331)
    %mul3A_332 = arith.constant 632 : i32
    %mul3A_333 = arith.muli %arg1, %mul3A_332 : i32
    %mul3A_334 = arith.constant 632 : i32
    %mul3A_335 = arith.muli %arg1, %mul3A_334 : i32
    "tpu.region"() ({
      %run_scoped3A = tpu.sem_alloc : memref<!tpu.dma_semaphore, #tpu.memory_space<semaphore_mem>>
      %dma_start3A_336 = arith.constant 0 : i32
      %dma_start3A_337 = arith.constant 0 : i32
      %dma_start3A_338 = tpu.memref_slice %arg6[%arg0, %dma_start3A_336, %dma_start3A_337] : memref<2x10112x64xf32, #tpu.memory_space<hbm>> -> memref<1x10112x64xf32, #tpu.memory_space<hbm>>
      %dma_start3A_339 = tpu.memref_squeeze %dma_start3A_338 : memref<1x10112x64xf32, #tpu.memory_space<hbm>> -> memref<10112x64xf32, #tpu.memory_space<hbm>>
      %dma_start3A_340 = arith.constant 0 : i32
      %dma_start3A_341 = tpu.memref_slice %dma_start3A_339[%mul3A_335, %dma_start3A_340] : memref<10112x64xf32, #tpu.memory_space<hbm>> -> memref<632x64xf32, #tpu.memory_space<hbm>>
      %dma_start3A_342 = arith.constant 0 : i32
      %dma_start3A_343 = tpu.memref_slice %arg10[%mul3A_333, %dma_start3A_342] : memref<10112x64xf32, #tpu.memory_space<vmem_shared>> -> memref<632x64xf32, #tpu.memory_space<vmem_shared>>
      tpu.enqueue_dma source(%dma_start3A_343 : memref<632x64xf32, #tpu.memory_space<vmem_shared>>) target(%dma_start3A_341 : memref<632x64xf32, #tpu.memory_space<hbm>>) target_semaphore(%run_scoped3A : memref<!tpu.dma_semaphore, #tpu.memory_space<semaphore_mem>>)
      %dma_wait3A_344 = arith.constant 0 : i32
      %dma_wait3A_345 = arith.constant 0 : i32
      %dma_wait3A_346 = tpu.memref_slice %arg6[%arg0, %dma_wait3A_344, %dma_wait3A_345] : memref<2x10112x64xf32, #tpu.memory_space<hbm>> -> memref<1x10112x64xf32, #tpu.memory_space<hbm>>
      %dma_wait3A_347 = tpu.memref_squeeze %dma_wait3A_346 : memref<1x10112x64xf32, #tpu.memory_space<hbm>> -> memref<10112x64xf32, #tpu.memory_space<hbm>>
      %dma_wait3A_348 = arith.constant 0 : i32
      %dma_wait3A_349 = tpu.memref_slice %dma_wait3A_347[%mul3A_335, %dma_wait3A_348] : memref<10112x64xf32, #tpu.memory_space<hbm>> -> memref<632x64xf32, #tpu.memory_space<hbm>>
      %dma_wait3A_350 = arith.constant 0 : i32
      %dma_wait3A_351 = tpu.memref_slice %arg10[%mul3A_333, %dma_wait3A_350] : memref<10112x64xf32, #tpu.memory_space<vmem_shared>> -> memref<632x64xf32, #tpu.memory_space<vmem_shared>>
      tpu.wait_dma2 semaphore(%run_scoped3A : memref<!tpu.dma_semaphore, #tpu.memory_space<semaphore_mem>>) src(%dma_wait3A_351 : memref<632x64xf32, #tpu.memory_space<vmem_shared>>) dst(%dma_wait3A_349 : memref<632x64xf32, #tpu.memory_space<hbm>>)
      tpu.yield
    }) : () -> ()
    return
  }
}

#map = affine_map<(d0, d1) -> (0, 0)>
#map1 = affine_map<(d0, d1) -> (0, 0, 0)>
module attributes {stable_mosaic.version = 14 : i64} {
  func.func @_pairs(%arg0: i32, %arg1: i32, %arg2: memref<10000x128xf32, #tpu.memory_space<hbm>>, %arg3: memref<32x8x128xi32, #tpu.memory_space<hbm>>, %arg4: memref<32768x128xf32, #tpu.memory_space<hbm>>, %arg5: memref<8x128xi32, #tpu.memory_space<vmem>>, %arg6: memref<128x128xf32, #tpu.memory_space<vmem>>, %arg7: memref<128x128xf32, #tpu.memory_space<vmem>>, %arg8: memref<!tpu.dma_semaphore, #tpu.memory_space<semaphore_mem>>, %arg9: memref<!tpu.dma_semaphore, #tpu.memory_space<semaphore_mem>>) attributes {dimension_semantics = [#tpu.dimension_semantics<core_parallel>, #tpu.dimension_semantics<subcore_parallel>], iteration_bounds = array<i64: 2, 16>, scalar_prefetch = 0 : i64, scratch_operands = 5 : i64, tpu.core_type = #tpu.core_type<sc_vector_subcore>, window_params = [{transform_indices = #map}, {transform_indices = #map1}, {transform_indices = #map}]} {
    %mul3A = arith.constant 2 : i32
    %mul3A_0 = arith.muli %arg1, %mul3A : i32
    %add3A = arith.addi %mul3A_0, %arg0 : i32
    %mul3A_1 = arith.constant 1024 : i32
    %mul3A_2 = arith.muli %add3A, %mul3A_1 : i32
    "tpu.region"() ({
      %run_scoped3A = tpu.sem_alloc : memref<!tpu.dma_semaphore, #tpu.memory_space<semaphore_mem>>
      %dma_start3A_129 = arith.constant 0 : i32
      %dma_start3A_130 = arith.constant 0 : i32
      %dma_start3A_131 = tpu.memref_slice %arg3[%add3A, %dma_start3A_129, %dma_start3A_130] : memref<32x8x128xi32, #tpu.memory_space<hbm>> -> memref<1x8x128xi32, #tpu.memory_space<hbm>>
      %dma_start3A_132 = tpu.memref_squeeze %dma_start3A_131 : memref<1x8x128xi32, #tpu.memory_space<hbm>> -> memref<8x128xi32, #tpu.memory_space<hbm>>
      %dma_start3A_133 = arith.constant 0 : i32
      %dma_start3A_134 = arith.constant 0 : i32
      %dma_start3A_135 = tpu.memref_slice %arg3[%add3A, %dma_start3A_133, %dma_start3A_134] : memref<32x8x128xi32, #tpu.memory_space<hbm>> -> memref<1x8x128xi32, #tpu.memory_space<hbm>>
      %dma_start3A_136 = tpu.memref_squeeze %dma_start3A_135 : memref<1x8x128xi32, #tpu.memory_space<hbm>> -> memref<8x128xi32, #tpu.memory_space<hbm>>
      tpu.enqueue_dma source(%dma_start3A_136 : memref<8x128xi32, #tpu.memory_space<hbm>>) target(%arg5 : memref<8x128xi32, #tpu.memory_space<vmem>>) target_semaphore(%run_scoped3A : memref<!tpu.dma_semaphore, #tpu.memory_space<semaphore_mem>>)
      %dma_wait3A_137 = arith.constant 0 : i32
      %dma_wait3A_138 = arith.constant 0 : i32
      %dma_wait3A_139 = tpu.memref_slice %arg3[%add3A, %dma_wait3A_137, %dma_wait3A_138] : memref<32x8x128xi32, #tpu.memory_space<hbm>> -> memref<1x8x128xi32, #tpu.memory_space<hbm>>
      %dma_wait3A_140 = tpu.memref_squeeze %dma_wait3A_139 : memref<1x8x128xi32, #tpu.memory_space<hbm>> -> memref<8x128xi32, #tpu.memory_space<hbm>>
      %dma_wait3A_141 = arith.constant 0 : i32
      %dma_wait3A_142 = arith.constant 0 : i32
      %dma_wait3A_143 = tpu.memref_slice %arg3[%add3A, %dma_wait3A_141, %dma_wait3A_142] : memref<32x8x128xi32, #tpu.memory_space<hbm>> -> memref<1x8x128xi32, #tpu.memory_space<hbm>>
      %dma_wait3A_144 = tpu.memref_squeeze %dma_wait3A_143 : memref<1x8x128xi32, #tpu.memory_space<hbm>> -> memref<8x128xi32, #tpu.memory_space<hbm>>
      tpu.wait_dma2 semaphore(%run_scoped3A : memref<!tpu.dma_semaphore, #tpu.memory_space<semaphore_mem>>) src(%dma_wait3A_144 : memref<8x128xi32, #tpu.memory_space<hbm>>) dst(%arg5 : memref<8x128xi32, #tpu.memory_space<vmem>>)
      tpu.yield
    }) : () -> ()
    %dma_start3A = arith.constant 0 : i32
    %dma_start3A_3 = arith.constant 0 : i32
    %dma_start3A_4 = tpu.memref_slice %arg5[%dma_start3A, %dma_start3A_3] : memref<8x128xi32, #tpu.memory_space<vmem>> -> memref<1x128xi32, #tpu.memory_space<vmem>>
    %dma_start3A_5 = tpu.memref_squeeze %dma_start3A_4 : memref<1x128xi32, #tpu.memory_space<vmem>> -> memref<128xi32, #tpu.memory_space<vmem>>
    %dma_start3A_6 = arith.constant 0 : i32
    %dma_start3A_7 = arith.constant 0 : i32
    %dma_start3A_8 = tpu.memref_slice %arg2[%dma_start3A_6, %dma_start3A_7] : memref<10000x128xf32, #tpu.memory_space<hbm>> -> memref<10000x128xf32, #tpu.memory_space<hbm>>
    tpu.enqueue_indirect_dma source(%dma_start3A_8 : memref<10000x128xf32, #tpu.memory_space<hbm>>) target(%arg6 : memref<128x128xf32, #tpu.memory_space<vmem>>) offsets(%dma_start3A_5 : memref<128xi32, #tpu.memory_space<vmem>>) semaphore(%arg8 : memref<!tpu.dma_semaphore, #tpu.memory_space<semaphore_mem>>)
    %dma_start3A_9 = arith.constant 1 : i32
    %dma_start3A_10 = arith.constant 0 : i32
    %dma_start3A_11 = tpu.memref_slice %arg5[%dma_start3A_9, %dma_start3A_10] : memref<8x128xi32, #tpu.memory_space<vmem>> -> memref<1x128xi32, #tpu.memory_space<vmem>>
    %dma_start3A_12 = tpu.memref_squeeze %dma_start3A_11 : memref<1x128xi32, #tpu.memory_space<vmem>> -> memref<128xi32, #tpu.memory_space<vmem>>
    %dma_start3A_13 = arith.constant 0 : i32
    %dma_start3A_14 = arith.constant 0 : i32
    %dma_start3A_15 = tpu.memref_slice %arg2[%dma_start3A_13, %dma_start3A_14] : memref<10000x128xf32, #tpu.memory_space<hbm>> -> memref<10000x128xf32, #tpu.memory_space<hbm>>
    tpu.enqueue_indirect_dma source(%dma_start3A_15 : memref<10000x128xf32, #tpu.memory_space<hbm>>) target(%arg7 : memref<128x128xf32, #tpu.memory_space<vmem>>) offsets(%dma_start3A_12 : memref<128xi32, #tpu.memory_space<vmem>>) semaphore(%arg9 : memref<!tpu.dma_semaphore, #tpu.memory_space<semaphore_mem>>)
    %dma_wait3A = arith.constant 0 : i32
    %dma_wait3A_16 = arith.constant 0 : i32
    %dma_wait3A_17 = tpu.memref_slice %arg5[%dma_wait3A, %dma_wait3A_16] : memref<8x128xi32, #tpu.memory_space<vmem>> -> memref<1x128xi32, #tpu.memory_space<vmem>>
    %dma_wait3A_18 = tpu.memref_squeeze %dma_wait3A_17 : memref<1x128xi32, #tpu.memory_space<vmem>> -> memref<128xi32, #tpu.memory_space<vmem>>
    %dma_wait3A_19 = arith.constant 0 : i32
    %dma_wait3A_20 = arith.constant 0 : i32
    %dma_wait3A_21 = tpu.memref_slice %arg2[%dma_wait3A_19, %dma_wait3A_20] : memref<10000x128xf32, #tpu.memory_space<hbm>> -> memref<10000x128xf32, #tpu.memory_space<hbm>>
    tpu.wait_indirect_dma semaphore(%arg8 : memref<!tpu.dma_semaphore, #tpu.memory_space<semaphore_mem>>) src(%dma_wait3A_21 : memref<10000x128xf32, #tpu.memory_space<hbm>>) dst(%arg6 : memref<128x128xf32, #tpu.memory_space<vmem>>)
    %add3A_22 = arith.constant 0 : i32
    %add3A_23 = arith.addi %mul3A_2, %add3A_22 : i32
    "tpu.region"() ({
      %run_scoped3A = tpu.sem_alloc : memref<!tpu.dma_semaphore, #tpu.memory_space<semaphore_mem>>
      %dma_start3A_129 = arith.constant 0 : i32
      %dma_start3A_130 = tpu.memref_slice %arg4[%add3A_23, %dma_start3A_129] : memref<32768x128xf32, #tpu.memory_space<hbm>> -> memref<128x128xf32, #tpu.memory_space<hbm>>
      %dma_start3A_131 = arith.constant 0 : i32
      %dma_start3A_132 = tpu.memref_slice %arg4[%add3A_23, %dma_start3A_131] : memref<32768x128xf32, #tpu.memory_space<hbm>> -> memref<128x128xf32, #tpu.memory_space<hbm>>
      tpu.enqueue_dma source(%arg6 : memref<128x128xf32, #tpu.memory_space<vmem>>) target(%dma_start3A_132 : memref<128x128xf32, #tpu.memory_space<hbm>>) target_semaphore(%run_scoped3A : memref<!tpu.dma_semaphore, #tpu.memory_space<semaphore_mem>>)
      %dma_wait3A_133 = arith.constant 0 : i32
      %dma_wait3A_134 = tpu.memref_slice %arg4[%add3A_23, %dma_wait3A_133] : memref<32768x128xf32, #tpu.memory_space<hbm>> -> memref<128x128xf32, #tpu.memory_space<hbm>>
      %dma_wait3A_135 = arith.constant 0 : i32
      %dma_wait3A_136 = tpu.memref_slice %arg4[%add3A_23, %dma_wait3A_135] : memref<32768x128xf32, #tpu.memory_space<hbm>> -> memref<128x128xf32, #tpu.memory_space<hbm>>
      tpu.wait_dma2 semaphore(%run_scoped3A : memref<!tpu.dma_semaphore, #tpu.memory_space<semaphore_mem>>) src(%arg6 : memref<128x128xf32, #tpu.memory_space<vmem>>) dst(%dma_wait3A_136 : memref<128x128xf32, #tpu.memory_space<hbm>>)
      tpu.yield
    }) : () -> ()
    %dma_start3A_24 = arith.constant 2 : i32
    %dma_start3A_25 = arith.constant 0 : i32
    %dma_start3A_26 = tpu.memref_slice %arg5[%dma_start3A_24, %dma_start3A_25] : memref<8x128xi32, #tpu.memory_space<vmem>> -> memref<1x128xi32, #tpu.memory_space<vmem>>
    %dma_start3A_27 = tpu.memref_squeeze %dma_start3A_26 : memref<1x128xi32, #tpu.memory_space<vmem>> -> memref<128xi32, #tpu.memory_space<vmem>>
    %dma_start3A_28 = arith.constant 0 : i32
    %dma_start3A_29 = arith.constant 0 : i32
    %dma_start3A_30 = tpu.memref_slice %arg2[%dma_start3A_28, %dma_start3A_29] : memref<10000x128xf32, #tpu.memory_space<hbm>> -> memref<10000x128xf32, #tpu.memory_space<hbm>>
    tpu.enqueue_indirect_dma source(%dma_start3A_30 : memref<10000x128xf32, #tpu.memory_space<hbm>>) target(%arg6 : memref<128x128xf32, #tpu.memory_space<vmem>>) offsets(%dma_start3A_27 : memref<128xi32, #tpu.memory_space<vmem>>) semaphore(%arg8 : memref<!tpu.dma_semaphore, #tpu.memory_space<semaphore_mem>>)
    %dma_wait3A_31 = arith.constant 1 : i32
    %dma_wait3A_32 = arith.constant 0 : i32
    %dma_wait3A_33 = tpu.memref_slice %arg5[%dma_wait3A_31, %dma_wait3A_32] : memref<8x128xi32, #tpu.memory_space<vmem>> -> memref<1x128xi32, #tpu.memory_space<vmem>>
    %dma_wait3A_34 = tpu.memref_squeeze %dma_wait3A_33 : memref<1x128xi32, #tpu.memory_space<vmem>> -> memref<128xi32, #tpu.memory_space<vmem>>
    %dma_wait3A_35 = arith.constant 0 : i32
    %dma_wait3A_36 = arith.constant 0 : i32
    %dma_wait3A_37 = tpu.memref_slice %arg2[%dma_wait3A_35, %dma_wait3A_36] : memref<10000x128xf32, #tpu.memory_space<hbm>> -> memref<10000x128xf32, #tpu.memory_space<hbm>>
    tpu.wait_indirect_dma semaphore(%arg9 : memref<!tpu.dma_semaphore, #tpu.memory_space<semaphore_mem>>) src(%dma_wait3A_37 : memref<10000x128xf32, #tpu.memory_space<hbm>>) dst(%arg7 : memref<128x128xf32, #tpu.memory_space<vmem>>)
    %add3A_38 = arith.constant 128 : i32
    %add3A_39 = arith.addi %mul3A_2, %add3A_38 : i32
    "tpu.region"() ({
      %run_scoped3A = tpu.sem_alloc : memref<!tpu.dma_semaphore, #tpu.memory_space<semaphore_mem>>
      %dma_start3A_129 = arith.constant 0 : i32
      %dma_start3A_130 = tpu.memref_slice %arg4[%add3A_39, %dma_start3A_129] : memref<32768x128xf32, #tpu.memory_space<hbm>> -> memref<128x128xf32, #tpu.memory_space<hbm>>
      %dma_start3A_131 = arith.constant 0 : i32
      %dma_start3A_132 = tpu.memref_slice %arg4[%add3A_39, %dma_start3A_131] : memref<32768x128xf32, #tpu.memory_space<hbm>> -> memref<128x128xf32, #tpu.memory_space<hbm>>
      tpu.enqueue_dma source(%arg7 : memref<128x128xf32, #tpu.memory_space<vmem>>) target(%dma_start3A_132 : memref<128x128xf32, #tpu.memory_space<hbm>>) target_semaphore(%run_scoped3A : memref<!tpu.dma_semaphore, #tpu.memory_space<semaphore_mem>>)
      %dma_wait3A_133 = arith.constant 0 : i32
      %dma_wait3A_134 = tpu.memref_slice %arg4[%add3A_39, %dma_wait3A_133] : memref<32768x128xf32, #tpu.memory_space<hbm>> -> memref<128x128xf32, #tpu.memory_space<hbm>>
      %dma_wait3A_135 = arith.constant 0 : i32
      %dma_wait3A_136 = tpu.memref_slice %arg4[%add3A_39, %dma_wait3A_135] : memref<32768x128xf32, #tpu.memory_space<hbm>> -> memref<128x128xf32, #tpu.memory_space<hbm>>
      tpu.wait_dma2 semaphore(%run_scoped3A : memref<!tpu.dma_semaphore, #tpu.memory_space<semaphore_mem>>) src(%arg7 : memref<128x128xf32, #tpu.memory_space<vmem>>) dst(%dma_wait3A_136 : memref<128x128xf32, #tpu.memory_space<hbm>>)
      tpu.yield
    }) : () -> ()
    %dma_start3A_40 = arith.constant 3 : i32
    %dma_start3A_41 = arith.constant 0 : i32
    %dma_start3A_42 = tpu.memref_slice %arg5[%dma_start3A_40, %dma_start3A_41] : memref<8x128xi32, #tpu.memory_space<vmem>> -> memref<1x128xi32, #tpu.memory_space<vmem>>
    %dma_start3A_43 = tpu.memref_squeeze %dma_start3A_42 : memref<1x128xi32, #tpu.memory_space<vmem>> -> memref<128xi32, #tpu.memory_space<vmem>>
    %dma_start3A_44 = arith.constant 0 : i32
    %dma_start3A_45 = arith.constant 0 : i32
    %dma_start3A_46 = tpu.memref_slice %arg2[%dma_start3A_44, %dma_start3A_45] : memref<10000x128xf32, #tpu.memory_space<hbm>> -> memref<10000x128xf32, #tpu.memory_space<hbm>>
    tpu.enqueue_indirect_dma source(%dma_start3A_46 : memref<10000x128xf32, #tpu.memory_space<hbm>>) target(%arg7 : memref<128x128xf32, #tpu.memory_space<vmem>>) offsets(%dma_start3A_43 : memref<128xi32, #tpu.memory_space<vmem>>) semaphore(%arg9 : memref<!tpu.dma_semaphore, #tpu.memory_space<semaphore_mem>>)
    %dma_wait3A_47 = arith.constant 2 : i32
    %dma_wait3A_48 = arith.constant 0 : i32
    %dma_wait3A_49 = tpu.memref_slice %arg5[%dma_wait3A_47, %dma_wait3A_48] : memref<8x128xi32, #tpu.memory_space<vmem>> -> memref<1x128xi32, #tpu.memory_space<vmem>>
    %dma_wait3A_50 = tpu.memref_squeeze %dma_wait3A_49 : memref<1x128xi32, #tpu.memory_space<vmem>> -> memref<128xi32, #tpu.memory_space<vmem>>
    %dma_wait3A_51 = arith.constant 0 : i32
    %dma_wait3A_52 = arith.constant 0 : i32
    %dma_wait3A_53 = tpu.memref_slice %arg2[%dma_wait3A_51, %dma_wait3A_52] : memref<10000x128xf32, #tpu.memory_space<hbm>> -> memref<10000x128xf32, #tpu.memory_space<hbm>>
    tpu.wait_indirect_dma semaphore(%arg8 : memref<!tpu.dma_semaphore, #tpu.memory_space<semaphore_mem>>) src(%dma_wait3A_53 : memref<10000x128xf32, #tpu.memory_space<hbm>>) dst(%arg6 : memref<128x128xf32, #tpu.memory_space<vmem>>)
    %add3A_54 = arith.constant 256 : i32
    %add3A_55 = arith.addi %mul3A_2, %add3A_54 : i32
    "tpu.region"() ({
      %run_scoped3A = tpu.sem_alloc : memref<!tpu.dma_semaphore, #tpu.memory_space<semaphore_mem>>
      %dma_start3A_129 = arith.constant 0 : i32
      %dma_start3A_130 = tpu.memref_slice %arg4[%add3A_55, %dma_start3A_129] : memref<32768x128xf32, #tpu.memory_space<hbm>> -> memref<128x128xf32, #tpu.memory_space<hbm>>
      %dma_start3A_131 = arith.constant 0 : i32
      %dma_start3A_132 = tpu.memref_slice %arg4[%add3A_55, %dma_start3A_131] : memref<32768x128xf32, #tpu.memory_space<hbm>> -> memref<128x128xf32, #tpu.memory_space<hbm>>
      tpu.enqueue_dma source(%arg6 : memref<128x128xf32, #tpu.memory_space<vmem>>) target(%dma_start3A_132 : memref<128x128xf32, #tpu.memory_space<hbm>>) target_semaphore(%run_scoped3A : memref<!tpu.dma_semaphore, #tpu.memory_space<semaphore_mem>>)
      %dma_wait3A_133 = arith.constant 0 : i32
      %dma_wait3A_134 = tpu.memref_slice %arg4[%add3A_55, %dma_wait3A_133] : memref<32768x128xf32, #tpu.memory_space<hbm>> -> memref<128x128xf32, #tpu.memory_space<hbm>>
      %dma_wait3A_135 = arith.constant 0 : i32
      %dma_wait3A_136 = tpu.memref_slice %arg4[%add3A_55, %dma_wait3A_135] : memref<32768x128xf32, #tpu.memory_space<hbm>> -> memref<128x128xf32, #tpu.memory_space<hbm>>
      tpu.wait_dma2 semaphore(%run_scoped3A : memref<!tpu.dma_semaphore, #tpu.memory_space<semaphore_mem>>) src(%arg6 : memref<128x128xf32, #tpu.memory_space<vmem>>) dst(%dma_wait3A_136 : memref<128x128xf32, #tpu.memory_space<hbm>>)
      tpu.yield
    }) : () -> ()
    %dma_start3A_56 = arith.constant 4 : i32
    %dma_start3A_57 = arith.constant 0 : i32
    %dma_start3A_58 = tpu.memref_slice %arg5[%dma_start3A_56, %dma_start3A_57] : memref<8x128xi32, #tpu.memory_space<vmem>> -> memref<1x128xi32, #tpu.memory_space<vmem>>
    %dma_start3A_59 = tpu.memref_squeeze %dma_start3A_58 : memref<1x128xi32, #tpu.memory_space<vmem>> -> memref<128xi32, #tpu.memory_space<vmem>>
    %dma_start3A_60 = arith.constant 0 : i32
    %dma_start3A_61 = arith.constant 0 : i32
    %dma_start3A_62 = tpu.memref_slice %arg2[%dma_start3A_60, %dma_start3A_61] : memref<10000x128xf32, #tpu.memory_space<hbm>> -> memref<10000x128xf32, #tpu.memory_space<hbm>>
    tpu.enqueue_indirect_dma source(%dma_start3A_62 : memref<10000x128xf32, #tpu.memory_space<hbm>>) target(%arg6 : memref<128x128xf32, #tpu.memory_space<vmem>>) offsets(%dma_start3A_59 : memref<128xi32, #tpu.memory_space<vmem>>) semaphore(%arg8 : memref<!tpu.dma_semaphore, #tpu.memory_space<semaphore_mem>>)
    %dma_wait3A_63 = arith.constant 3 : i32
    %dma_wait3A_64 = arith.constant 0 : i32
    %dma_wait3A_65 = tpu.memref_slice %arg5[%dma_wait3A_63, %dma_wait3A_64] : memref<8x128xi32, #tpu.memory_space<vmem>> -> memref<1x128xi32, #tpu.memory_space<vmem>>
    %dma_wait3A_66 = tpu.memref_squeeze %dma_wait3A_65 : memref<1x128xi32, #tpu.memory_space<vmem>> -> memref<128xi32, #tpu.memory_space<vmem>>
    %dma_wait3A_67 = arith.constant 0 : i32
    %dma_wait3A_68 = arith.constant 0 : i32
    %dma_wait3A_69 = tpu.memref_slice %arg2[%dma_wait3A_67, %dma_wait3A_68] : memref<10000x128xf32, #tpu.memory_space<hbm>> -> memref<10000x128xf32, #tpu.memory_space<hbm>>
    tpu.wait_indirect_dma semaphore(%arg9 : memref<!tpu.dma_semaphore, #tpu.memory_space<semaphore_mem>>) src(%dma_wait3A_69 : memref<10000x128xf32, #tpu.memory_space<hbm>>) dst(%arg7 : memref<128x128xf32, #tpu.memory_space<vmem>>)
    %add3A_70 = arith.constant 384 : i32
    %add3A_71 = arith.addi %mul3A_2, %add3A_70 : i32
    "tpu.region"() ({
      %run_scoped3A = tpu.sem_alloc : memref<!tpu.dma_semaphore, #tpu.memory_space<semaphore_mem>>
      %dma_start3A_129 = arith.constant 0 : i32
      %dma_start3A_130 = tpu.memref_slice %arg4[%add3A_71, %dma_start3A_129] : memref<32768x128xf32, #tpu.memory_space<hbm>> -> memref<128x128xf32, #tpu.memory_space<hbm>>
      %dma_start3A_131 = arith.constant 0 : i32
      %dma_start3A_132 = tpu.memref_slice %arg4[%add3A_71, %dma_start3A_131] : memref<32768x128xf32, #tpu.memory_space<hbm>> -> memref<128x128xf32, #tpu.memory_space<hbm>>
      tpu.enqueue_dma source(%arg7 : memref<128x128xf32, #tpu.memory_space<vmem>>) target(%dma_start3A_132 : memref<128x128xf32, #tpu.memory_space<hbm>>) target_semaphore(%run_scoped3A : memref<!tpu.dma_semaphore, #tpu.memory_space<semaphore_mem>>)
      %dma_wait3A_133 = arith.constant 0 : i32
      %dma_wait3A_134 = tpu.memref_slice %arg4[%add3A_71, %dma_wait3A_133] : memref<32768x128xf32, #tpu.memory_space<hbm>> -> memref<128x128xf32, #tpu.memory_space<hbm>>
      %dma_wait3A_135 = arith.constant 0 : i32
      %dma_wait3A_136 = tpu.memref_slice %arg4[%add3A_71, %dma_wait3A_135] : memref<32768x128xf32, #tpu.memory_space<hbm>> -> memref<128x128xf32, #tpu.memory_space<hbm>>
      tpu.wait_dma2 semaphore(%run_scoped3A : memref<!tpu.dma_semaphore, #tpu.memory_space<semaphore_mem>>) src(%arg7 : memref<128x128xf32, #tpu.memory_space<vmem>>) dst(%dma_wait3A_136 : memref<128x128xf32, #tpu.memory_space<hbm>>)
      tpu.yield
    }) : () -> ()
    %dma_start3A_72 = arith.constant 5 : i32
    %dma_start3A_73 = arith.constant 0 : i32
    %dma_start3A_74 = tpu.memref_slice %arg5[%dma_start3A_72, %dma_start3A_73] : memref<8x128xi32, #tpu.memory_space<vmem>> -> memref<1x128xi32, #tpu.memory_space<vmem>>
    %dma_start3A_75 = tpu.memref_squeeze %dma_start3A_74 : memref<1x128xi32, #tpu.memory_space<vmem>> -> memref<128xi32, #tpu.memory_space<vmem>>
    %dma_start3A_76 = arith.constant 0 : i32
    %dma_start3A_77 = arith.constant 0 : i32
    %dma_start3A_78 = tpu.memref_slice %arg2[%dma_start3A_76, %dma_start3A_77] : memref<10000x128xf32, #tpu.memory_space<hbm>> -> memref<10000x128xf32, #tpu.memory_space<hbm>>
    tpu.enqueue_indirect_dma source(%dma_start3A_78 : memref<10000x128xf32, #tpu.memory_space<hbm>>) target(%arg7 : memref<128x128xf32, #tpu.memory_space<vmem>>) offsets(%dma_start3A_75 : memref<128xi32, #tpu.memory_space<vmem>>) semaphore(%arg9 : memref<!tpu.dma_semaphore, #tpu.memory_space<semaphore_mem>>)
    %dma_wait3A_79 = arith.constant 4 : i32
    %dma_wait3A_80 = arith.constant 0 : i32
    %dma_wait3A_81 = tpu.memref_slice %arg5[%dma_wait3A_79, %dma_wait3A_80] : memref<8x128xi32, #tpu.memory_space<vmem>> -> memref<1x128xi32, #tpu.memory_space<vmem>>
    %dma_wait3A_82 = tpu.memref_squeeze %dma_wait3A_81 : memref<1x128xi32, #tpu.memory_space<vmem>> -> memref<128xi32, #tpu.memory_space<vmem>>
    %dma_wait3A_83 = arith.constant 0 : i32
    %dma_wait3A_84 = arith.constant 0 : i32
    %dma_wait3A_85 = tpu.memref_slice %arg2[%dma_wait3A_83, %dma_wait3A_84] : memref<10000x128xf32, #tpu.memory_space<hbm>> -> memref<10000x128xf32, #tpu.memory_space<hbm>>
    tpu.wait_indirect_dma semaphore(%arg8 : memref<!tpu.dma_semaphore, #tpu.memory_space<semaphore_mem>>) src(%dma_wait3A_85 : memref<10000x128xf32, #tpu.memory_space<hbm>>) dst(%arg6 : memref<128x128xf32, #tpu.memory_space<vmem>>)
    %add3A_86 = arith.constant 512 : i32
    %add3A_87 = arith.addi %mul3A_2, %add3A_86 : i32
    "tpu.region"() ({
      %run_scoped3A = tpu.sem_alloc : memref<!tpu.dma_semaphore, #tpu.memory_space<semaphore_mem>>
      %dma_start3A_129 = arith.constant 0 : i32
      %dma_start3A_130 = tpu.memref_slice %arg4[%add3A_87, %dma_start3A_129] : memref<32768x128xf32, #tpu.memory_space<hbm>> -> memref<128x128xf32, #tpu.memory_space<hbm>>
      %dma_start3A_131 = arith.constant 0 : i32
      %dma_start3A_132 = tpu.memref_slice %arg4[%add3A_87, %dma_start3A_131] : memref<32768x128xf32, #tpu.memory_space<hbm>> -> memref<128x128xf32, #tpu.memory_space<hbm>>
      tpu.enqueue_dma source(%arg6 : memref<128x128xf32, #tpu.memory_space<vmem>>) target(%dma_start3A_132 : memref<128x128xf32, #tpu.memory_space<hbm>>) target_semaphore(%run_scoped3A : memref<!tpu.dma_semaphore, #tpu.memory_space<semaphore_mem>>)
      %dma_wait3A_133 = arith.constant 0 : i32
      %dma_wait3A_134 = tpu.memref_slice %arg4[%add3A_87, %dma_wait3A_133] : memref<32768x128xf32, #tpu.memory_space<hbm>> -> memref<128x128xf32, #tpu.memory_space<hbm>>
      %dma_wait3A_135 = arith.constant 0 : i32
      %dma_wait3A_136 = tpu.memref_slice %arg4[%add3A_87, %dma_wait3A_135] : memref<32768x128xf32, #tpu.memory_space<hbm>> -> memref<128x128xf32, #tpu.memory_space<hbm>>
      tpu.wait_dma2 semaphore(%run_scoped3A : memref<!tpu.dma_semaphore, #tpu.memory_space<semaphore_mem>>) src(%arg6 : memref<128x128xf32, #tpu.memory_space<vmem>>) dst(%dma_wait3A_136 : memref<128x128xf32, #tpu.memory_space<hbm>>)
      tpu.yield
    }) : () -> ()
    %dma_start3A_88 = arith.constant 6 : i32
    %dma_start3A_89 = arith.constant 0 : i32
    %dma_start3A_90 = tpu.memref_slice %arg5[%dma_start3A_88, %dma_start3A_89] : memref<8x128xi32, #tpu.memory_space<vmem>> -> memref<1x128xi32, #tpu.memory_space<vmem>>
    %dma_start3A_91 = tpu.memref_squeeze %dma_start3A_90 : memref<1x128xi32, #tpu.memory_space<vmem>> -> memref<128xi32, #tpu.memory_space<vmem>>
    %dma_start3A_92 = arith.constant 0 : i32
    %dma_start3A_93 = arith.constant 0 : i32
    %dma_start3A_94 = tpu.memref_slice %arg2[%dma_start3A_92, %dma_start3A_93] : memref<10000x128xf32, #tpu.memory_space<hbm>> -> memref<10000x128xf32, #tpu.memory_space<hbm>>
    tpu.enqueue_indirect_dma source(%dma_start3A_94 : memref<10000x128xf32, #tpu.memory_space<hbm>>) target(%arg6 : memref<128x128xf32, #tpu.memory_space<vmem>>) offsets(%dma_start3A_91 : memref<128xi32, #tpu.memory_space<vmem>>) semaphore(%arg8 : memref<!tpu.dma_semaphore, #tpu.memory_space<semaphore_mem>>)
    %dma_wait3A_95 = arith.constant 5 : i32
    %dma_wait3A_96 = arith.constant 0 : i32
    %dma_wait3A_97 = tpu.memref_slice %arg5[%dma_wait3A_95, %dma_wait3A_96] : memref<8x128xi32, #tpu.memory_space<vmem>> -> memref<1x128xi32, #tpu.memory_space<vmem>>
    %dma_wait3A_98 = tpu.memref_squeeze %dma_wait3A_97 : memref<1x128xi32, #tpu.memory_space<vmem>> -> memref<128xi32, #tpu.memory_space<vmem>>
    %dma_wait3A_99 = arith.constant 0 : i32
    %dma_wait3A_100 = arith.constant 0 : i32
    %dma_wait3A_101 = tpu.memref_slice %arg2[%dma_wait3A_99, %dma_wait3A_100] : memref<10000x128xf32, #tpu.memory_space<hbm>> -> memref<10000x128xf32, #tpu.memory_space<hbm>>
    tpu.wait_indirect_dma semaphore(%arg9 : memref<!tpu.dma_semaphore, #tpu.memory_space<semaphore_mem>>) src(%dma_wait3A_101 : memref<10000x128xf32, #tpu.memory_space<hbm>>) dst(%arg7 : memref<128x128xf32, #tpu.memory_space<vmem>>)
    %add3A_102 = arith.constant 640 : i32
    %add3A_103 = arith.addi %mul3A_2, %add3A_102 : i32
    "tpu.region"() ({
      %run_scoped3A = tpu.sem_alloc : memref<!tpu.dma_semaphore, #tpu.memory_space<semaphore_mem>>
      %dma_start3A_129 = arith.constant 0 : i32
      %dma_start3A_130 = tpu.memref_slice %arg4[%add3A_103, %dma_start3A_129] : memref<32768x128xf32, #tpu.memory_space<hbm>> -> memref<128x128xf32, #tpu.memory_space<hbm>>
      %dma_start3A_131 = arith.constant 0 : i32
      %dma_start3A_132 = tpu.memref_slice %arg4[%add3A_103, %dma_start3A_131] : memref<32768x128xf32, #tpu.memory_space<hbm>> -> memref<128x128xf32, #tpu.memory_space<hbm>>
      tpu.enqueue_dma source(%arg7 : memref<128x128xf32, #tpu.memory_space<vmem>>) target(%dma_start3A_132 : memref<128x128xf32, #tpu.memory_space<hbm>>) target_semaphore(%run_scoped3A : memref<!tpu.dma_semaphore, #tpu.memory_space<semaphore_mem>>)
      %dma_wait3A_133 = arith.constant 0 : i32
      %dma_wait3A_134 = tpu.memref_slice %arg4[%add3A_103, %dma_wait3A_133] : memref<32768x128xf32, #tpu.memory_space<hbm>> -> memref<128x128xf32, #tpu.memory_space<hbm>>
      %dma_wait3A_135 = arith.constant 0 : i32
      %dma_wait3A_136 = tpu.memref_slice %arg4[%add3A_103, %dma_wait3A_135] : memref<32768x128xf32, #tpu.memory_space<hbm>> -> memref<128x128xf32, #tpu.memory_space<hbm>>
      tpu.wait_dma2 semaphore(%run_scoped3A : memref<!tpu.dma_semaphore, #tpu.memory_space<semaphore_mem>>) src(%arg7 : memref<128x128xf32, #tpu.memory_space<vmem>>) dst(%dma_wait3A_136 : memref<128x128xf32, #tpu.memory_space<hbm>>)
      tpu.yield
    }) : () -> ()
    %dma_start3A_104 = arith.constant 7 : i32
    %dma_start3A_105 = arith.constant 0 : i32
    %dma_start3A_106 = tpu.memref_slice %arg5[%dma_start3A_104, %dma_start3A_105] : memref<8x128xi32, #tpu.memory_space<vmem>> -> memref<1x128xi32, #tpu.memory_space<vmem>>
    %dma_start3A_107 = tpu.memref_squeeze %dma_start3A_106 : memref<1x128xi32, #tpu.memory_space<vmem>> -> memref<128xi32, #tpu.memory_space<vmem>>
    %dma_start3A_108 = arith.constant 0 : i32
    %dma_start3A_109 = arith.constant 0 : i32
    %dma_start3A_110 = tpu.memref_slice %arg2[%dma_start3A_108, %dma_start3A_109] : memref<10000x128xf32, #tpu.memory_space<hbm>> -> memref<10000x128xf32, #tpu.memory_space<hbm>>
    tpu.enqueue_indirect_dma source(%dma_start3A_110 : memref<10000x128xf32, #tpu.memory_space<hbm>>) target(%arg7 : memref<128x128xf32, #tpu.memory_space<vmem>>) offsets(%dma_start3A_107 : memref<128xi32, #tpu.memory_space<vmem>>) semaphore(%arg9 : memref<!tpu.dma_semaphore, #tpu.memory_space<semaphore_mem>>)
    %dma_wait3A_111 = arith.constant 6 : i32
    %dma_wait3A_112 = arith.constant 0 : i32
    %dma_wait3A_113 = tpu.memref_slice %arg5[%dma_wait3A_111, %dma_wait3A_112] : memref<8x128xi32, #tpu.memory_space<vmem>> -> memref<1x128xi32, #tpu.memory_space<vmem>>
    %dma_wait3A_114 = tpu.memref_squeeze %dma_wait3A_113 : memref<1x128xi32, #tpu.memory_space<vmem>> -> memref<128xi32, #tpu.memory_space<vmem>>
    %dma_wait3A_115 = arith.constant 0 : i32
    %dma_wait3A_116 = arith.constant 0 : i32
    %dma_wait3A_117 = tpu.memref_slice %arg2[%dma_wait3A_115, %dma_wait3A_116] : memref<10000x128xf32, #tpu.memory_space<hbm>> -> memref<10000x128xf32, #tpu.memory_space<hbm>>
    tpu.wait_indirect_dma semaphore(%arg8 : memref<!tpu.dma_semaphore, #tpu.memory_space<semaphore_mem>>) src(%dma_wait3A_117 : memref<10000x128xf32, #tpu.memory_space<hbm>>) dst(%arg6 : memref<128x128xf32, #tpu.memory_space<vmem>>)
    %add3A_118 = arith.constant 768 : i32
    %add3A_119 = arith.addi %mul3A_2, %add3A_118 : i32
    "tpu.region"() ({
      %run_scoped3A = tpu.sem_alloc : memref<!tpu.dma_semaphore, #tpu.memory_space<semaphore_mem>>
      %dma_start3A_129 = arith.constant 0 : i32
      %dma_start3A_130 = tpu.memref_slice %arg4[%add3A_119, %dma_start3A_129] : memref<32768x128xf32, #tpu.memory_space<hbm>> -> memref<128x128xf32, #tpu.memory_space<hbm>>
      %dma_start3A_131 = arith.constant 0 : i32
      %dma_start3A_132 = tpu.memref_slice %arg4[%add3A_119, %dma_start3A_131] : memref<32768x128xf32, #tpu.memory_space<hbm>> -> memref<128x128xf32, #tpu.memory_space<hbm>>
      tpu.enqueue_dma source(%arg6 : memref<128x128xf32, #tpu.memory_space<vmem>>) target(%dma_start3A_132 : memref<128x128xf32, #tpu.memory_space<hbm>>) target_semaphore(%run_scoped3A : memref<!tpu.dma_semaphore, #tpu.memory_space<semaphore_mem>>)
      %dma_wait3A_133 = arith.constant 0 : i32
      %dma_wait3A_134 = tpu.memref_slice %arg4[%add3A_119, %dma_wait3A_133] : memref<32768x128xf32, #tpu.memory_space<hbm>> -> memref<128x128xf32, #tpu.memory_space<hbm>>
      %dma_wait3A_135 = arith.constant 0 : i32
      %dma_wait3A_136 = tpu.memref_slice %arg4[%add3A_119, %dma_wait3A_135] : memref<32768x128xf32, #tpu.memory_space<hbm>> -> memref<128x128xf32, #tpu.memory_space<hbm>>
      tpu.wait_dma2 semaphore(%run_scoped3A : memref<!tpu.dma_semaphore, #tpu.memory_space<semaphore_mem>>) src(%arg6 : memref<128x128xf32, #tpu.memory_space<vmem>>) dst(%dma_wait3A_136 : memref<128x128xf32, #tpu.memory_space<hbm>>)
      tpu.yield
    }) : () -> ()
    %dma_wait3A_120 = arith.constant 7 : i32
    %dma_wait3A_121 = arith.constant 0 : i32
    %dma_wait3A_122 = tpu.memref_slice %arg5[%dma_wait3A_120, %dma_wait3A_121] : memref<8x128xi32, #tpu.memory_space<vmem>> -> memref<1x128xi32, #tpu.memory_space<vmem>>
    %dma_wait3A_123 = tpu.memref_squeeze %dma_wait3A_122 : memref<1x128xi32, #tpu.memory_space<vmem>> -> memref<128xi32, #tpu.memory_space<vmem>>
    %dma_wait3A_124 = arith.constant 0 : i32
    %dma_wait3A_125 = arith.constant 0 : i32
    %dma_wait3A_126 = tpu.memref_slice %arg2[%dma_wait3A_124, %dma_wait3A_125] : memref<10000x128xf32, #tpu.memory_space<hbm>> -> memref<10000x128xf32, #tpu.memory_space<hbm>>
    tpu.wait_indirect_dma semaphore(%arg9 : memref<!tpu.dma_semaphore, #tpu.memory_space<semaphore_mem>>) src(%dma_wait3A_126 : memref<10000x128xf32, #tpu.memory_space<hbm>>) dst(%arg7 : memref<128x128xf32, #tpu.memory_space<vmem>>)
    %add3A_127 = arith.constant 896 : i32
    %add3A_128 = arith.addi %mul3A_2, %add3A_127 : i32
    "tpu.region"() ({
      %run_scoped3A = tpu.sem_alloc : memref<!tpu.dma_semaphore, #tpu.memory_space<semaphore_mem>>
      %dma_start3A_129 = arith.constant 0 : i32
      %dma_start3A_130 = tpu.memref_slice %arg4[%add3A_128, %dma_start3A_129] : memref<32768x128xf32, #tpu.memory_space<hbm>> -> memref<128x128xf32, #tpu.memory_space<hbm>>
      %dma_start3A_131 = arith.constant 0 : i32
      %dma_start3A_132 = tpu.memref_slice %arg4[%add3A_128, %dma_start3A_131] : memref<32768x128xf32, #tpu.memory_space<hbm>> -> memref<128x128xf32, #tpu.memory_space<hbm>>
      tpu.enqueue_dma source(%arg7 : memref<128x128xf32, #tpu.memory_space<vmem>>) target(%dma_start3A_132 : memref<128x128xf32, #tpu.memory_space<hbm>>) target_semaphore(%run_scoped3A : memref<!tpu.dma_semaphore, #tpu.memory_space<semaphore_mem>>)
      %dma_wait3A_133 = arith.constant 0 : i32
      %dma_wait3A_134 = tpu.memref_slice %arg4[%add3A_128, %dma_wait3A_133] : memref<32768x128xf32, #tpu.memory_space<hbm>> -> memref<128x128xf32, #tpu.memory_space<hbm>>
      %dma_wait3A_135 = arith.constant 0 : i32
      %dma_wait3A_136 = tpu.memref_slice %arg4[%add3A_128, %dma_wait3A_135] : memref<32768x128xf32, #tpu.memory_space<hbm>> -> memref<128x128xf32, #tpu.memory_space<hbm>>
      tpu.wait_dma2 semaphore(%run_scoped3A : memref<!tpu.dma_semaphore, #tpu.memory_space<semaphore_mem>>) src(%arg7 : memref<128x128xf32, #tpu.memory_space<vmem>>) dst(%dma_wait3A_136 : memref<128x128xf32, #tpu.memory_space<hbm>>)
      tpu.yield
    }) : () -> ()
    return
  }
}

module attributes {stable_mosaic.version = 14 : i64} {
  func.func @_mm_body(%arg0: i32, %arg1: memref<2000x128xf32, #tpu.memory_space<vmem>>, %arg2: memref<128x128xf32, #tpu.memory_space<vmem>>, %arg3: memref<2000x128xf32, #tpu.memory_space<vmem>>) attributes {dimension_semantics = [#tpu.dimension_semantics<arbitrary>], iteration_bounds = array<i64: 5>, scalar_prefetch = 0 : i64, scratch_operands = 0 : i64, tpu.core_type = #tpu.core_type<tc>, window_params = [{transform_indices = @transform_0, window_bounds = array<i64: 2000, 128>}, {pipeline_mode = #tpu.pipeline_mode<synchronous>, transform_indices = @transform_1, window_bounds = array<i64: 128, 128>}, {transform_indices = @transform_2, window_bounds = array<i64: 2000, 128>}]} {
    %get3A = arith.constant 0 : index
    %get3A_0 = arith.constant 0 : index
    %get3A_1 = vector.load %arg1[%get3A, %get3A_0] : memref<2000x128xf32, #tpu.memory_space<vmem>>, vector<2000x128xf32>
    %get3A_2 = arith.constant 0 : index
    %get3A_3 = arith.constant 0 : index
    %get3A_4 = vector.load %arg2[%get3A_2, %get3A_3] : memref<128x128xf32, #tpu.memory_space<vmem>>, vector<128x128xf32>
    %dot_general3A = arith.constant dense<0.000000e+00> : vector<2000x128xf32>
    %dot_general3A_5 = tpu.matmul %get3A_1, %get3A_4, %dot_general3A {dimension_numbers = #tpu.dot_dimension_numbers<[1], [0], [0], [1], [0, 0, 1, 1], [], []>, precision = #tpu.contract_precision<fp32>, transpose_lhs_hint = false} : vector<2000x128xf32>, vector<128x128xf32>, vector<2000x128xf32> -> vector<2000x128xf32>
    %swap3A = arith.constant 0 : index
    %swap3A_6 = arith.constant 0 : index
    %swap3A_7 = vector.load %arg3[%swap3A, %swap3A_6] : memref<2000x128xf32, #tpu.memory_space<vmem>>, vector<2000x128xf32>
    tpu.vector_store %arg3[%swap3A, %swap3A_6], %dot_general3A_5 {strides = array<i32>} : memref<2000x128xf32, #tpu.memory_space<vmem>>, vector<2000x128xf32>,
    return
  }
  func.func @transform_0(%arg0: i32) -> (i32, i32) {
    %c0_i32 = arith.constant 0 : i32
    %c0_i32_0 = arith.constant 0 : i32
    return %arg0, %c0_i32 : i32, i32
  }
  func.func @transform_1(%arg0: i32) -> (i32, i32) {
    %c0_i32 = arith.constant 0 : i32
    %c0_i32_0 = arith.constant 0 : i32
    %c0_i32_1 = arith.constant 0 : i32
    return %c0_i32, %c0_i32_0 : i32, i32
  }
  func.func @transform_2(%arg0: i32) -> (i32, i32) {
    %c0_i32 = arith.constant 0 : i32
    %c0_i32_0 = arith.constant 0 : i32
    return %arg0, %c0_i32 : i32, i32
  }
}

module attributes {stable_mosaic.version = 14 : i64} {
  func.func @_sp_body(%arg0: i32, %arg1: memref<2x2000x16xf32, #tpu.memory_space<vmem>>, %arg2: memref<2000x128xf32, #tpu.memory_space<vmem>>, %arg3: memref<2000x1xf32, #tpu.memory_space<vmem>>, %arg4: memref<2000x1xf32, #tpu.memory_space<vmem>>, %arg5: memref<2x2000x64xf32, #tpu.memory_space<vmem>>) attributes {dimension_semantics = [#tpu.dimension_semantics<arbitrary>], iteration_bounds = array<i64: 5>, scalar_prefetch = 0 : i64, scratch_operands = 0 : i64, tpu.core_type = #tpu.core_type<tc>, window_params = [{transform_indices = @transform_0, window_bounds = array<i64: 2, 2000, 16>}, {transform_indices = @transform_1, window_bounds = array<i64: 2000, 128>}, {transform_indices = @transform_2, window_bounds = array<i64: 2000, 1>}, {transform_indices = @transform_3, window_bounds = array<i64: 2000, 1>}, {transform_indices = @transform_4, window_bounds = array<i64: 2, 2000, 64>}]} {
    %get3A = arith.constant 0 : index
    %get3A_0 = arith.constant 0 : index
    %get3A_1 = arith.constant 0 : index
    %get3A_2 = vector.load %arg1[%get3A, %get3A_0, %get3A_1] : memref<2x2000x16xf32, #tpu.memory_space<vmem>>, vector<1x2000x1xf32>
    %get3A_3 = vector.shape_cast %get3A_2 : vector<1x2000x1xf32> to vector<2000x1xf32>
    %get3A_4 = arith.constant 1 : index
    %get3A_5 = arith.constant 0 : index
    %get3A_6 = arith.constant 0 : index
    %get3A_7 = vector.load %arg1[%get3A_4, %get3A_5, %get3A_6] : memref<2x2000x16xf32, #tpu.memory_space<vmem>>, vector<1x2000x1xf32>
    %get3A_8 = vector.shape_cast %get3A_7 : vector<1x2000x1xf32> to vector<2000x1xf32>
    %add3A = arith.addf %get3A_3, %get3A_8 : vector<2000x1xf32>
    %add3A_9 = arith.constant 1.000000e+00 : f32
    %add3A_10 = vector.broadcast %add3A_9 : f32 to vector<2000x1xf32>
    %add3A_11 = arith.addf %add3A, %add3A_10 : vector<2000x1xf32>
    %rsqrt3A = math.rsqrt %add3A_11 : vector<2000x1xf32>
    %swap3A = arith.constant 0 : index
    %swap3A_12 = arith.constant 0 : index
    %swap3A_13 = vector.load %arg3[%swap3A, %swap3A_12] : memref<2000x1xf32, #tpu.memory_space<vmem>>, vector<2000x1xf32>
    tpu.vector_store %arg3[%swap3A, %swap3A_12], %rsqrt3A {strides = array<i32>} : memref<2000x1xf32, #tpu.memory_space<vmem>>, vector<2000x1xf32>,
    %div3A = arith.constant 1.000000e+00 : f32
    %div3A_14 = vector.broadcast %div3A : f32 to vector<2000x1xf32>
    %div3A_15 = arith.divf %div3A_14, %add3A_11 : vector<2000x1xf32>
    %swap3A_16 = arith.constant 0 : index
    %swap3A_17 = arith.constant 0 : index
    %swap3A_18 = vector.load %arg4[%swap3A_16, %swap3A_17] : memref<2000x1xf32, #tpu.memory_space<vmem>>, vector<2000x1xf32>
    tpu.vector_store %arg4[%swap3A_16, %swap3A_17], %div3A_15 {strides = array<i32>} : memref<2000x1xf32, #tpu.memory_space<vmem>>, vector<2000x1xf32>,
    %get3A_19 = arith.constant 0 : index
    %get3A_20 = arith.constant 0 : index
    %get3A_21 = vector.load %arg2[%get3A_19, %get3A_20] : memref<2000x128xf32, #tpu.memory_space<vmem>>, vector<2000x128xf32>
    %mul3A = vector.broadcast %rsqrt3A : vector<2000x1xf32> to vector<2000x128xf32>
    %mul3A_22 = arith.mulf %get3A_21, %mul3A : vector<2000x128xf32>
    %slice3A = vector.extract_strided_slice %mul3A_22 {offsets = [0, 0], sizes = [2000, 64], strides = [1, 1]} : vector<2000x128xf32> to vector<2000x64xf32>
    %swap3A_23 = arith.constant 0 : index
    %swap3A_24 = arith.constant 0 : index
    %swap3A_25 = arith.constant 0 : index
    %swap3A_26 = vector.load %arg5[%swap3A_23, %swap3A_24, %swap3A_25] : memref<2x2000x64xf32, #tpu.memory_space<vmem>>, vector<1x2000x64xf32>
    %swap3A_27 = vector.shape_cast %swap3A_26 : vector<1x2000x64xf32> to vector<2000x64xf32>
    %swap3A_28 = vector.shape_cast %slice3A : vector<2000x64xf32> to vector<1x2000x64xf32>
    tpu.vector_store %arg5[%swap3A_23, %swap3A_24, %swap3A_25], %swap3A_28 {strides = array<i32>} : memref<2x2000x64xf32, #tpu.memory_space<vmem>>, vector<1x2000x64xf32>,
    %slice3A_29 = vector.extract_strided_slice %mul3A_22 {offsets = [0, 64], sizes = [2000, 64], strides = [1, 1]} : vector<2000x128xf32> to vector<2000x64xf32>
    %swap3A_30 = arith.constant 1 : index
    %swap3A_31 = arith.constant 0 : index
    %swap3A_32 = arith.constant 0 : index
    %swap3A_33 = vector.load %arg5[%swap3A_30, %swap3A_31, %swap3A_32] : memref<2x2000x64xf32, #tpu.memory_space<vmem>>, vector<1x2000x64xf32>
    %swap3A_34 = vector.shape_cast %swap3A_33 : vector<1x2000x64xf32> to vector<2000x64xf32>
    %swap3A_35 = vector.shape_cast %slice3A_29 : vector<2000x64xf32> to vector<1x2000x64xf32>
    tpu.vector_store %arg5[%swap3A_30, %swap3A_31, %swap3A_32], %swap3A_35 {strides = array<i32>} : memref<2x2000x64xf32, #tpu.memory_space<vmem>>, vector<1x2000x64xf32>,
    return
  }
  func.func @transform_0(%arg0: i32) -> (i32, i32, i32) {
    %c0_i32 = arith.constant 0 : i32
    %c0_i32_0 = arith.constant 0 : i32
    %c0_i32_1 = arith.constant 0 : i32
    return %c0_i32, %arg0, %c0_i32_0 : i32, i32, i32
  }
  func.func @transform_1(%arg0: i32) -> (i32, i32) {
    %c0_i32 = arith.constant 0 : i32
    %c0_i32_0 = arith.constant 0 : i32
    return %arg0, %c0_i32 : i32, i32
  }
  func.func @transform_2(%arg0: i32) -> (i32, i32) {
    %c0_i32 = arith.constant 0 : i32
    %c0_i32_0 = arith.constant 0 : i32
    return %arg0, %c0_i32 : i32, i32
  }
  func.func @transform_3(%arg0: i32) -> (i32, i32) {
    %c0_i32 = arith.constant 0 : i32
    %c0_i32_0 = arith.constant 0 : i32
    return %arg0, %c0_i32 : i32, i32
  }
  func.func @transform_4(%arg0: i32) -> (i32, i32, i32) {
    %c0_i32 = arith.constant 0 : i32
    %c0_i32_0 = arith.constant 0 : i32
    %c0_i32_1 = arith.constant 0 : i32
    return %c0_i32, %arg0, %c0_i32_0 : i32, i32, i32
  }
}

module attributes {stable_mosaic.version = 14 : i64} {
  func.func @_mid_body(%arg0: i32, %arg1: memref<2x2000x64xf32, #tpu.memory_space<vmem>>, %arg2: memref<2000x128xf32, #tpu.memory_space<vmem>>, %arg3: memref<2000x1xf32, #tpu.memory_space<vmem>>, %arg4: memref<2000x1xf32, #tpu.memory_space<vmem>>, %arg5: memref<1x128xf32, #tpu.memory_space<vmem>>, %arg6: memref<128x128xf32, #tpu.memory_space<vmem>>, %arg7: memref<2000x128xf32, #tpu.memory_space<vmem>>, %arg8: memref<2x2000x64xf32, #tpu.memory_space<vmem>>) attributes {dimension_semantics = [#tpu.dimension_semantics<arbitrary>], iteration_bounds = array<i64: 5>, scalar_prefetch = 0 : i64, scratch_operands = 0 : i64, tpu.core_type = #tpu.core_type<tc>, window_params = [{transform_indices = @transform_0, window_bounds = array<i64: 2, 2000, 64>}, {transform_indices = @transform_1, window_bounds = array<i64: 2000, 128>}, {transform_indices = @transform_2, window_bounds = array<i64: 2000, 1>}, {transform_indices = @transform_3, window_bounds = array<i64: 2000, 1>}, {pipeline_mode = #tpu.pipeline_mode<synchronous>, transform_indices = @transform_4, window_bounds = array<i64: 1, 128>}, {pipeline_mode = #tpu.pipeline_mode<synchronous>, transform_indices = @transform_5, window_bounds = array<i64: 128, 128>}, {transform_indices = @transform_6, window_bounds = array<i64: 2000, 128>}, {transform_indices = @transform_7, window_bounds = array<i64: 2, 2000, 64>}]} {
    %get3A = arith.constant 0 : index
    %get3A_0 = arith.constant 0 : index
    %get3A_1 = vector.load %arg3[%get3A, %get3A_0] : memref<2000x1xf32, #tpu.memory_space<vmem>>, vector<2000x1xf32>
    %get3A_2 = arith.constant 0 : index
    %get3A_3 = arith.constant 0 : index
    %get3A_4 = arith.constant 0 : index
    %get3A_5 = vector.load %arg1[%get3A_2, %get3A_3, %get3A_4] : memref<2x2000x64xf32, #tpu.memory_space<vmem>>, vector<1x2000x64xf32>
    %get3A_6 = vector.shape_cast %get3A_5 : vector<1x2000x64xf32> to vector<2000x64xf32>
    %get3A_7 = arith.constant 1 : index
    %get3A_8 = arith.constant 0 : index
    %get3A_9 = arith.constant 0 : index
    %get3A_10 = vector.load %arg1[%get3A_7, %get3A_8, %get3A_9] : memref<2x2000x64xf32, #tpu.memory_space<vmem>>, vector<1x2000x64xf32>
    %get3A_11 = vector.shape_cast %get3A_10 : vector<1x2000x64xf32> to vector<2000x64xf32>
    %concatenate3A = tpu.concatenate %get3A_6, %get3A_11 in 1 : vector<2000x64xf32>, vector<2000x64xf32> -> vector<2000x128xf32>
    %mul3A = vector.broadcast %get3A_1 : vector<2000x1xf32> to vector<2000x128xf32>
    %mul3A_12 = arith.mulf %mul3A, %concatenate3A : vector<2000x128xf32>
    %get3A_13 = arith.constant 0 : index
    %get3A_14 = arith.constant 0 : index
    %get3A_15 = vector.load %arg4[%get3A_13, %get3A_14] : memref<2000x1xf32, #tpu.memory_space<vmem>>, vector<2000x1xf32>
    %get3A_16 = arith.constant 0 : index
    %get3A_17 = arith.constant 0 : index
    %get3A_18 = vector.load %arg2[%get3A_16, %get3A_17] : memref<2000x128xf32, #tpu.memory_space<vmem>>, vector<2000x128xf32>
    %mul3A_19 = vector.broadcast %get3A_15 : vector<2000x1xf32> to vector<2000x128xf32>
    %mul3A_20 = arith.mulf %mul3A_19, %get3A_18 : vector<2000x128xf32>
    %add3A = arith.addf %mul3A_12, %mul3A_20 : vector<2000x128xf32>
    %get3A_21 = arith.constant 0 : index
    %get3A_22 = arith.constant 0 : index
    %get3A_23 = vector.load %arg5[%get3A_21, %get3A_22] : memref<1x128xf32, #tpu.memory_space<vmem>>, vector<1x128xf32>
    %add3A_24 = vector.broadcast %get3A_23 : vector<1x128xf32> to vector<2000x128xf32>
    %add3A_25 = arith.addf %add3A, %add3A_24 : vector<2000x128xf32>
    %max3A = arith.constant 0.000000e+00 : f32
    %max3A_26 = vector.broadcast %max3A : f32 to vector<2000x128xf32>
    %max3A_27 = arith.maximumf %add3A_25, %max3A_26 : vector<2000x128xf32>
    %get3A_28 = arith.constant 0 : index
    %get3A_29 = arith.constant 0 : index
    %get3A_30 = vector.load %arg6[%get3A_28, %get3A_29] : memref<128x128xf32, #tpu.memory_space<vmem>>, vector<128x128xf32>
    %dot_general3A = arith.constant dense<0.000000e+00> : vector<2000x128xf32>
    %dot_general3A_31 = tpu.matmul %max3A_27, %get3A_30, %dot_general3A {dimension_numbers = #tpu.dot_dimension_numbers<[1], [0], [0], [1], [0, 0, 1, 1], [], []>, precision = #tpu.contract_precision<fp32>, transpose_lhs_hint = false} : vector<2000x128xf32>, vector<128x128xf32>, vector<2000x128xf32> -> vector<2000x128xf32>
    %swap3A = arith.constant 0 : index
    %swap3A_32 = arith.constant 0 : index
    %swap3A_33 = vector.load %arg7[%swap3A, %swap3A_32] : memref<2000x128xf32, #tpu.memory_space<vmem>>, vector<2000x128xf32>
    tpu.vector_store %arg7[%swap3A, %swap3A_32], %dot_general3A_31 {strides = array<i32>} : memref<2000x128xf32, #tpu.memory_space<vmem>>, vector<2000x128xf32>,
    %mul3A_34 = vector.broadcast %get3A_1 : vector<2000x1xf32> to vector<2000x128xf32>
    %mul3A_35 = arith.mulf %dot_general3A_31, %mul3A_34 : vector<2000x128xf32>
    %slice3A = vector.extract_strided_slice %mul3A_35 {offsets = [0, 0], sizes = [2000, 64], strides = [1, 1]} : vector<2000x128xf32> to vector<2000x64xf32>
    %swap3A_36 = arith.constant 0 : index
    %swap3A_37 = arith.constant 0 : index
    %swap3A_38 = arith.constant 0 : index
    %swap3A_39 = vector.load %arg8[%swap3A_36, %swap3A_37, %swap3A_38] : memref<2x2000x64xf32, #tpu.memory_space<vmem>>, vector<1x2000x64xf32>
    %swap3A_40 = vector.shape_cast %swap3A_39 : vector<1x2000x64xf32> to vector<2000x64xf32>
    %swap3A_41 = vector.shape_cast %slice3A : vector<2000x64xf32> to vector<1x2000x64xf32>
    tpu.vector_store %arg8[%swap3A_36, %swap3A_37, %swap3A_38], %swap3A_41 {strides = array<i32>} : memref<2x2000x64xf32, #tpu.memory_space<vmem>>, vector<1x2000x64xf32>,
    %slice3A_42 = vector.extract_strided_slice %mul3A_35 {offsets = [0, 64], sizes = [2000, 64], strides = [1, 1]} : vector<2000x128xf32> to vector<2000x64xf32>
    %swap3A_43 = arith.constant 1 : index
    %swap3A_44 = arith.constant 0 : index
    %swap3A_45 = arith.constant 0 : index
    %swap3A_46 = vector.load %arg8[%swap3A_43, %swap3A_44, %swap3A_45] : memref<2x2000x64xf32, #tpu.memory_space<vmem>>, vector<1x2000x64xf32>
    %swap3A_47 = vector.shape_cast %swap3A_46 : vector<1x2000x64xf32> to vector<2000x64xf32>
    %swap3A_48 = vector.shape_cast %slice3A_42 : vector<2000x64xf32> to vector<1x2000x64xf32>
    tpu.vector_store %arg8[%swap3A_43, %swap3A_44, %swap3A_45], %swap3A_48 {strides = array<i32>} : memref<2x2000x64xf32, #tpu.memory_space<vmem>>, vector<1x2000x64xf32>,
    return
  }
  func.func @transform_0(%arg0: i32) -> (i32, i32, i32) {
    %c0_i32 = arith.constant 0 : i32
    %c0_i32_0 = arith.constant 0 : i32
    %c0_i32_1 = arith.constant 0 : i32
    return %c0_i32, %arg0, %c0_i32_0 : i32, i32, i32
  }
  func.func @transform_1(%arg0: i32) -> (i32, i32) {
    %c0_i32 = arith.constant 0 : i32
    %c0_i32_0 = arith.constant 0 : i32
    return %arg0, %c0_i32 : i32, i32
  }
  func.func @transform_2(%arg0: i32) -> (i32, i32) {
    %c0_i32 = arith.constant 0 : i32
    %c0_i32_0 = arith.constant 0 : i32
    return %arg0, %c0_i32 : i32, i32
  }
  func.func @transform_3(%arg0: i32) -> (i32, i32) {
    %c0_i32 = arith.constant 0 : i32
    %c0_i32_0 = arith.constant 0 : i32
    return %arg0, %c0_i32 : i32, i32
  }
  func.func @transform_4(%arg0: i32) -> (i32, i32) {
    %c0_i32 = arith.constant 0 : i32
    %c0_i32_0 = arith.constant 0 : i32
    %c0_i32_1 = arith.constant 0 : i32
    return %c0_i32, %c0_i32_0 : i32, i32
  }
  func.func @transform_5(%arg0: i32) -> (i32, i32) {
    %c0_i32 = arith.constant 0 : i32
    %c0_i32_0 = arith.constant 0 : i32
    %c0_i32_1 = arith.constant 0 : i32
    return %c0_i32, %c0_i32_0 : i32, i32
  }
  func.func @transform_6(%arg0: i32) -> (i32, i32) {
    %c0_i32 = arith.constant 0 : i32
    %c0_i32_0 = arith.constant 0 : i32
    return %arg0, %c0_i32 : i32, i32
  }
  func.func @transform_7(%arg0: i32) -> (i32, i32, i32) {
    %c0_i32 = arith.constant 0 : i32
    %c0_i32_0 = arith.constant 0 : i32
    %c0_i32_1 = arith.constant 0 : i32
    return %c0_i32, %arg0, %c0_i32_0 : i32, i32, i32
  }
}

module attributes {stable_mosaic.version = 14 : i64} {
  func.func @_fin_body(%arg0: i32, %arg1: memref<2x2000x64xf32, #tpu.memory_space<vmem>>, %arg2: memref<2000x128xf32, #tpu.memory_space<vmem>>, %arg3: memref<2000x1xf32, #tpu.memory_space<vmem>>, %arg4: memref<2000x1xf32, #tpu.memory_space<vmem>>, %arg5: memref<1x128xf32, #tpu.memory_space<vmem>>, %arg6: memref<2000x128xf32, #tpu.memory_space<vmem>>) attributes {dimension_semantics = [#tpu.dimension_semantics<arbitrary>], iteration_bounds = array<i64: 5>, scalar_prefetch = 0 : i64, scratch_operands = 0 : i64, tpu.core_type = #tpu.core_type<tc>, window_params = [{transform_indices = @transform_0, window_bounds = array<i64: 2, 2000, 64>}, {transform_indices = @transform_1, window_bounds = array<i64: 2000, 128>}, {transform_indices = @transform_2, window_bounds = array<i64: 2000, 1>}, {transform_indices = @transform_3, window_bounds = array<i64: 2000, 1>}, {pipeline_mode = #tpu.pipeline_mode<synchronous>, transform_indices = @transform_4, window_bounds = array<i64: 1, 128>}, {transform_indices = @transform_5, window_bounds = array<i64: 2000, 128>}]} {
    %get3A = arith.constant 0 : index
    %get3A_0 = arith.constant 0 : index
    %get3A_1 = arith.constant 0 : index
    %get3A_2 = vector.load %arg1[%get3A, %get3A_0, %get3A_1] : memref<2x2000x64xf32, #tpu.memory_space<vmem>>, vector<1x2000x64xf32>
    %get3A_3 = vector.shape_cast %get3A_2 : vector<1x2000x64xf32> to vector<2000x64xf32>
    %get3A_4 = arith.constant 1 : index
    %get3A_5 = arith.constant 0 : index
    %get3A_6 = arith.constant 0 : index
    %get3A_7 = vector.load %arg1[%get3A_4, %get3A_5, %get3A_6] : memref<2x2000x64xf32, #tpu.memory_space<vmem>>, vector<1x2000x64xf32>
    %get3A_8 = vector.shape_cast %get3A_7 : vector<1x2000x64xf32> to vector<2000x64xf32>
    %concatenate3A = tpu.concatenate %get3A_3, %get3A_8 in 1 : vector<2000x64xf32>, vector<2000x64xf32> -> vector<2000x128xf32>
    %get3A_9 = arith.constant 0 : index
    %get3A_10 = arith.constant 0 : index
    %get3A_11 = vector.load %arg3[%get3A_9, %get3A_10] : memref<2000x1xf32, #tpu.memory_space<vmem>>, vector<2000x1xf32>
    %mul3A = vector.broadcast %get3A_11 : vector<2000x1xf32> to vector<2000x128xf32>
    %mul3A_12 = arith.mulf %mul3A, %concatenate3A : vector<2000x128xf32>
    %get3A_13 = arith.constant 0 : index
    %get3A_14 = arith.constant 0 : index
    %get3A_15 = vector.load %arg4[%get3A_13, %get3A_14] : memref<2000x1xf32, #tpu.memory_space<vmem>>, vector<2000x1xf32>
    %get3A_16 = arith.constant 0 : index
    %get3A_17 = arith.constant 0 : index
    %get3A_18 = vector.load %arg2[%get3A_16, %get3A_17] : memref<2000x128xf32, #tpu.memory_space<vmem>>, vector<2000x128xf32>
    %mul3A_19 = vector.broadcast %get3A_15 : vector<2000x1xf32> to vector<2000x128xf32>
    %mul3A_20 = arith.mulf %mul3A_19, %get3A_18 : vector<2000x128xf32>
    %add3A = arith.addf %mul3A_12, %mul3A_20 : vector<2000x128xf32>
    %get3A_21 = arith.constant 0 : index
    %get3A_22 = arith.constant 0 : index
    %get3A_23 = vector.load %arg5[%get3A_21, %get3A_22] : memref<1x128xf32, #tpu.memory_space<vmem>>, vector<1x128xf32>
    %add3A_24 = vector.broadcast %get3A_23 : vector<1x128xf32> to vector<2000x128xf32>
    %add3A_25 = arith.addf %add3A, %add3A_24 : vector<2000x128xf32>
    %swap3A = arith.constant 0 : index
    %swap3A_26 = arith.constant 0 : index
    %swap3A_27 = vector.load %arg6[%swap3A, %swap3A_26] : memref<2000x128xf32, #tpu.memory_space<vmem>>, vector<2000x128xf32>
    tpu.vector_store %arg6[%swap3A, %swap3A_26], %add3A_25 {strides = array<i32>} : memref<2000x128xf32, #tpu.memory_space<vmem>>, vector<2000x128xf32>,
    return
  }
  func.func @transform_0(%arg0: i32) -> (i32, i32, i32) {
    %c0_i32 = arith.constant 0 : i32
    %c0_i32_0 = arith.constant 0 : i32
    %c0_i32_1 = arith.constant 0 : i32
    return %c0_i32, %arg0, %c0_i32_0 : i32, i32, i32
  }
  func.func @transform_1(%arg0: i32) -> (i32, i32) {
    %c0_i32 = arith.constant 0 : i32
    %c0_i32_0 = arith.constant 0 : i32
    return %arg0, %c0_i32 : i32, i32
  }
  func.func @transform_2(%arg0: i32) -> (i32, i32) {
    %c0_i32 = arith.constant 0 : i32
    %c0_i32_0 = arith.constant 0 : i32
    return %arg0, %c0_i32 : i32, i32
  }
  func.func @transform_3(%arg0: i32) -> (i32, i32) {
    %c0_i32 = arith.constant 0 : i32
    %c0_i32_0 = arith.constant 0 : i32
    return %arg0, %c0_i32 : i32, i32
  }
  func.func @transform_4(%arg0: i32) -> (i32, i32) {
    %c0_i32 = arith.constant 0 : i32
    %c0_i32_0 = arith.constant 0 : i32
    %c0_i32_1 = arith.constant 0 : i32
    return %c0_i32, %c0_i32_0 : i32, i32
  }
  func.func @transform_5(%arg0: i32) -> (i32, i32) {
    %c0_i32 = arith.constant 0 : i32
    %c0_i32_0 = arith.constant 0 : i32
    return %arg0, %c0_i32 : i32, i32
  }
}

module attributes {stable_mosaic.version = 14 : i64} {
  func.func @_pred_body(%arg0: i32, %arg1: memref<512x128xf32, #tpu.memory_space<vmem>>, %arg2: memref<512x128xf32, #tpu.memory_space<vmem>>, %arg3: memref<128x128xf32, #tpu.memory_space<vmem>>, %arg4: memref<128x128xf32, #tpu.memory_space<vmem>>, %arg5: memref<1x128xf32, #tpu.memory_space<vmem>>, %arg6: memref<1x128xf32, #tpu.memory_space<vmem>>, %arg7: memref<1x1xf32, #tpu.memory_space<vmem>>, %arg8: memref<512x1xf32, #tpu.memory_space<vmem>>) attributes {dimension_semantics = [#tpu.dimension_semantics<arbitrary>], iteration_bounds = array<i64: 32>, scalar_prefetch = 0 : i64, scratch_operands = 0 : i64, tpu.core_type = #tpu.core_type<tc>, window_params = [{transform_indices = @transform_0, window_bounds = array<i64: 512, 128>}, {transform_indices = @transform_1, window_bounds = array<i64: 512, 128>}, {pipeline_mode = #tpu.pipeline_mode<synchronous>, transform_indices = @transform_2, window_bounds = array<i64: 128, 128>}, {pipeline_mode = #tpu.pipeline_mode<synchronous>, transform_indices = @transform_3, window_bounds = array<i64: 128, 128>}, {pipeline_mode = #tpu.pipeline_mode<synchronous>, transform_indices = @transform_4, window_bounds = array<i64: 1, 128>}, {pipeline_mode = #tpu.pipeline_mode<synchronous>, transform_indices = @transform_5, window_bounds = array<i64: 1, 128>}, {pipeline_mode = #tpu.pipeline_mode<synchronous>, transform_indices = @transform_6, window_bounds = array<i64: 1, 1>}, {transform_indices = @transform_7, window_bounds = array<i64: 512, 1>}]} {
    %get3A = arith.constant 0 : index
    %get3A_0 = arith.constant 0 : index
    %get3A_1 = vector.load %arg1[%get3A, %get3A_0] : memref<512x128xf32, #tpu.memory_space<vmem>>, vector<512x128xf32>
    %get3A_2 = arith.constant 0 : index
    %get3A_3 = arith.constant 0 : index
    %get3A_4 = vector.load %arg3[%get3A_2, %get3A_3] : memref<128x128xf32, #tpu.memory_space<vmem>>, vector<128x128xf32>
    %dot_general3A = arith.constant dense<0.000000e+00> : vector<512x128xf32>
    %dot_general3A_5 = tpu.matmul %get3A_1, %get3A_4, %dot_general3A {dimension_numbers = #tpu.dot_dimension_numbers<[1], [0], [0], [1], [0, 0, 1, 1], [], []>, precision = #tpu.contract_precision<fp32>, transpose_lhs_hint = false} : vector<512x128xf32>, vector<128x128xf32>, vector<512x128xf32> -> vector<512x128xf32>
    %get3A_6 = arith.constant 0 : index
    %get3A_7 = arith.constant 0 : index
    %get3A_8 = vector.load %arg2[%get3A_6, %get3A_7] : memref<512x128xf32, #tpu.memory_space<vmem>>, vector<512x128xf32>
    %get3A_9 = arith.constant 0 : index
    %get3A_10 = arith.constant 0 : index
    %get3A_11 = vector.load %arg4[%get3A_9, %get3A_10] : memref<128x128xf32, #tpu.memory_space<vmem>>, vector<128x128xf32>
    %dot_general3A_12 = arith.constant dense<0.000000e+00> : vector<512x128xf32>
    %dot_general3A_13 = tpu.matmul %get3A_8, %get3A_11, %dot_general3A_12 {dimension_numbers = #tpu.dot_dimension_numbers<[1], [0], [0], [1], [0, 0, 1, 1], [], []>, precision = #tpu.contract_precision<fp32>, transpose_lhs_hint = false} : vector<512x128xf32>, vector<128x128xf32>, vector<512x128xf32> -> vector<512x128xf32>
    %add3A = arith.addf %dot_general3A_5, %dot_general3A_13 : vector<512x128xf32>
    %get3A_14 = arith.constant 0 : index
    %get3A_15 = arith.constant 0 : index
    %get3A_16 = vector.load %arg5[%get3A_14, %get3A_15] : memref<1x128xf32, #tpu.memory_space<vmem>>, vector<1x128xf32>
    %add3A_17 = vector.broadcast %get3A_16 : vector<1x128xf32> to vector<512x128xf32>
    %add3A_18 = arith.addf %add3A, %add3A_17 : vector<512x128xf32>
    %max3A = arith.constant 0.000000e+00 : f32
    %max3A_19 = vector.broadcast %max3A : f32 to vector<512x128xf32>
    %max3A_20 = arith.maximumf %add3A_18, %max3A_19 : vector<512x128xf32>
    %get3A_21 = arith.constant 0 : index
    %get3A_22 = arith.constant 0 : index
    %get3A_23 = vector.load %arg6[%get3A_21, %get3A_22] : memref<1x128xf32, #tpu.memory_space<vmem>>, vector<1x128xf32>
    %mul3A = vector.broadcast %get3A_23 : vector<1x128xf32> to vector<512x128xf32>
    %mul3A_24 = arith.mulf %max3A_20, %mul3A : vector<512x128xf32>
    %reduce_sum3A = arith.constant dense<0.000000e+00> : vector<512xf32>
    %reduce_sum3A_25 = vector.multi_reduction <add>, %mul3A_24, %reduce_sum3A [1] : vector<512x128xf32> to vector<512xf32>
    %broadcast_in_dim3A = vector.shape_cast %reduce_sum3A_25 : vector<512xf32> to vector<512x1xf32>
    %get3A_26 = arith.constant 0 : index
    %get3A_27 = arith.constant 0 : index
    %get3A_28 = vector.load %arg7[%get3A_26, %get3A_27] : memref<1x1xf32, #tpu.memory_space<vmem>>, vector<1x1xf32>
    %add3A_29 = vector.broadcast %get3A_28 : vector<1x1xf32> to vector<512x1xf32>
    %add3A_30 = arith.addf %broadcast_in_dim3A, %add3A_29 : vector<512x1xf32>
    %neg3A = arith.constant 0.000000e+00 : f32
    %neg3A_31 = vector.broadcast %neg3A : f32 to vector<512x1xf32>
    %neg3A_32 = arith.subf %neg3A_31, %add3A_30 : vector<512x1xf32>
    %exp3A = math.exp %neg3A_32 : vector<512x1xf32>
    %add3A_33 = arith.constant 1.000000e+00 : f32
    %add3A_34 = vector.broadcast %add3A_33 : f32 to vector<512x1xf32>
    %add3A_35 = arith.addf %add3A_34, %exp3A : vector<512x1xf32>
    %div3A = arith.constant 1.000000e+00 : f32
    %div3A_36 = vector.broadcast %div3A : f32 to vector<512x1xf32>
    %div3A_37 = arith.divf %div3A_36, %add3A_35 : vector<512x1xf32>
    %swap3A = arith.constant 0 : index
    %swap3A_38 = arith.constant 0 : index
    %swap3A_39 = vector.load %arg8[%swap3A, %swap3A_38] : memref<512x1xf32, #tpu.memory_space<vmem>>, vector<512x1xf32>
    tpu.vector_store %arg8[%swap3A, %swap3A_38], %div3A_37 {strides = array<i32>} : memref<512x1xf32, #tpu.memory_space<vmem>>, vector<512x1xf32>,
    return
  }
  func.func @transform_0(%arg0: i32) -> (i32, i32) {
    %c0_i32 = arith.constant 0 : i32
    %c0_i32_0 = arith.constant 0 : i32
    return %arg0, %c0_i32 : i32, i32
  }
  func.func @transform_1(%arg0: i32) -> (i32, i32) {
    %c0_i32 = arith.constant 0 : i32
    %c0_i32_0 = arith.constant 0 : i32
    return %arg0, %c0_i32 : i32, i32
  }
  func.func @transform_2(%arg0: i32) -> (i32, i32) {
    %c0_i32 = arith.constant 0 : i32
    %c0_i32_0 = arith.constant 0 : i32
    %c0_i32_1 = arith.constant 0 : i32
    return %c0_i32, %c0_i32_0 : i32, i32
  }
  func.func @transform_3(%arg0: i32) -> (i32, i32) {
    %c0_i32 = arith.constant 0 : i32
    %c0_i32_0 = arith.constant 0 : i32
    %c0_i32_1 = arith.constant 0 : i32
    return %c0_i32, %c0_i32_0 : i32, i32
  }
  func.func @transform_4(%arg0: i32) -> (i32, i32) {
    %c0_i32 = arith.constant 0 : i32
    %c0_i32_0 = arith.constant 0 : i32
    %c0_i32_1 = arith.constant 0 : i32
    return %c0_i32, %c0_i32_0 : i32, i32
  }
  func.func @transform_5(%arg0: i32) -> (i32, i32) {
    %c0_i32 = arith.constant 0 : i32
    %c0_i32_0 = arith.constant 0 : i32
    %c0_i32_1 = arith.constant 0 : i32
    return %c0_i32, %c0_i32_0 : i32, i32
  }
  func.func @transform_6(%arg0: i32) -> (i32, i32) {
    %c0_i32 = arith.constant 0 : i32
    %c0_i32_0 = arith.constant 0 : i32
    %c0_i32_1 = arith.constant 0 : i32
    return %c0_i32, %c0_i32_0 : i32, i32
  }
  func.func @transform_7(%arg0: i32) -> (i32, i32) {
    %c0_i32 = arith.constant 0 : i32
    %c0_i32_0 = arith.constant 0 : i32
    return %arg0, %c0_i32 : i32, i32
  }
}

</mosaic_0001>

<sc_bundles>
// kernel: kernel.13.cloned.1.call-start
scs
__scs_entry_jumppad:
0x0: {  	(pc) =	sbr.rel $0x88, $3  }
0x1: {  	(tag) =	ssettag $0x0;
	lr =	simm.s32 $0x1  }
0x2: {  	[smem:$0x3F94] =	sst lr;
	_ =	strace $0xD0000000  }
0x3: {  	_ = 	snop  }
0x4: {  	_ = 	snop  }
0x5: {  	_ = 	snop  }
0x6: {  	_ = 	snop  }
0x7: {  	_ = 	snop  }
__scs_overlays_trampoline_lowered:
0x8: {  	[smem:$0x3FA3] =	sst s0  }
0x9: {  	[smem:$0x3FA4] =	sst s1  }
0xa: {  	[smem:$0x3FA5] =	sst s2  }
0xb: {  	[smem:$0x3FA6] =	sst s3  }
0xc: {  	[smem:$0x3FA7] =	sst s4  }
0xd: {  	[smem:$0x3FA8] =	sst s5  }
0xe: {  	[smem:$0x3FA9] =	sst s6  }
0xf: {  	[smem:$0x3FAA] =	sst s7  }
0x10: {  	[smem:$0x3FAB] =	sst s8  }
0x11: {  	[smem:$0x3FAC] =	sst s9;
	s0 =	simm.s32 @!p0 $0x0  }
0x12: {  	s1 =	sld [smem:$0x3F92];
	s0 =	simm.s32 @p0 $0x1  }
0x13: {  	[smem:$0x3FAD] =	sst s0;
	s0 =	simm.s32 @!p1 $0x0  }
0x14: {  	s2 =	sld [smem:$0x3F91];
	s0 =	simm.s32 @p1 $0x1  }
0x15: {  	[smem:$0x3FAE] =	sst s0;
	s0 =	simm.s32 @!p2 $0x0  }
0x16: {  	s3 =	sld [smem:$0x3FDB];
	s0 =	simm.s32 @p2 $0x1  }
0x17: {  	s4 =	simm.s32 $0x1BF5;
	[smem:$0x3FB0] =	sst s0  }
0x18: {  	s0 =	sld [smem:$0x3F93];
	_ =	swait.ge [sflag:s4], $0x0  }
0x19: {  	s7 =	sld [smem:$0x3F94]  }
0x1a: {  	s8 =	sadd.s32 $0xFFFFE003, lr  }
0x1b: {  	s9 =	sadd.s32 $0xFFFFFEF7, lr;
	s5 =	simm.s32 $0xFFFFFFFF;
	p2 =	slt.u32 s8, $0xFFFFF086  }
0x1c: {  	p1 =	slt.u32 s9, $0xF7A;
	s5 =	simm.s32 @!p2 $0x0  }
0x1d: {  	s5 =	simm.s32 @p1 $0x1;
	p0 =	seq.s32 s7, s2  }
0x1e: {  	s7 =	smul.u32 @!p0 $0xF7A, s2;
	p2 =	seq.s32 @!p0 s5, $0x0  }
0x1f: {  	s9 =	smul.u32 $0xF7A, s1;
	s8 =	simm.s32 @!p0 $0x1BF5;
	p2 =	por !p2, p0  }
0x20: {  	[sflag:s8] =	ssyncset.s32 @!p0 $0xFFFFF086;
	s6 =	sadd.s32 @!p0 s3, s7;
	s7 =	simm.s32 @!p0 $0x108  }
0x21: {  	s3 =	sadd.s32 s3, s9;
	s6 =	sadd.s32 @!p0 $0x88, s6;
	s7 =	simm.s32 @p2 $0x1082  }
0x22: {  	[simem:s7], [sflag:s8] =	dma.local @!p0 [hbm:s6], $0xF7A  }
0x23: {  	s9 =	sor.u32 $0xD0000000, s2;
	s6 =	simm.s32 $0x108;
	_ =	swait.ge @!p0 [sflag:s8], $0x0  }
0x24: {  	s3 =	sadd.s32 $0x88, s3;
	s6 =	simm.s32 @!p1 $0x1082;
	[sflag:s4] =	ssyncset.s32 $0xFFFFF086  }
0x25: {  	[simem:s6], [sflag:s4] =	dma.local [hbm:s3], $0xF7A  }
0x26: {  	[smem:$0x3F94] =	sst s1;
	(tag) =	ssettag s2;
	_ =	strace s9  }
0x27: {  	s1 =	sld [smem:$0x3FA4]  }
0x28: {  	s2 =	sld [smem:$0x3FA5]  }
0x29: {  	s4 =	sld [smem:$0x3FA7]  }
0x2a: {  	p0 =	seq.s32 s5, $0x0;
	s5 =	sld [smem:$0x3FA8]  }
0x2b: {  	s6 =	sld [smem:$0x3FA9]  }
0x2c: {  	s7 =	sld [smem:$0x3FAA]  }
0x2d: {  	s3 =	simm.s32 $0x108;
	s8 =	sld [smem:$0x3FAB]  }
0x2e: {  	s3 =	simm.s32 @!p0 $0x1082;
	s9 =	sld [smem:$0x3FAC]  }
0x2f: {  	lr =	sadd.s32 s0, s3;
	s0 =	sld [smem:$0x3FA3]  }
0x30: {  	s3 =	sld [smem:$0x3FA6]  }
0x31: {  	[smem:$0x3FAF] =	sst s10  }
0x32: {  	s10 =	sld [smem:$0x3FAD];
	_ =	sdelay $0x3  }
0x33: {  	p0 =	seq.s32 s10, $0x1;
	s10 =	sld [smem:$0x3FAF];
	_ =	sdelay $0x3  }
0x34: {  	[smem:$0x3FAF] =	sst s10  }
0x35: {  	s10 =	sld [smem:$0x3FAE];
	_ =	sdelay $0x3  }
0x36: {  	p1 =	seq.s32 s10, $0x1;
	s10 =	sld [smem:$0x3FAF];
	_ =	sdelay $0x3  }
0x37: {  	[smem:$0x3FAF] =	sst s10  }
0x38: {  	s10 =	sld [smem:$0x3FB0]  }
0x39: {  	_ = 	snop;
	(pc) =	sbr.ind lr, $3  }
0x3a: {  	_ = 	snop  }
0x3b: {  	_ = 	snop  }
0x3c: {  	p2 =	seq.s32 s10, $0x1;
	s10 =	sld [smem:$0x3FAF]  }
0x3d: {  	_ =	shalt  }
0x3e: {  	_ =	shalt  }
0x3f: {  	_ =	shalt  }
0x40: {  	_ =	shalt  }
0x41: {  	_ =	shalt  }
0x42: {  	_ =	shalt  }
0x43: {  	_ =	shalt  }
0x44: {  	_ =	shalt  }
0x45: {  	_ =	shalt  }
0x46: {  	_ =	shalt  }
0x47: {  	_ =	shalt  }
0x48: {  	_ =	shalt  }
0x49: {  	_ =	shalt  }
0x4a: {  	_ =	shalt  }
0x4b: {  	_ =	shalt  }
0x4c: {  	_ =	shalt  }
0x4d: {  	_ =	shalt  }
0x4e: {  	_ =	shalt  }
0x4f: {  	_ =	shalt  }
0x50: {  	_ =	shalt  }
0x51: {  	_ =	shalt  }
0x52: {  	_ =	shalt  }
0x53: {  	_ =	shalt  }
0x54: {  	_ =	shalt  }
0x55: {  	_ =	shalt  }
0x56: {  	_ =	shalt  }
0x57: {  	_ =	shalt  }
0x58: {  	_ =	shalt  }
0x59: {  	_ =	shalt  }
0x5a: {  	_ =	shalt  }
0x5b: {  	_ =	shalt  }
0x5c: {  	_ =	shalt  }
0x5d: {  	_ =	shalt  }
0x5e: {  	_ =	shalt  }
0x5f: {  	_ =	shalt  }
0x60: {  	_ =	shalt  }
0x61: {  	_ =	shalt  }
0x62: {  	_ =	shalt  }
0x63: {  	_ =	shalt  }
0x64: {  	_ =	shalt  }
0x65: {  	_ =	shalt  }
0x66: {  	_ =	shalt  }
0x67: {  	_ =	shalt  }
0x68: {  	_ =	shalt  }
0x69: {  	_ =	shalt  }
0x6a: {  	_ =	shalt  }
0x6b: {  	_ =	shalt  }
0x6c: {  	_ =	shalt  }
0x6d: {  	_ =	shalt  }
0x6e: {  	_ =	shalt  }
0x6f: {  	_ =	shalt  }
0x70: {  	_ =	shalt  }
0x71: {  	_ =	shalt  }
0x72: {  	_ =	shalt  }
0x73: {  	_ =	shalt  }
0x74: {  	_ =	shalt  }
0x75: {  	_ =	shalt  }
0x76: {  	_ =	shalt  }
0x77: {  	_ =	shalt  }
0x78: {  	_ =	shalt  }
0x79: {  	_ =	shalt  }
0x7a: {  	_ =	shalt  }
0x7b: {  	_ =	shalt  }
0x7c: {  	_ =	shalt  }
0x7d: {  	_ =	shalt  }
0x7e: {  	_ =	shalt  }
0x7f: {  	_ =	shalt  }
0x80: {  	_ =	shalt  }
0x81: {  	_ =	shalt  }
0x82: {  	_ =	shalt  }
0x83: {  	_ =	shalt  }
0x84: {  	_ =	shalt  }
0x85: {  	_ =	shalt  }
0x86: {  	_ =	shalt  }
0x87: {  	_ =	shalt  }
.Lfunc_end0:
.L_simem_size_0:
called_computation_lowered:
.L_overlay_start_0:
0x88: {  	s2 =	sld [smem:$0x3FD9]  }
0x89: {  	s3 =	sld [smem:$0x3FFE];
	_ =	sdelay $0x1  }
0x8a: {  	s1 =	srdreg.scid  }
0x8b: {  	s0 =	sand.u32 $0x1, s1  }
0x8c: {  	s17 =	sshll.u32 s0, $0xA;
	s2 =	sadd.s32 s3, s2  }
0x8d: {  	s2 =	sadd.s32 s2, s17  }
0x8e: {  	[smem:$0x3FBB] =	sst s2  }
0x8f: {  	_ = 	snop  }
0x90: {  	s2 =	sld [smem:$0x3FD0];
	(tm) =	ssettm $0x1  }
0x91: {  	s18 =	sld [smem:$0x3FFB];
	_ =	sdelay $0x3  }
0x92: {  	_ =	strace s18  }
0x93: {  	s3 =	sld [smem:$0x3FFC];
	_ =	sdelay $0x3  }
0x94: {  	_ =	strace s3  }
0x95: {  	s3 =	sld [smem:$0x3FFD];
	_ =	sdelay $0x3  }
0x96: {  	_ =	strace s3  }
0x97: {  	_ =	strace $0x8FFFFFFF  }
0x98: {  	s19 =	sld [smem:$0x3FDB];
	_ =	sdelay $0x1  }
0x99: {  	s4 =	simm.s32 $_scs_section_size  }
0x9a: {  	s5 =	simm.s32 $_size__tile_overlayer_lowered;
	s6 =	simm.s32 $_tile_overlayer_lowered  }
0x9b: {  	s22 =	simm.s32 $0x1BFF;
	s21 =	sshll.u32 s6, $0x1;
	s3 =	sadd.s32 s4, s19  }
0x9c: {  	s7 =	simm.s32 $0x0;
	s20 =	sshll.u32 s5, $0x1;
	s5 =	sadd.s32 s21, s3  }
0x9d: {  	[timem:s7], [sflag:s22] =	dma.local [hbm:s5], s20  }
0x9e: {  	_ =	swait.ge [sflag:s22], s20  }
0x9f: {  	s4 =	ssub.s32 $0x0, s20;
	[sflag:s22] =	ssyncset.done $0x0  }
0xa0: {  	[sflag:s22] =	ssyncadd.s32 s4;
	_ =	sdelay $0x1  }
0xa1: {  	s23 =	simm.s32 $0x1B8B  }
0xa2: {  	_ =	swait.ge [sflag:s23], $0x1  }
0xa3: {  	[sflag:s23] =	ssyncset.done $0x0  }
0xa4: {  	s25 =	simm.s32 $0x1B8E;
	s24 =	sld [smem:$0x3FFE];
	[sflag:s23] =	ssyncadd.s32 $0xFFFFFFFF  }
0xa5: {  	s26 =	simm.s32 $execute0_lowered;
	[smem:$0x3FD2] =	sst s25  }
0xa6: {  	s5 =	sshll.u32 s26, $0x1;
	_ =	strace $0x80000046;
	[dreg:$0x1] =	wrdreg $0xFFFFFFFF  }
0xa7: {  	s28 =	simm.s32 $_size_execute0_lowered;
	s3 =	sadd.s32 s3, s5;
	[dreg:$0x0] =	wrdreg $0x0  }
0xa8: {  	s5 =	sshll.u32 s28, $0x1;
	[dreg:$0x2] =	wrdreg s3  }
0xa9: {  	[dreg:$0x3] =	wrdreg s5  }
0xaa: {  	[dreg:$0x4] =	wrdreg $0xC0  }
0xab: {  	_ =	task [dreg:s7], $0x5FFFF  }
0xac: {  	[dreg:$0x1] =	wrdreg $0xFFFFFFFF  }
0xad: {  	[dreg:$0x0] =	wrdreg $0x60  }
0xae: {  	[dreg:$0x2] =	wrdreg s24  }
0xaf: {  	[dreg:$0x3] =	wrdreg s2  }
0xb0: {  	[dreg:$0x4] =	wrdreg $0x30000  }
0xb1: {  	[dreg:$0x5] =	wrdreg $0x9  }
0xb2: {  	_ =	task.clear_ibuf [dreg:s7], $0x6FFFF;
	_ =	strace $0x90000046  }
0xb3: {  	s29 =	simm.s32 $0x9;
	_ =	strace $0x80000048  }
0xb4: {  	_ =	swait.ge [sflag:s29], $0x1  }
0xb5: {  	[sflag:s29] =	ssyncadd.s32 $0xFFFFFFFF  }
0xb6: {  	_ =	strace $0x90000048  }
0xb7: {  	_ =	sfence  }
0xb8: {  	s30 =	sld [smem:$0x0];
	_ =	sdelay $0x2  }
0xb9: {  	s31 =	sshll.u32 s1, $0xD;
	s1 =	sshrl.u32 s1, $0x2  }
0xba: {  	s3 =	sand.u32 $0x4000, s31;
	s1 =	sadd.s32 s1, s30  }
0xbb: {  	s0 =	sor.u32 s3, s0;
	s1 =	sshll.u32 s1, $0x11  }
0xbc: {  	s0 =	sor.u32 s1, s0  }
0xbd: {  	s0 =	sadd.s32 $0x8F2B, s0  }
0xbe: {  	[sflag:s0] =	ssyncadd.remote.s32 $0x1  }
0xbf: {  	_ =	sfence.sel $0xFFFF  }
0xc0: {  	[dreg:$0x0] =	wrdreg $0xFFFFFFFF;
	(pc) =	sbr.abs _section_cstart, $3  }
0xc1: {  	[dreg:$0x1] =	wrdreg $0xFFFFFFFF  }
0xc2: {  	_ =	task.clear_ibuf [dreg:s7], $0x2FFFF;
	_ =	strace $0x9FFFFFFF  }
0xc3: {  	(tm) =	ssettm $0x7FFFFFFF  }
tec
execute0_lowered:
.L_overlay_start_1:
0x0: {  	(tag) =	ssettag $0x1  }
0x1: {  	s5 =	rddreg [dreg:$0x0]  }
0x2: {  	s1 =	srdreg.scid;
	s2 =	rddreg [dreg:$0x1]  }
0x3: {  	s0 =	stileid.u32;
	s3 =	rddreg [dreg:$0x2];
	s4 =	simm.s32 $0x0  }
0x4: {  	s13 =	simm.s32 $0x1;
	s14 =	simm.s32 $0x80;
	s18 =	simm.s32 $0x0  }
0x5: {  	s6 =	sand.u32 $0x1, s1;
	s30 =	sshll.u32 s0, $0x1;
	s1 =	rddreg [dreg:$0x3]  }
0x6: {  	[smem:$0x7FF] =	sst s4;
	s8 =	smul.u32 $0x2780, s0;
	s16 =	sshll.u32 s0, $0x6  }
0x7: {  	s7 =	sor.u32 s6, s30;
	_ =	strace $0x80000047;
	s9 =	smul.u32 $0x4F00, s6  }
0x8: {  	s6 =	ssub.s32 $0x2, s6;
	s7 =	smul.u32 $0x500, s7;
	s15 =	sshrl.u32 s8, $0x3  }
0x9: {  	s31 =	sshrl.u32 s6, $0x1;
	s12 =	sadd.s32 s8, s3;
	s10 =	sadd.s32 s15, s5  }
0xa: {  	s9 =	sadd.s32 s9, s5;
	s11 =	ssub.s32 s6, s31;
	s7 =	sadd.s32 s7, s5  }
0xb: {  	s6 =	sadd.s32 $0x17C00, s10;
	s17 =	sadd.s32 $0x1CC00, s9;
	s8 =	smax.u32 s11, $0x1  }
0xc: {  	s9 =	simm.s32 $0x2800;
	s10 =	sshrl.u32 s12, $0x3;
	s11 =	simm.s32 $0x2  }
0xd: {  	s12 =	simm.s32 $0x3;
	s5 =	sadd.s32 $0x3C00, s7;
	s7 =	sor.u32 $0x1C01, s16  }
0xe: {  	s15 =	sadd.s32 s15, s17;
	s16 =	sor.u32 $0x1C04, s16;
	s17 =	simm.s32 $0x4  }
.LBB2_1:
0xf: {  	[tilespmem:s4], [sflag:$0x2] =	stream.linear.gather [hbm4b:s5+s4], $0x2800, $0x38;
	[tilespmem:$0x5780] =	vst v63  }
0x10: {  	_ = 	snop  }
0x11: {  	[tilespmem:s9], [sflag:$0x3] =	stream.linear.gather [hbm4b:s2+s4], $0x800, $0x38;
	[tilespmem:$0x5780] =	vst v63  }
0x12: {  	[spmem:s10], [sflag:s7] =	dma.local [hbm:s6], $0x4F0  }
0x13: {  	_ =	swait.ge [sflag:s11], $0x2800  }
0x14: {  	[sflag:s11] =	ssyncset.done $0x0  }
0x15: {  	[sflag:s11] =	ssyncadd.s32 $0xFFFFD800  }
0x16: {  	_ =	swait.ge [sflag:s12], $0x800  }
0x17: {  	[sflag:s12] =	ssyncset.done $0x0  }
0x18: {  	[sflag:s12] =	ssyncadd.s32 $0xFFFFF800  }
0x19: {  	_ =	swait.ge [sflag:s13], $0x4F0  }
0x1a: {  	[sflag:s13] =	ssyncset.done $0x0  }
0x1b: {  	[sflag:s13] =	ssyncadd.s32 $0xFFFFFB10  }
0x1c: {  	s19 =	simm.s32 $0x0;
	[bflag:$0x0] =	sbarrier.arrive $0xFFFF  }
.LBB2_2:
0x1d: {  	p0 =	sne.s32 s19, $0x9E00  }
.Ltmp0:
0x1e: {  	_ = 	snop;
	(pc) =	sbr.rel @p0 .LBB2_2-.Ltmp0, $3  }
0x1f: {  	_ =	sdelay $0x1  }
0x20: {  	s20 =	sshra.s32 s19, $0x2;
	s19 =	sadd.s32 $0x200, s19  }
0x21: {  	[spmem:s3] =	stream.indirect.scatter.add.f32 [tilespmem:s9], [sflag:$0x1], $0x10, s20, s14, $0xb8;
	[tilespmem:$0x5780] =	vst v63  }
0x22: {  	_ =	swait.ge [sflag:s13], $0x800  }
0x23: {  	s19 =	simm.s32 $0x4F;
	[sflag:s13] =	ssyncset.done $0x0  }
.LBB2_4:
0x24: {  	p0 =	sne.s32 s19, $0x1;
	s19 =	sadd.s32 $0xFFFFFFFF, s19;
	[sflag:s13] =	ssyncadd.s32 $0xFFFFF800  }
.Ltmp1:
0x25: {  	(pc) =	sbr.rel @p0 .LBB2_4-.Ltmp1, $3  }
0x26: {  	_ =	sdelay $0x1  }
0x27: {  	_ =	swait.ge [sflag:s13], $0x800  }
0x28: {  	[sflag:s13] =	ssyncset.done $0x0  }
0x29: {  	s18 =	sadd.s32 $0x1, s18  }
0x2a: {  	[sflag:s13] =	ssyncadd.s32 $0xFFFFF800;
	p0 =	sne.s32 s18, s8  }
.Ltmp2:
0x2b: {  	[bflag:$0x0] =	sbarrier.arrive $0xFFFF;
	(pc) =	sbr.rel @p0 .LBB2_1-.Ltmp2, $4  }
0x2c: {  	[hbm:s15], [sflag:s16] =	dma.local [spmem:s10], $0x4F0  }
0x2d: {  	_ =	swait.ge [sflag:s17], $0x4F0  }
0x2e: {  	[sflag:s17] =	ssyncset.done $0x0  }
0x2f: {  	[sflag:s17] =	ssyncadd.s32 $0xFFFFFB10  }
0x30: {  	_ =	sfence.sel $0x180000  }
0x31: {  	[bflag:$0x0] =	sbarrier.arrive $0xFFFF  }
0x32: {  	p0 =	sne.s32 s0, $0x0;
	_ =	strace $0x90000047  }
0x33: {  	s0 =	sadd.s32 @!p0 $0x100000, s1;
	[bflag:$0x2] =	sbarrier.arrive $0xFFFF  }
0x34: {  	[sflag:s0] =	ssyncadd.tile.s32 @!p0 $0x1;
	_ =	shalt  }
.Lfunc_end2:
_tile_overlayer_lowered:
.L_overlay_start_2:
0x35: {  	(tag) =	ssettag $0x2  }
0x36: {  	s0 =	rddreg [dreg:$0x0];
	s2 =	stileid.u32  }
0x37: {  	s1 =	rddreg [dreg:$0x1];
	p0 =	sne.s32 s2, $0x0  }
0x38: {  	s3 =	rddreg [dreg:$0x2];
	[bflag:$0x3] =	sbarrier.arrive $0xFFFF;
	s2 =	simm.s32 @!p0 $0x1C04  }
0x39: {  	[timem:s3], [sflag:s2] =	dma.local @!p0 [hbm:s0], s1  }
0x3a: {  	s0 =	simm.s32 @!p0 $0x4  }
0x3b: {  	_ =	swait.ge @!p0 [sflag:s0], s1  }
0x3c: {  	s1 =	ssub.s32 @!p0 $0x0, s1;
	[sflag:s0] =	ssyncset.done @!p0 $0x0  }
0x3d: {  	[sflag:s0] =	ssyncadd.s32 @!p0 s1  }
0x3e: {  	[bflag:$0x3] =	sbarrier.arrive $0xFFFF  }
0x3f: {  	_ =	shalt  }

// kernel: kernel.16.cloned.1.call-start
scs
__scs_entry_jumppad:
0x0: {  	(pc) =	sbr.rel $0x88, $3  }
0x1: {  	(tag) =	ssettag $0x0;
	lr =	simm.s32 $0x1  }
0x2: {  	[smem:$0x3F94] =	sst lr;
	_ =	strace $0xD0000000  }
0x3: {  	_ = 	snop  }
0x4: {  	_ = 	snop  }
0x5: {  	_ = 	snop  }
0x6: {  	_ = 	snop  }
0x7: {  	_ = 	snop  }
__scs_overlays_trampoline_lowered:
0x8: {  	[smem:$0x3FA3] =	sst s0  }
0x9: {  	[smem:$0x3FA4] =	sst s1  }
0xa: {  	[smem:$0x3FA5] =	sst s2  }
0xb: {  	[smem:$0x3FA6] =	sst s3  }
0xc: {  	[smem:$0x3FA7] =	sst s4  }
0xd: {  	[smem:$0x3FA8] =	sst s5  }
0xe: {  	[smem:$0x3FA9] =	sst s6  }
0xf: {  	[smem:$0x3FAA] =	sst s7  }
0x10: {  	[smem:$0x3FAB] =	sst s8  }
0x11: {  	[smem:$0x3FAC] =	sst s9;
	s0 =	simm.s32 @!p0 $0x0  }
0x12: {  	s1 =	sld [smem:$0x3F92];
	s0 =	simm.s32 @p0 $0x1  }
0x13: {  	[smem:$0x3FAD] =	sst s0;
	s0 =	simm.s32 @!p1 $0x0  }
0x14: {  	s2 =	sld [smem:$0x3F91];
	s0 =	simm.s32 @p1 $0x1  }
0x15: {  	[smem:$0x3FAE] =	sst s0;
	s0 =	simm.s32 @!p2 $0x0  }
0x16: {  	s3 =	sld [smem:$0x3FDB];
	s0 =	simm.s32 @p2 $0x1  }
0x17: {  	s4 =	simm.s32 $0x1BF5;
	[smem:$0x3FB0] =	sst s0  }
0x18: {  	s0 =	sld [smem:$0x3F93];
	_ =	swait.ge [sflag:s4], $0x0  }
0x19: {  	s7 =	sld [smem:$0x3F94]  }
0x1a: {  	s8 =	sadd.s32 $0xFFFFE003, lr  }
0x1b: {  	s9 =	sadd.s32 $0xFFFFFEF7, lr;
	s5 =	simm.s32 $0xFFFFFFFF;
	p2 =	slt.u32 s8, $0xFFFFF086  }
0x1c: {  	p1 =	slt.u32 s9, $0xF7A;
	s5 =	simm.s32 @!p2 $0x0  }
0x1d: {  	s5 =	simm.s32 @p1 $0x1;
	p0 =	seq.s32 s7, s2  }
0x1e: {  	s7 =	smul.u32 @!p0 $0xF7A, s2;
	p2 =	seq.s32 @!p0 s5, $0x0  }
0x1f: {  	s9 =	smul.u32 $0xF7A, s1;
	s8 =	simm.s32 @!p0 $0x1BF5;
	p2 =	por !p2, p0  }
0x20: {  	[sflag:s8] =	ssyncset.s32 @!p0 $0xFFFFF086;
	s6 =	sadd.s32 @!p0 s3, s7;
	s7 =	simm.s32 @!p0 $0x108  }
0x21: {  	s3 =	sadd.s32 s3, s9;
	s6 =	sadd.s32 @!p0 $0x88, s6;
	s7 =	simm.s32 @p2 $0x1082  }
0x22: {  	[simem:s7], [sflag:s8] =	dma.local @!p0 [hbm:s6], $0xF7A  }
0x23: {  	s9 =	sor.u32 $0xD0000000, s2;
	s6 =	simm.s32 $0x108;
	_ =	swait.ge @!p0 [sflag:s8], $0x0  }
0x24: {  	s3 =	sadd.s32 $0x88, s3;
	s6 =	simm.s32 @!p1 $0x1082;
	[sflag:s4] =	ssyncset.s32 $0xFFFFF086  }
0x25: {  	[simem:s6], [sflag:s4] =	dma.local [hbm:s3], $0xF7A  }
0x26: {  	[smem:$0x3F94] =	sst s1;
	(tag) =	ssettag s2;
	_ =	strace s9  }
0x27: {  	s1 =	sld [smem:$0x3FA4]  }
0x28: {  	s2 =	sld [smem:$0x3FA5]  }
0x29: {  	s4 =	sld [smem:$0x3FA7]  }
0x2a: {  	p0 =	seq.s32 s5, $0x0;
	s5 =	sld [smem:$0x3FA8]  }
0x2b: {  	s6 =	sld [smem:$0x3FA9]  }
0x2c: {  	s7 =	sld [smem:$0x3FAA]  }
0x2d: {  	s3 =	simm.s32 $0x108;
	s8 =	sld [smem:$0x3FAB]  }
0x2e: {  	s3 =	simm.s32 @!p0 $0x1082;
	s9 =	sld [smem:$0x3FAC]  }
0x2f: {  	lr =	sadd.s32 s0, s3;
	s0 =	sld [smem:$0x3FA3]  }
0x30: {  	s3 =	sld [smem:$0x3FA6]  }
0x31: {  	[smem:$0x3FAF] =	sst s10  }
0x32: {  	s10 =	sld [smem:$0x3FAD];
	_ =	sdelay $0x3  }
0x33: {  	p0 =	seq.s32 s10, $0x1;
	s10 =	sld [smem:$0x3FAF];
	_ =	sdelay $0x3  }
0x34: {  	[smem:$0x3FAF] =	sst s10  }
0x35: {  	s10 =	sld [smem:$0x3FAE];
	_ =	sdelay $0x3  }
0x36: {  	p1 =	seq.s32 s10, $0x1;
	s10 =	sld [smem:$0x3FAF];
	_ =	sdelay $0x3  }
0x37: {  	[smem:$0x3FAF] =	sst s10  }
0x38: {  	s10 =	sld [smem:$0x3FB0]  }
0x39: {  	_ = 	snop;
	(pc) =	sbr.ind lr, $3  }
0x3a: {  	_ = 	snop  }
0x3b: {  	_ = 	snop  }
0x3c: {  	p2 =	seq.s32 s10, $0x1;
	s10 =	sld [smem:$0x3FAF]  }
0x3d: {  	_ =	shalt  }
0x3e: {  	_ =	shalt  }
0x3f: {  	_ =	shalt  }
0x40: {  	_ =	shalt  }
0x41: {  	_ =	shalt  }
0x42: {  	_ =	shalt  }
0x43: {  	_ =	shalt  }
0x44: {  	_ =	shalt  }
0x45: {  	_ =	shalt  }
0x46: {  	_ =	shalt  }
0x47: {  	_ =	shalt  }
0x48: {  	_ =	shalt  }
0x49: {  	_ =	shalt  }
0x4a: {  	_ =	shalt  }
0x4b: {  	_ =	shalt  }
0x4c: {  	_ =	shalt  }
0x4d: {  	_ =	shalt  }
0x4e: {  	_ =	shalt  }
0x4f: {  	_ =	shalt  }
0x50: {  	_ =	shalt  }
0x51: {  	_ =	shalt  }
0x52: {  	_ =	shalt  }
0x53: {  	_ =	shalt  }
0x54: {  	_ =	shalt  }
0x55: {  	_ =	shalt  }
0x56: {  	_ =	shalt  }
0x57: {  	_ =	shalt  }
0x58: {  	_ =	shalt  }
0x59: {  	_ =	shalt  }
0x5a: {  	_ =	shalt  }
0x5b: {  	_ =	shalt  }
0x5c: {  	_ =	shalt  }
0x5d: {  	_ =	shalt  }
0x5e: {  	_ =	shalt  }
0x5f: {  	_ =	shalt  }
0x60: {  	_ =	shalt  }
0x61: {  	_ =	shalt  }
0x62: {  	_ =	shalt  }
0x63: {  	_ =	shalt  }
0x64: {  	_ =	shalt  }
0x65: {  	_ =	shalt  }
0x66: {  	_ =	shalt  }
0x67: {  	_ =	shalt  }
0x68: {  	_ =	shalt  }
0x69: {  	_ =	shalt  }
0x6a: {  	_ =	shalt  }
0x6b: {  	_ =	shalt  }
0x6c: {  	_ =	shalt  }
0x6d: {  	_ =	shalt  }
0x6e: {  	_ =	shalt  }
0x6f: {  	_ =	shalt  }
0x70: {  	_ =	shalt  }
0x71: {  	_ =	shalt  }
0x72: {  	_ =	shalt  }
0x73: {  	_ =	shalt  }
0x74: {  	_ =	shalt  }
0x75: {  	_ =	shalt  }
0x76: {  	_ =	shalt  }
0x77: {  	_ =	shalt  }
0x78: {  	_ =	shalt  }
0x79: {  	_ =	shalt  }
0x7a: {  	_ =	shalt  }
0x7b: {  	_ =	shalt  }
0x7c: {  	_ =	shalt  }
0x7d: {  	_ =	shalt  }
0x7e: {  	_ =	shalt  }
0x7f: {  	_ =	shalt  }
0x80: {  	_ =	shalt  }
0x81: {  	_ =	shalt  }
0x82: {  	_ =	shalt  }
0x83: {  	_ =	shalt  }
0x84: {  	_ =	shalt  }
0x85: {  	_ =	shalt  }
0x86: {  	_ =	shalt  }
0x87: {  	_ =	shalt  }
.Lfunc_end0:
.L_simem_size_0:
called_computation.1_lowered:
.L_overlay_start_0:
0x88: {  	s2 =	sld [smem:$0x3FD9]  }
0x89: {  	s3 =	sld [smem:$0x3FFE];
	_ =	sdelay $0x1  }
0x8a: {  	s1 =	srdreg.scid  }
0x8b: {  	s0 =	sand.u32 $0x1, s1  }
0x8c: {  	s16 =	sshll.u32 s0, $0xA;
	s2 =	sadd.s32 s3, s2  }
0x8d: {  	s2 =	sadd.s32 s2, s16  }
0x8e: {  	[smem:$0x3FBB] =	sst s2  }
0x8f: {  	_ = 	snop  }
0x90: {  	(tm) =	ssettm $0x1  }
0x91: {  	s17 =	sld [smem:$0x3FFB];
	_ =	sdelay $0x3  }
0x92: {  	_ =	strace s17  }
0x93: {  	s2 =	sld [smem:$0x3FFC];
	_ =	sdelay $0x3  }
0x94: {  	_ =	strace s2  }
0x95: {  	s2 =	sld [smem:$0x3FFD];
	_ =	sdelay $0x3  }
0x96: {  	_ =	strace s2  }
0x97: {  	_ =	strace $0x8FFFFFFF  }
0x98: {  	s18 =	sld [smem:$0x3FDB];
	_ =	sdelay $0x1  }
0x99: {  	s19 =	simm.s32 $_scs_section_size  }
0x9a: {  	s4 =	simm.s32 $_size__tile_overlayer_lowered;
	s5 =	simm.s32 $_tile_overlayer_lowered  }
0x9b: {  	s22 =	simm.s32 $0x1BFF;
	s21 =	sshll.u32 s5, $0x1;
	s2 =	sadd.s32 s19, s18  }
0x9c: {  	s6 =	simm.s32 $0x0;
	s20 =	sshll.u32 s4, $0x1;
	s4 =	sadd.s32 s21, s2  }
0x9d: {  	[timem:s6], [sflag:s22] =	dma.local [hbm:s4], s20  }
0x9e: {  	_ =	swait.ge [sflag:s22], s20  }
0x9f: {  	s3 =	ssub.s32 $0x0, s20;
	[sflag:s22] =	ssyncset.done $0x0  }
0xa0: {  	[sflag:s22] =	ssyncadd.s32 s3;
	_ =	sdelay $0x1  }
0xa1: {  	s23 =	simm.s32 $0x1B8B  }
0xa2: {  	_ =	swait.ge [sflag:s23], $0x1  }
0xa3: {  	[sflag:s23] =	ssyncset.done $0x0  }
0xa4: {  	s25 =	simm.s32 $0x1B8E;
	s24 =	sld [smem:$0x3FFE];
	[sflag:s23] =	ssyncadd.s32 $0xFFFFFFFF  }
0xa5: {  	s26 =	simm.s32 $execute0_lowered;
	[smem:$0x3FD2] =	sst s25  }
0xa6: {  	s4 =	sshll.u32 s26, $0x1;
	_ =	strace $0x80000049;
	[dreg:$0x1] =	wrdreg $0xFFFFFFFF  }
0xa7: {  	s28 =	simm.s32 $_size_execute0_lowered;
	s2 =	sadd.s32 s2, s4;
	[dreg:$0x0] =	wrdreg $0x0  }
0xa8: {  	s4 =	sshll.u32 s28, $0x1;
	[dreg:$0x2] =	wrdreg s2  }
0xa9: {  	[dreg:$0x3] =	wrdreg s4  }
0xaa: {  	[dreg:$0x4] =	wrdreg $0xC0  }
0xab: {  	_ =	task [dreg:s6], $0x5FFFF  }
0xac: {  	[dreg:$0x1] =	wrdreg $0xFFFFFFFF  }
0xad: {  	[dreg:$0x0] =	wrdreg $0x60  }
0xae: {  	[dreg:$0x2] =	wrdreg s24  }
0xaf: {  	[dreg:$0x3] =	wrdreg $0x140000  }
0xb0: {  	[dreg:$0x4] =	wrdreg $0x9  }
0xb1: {  	_ =	task.clear_ibuf [dreg:s6], $0x5FFFF;
	_ =	strace $0x90000049  }
0xb2: {  	s29 =	simm.s32 $0x9;
	_ =	strace $0x8000004B  }
0xb3: {  	_ =	swait.ge [sflag:s29], $0x1  }
0xb4: {  	[sflag:s29] =	ssyncadd.s32 $0xFFFFFFFF  }
0xb5: {  	_ =	strace $0x9000004B  }
0xb6: {  	_ =	sfence  }
0xb7: {  	s30 =	sld [smem:$0x0];
	_ =	sdelay $0x2  }
0xb8: {  	s31 =	sshll.u32 s1, $0xD;
	s1 =	sshrl.u32 s1, $0x2  }
0xb9: {  	s3 =	sand.u32 $0x4000, s31;
	s1 =	sadd.s32 s1, s30  }
0xba: {  	s0 =	sor.u32 s3, s0;
	s1 =	sshll.u32 s1, $0x11  }
0xbb: {  	s0 =	sor.u32 s1, s0  }
0xbc: {  	s0 =	sadd.s32 $0x8F2B, s0  }
0xbd: {  	[sflag:s0] =	ssyncadd.remote.s32 $0x1  }
0xbe: {  	_ =	sfence.sel $0xFFFF  }
0xbf: {  	[dreg:$0x0] =	wrdreg $0xFFFFFFFF;
	(pc) =	sbr.abs _section_cstart, $3  }
0xc0: {  	[dreg:$0x1] =	wrdreg $0xFFFFFFFF  }
0xc1: {  	_ =	task.clear_ibuf [dreg:s6], $0x2FFFF;
	_ =	strace $0x9FFFFFFF  }
0xc2: {  	(tm) =	ssettm $0x7FFFFFFF  }
0xc3: {  	_ =	shalt  }
tec
execute0_lowered:
.L_overlay_start_1:
0x0: {  	(tag) =	ssettag $0x1  }
0x1: {  	s0 =	rddreg [dreg:$0x0];
	s1 =	srdreg.scid  }
0x2: {  	s2 =	rddreg [dreg:$0x1];
	s8 =	stileid.u32;
	s3 =	simm.s32 $0x0  }
0x3: {  	s13 =	simm.s32 $0x1;
	s14 =	simm.s32 $0x2;
	s15 =	simm.s32 $0x6  }
0x4: {  	s16 =	simm.s32 $0x80;
	s17 =	simm.s32 $0xA000;
	s18 =	simm.s32 $0xC000  }
0x5: {  	s20 =	simm.s32 $0xE000;
	s22 =	simm.s32 $0x10000;
	s28 =	simm.s32 $0x4  }
0x6: {  	s29 =	simm.s32 $0x5;
	s30 =	simm.s32 $0x7;
	s5 =	smul.u32 $0xA00, s8  }
0x7: {  	s31 =	simm.s32 $0x8;
	s1 =	sand.u32 $0x1, s1;
	s6 =	smul.u32 $0x9E00, s8  }
0x8: {  	s19 =	simm.s32 $0xB;
	[smem:$0x7FF] =	sst s3;
	s4 =	smul.u32 $0x13880, s1  }
0x9: {  	s21 =	simm.s32 $0x0;
	_ =	strace $0x8000004A;
	s24 =	smul.u32 $0x13C00, s1  }
0xa: {  	s1 =	ssub.s32 $0x2, s1;
	s5 =	sadd.s32 s5, s0;
	s11 =	sshrl.u32 s6, $0x3  }
0xb: {  	s25 =	sshrl.u32 s1, $0x1;
	s12 =	sadd.s32 s6, s2;
	s9 =	sadd.s32 s4, s0  }
0xc: {  	s7 =	sadd.s32 s11, s0;
	s0 =	sadd.s32 s24, s0;
	s1 =	ssub.s32 s1, s25  }
0xd: {  	s26 =	sadd.s32 $0xDC00, s5;
	s5 =	sadd.s32 $0x3C00, s5;
	s12 =	sshrl.u32 s12, $0x3  }
0xe: {  	s25 =	simm.s32 $0x12000;
	[dreg:$0x3] =	wrdreg s26;
	s6 =	sadd.s32 $0x66000, s7  }
0xf: {  	s7 =	sshll.u32 s8, $0x6;
	s9 =	sadd.s32 $0x3EE00, s9;
	s0 =	sadd.s32 $0x79C00, s0  }
0x10: {  	s10 =	smax.u32 s1, $0x1;
	s26 =	simm.s32 $0x3;
	s1 =	simm.s32 $0xA  }
0x11: {  	s8 =	sor.u32 $0x1C06, s7;
	s24 =	sadd.s32 s11, s0;
	s0 =	simm.s32 $0x9  }
.LBB2_1:
0x12: {  	s4 =	rddreg [dreg:$0x3]  }
0x13: {  	[tilespmem:s3], [sflag:$0x1] =	stream.linear.gather [hbm4b:s4+s3], $0x5000, $0x38;
	[tilespmem:$0x1DE00] =	vst v63  }
0x14: {  	s11 =	simm.s32 $0x5000  }
0x15: {  	[tilespmem:s11], [sflag:$0x2] =	stream.linear.gather [hbm4b:s5+s3], $0x5000, $0x38;
	[tilespmem:$0x1DE00] =	vst v63  }
0x16: {  	[spmem:s12], [sflag:s8] =	dma.local [hbm:s6], $0x13C0  }
0x17: {  	_ =	swait.ge [sflag:s13], $0x5000  }
0x18: {  	[sflag:s13] =	ssyncset.done $0x0  }
0x19: {  	[sflag:s13] =	ssyncadd.s32 $0xFFFFB000  }
0x1a: {  	_ =	swait.ge [sflag:s14], $0x5000  }
0x1b: {  	[sflag:s14] =	ssyncset.done $0x0  }
0x1c: {  	[sflag:s14] =	ssyncadd.s32 $0xFFFFB000  }
0x1d: {  	_ =	swait.ge [sflag:s15], $0x13C0  }
0x1e: {  	[sflag:s15] =	ssyncset.done $0x0  }
0x1f: {  	[sflag:s15] =	ssyncadd.s32 $0xFFFFEC40  }
0x20: {  	[bflag:$0x0] =	sbarrier.arrive $0xFFFF  }
0x21: {  	[tilespmem:s17], [sflag:$0x1] =	stream.indirect.gather [hbm4b:s9+s16], $0x40, s3, s16, $0xb8;
	[tilespmem:$0x1DE00] =	vst v63  }
0x22: {  	_ = 	snop  }
0x23: {  	[tilespmem:s18], [sflag:$0x2] =	stream.indirect.gather [hbm4b:s9+s16], $0x40, s16, s16, $0xb8;
	[tilespmem:$0x1DE00] =	vst v63  }
0x24: {  	s23 =	simm.s32 $0x100  }
0x25: {  	[tilespmem:s20], [sflag:$0x3] =	stream.indirect.gather [hbm4b:s9+s16], $0x40, s23, s16, $0xb8;
	[tilespmem:$0x1DE00] =	vst v63  }
0x26: {  	s11 =	simm.s32 $0x180  }
0x27: {  	[tilespmem:s22], [sflag:$0x4] =	stream.indirect.gather [hbm4b:s9+s16], $0x40, s11, s16, $0xb8;
	[tilespmem:$0x1DE00] =	vst v63  }
0x28: {  	s23 =	simm.s32 $0x200  }
0x29: {  	[tilespmem:s25], [sflag:$0x5] =	stream.indirect.gather [hbm4b:s9+s16], $0x40, s23, s16, $0xb8;
	[tilespmem:$0x1DE00] =	vst v63  }
0x2a: {  	_ =	swait.ge [sflag:s13], $0x2000  }
0x2b: {  	[sflag:s13] =	ssyncset.done $0x0  }
0x2c: {  	s11 =	simm.s32 $0x5000;
	[sflag:s13] =	ssyncadd.s32 $0xFFFFE000  }
0x2d: {  	[spmem:s2] =	stream.indirect.scatter.add.f32 [tilespmem:s17], [sflag:$0x6], $0x40, s11, s16, $0xb8;
	[tilespmem:$0x1DE00] =	vst v63  }
0x2e: {  	_ =	swait.ge [sflag:s14], $0x2000  }
0x2f: {  	[sflag:s14] =	ssyncset.done $0x0  }
0x30: {  	s4 =	simm.s32 $0x5080;
	[sflag:s14] =	ssyncadd.s32 $0xFFFFE000  }
0x31: {  	[spmem:s2] =	stream.indirect.scatter.add.f32 [tilespmem:s18], [sflag:$0x7], $0x40, s4, s16, $0xb8;
	[tilespmem:$0x1DE00] =	vst v63  }
0x32: {  	_ =	swait.ge [sflag:s26], $0x2000  }
0x33: {  	[sflag:s26] =	ssyncset.done $0x0  }
0x34: {  	s23 =	simm.s32 $0x5100;
	[sflag:s26] =	ssyncadd.s32 $0xFFFFE000  }
0x35: {  	[spmem:s2] =	stream.indirect.scatter.add.f32 [tilespmem:s20], [sflag:$0x8], $0x40, s23, s16, $0xb8;
	[tilespmem:$0x1DE00] =	vst v63  }
0x36: {  	_ =	swait.ge [sflag:s28], $0x2000  }
0x37: {  	[sflag:s28] =	ssyncset.done $0x0  }
0x38: {  	s4 =	simm.s32 $0x5180;
	[sflag:s28] =	ssyncadd.s32 $0xFFFFE000  }
0x39: {  	[spmem:s2] =	stream.indirect.scatter.add.f32 [tilespmem:s22], [sflag:$0x9], $0x40, s4, s16, $0xb8;
	[tilespmem:$0x1DE00] =	vst v63  }
0x3a: {  	_ =	swait.ge [sflag:s29], $0x2000  }
0x3b: {  	[sflag:s29] =	ssyncset.done $0x0  }
0x3c: {  	s23 =	simm.s32 $0x5200;
	[sflag:s29] =	ssyncadd.s32 $0xFFFFE000  }
0x3d: {  	[spmem:s2] =	stream.indirect.scatter.add.f32 [tilespmem:s25], [sflag:$0xA], $0x40, s23, s16, $0xb8;
	[tilespmem:$0x1DE00] =	vst v63  }
0x3e: {  	_ =	swait.ge [sflag:s15], $0x2000  }
0x3f: {  	[sflag:s15] =	ssyncset.done $0x0  }
0x40: {  	s4 =	simm.s32 $0x280;
	[sflag:s15] =	ssyncadd.s32 $0xFFFFE000  }
0x41: {  	[tilespmem:s17], [sflag:$0x1] =	stream.indirect.gather [hbm4b:s9+s16], $0x40, s4, s16, $0xb8;
	[tilespmem:$0x1DE00] =	vst v63  }
0x42: {  	_ =	swait.ge [sflag:s30], $0x2000  }
0x43: {  	[sflag:s30] =	ssyncset.done $0x0  }
0x44: {  	s23 =	simm.s32 $0x300;
	[sflag:s30] =	ssyncadd.s32 $0xFFFFE000  }
0x45: {  	[tilespmem:s18], [sflag:$0x2] =	stream.indirect.gather [hbm4b:s9+s16], $0x40, s23, s16, $0xb8;
	[tilespmem:$0x1DE00] =	vst v63  }
0x46: {  	_ =	swait.ge [sflag:s31], $0x2000  }
0x47: {  	[sflag:s31] =	ssyncset.done $0x0  }
0x48: {  	s4 =	simm.s32 $0x380;
	[sflag:s31] =	ssyncadd.s32 $0xFFFFE000  }
0x49: {  	[tilespmem:s20], [sflag:$0x3] =	stream.indirect.gather [hbm4b:s9+s16], $0x40, s4, s16, $0xb8;
	[tilespmem:$0x1DE00] =	vst v63  }
0x4a: {  	_ =	swait.ge [sflag:s0], $0x2000  }
0x4b: {  	[sflag:s0] =	ssyncset.done $0x0  }
0x4c: {  	s23 =	simm.s32 $0x400;
	[sflag:s0] =	ssyncadd.s32 $0xFFFFE000  }
0x4d: {  	[tilespmem:s22], [sflag:$0x4] =	stream.indirect.gather [hbm4b:s9+s16], $0x40, s23, s16, $0xb8;
	[tilespmem:$0x1DE00] =	vst v63  }
0x4e: {  	_ =	swait.ge [sflag:s1], $0x2000  }
0x4f: {  	[sflag:s1] =	ssyncset.done $0x0  }
0x50: {  	s11 =	simm.s32 $0x480;
	s23 =	simm.s32 $0xA00;
	[sflag:s1] =	ssyncadd.s32 $0xFFFFE000  }
.LBB2_2:
0x51: {  	[tilespmem:s25], [sflag:$0x5] =	stream.indirect.gather [hbm4b:s9+s16], $0x40, s11, s16, $0xb8;
	[tilespmem:$0x1DE00] =	vst v63  }
0x52: {  	s11 =	smov.u32 s23  }
0x53: {  	p0 =	sne.s32 s23, $0x12C00;
	s23 =	sadd.s32 $0xA00, s23;
	_ =	swait.ge [sflag:s13], $0x2000  }
0x54: {  	s11 =	sshra.s32 s11, $0x2;
	[sflag:s13] =	ssyncset.done $0x0  }
0x55: {  	s4 =	sadd.s32 $0x5000, s11;
	[sflag:s13] =	ssyncadd.s32 $0xFFFFE000  }
0x56: {  	[spmem:s2] =	stream.indirect.scatter.add.f32 [tilespmem:s17], [sflag:$0x6], $0x40, s4, s16, $0xb8;
	[tilespmem:$0x1DE00] =	vst v63  }
0x57: {  	_ =	swait.ge [sflag:s14], $0x2000  }
0x58: {  	[sflag:s14] =	ssyncset.done $0x0  }
0x59: {  	s4 =	sadd.s32 $0x5080, s11;
	[sflag:s14] =	ssyncadd.s32 $0xFFFFE000  }
0x5a: {  	[spmem:s2] =	stream.indirect.scatter.add.f32 [tilespmem:s18], [sflag:$0x7], $0x40, s4, s16, $0xb8;
	[tilespmem:$0x1DE00] =	vst v63  }
0x5b: {  	_ =	swait.ge [sflag:s26], $0x2000  }
0x5c: {  	[sflag:s26] =	ssyncset.done $0x0  }
0x5d: {  	s4 =	sadd.s32 $0x5100, s11;
	[sflag:s26] =	ssyncadd.s32 $0xFFFFE000  }
0x5e: {  	[spmem:s2] =	stream.indirect.scatter.add.f32 [tilespmem:s20], [sflag:$0x8], $0x40, s4, s16, $0xb8;
	[tilespmem:$0x1DE00] =	vst v63  }
0x5f: {  	_ =	swait.ge [sflag:s28], $0x2000  }
0x60: {  	[sflag:s28] =	ssyncset.done $0x0  }
0x61: {  	s4 =	sadd.s32 $0x5180, s11;
	[sflag:s28] =	ssyncadd.s32 $0xFFFFE000  }
0x62: {  	[spmem:s2] =	stream.indirect.scatter.add.f32 [tilespmem:s22], [sflag:$0x9], $0x40, s4, s16, $0xb8;
	[tilespmem:$0x1DE00] =	vst v63  }
0x63: {  	_ =	swait.ge [sflag:s29], $0x2000  }
0x64: {  	[sflag:s29] =	ssyncset.done $0x0  }
0x65: {  	s4 =	sadd.s32 $0x5200, s11;
	[sflag:s29] =	ssyncadd.s32 $0xFFFFE000  }
0x66: {  	[spmem:s2] =	stream.indirect.scatter.add.f32 [tilespmem:s25], [sflag:$0xA], $0x40, s4, s16, $0xb8;
	[tilespmem:$0x1DE00] =	vst v63  }
0x67: {  	_ =	swait.ge [sflag:s15], $0x2000  }
0x68: {  	[sflag:s15] =	ssyncset.done $0x0  }
0x69: {  	s4 =	sadd.s32 $0x280, s11;
	[sflag:s15] =	ssyncadd.s32 $0xFFFFE000  }
0x6a: {  	[tilespmem:s17], [sflag:$0x1] =	stream.indirect.gather [hbm4b:s9+s16], $0x40, s4, s16, $0xb8;
	[tilespmem:$0x1DE00] =	vst v63  }
0x6b: {  	_ =	swait.ge [sflag:s30], $0x2000  }
0x6c: {  	[sflag:s30] =	ssyncset.done $0x0  }
0x6d: {  	s4 =	sadd.s32 $0x300, s11;
	[sflag:s30] =	ssyncadd.s32 $0xFFFFE000  }
0x6e: {  	[tilespmem:s18], [sflag:$0x2] =	stream.indirect.gather [hbm4b:s9+s16], $0x40, s4, s16, $0xb8;
	[tilespmem:$0x1DE00] =	vst v63  }
0x6f: {  	_ =	swait.ge [sflag:s31], $0x2000  }
0x70: {  	[sflag:s31] =	ssyncset.done $0x0  }
0x71: {  	s4 =	sadd.s32 $0x380, s11;
	[sflag:s31] =	ssyncadd.s32 $0xFFFFE000  }
0x72: {  	[tilespmem:s20], [sflag:$0x3] =	stream.indirect.gather [hbm4b:s9+s16], $0x40, s4, s16, $0xb8;
	[tilespmem:$0x1DE00] =	vst v63  }
0x73: {  	_ =	swait.ge [sflag:s0], $0x2000  }
0x74: {  	[sflag:s0] =	ssyncset.done $0x0  }
.Ltmp0:
0x75: {  	s4 =	sadd.s32 $0x400, s11;
	[sflag:s0] =	ssyncadd.s32 $0xFFFFE000;
	(pc) =	sbr.rel @p0 .LBB2_2-.Ltmp0, $4  }
0x76: {  	[tilespmem:s22], [sflag:$0x4] =	stream.indirect.gather [hbm4b:s9+s16], $0x40, s4, s16, $0xb8;
	[tilespmem:$0x1DE00] =	vst v63  }
0x77: {  	_ =	swait.ge [sflag:s1], $0x2000  }
0x78: {  	[sflag:s1] =	ssyncset.done $0x0  }
0x79: {  	s11 =	sadd.s32 $0x480, s11;
	[sflag:s1] =	ssyncadd.s32 $0xFFFFE000  }
0x7a: {  	[tilespmem:s25], [sflag:$0x5] =	stream.indirect.gather [hbm4b:s9+s16], $0x40, s11, s16, $0xb8;
	[tilespmem:$0x1DE00] =	vst v63  }
0x7b: {  	_ =	swait.ge [sflag:s13], $0x2000  }
0x7c: {  	[sflag:s13] =	ssyncset.done $0x0  }
0x7d: {  	s4 =	simm.s32 $0x9D80;
	[sflag:s13] =	ssyncadd.s32 $0xFFFFE000  }
0x7e: {  	[spmem:s2] =	stream.indirect.scatter.add.f32 [tilespmem:s17], [sflag:$0x6], $0x40, s4, s16, $0xb8;
	[tilespmem:$0x1DE00] =	vst v63  }
0x7f: {  	_ =	swait.ge [sflag:s14], $0x2000  }
0x80: {  	[sflag:s14] =	ssyncset.done $0x0  }
0x81: {  	s23 =	simm.s32 $0x9E00;
	[sflag:s14] =	ssyncadd.s32 $0xFFFFE000  }
0x82: {  	[spmem:s2] =	stream.indirect.scatter.add.f32 [tilespmem:s18], [sflag:$0x7], $0x40, s23, s16, $0xb8;
	[tilespmem:$0x1DE00] =	vst v63  }
0x83: {  	_ =	swait.ge [sflag:s26], $0x2000  }
0x84: {  	[sflag:s26] =	ssyncset.done $0x0  }
0x85: {  	s11 =	simm.s32 $0x9E80;
	[sflag:s26] =	ssyncadd.s32 $0xFFFFE000  }
0x86: {  	[spmem:s2] =	stream.indirect.scatter.add.f32 [tilespmem:s20], [sflag:$0x8], $0x40, s11, s16, $0xb8;
	[tilespmem:$0x1DE00] =	vst v63  }
0x87: {  	_ =	swait.ge [sflag:s28], $0x2000  }
0x88: {  	[sflag:s28] =	ssyncset.done $0x0  }
0x89: {  	s23 =	simm.s32 $0x9F00;
	[sflag:s28] =	ssyncadd.s32 $0xFFFFE000  }
0x8a: {  	[spmem:s2] =	stream.indirect.scatter.add.f32 [tilespmem:s22], [sflag:$0x9], $0x40, s23, s16, $0xb8;
	[tilespmem:$0x1DE00] =	vst v63  }
0x8b: {  	_ =	swait.ge [sflag:s29], $0x2000  }
0x8c: {  	[sflag:s29] =	ssyncset.done $0x0  }
0x8d: {  	s11 =	simm.s32 $0x9F80;
	[sflag:s29] =	ssyncadd.s32 $0xFFFFE000  }
0x8e: {  	[spmem:s2] =	stream.indirect.scatter.add.f32 [tilespmem:s25], [sflag:$0xA], $0x40, s11, s16, $0xb8;
	[tilespmem:$0x1DE00] =	vst v63  }
0x8f: {  	_ =	swait.ge [sflag:s15], $0x2000  }
0x90: {  	[sflag:s15] =	ssyncset.done $0x0  }
0x91: {  	[sflag:s15] =	ssyncadd.s32 $0xFFFFE000  }
0x92: {  	_ =	swait.ge [sflag:s30], $0x2000  }
0x93: {  	[sflag:s30] =	ssyncset.done $0x0  }
0x94: {  	[sflag:s30] =	ssyncadd.s32 $0xFFFFE000  }
0x95: {  	_ =	swait.ge [sflag:s31], $0x2000  }
0x96: {  	[sflag:s31] =	ssyncset.done $0x0  }
0x97: {  	[sflag:s31] =	ssyncadd.s32 $0xFFFFE000  }
0x98: {  	_ =	swait.ge [sflag:s0], $0x2000  }
0x99: {  	[sflag:s0] =	ssyncset.done $0x0  }
0x9a: {  	[sflag:s0] =	ssyncadd.s32 $0xFFFFE000  }
0x9b: {  	_ =	swait.ge [sflag:s1], $0x2000  }
0x9c: {  	s21 =	sadd.s32 $0x1, s21;
	[sflag:s1] =	ssyncset.done $0x0  }
0x9d: {  	p0 =	sne.s32 s21, s10;
	[sflag:s1] =	ssyncadd.s32 $0xFFFFE000  }
.Ltmp1:
0x9e: {  	s23 =	sor.u32 $0x1C0B, s7;
	[bflag:$0x0] =	sbarrier.arrive $0xFFFF;
	(pc) =	sbr.rel @p0 .LBB2_1-.Ltmp1, $4  }
0x9f: {  	[hbm:s24], [sflag:s23] =	dma.local [spmem:s12], $0x13C0  }
0xa0: {  	_ =	swait.ge [sflag:s19], $0x13C0  }
0xa1: {  	[sflag:s19] =	ssyncset.done $0x0  }
0xa2: {  	[sflag:s19] =	ssyncadd.s32 $0xFFFFEC40  }
0xa3: {  	_ =	sfence.sel $0x180000  }
0xa4: {  	[bflag:$0x0] =	sbarrier.arrive $0xFFFF  }
0xa5: {  	_ =	strace $0x9000004A  }
0xa6: {  	s0 =	stileid.u32;
	[bflag:$0x2] =	sbarrier.arrive $0xFFFF  }
0xa7: {  	p0 =	sne.s32 s0, $0x0;
	s0 =	rddreg [dreg:$0x2]  }
0xa8: {  	s0 =	sadd.s32 @!p0 $0x100000, s0  }
0xa9: {  	[sflag:s0] =	ssyncadd.tile.s32 @!p0 $0x1;
	_ =	shalt  }
.Lfunc_end2:
_tile_overlayer_lowered:
.L_overlay_start_2:
0xaa: {  	(tag) =	ssettag $0x2  }
0xab: {  	s0 =	rddreg [dreg:$0x0];
	s2 =	stileid.u32  }
0xac: {  	s1 =	rddreg [dreg:$0x1];
	p0 =	sne.s32 s2, $0x0  }
0xad: {  	s3 =	rddreg [dreg:$0x2];
	[bflag:$0x3] =	sbarrier.arrive $0xFFFF;
	s2 =	simm.s32 @!p0 $0x1C0B  }
0xae: {  	[timem:s3], [sflag:s2] =	dma.local @!p0 [hbm:s0], s1  }
0xaf: {  	s0 =	simm.s32 @!p0 $0xB  }
0xb0: {  	_ =	swait.ge @!p0 [sflag:s0], s1  }
0xb1: {  	s1 =	ssub.s32 @!p0 $0x0, s1;
	[sflag:s0] =	ssyncset.done @!p0 $0x0  }
0xb2: {  	[sflag:s0] =	ssyncadd.s32 @!p0 s1  }
0xb3: {  	[bflag:$0x3] =	sbarrier.arrive $0xFFFF  }
0xb4: {  	_ =	shalt  }

// kernel: kernel.19.cloned.1.call-start
scs
__scs_entry_jumppad:
0x0: {  	(pc) =	sbr.rel $0x88, $3  }
0x1: {  	(tag) =	ssettag $0x0;
	lr =	simm.s32 $0x1  }
0x2: {  	[smem:$0x3F94] =	sst lr;
	_ =	strace $0xD0000000  }
0x3: {  	_ = 	snop  }
0x4: {  	_ = 	snop  }
0x5: {  	_ = 	snop  }
0x6: {  	_ = 	snop  }
0x7: {  	_ = 	snop  }
__scs_overlays_trampoline_lowered:
0x8: {  	[smem:$0x3FA3] =	sst s0  }
0x9: {  	[smem:$0x3FA4] =	sst s1  }
0xa: {  	[smem:$0x3FA5] =	sst s2  }
0xb: {  	[smem:$0x3FA6] =	sst s3  }
0xc: {  	[smem:$0x3FA7] =	sst s4  }
0xd: {  	[smem:$0x3FA8] =	sst s5  }
0xe: {  	[smem:$0x3FA9] =	sst s6  }
0xf: {  	[smem:$0x3FAA] =	sst s7  }
0x10: {  	[smem:$0x3FAB] =	sst s8  }
0x11: {  	[smem:$0x3FAC] =	sst s9;
	s0 =	simm.s32 @!p0 $0x0  }
0x12: {  	s1 =	sld [smem:$0x3F92];
	s0 =	simm.s32 @p0 $0x1  }
0x13: {  	[smem:$0x3FAD] =	sst s0;
	s0 =	simm.s32 @!p1 $0x0  }
0x14: {  	s2 =	sld [smem:$0x3F91];
	s0 =	simm.s32 @p1 $0x1  }
0x15: {  	[smem:$0x3FAE] =	sst s0;
	s0 =	simm.s32 @!p2 $0x0  }
0x16: {  	s3 =	sld [smem:$0x3FDB];
	s0 =	simm.s32 @p2 $0x1  }
0x17: {  	s4 =	simm.s32 $0x1BF5;
	[smem:$0x3FB0] =	sst s0  }
0x18: {  	s0 =	sld [smem:$0x3F93];
	_ =	swait.ge [sflag:s4], $0x0  }
0x19: {  	s7 =	sld [smem:$0x3F94]  }
0x1a: {  	s8 =	sadd.s32 $0xFFFFE003, lr  }
0x1b: {  	s9 =	sadd.s32 $0xFFFFFEF7, lr;
	s5 =	simm.s32 $0xFFFFFFFF;
	p2 =	slt.u32 s8, $0xFFFFF086  }
0x1c: {  	p1 =	slt.u32 s9, $0xF7A;
	s5 =	simm.s32 @!p2 $0x0  }
0x1d: {  	s5 =	simm.s32 @p1 $0x1;
	p0 =	seq.s32 s7, s2  }
0x1e: {  	s7 =	smul.u32 @!p0 $0xF7A, s2;
	p2 =	seq.s32 @!p0 s5, $0x0  }
0x1f: {  	s9 =	smul.u32 $0xF7A, s1;
	s8 =	simm.s32 @!p0 $0x1BF5;
	p2 =	por !p2, p0  }
0x20: {  	[sflag:s8] =	ssyncset.s32 @!p0 $0xFFFFF086;
	s6 =	sadd.s32 @!p0 s3, s7;
	s7 =	simm.s32 @!p0 $0x108  }
0x21: {  	s3 =	sadd.s32 s3, s9;
	s6 =	sadd.s32 @!p0 $0x88, s6;
	s7 =	simm.s32 @p2 $0x1082  }
0x22: {  	[simem:s7], [sflag:s8] =	dma.local @!p0 [hbm:s6], $0xF7A  }
0x23: {  	s9 =	sor.u32 $0xD0000000, s2;
	s6 =	simm.s32 $0x108;
	_ =	swait.ge @!p0 [sflag:s8], $0x0  }
0x24: {  	s3 =	sadd.s32 $0x88, s3;
	s6 =	simm.s32 @!p1 $0x1082;
	[sflag:s4] =	ssyncset.s32 $0xFFFFF086  }
0x25: {  	[simem:s6], [sflag:s4] =	dma.local [hbm:s3], $0xF7A  }
0x26: {  	[smem:$0x3F94] =	sst s1;
	(tag) =	ssettag s2;
	_ =	strace s9  }
0x27: {  	s1 =	sld [smem:$0x3FA4]  }
0x28: {  	s2 =	sld [smem:$0x3FA5]  }
0x29: {  	s4 =	sld [smem:$0x3FA7]  }
0x2a: {  	p0 =	seq.s32 s5, $0x0;
	s5 =	sld [smem:$0x3FA8]  }
0x2b: {  	s6 =	sld [smem:$0x3FA9]  }
0x2c: {  	s7 =	sld [smem:$0x3FAA]  }
0x2d: {  	s3 =	simm.s32 $0x108;
	s8 =	sld [smem:$0x3FAB]  }
0x2e: {  	s3 =	simm.s32 @!p0 $0x1082;
	s9 =	sld [smem:$0x3FAC]  }
0x2f: {  	lr =	sadd.s32 s0, s3;
	s0 =	sld [smem:$0x3FA3]  }
0x30: {  	s3 =	sld [smem:$0x3FA6]  }
0x31: {  	[smem:$0x3FAF] =	sst s10  }
0x32: {  	s10 =	sld [smem:$0x3FAD];
	_ =	sdelay $0x3  }
0x33: {  	p0 =	seq.s32 s10, $0x1;
	s10 =	sld [smem:$0x3FAF];
	_ =	sdelay $0x3  }
0x34: {  	[smem:$0x3FAF] =	sst s10  }
0x35: {  	s10 =	sld [smem:$0x3FAE];
	_ =	sdelay $0x3  }
0x36: {  	p1 =	seq.s32 s10, $0x1;
	s10 =	sld [smem:$0x3FAF];
	_ =	sdelay $0x3  }
0x37: {  	[smem:$0x3FAF] =	sst s10  }
0x38: {  	s10 =	sld [smem:$0x3FB0]  }
0x39: {  	_ = 	snop;
	(pc) =	sbr.ind lr, $3  }
0x3a: {  	_ = 	snop  }
0x3b: {  	_ = 	snop  }
0x3c: {  	p2 =	seq.s32 s10, $0x1;
	s10 =	sld [smem:$0x3FAF]  }
0x3d: {  	_ =	shalt  }
0x3e: {  	_ =	shalt  }
0x3f: {  	_ =	shalt  }
0x40: {  	_ =	shalt  }
0x41: {  	_ =	shalt  }
0x42: {  	_ =	shalt  }
0x43: {  	_ =	shalt  }
0x44: {  	_ =	shalt  }
0x45: {  	_ =	shalt  }
0x46: {  	_ =	shalt  }
0x47: {  	_ =	shalt  }
0x48: {  	_ =	shalt  }
0x49: {  	_ =	shalt  }
0x4a: {  	_ =	shalt  }
0x4b: {  	_ =	shalt  }
0x4c: {  	_ =	shalt  }
0x4d: {  	_ =	shalt  }
0x4e: {  	_ =	shalt  }
0x4f: {  	_ =	shalt  }
0x50: {  	_ =	shalt  }
0x51: {  	_ =	shalt  }
0x52: {  	_ =	shalt  }
0x53: {  	_ =	shalt  }
0x54: {  	_ =	shalt  }
0x55: {  	_ =	shalt  }
0x56: {  	_ =	shalt  }
0x57: {  	_ =	shalt  }
0x58: {  	_ =	shalt  }
0x59: {  	_ =	shalt  }
0x5a: {  	_ =	shalt  }
0x5b: {  	_ =	shalt  }
0x5c: {  	_ =	shalt  }
0x5d: {  	_ =	shalt  }
0x5e: {  	_ =	shalt  }
0x5f: {  	_ =	shalt  }
0x60: {  	_ =	shalt  }
0x61: {  	_ =	shalt  }
0x62: {  	_ =	shalt  }
0x63: {  	_ =	shalt  }
0x64: {  	_ =	shalt  }
0x65: {  	_ =	shalt  }
0x66: {  	_ =	shalt  }
0x67: {  	_ =	shalt  }
0x68: {  	_ =	shalt  }
0x69: {  	_ =	shalt  }
0x6a: {  	_ =	shalt  }
0x6b: {  	_ =	shalt  }
0x6c: {  	_ =	shalt  }
0x6d: {  	_ =	shalt  }
0x6e: {  	_ =	shalt  }
0x6f: {  	_ =	shalt  }
0x70: {  	_ =	shalt  }
0x71: {  	_ =	shalt  }
0x72: {  	_ =	shalt  }
0x73: {  	_ =	shalt  }
0x74: {  	_ =	shalt  }
0x75: {  	_ =	shalt  }
0x76: {  	_ =	shalt  }
0x77: {  	_ =	shalt  }
0x78: {  	_ =	shalt  }
0x79: {  	_ =	shalt  }
0x7a: {  	_ =	shalt  }
0x7b: {  	_ =	shalt  }
0x7c: {  	_ =	shalt  }
0x7d: {  	_ =	shalt  }
0x7e: {  	_ =	shalt  }
0x7f: {  	_ =	shalt  }
0x80: {  	_ =	shalt  }
0x81: {  	_ =	shalt  }
0x82: {  	_ =	shalt  }
0x83: {  	_ =	shalt  }
0x84: {  	_ =	shalt  }
0x85: {  	_ =	shalt  }
0x86: {  	_ =	shalt  }
0x87: {  	_ =	shalt  }
.Lfunc_end0:
.L_simem_size_0:
called_computation.2_lowered:
.L_overlay_start_0:
0x88: {  	s2 =	sld [smem:$0x3FD9]  }
0x89: {  	s3 =	sld [smem:$0x3FFE];
	_ =	sdelay $0x1  }
0x8a: {  	s1 =	srdreg.scid  }
0x8b: {  	s0 =	sand.u32 $0x1, s1  }
0x8c: {  	s16 =	sshll.u32 s0, $0xA;
	s2 =	sadd.s32 s3, s2  }
0x8d: {  	s2 =	sadd.s32 s2, s16  }
0x8e: {  	[smem:$0x3FBB] =	sst s2  }
0x8f: {  	_ = 	snop  }
0x90: {  	(tm) =	ssettm $0x1  }
0x91: {  	s17 =	sld [smem:$0x3FFB];
	_ =	sdelay $0x3  }
0x92: {  	_ =	strace s17  }
0x93: {  	s2 =	sld [smem:$0x3FFC];
	_ =	sdelay $0x3  }
0x94: {  	_ =	strace s2  }
0x95: {  	s2 =	sld [smem:$0x3FFD];
	_ =	sdelay $0x3  }
0x96: {  	_ =	strace s2  }
0x97: {  	_ =	strace $0x8FFFFFFF  }
0x98: {  	s18 =	sld [smem:$0x3FDB];
	_ =	sdelay $0x1  }
0x99: {  	s19 =	simm.s32 $_scs_section_size  }
0x9a: {  	s4 =	simm.s32 $_size__tile_overlayer_lowered;
	s5 =	simm.s32 $_tile_overlayer_lowered  }
0x9b: {  	s22 =	simm.s32 $0x1BFF;
	s21 =	sshll.u32 s5, $0x1;
	s2 =	sadd.s32 s19, s18  }
0x9c: {  	s6 =	simm.s32 $0x0;
	s20 =	sshll.u32 s4, $0x1;
	s4 =	sadd.s32 s21, s2  }
0x9d: {  	[timem:s6], [sflag:s22] =	dma.local [hbm:s4], s20  }
0x9e: {  	_ =	swait.ge [sflag:s22], s20  }
0x9f: {  	s3 =	ssub.s32 $0x0, s20;
	[sflag:s22] =	ssyncset.done $0x0  }
0xa0: {  	[sflag:s22] =	ssyncadd.s32 s3;
	_ =	sdelay $0x1  }
0xa1: {  	s23 =	simm.s32 $0x1B8B  }
0xa2: {  	_ =	swait.ge [sflag:s23], $0x1  }
0xa3: {  	[sflag:s23] =	ssyncset.done $0x0  }
0xa4: {  	s25 =	simm.s32 $0x1B8E;
	s24 =	sld [smem:$0x3FFE];
	[sflag:s23] =	ssyncadd.s32 $0xFFFFFFFF  }
0xa5: {  	s26 =	simm.s32 $execute0_lowered;
	[smem:$0x3FD2] =	sst s25  }
0xa6: {  	s4 =	sshll.u32 s26, $0x1;
	_ =	strace $0x8000004C;
	[dreg:$0x1] =	wrdreg $0xFFFFFFFF  }
0xa7: {  	s28 =	simm.s32 $_size_execute0_lowered;
	s2 =	sadd.s32 s2, s4;
	[dreg:$0x0] =	wrdreg $0x0  }
0xa8: {  	s4 =	sshll.u32 s28, $0x1;
	[dreg:$0x2] =	wrdreg s2  }
0xa9: {  	[dreg:$0x3] =	wrdreg s4  }
0xaa: {  	[dreg:$0x4] =	wrdreg $0xC0  }
0xab: {  	_ =	task [dreg:s6], $0x5FFFF  }
0xac: {  	[dreg:$0x1] =	wrdreg $0xFFFFFFFF  }
0xad: {  	[dreg:$0x0] =	wrdreg $0x60  }
0xae: {  	[dreg:$0x2] =	wrdreg s24  }
0xaf: {  	[dreg:$0x3] =	wrdreg $0x140000  }
0xb0: {  	[dreg:$0x4] =	wrdreg $0x9  }
0xb1: {  	_ =	task.clear_ibuf [dreg:s6], $0x5FFFF;
	_ =	strace $0x9000004C  }
0xb2: {  	s29 =	simm.s32 $0x9;
	_ =	strace $0x8000004E  }
0xb3: {  	_ =	swait.ge [sflag:s29], $0x1  }
0xb4: {  	[sflag:s29] =	ssyncadd.s32 $0xFFFFFFFF  }
0xb5: {  	_ =	strace $0x9000004E  }
0xb6: {  	_ =	sfence  }
0xb7: {  	s30 =	sld [smem:$0x0];
	_ =	sdelay $0x2  }
0xb8: {  	s31 =	sshll.u32 s1, $0xD;
	s1 =	sshrl.u32 s1, $0x2  }
0xb9: {  	s3 =	sand.u32 $0x4000, s31;
	s1 =	sadd.s32 s1, s30  }
0xba: {  	s0 =	sor.u32 s3, s0;
	s1 =	sshll.u32 s1, $0x11  }
0xbb: {  	s0 =	sor.u32 s1, s0  }
0xbc: {  	s0 =	sadd.s32 $0x8F2B, s0  }
0xbd: {  	[sflag:s0] =	ssyncadd.remote.s32 $0x1  }
0xbe: {  	_ =	sfence.sel $0xFFFF  }
0xbf: {  	[dreg:$0x0] =	wrdreg $0xFFFFFFFF;
	(pc) =	sbr.abs _section_cstart, $3  }
0xc0: {  	[dreg:$0x1] =	wrdreg $0xFFFFFFFF  }
0xc1: {  	_ =	task.clear_ibuf [dreg:s6], $0x2FFFF;
	_ =	strace $0x9FFFFFFF  }
0xc2: {  	(tm) =	ssettm $0x7FFFFFFF  }
0xc3: {  	_ =	shalt  }
tec
execute0_lowered:
.L_overlay_start_1:
0x0: {  	(tag) =	ssettag $0x1  }
0x1: {  	s0 =	rddreg [dreg:$0x0];
	s1 =	srdreg.scid  }
0x2: {  	s2 =	rddreg [dreg:$0x1];
	s8 =	stileid.u32;
	s3 =	simm.s32 $0x0  }
0x3: {  	s13 =	simm.s32 $0x1;
	s14 =	simm.s32 $0x2;
	s15 =	simm.s32 $0x6  }
0x4: {  	s16 =	simm.s32 $0x80;
	s17 =	simm.s32 $0xA000;
	s18 =	simm.s32 $0xC000  }
0x5: {  	s20 =	simm.s32 $0xE000;
	s22 =	simm.s32 $0x10000;
	s28 =	simm.s32 $0x4  }
0x6: {  	s29 =	simm.s32 $0x5;
	s30 =	simm.s32 $0x7;
	s5 =	smul.u32 $0xA00, s8  }
0x7: {  	s31 =	simm.s32 $0x8;
	s1 =	sand.u32 $0x1, s1;
	s6 =	smul.u32 $0x9E00, s8  }
0x8: {  	s19 =	simm.s32 $0xB;
	[smem:$0x7FF] =	sst s3;
	s4 =	smul.u32 $0x13880, s1  }
0x9: {  	s21 =	simm.s32 $0x0;
	_ =	strace $0x8000004D;
	s24 =	smul.u32 $0x13C00, s1  }
0xa: {  	s1 =	ssub.s32 $0x2, s1;
	s5 =	sadd.s32 s5, s0;
	s11 =	sshrl.u32 s6, $0x3  }
0xb: {  	s25 =	sshrl.u32 s1, $0x1;
	s12 =	sadd.s32 s6, s2;
	s9 =	sadd.s32 s4, s0  }
0xc: {  	s7 =	sadd.s32 s11, s0;
	s0 =	sadd.s32 s24, s0;
	s1 =	ssub.s32 s1, s25  }
0xd: {  	s26 =	sadd.s32 $0xDC00, s5;
	s5 =	sadd.s32 $0x3C00, s5;
	s12 =	sshrl.u32 s12, $0x3  }
0xe: {  	s25 =	simm.s32 $0x12000;
	[dreg:$0x3] =	wrdreg s26;
	s6 =	sadd.s32 $0x66000, s7  }
0xf: {  	s7 =	sshll.u32 s8, $0x6;
	s9 =	sadd.s32 $0x3EE00, s9;
	s0 =	sadd.s32 $0x79C00, s0  }
0x10: {  	s10 =	smax.u32 s1, $0x1;
	s26 =	simm.s32 $0x3;
	s1 =	simm.s32 $0xA  }
0x11: {  	s8 =	sor.u32 $0x1C06, s7;
	s24 =	sadd.s32 s11, s0;
	s0 =	simm.s32 $0x9  }
.LBB2_1:
0x12: {  	s4 =	rddreg [dreg:$0x3]  }
0x13: {  	[tilespmem:s3], [sflag:$0x1] =	stream.linear.gather [hbm4b:s4+s3], $0x5000, $0x38;
	[tilespmem:$0x1DE00] =	vst v63  }
0x14: {  	s11 =	simm.s32 $0x5000  }
0x15: {  	[tilespmem:s11], [sflag:$0x2] =	stream.linear.gather [hbm4b:s5+s3], $0x5000, $0x38;
	[tilespmem:$0x1DE00] =	vst v63  }
0x16: {  	[spmem:s12], [sflag:s8] =	dma.local [hbm:s6], $0x13C0  }
0x17: {  	_ =	swait.ge [sflag:s13], $0x5000  }
0x18: {  	[sflag:s13] =	ssyncset.done $0x0  }
0x19: {  	[sflag:s13] =	ssyncadd.s32 $0xFFFFB000  }
0x1a: {  	_ =	swait.ge [sflag:s14], $0x5000  }
0x1b: {  	[sflag:s14] =	ssyncset.done $0x0  }
0x1c: {  	[sflag:s14] =	ssyncadd.s32 $0xFFFFB000  }
0x1d: {  	_ =	swait.ge [sflag:s15], $0x13C0  }
0x1e: {  	[sflag:s15] =	ssyncset.done $0x0  }
0x1f: {  	[sflag:s15] =	ssyncadd.s32 $0xFFFFEC40  }
0x20: {  	[bflag:$0x0] =	sbarrier.arrive $0xFFFF  }
0x21: {  	[tilespmem:s17], [sflag:$0x1] =	stream.indirect.gather [hbm4b:s9+s16], $0x40, s3, s16, $0xb8;
	[tilespmem:$0x1DE00] =	vst v63  }
0x22: {  	_ = 	snop  }
0x23: {  	[tilespmem:s18], [sflag:$0x2] =	stream.indirect.gather [hbm4b:s9+s16], $0x40, s16, s16, $0xb8;
	[tilespmem:$0x1DE00] =	vst v63  }
0x24: {  	s23 =	simm.s32 $0x100  }
0x25: {  	[tilespmem:s20], [sflag:$0x3] =	stream.indirect.gather [hbm4b:s9+s16], $0x40, s23, s16, $0xb8;
	[tilespmem:$0x1DE00] =	vst v63  }
0x26: {  	s11 =	simm.s32 $0x180  }
0x27: {  	[tilespmem:s22], [sflag:$0x4] =	stream.indirect.gather [hbm4b:s9+s16], $0x40, s11, s16, $0xb8;
	[tilespmem:$0x1DE00] =	vst v63  }
0x28: {  	s23 =	simm.s32 $0x200  }
0x29: {  	[tilespmem:s25], [sflag:$0x5] =	stream.indirect.gather [hbm4b:s9+s16], $0x40, s23, s16, $0xb8;
	[tilespmem:$0x1DE00] =	vst v63  }
0x2a: {  	_ =	swait.ge [sflag:s13], $0x2000  }
0x2b: {  	[sflag:s13] =	ssyncset.done $0x0  }
0x2c: {  	s11 =	simm.s32 $0x5000;
	[sflag:s13] =	ssyncadd.s32 $0xFFFFE000  }
0x2d: {  	[spmem:s2] =	stream.indirect.scatter.add.f32 [tilespmem:s17], [sflag:$0x6], $0x40, s11, s16, $0xb8;
	[tilespmem:$0x1DE00] =	vst v63  }
0x2e: {  	_ =	swait.ge [sflag:s14], $0x2000  }
0x2f: {  	[sflag:s14] =	ssyncset.done $0x0  }
0x30: {  	s4 =	simm.s32 $0x5080;
	[sflag:s14] =	ssyncadd.s32 $0xFFFFE000  }
0x31: {  	[spmem:s2] =	stream.indirect.scatter.add.f32 [tilespmem:s18], [sflag:$0x7], $0x40, s4, s16, $0xb8;
	[tilespmem:$0x1DE00] =	vst v63  }
0x32: {  	_ =	swait.ge [sflag:s26], $0x2000  }
0x33: {  	[sflag:s26] =	ssyncset.done $0x0  }
0x34: {  	s23 =	simm.s32 $0x5100;
	[sflag:s26] =	ssyncadd.s32 $0xFFFFE000  }
0x35: {  	[spmem:s2] =	stream.indirect.scatter.add.f32 [tilespmem:s20], [sflag:$0x8], $0x40, s23, s16, $0xb8;
	[tilespmem:$0x1DE00] =	vst v63  }
0x36: {  	_ =	swait.ge [sflag:s28], $0x2000  }
0x37: {  	[sflag:s28] =	ssyncset.done $0x0  }
0x38: {  	s4 =	simm.s32 $0x5180;
	[sflag:s28] =	ssyncadd.s32 $0xFFFFE000  }
0x39: {  	[spmem:s2] =	stream.indirect.scatter.add.f32 [tilespmem:s22], [sflag:$0x9], $0x40, s4, s16, $0xb8;
	[tilespmem:$0x1DE00] =	vst v63  }
0x3a: {  	_ =	swait.ge [sflag:s29], $0x2000  }
0x3b: {  	[sflag:s29] =	ssyncset.done $0x0  }
0x3c: {  	s23 =	simm.s32 $0x5200;
	[sflag:s29] =	ssyncadd.s32 $0xFFFFE000  }
0x3d: {  	[spmem:s2] =	stream.indirect.scatter.add.f32 [tilespmem:s25], [sflag:$0xA], $0x40, s23, s16, $0xb8;
	[tilespmem:$0x1DE00] =	vst v63  }
0x3e: {  	_ =	swait.ge [sflag:s15], $0x2000  }
0x3f: {  	[sflag:s15] =	ssyncset.done $0x0  }
0x40: {  	s4 =	simm.s32 $0x280;
	[sflag:s15] =	ssyncadd.s32 $0xFFFFE000  }
0x41: {  	[tilespmem:s17], [sflag:$0x1] =	stream.indirect.gather [hbm4b:s9+s16], $0x40, s4, s16, $0xb8;
	[tilespmem:$0x1DE00] =	vst v63  }
0x42: {  	_ =	swait.ge [sflag:s30], $0x2000  }
0x43: {  	[sflag:s30] =	ssyncset.done $0x0  }
0x44: {  	s23 =	simm.s32 $0x300;
	[sflag:s30] =	ssyncadd.s32 $0xFFFFE000  }
0x45: {  	[tilespmem:s18], [sflag:$0x2] =	stream.indirect.gather [hbm4b:s9+s16], $0x40, s23, s16, $0xb8;
	[tilespmem:$0x1DE00] =	vst v63  }
0x46: {  	_ =	swait.ge [sflag:s31], $0x2000  }
0x47: {  	[sflag:s31] =	ssyncset.done $0x0  }
0x48: {  	s4 =	simm.s32 $0x380;
	[sflag:s31] =	ssyncadd.s32 $0xFFFFE000  }
0x49: {  	[tilespmem:s20], [sflag:$0x3] =	stream.indirect.gather [hbm4b:s9+s16], $0x40, s4, s16, $0xb8;
	[tilespmem:$0x1DE00] =	vst v63  }
0x4a: {  	_ =	swait.ge [sflag:s0], $0x2000  }
0x4b: {  	[sflag:s0] =	ssyncset.done $0x0  }
0x4c: {  	s23 =	simm.s32 $0x400;
	[sflag:s0] =	ssyncadd.s32 $0xFFFFE000  }
0x4d: {  	[tilespmem:s22], [sflag:$0x4] =	stream.indirect.gather [hbm4b:s9+s16], $0x40, s23, s16, $0xb8;
	[tilespmem:$0x1DE00] =	vst v63  }
0x4e: {  	_ =	swait.ge [sflag:s1], $0x2000  }
0x4f: {  	[sflag:s1] =	ssyncset.done $0x0  }
0x50: {  	s11 =	simm.s32 $0x480;
	s23 =	simm.s32 $0xA00;
	[sflag:s1] =	ssyncadd.s32 $0xFFFFE000  }
.LBB2_2:
0x51: {  	[tilespmem:s25], [sflag:$0x5] =	stream.indirect.gather [hbm4b:s9+s16], $0x40, s11, s16, $0xb8;
	[tilespmem:$0x1DE00] =	vst v63  }
0x52: {  	s11 =	smov.u32 s23  }
0x53: {  	p0 =	sne.s32 s23, $0x12C00;
	s23 =	sadd.s32 $0xA00, s23;
	_ =	swait.ge [sflag:s13], $0x2000  }
0x54: {  	s11 =	sshra.s32 s11, $0x2;
	[sflag:s13] =	ssyncset.done $0x0  }
0x55: {  	s4 =	sadd.s32 $0x5000, s11;
	[sflag:s13] =	ssyncadd.s32 $0xFFFFE000  }
0x56: {  	[spmem:s2] =	stream.indirect.scatter.add.f32 [tilespmem:s17], [sflag:$0x6], $0x40, s4, s16, $0xb8;
	[tilespmem:$0x1DE00] =	vst v63  }
0x57: {  	_ =	swait.ge [sflag:s14], $0x2000  }
0x58: {  	[sflag:s14] =	ssyncset.done $0x0  }
0x59: {  	s4 =	sadd.s32 $0x5080, s11;
	[sflag:s14] =	ssyncadd.s32 $0xFFFFE000  }
0x5a: {  	[spmem:s2] =	stream.indirect.scatter.add.f32 [tilespmem:s18], [sflag:$0x7], $0x40, s4, s16, $0xb8;
	[tilespmem:$0x1DE00] =	vst v63  }
0x5b: {  	_ =	swait.ge [sflag:s26], $0x2000  }
0x5c: {  	[sflag:s26] =	ssyncset.done $0x0  }
0x5d: {  	s4 =	sadd.s32 $0x5100, s11;
	[sflag:s26] =	ssyncadd.s32 $0xFFFFE000  }
0x5e: {  	[spmem:s2] =	stream.indirect.scatter.add.f32 [tilespmem:s20], [sflag:$0x8], $0x40, s4, s16, $0xb8;
	[tilespmem:$0x1DE00] =	vst v63  }
0x5f: {  	_ =	swait.ge [sflag:s28], $0x2000  }
0x60: {  	[sflag:s28] =	ssyncset.done $0x0  }
0x61: {  	s4 =	sadd.s32 $0x5180, s11;
	[sflag:s28] =	ssyncadd.s32 $0xFFFFE000  }
0x62: {  	[spmem:s2] =	stream.indirect.scatter.add.f32 [tilespmem:s22], [sflag:$0x9], $0x40, s4, s16, $0xb8;
	[tilespmem:$0x1DE00] =	vst v63  }
0x63: {  	_ =	swait.ge [sflag:s29], $0x2000  }
0x64: {  	[sflag:s29] =	ssyncset.done $0x0  }
0x65: {  	s4 =	sadd.s32 $0x5200, s11;
	[sflag:s29] =	ssyncadd.s32 $0xFFFFE000  }
0x66: {  	[spmem:s2] =	stream.indirect.scatter.add.f32 [tilespmem:s25], [sflag:$0xA], $0x40, s4, s16, $0xb8;
	[tilespmem:$0x1DE00] =	vst v63  }
0x67: {  	_ =	swait.ge [sflag:s15], $0x2000  }
0x68: {  	[sflag:s15] =	ssyncset.done $0x0  }
0x69: {  	s4 =	sadd.s32 $0x280, s11;
	[sflag:s15] =	ssyncadd.s32 $0xFFFFE000  }
0x6a: {  	[tilespmem:s17], [sflag:$0x1] =	stream.indirect.gather [hbm4b:s9+s16], $0x40, s4, s16, $0xb8;
	[tilespmem:$0x1DE00] =	vst v63  }
0x6b: {  	_ =	swait.ge [sflag:s30], $0x2000  }
0x6c: {  	[sflag:s30] =	ssyncset.done $0x0  }
0x6d: {  	s4 =	sadd.s32 $0x300, s11;
	[sflag:s30] =	ssyncadd.s32 $0xFFFFE000  }
0x6e: {  	[tilespmem:s18], [sflag:$0x2] =	stream.indirect.gather [hbm4b:s9+s16], $0x40, s4, s16, $0xb8;
	[tilespmem:$0x1DE00] =	vst v63  }
0x6f: {  	_ =	swait.ge [sflag:s31], $0x2000  }
0x70: {  	[sflag:s31] =	ssyncset.done $0x0  }
0x71: {  	s4 =	sadd.s32 $0x380, s11;
	[sflag:s31] =	ssyncadd.s32 $0xFFFFE000  }
0x72: {  	[tilespmem:s20], [sflag:$0x3] =	stream.indirect.gather [hbm4b:s9+s16], $0x40, s4, s16, $0xb8;
	[tilespmem:$0x1DE00] =	vst v63  }
0x73: {  	_ =	swait.ge [sflag:s0], $0x2000  }
0x74: {  	[sflag:s0] =	ssyncset.done $0x0  }
.Ltmp0:
0x75: {  	s4 =	sadd.s32 $0x400, s11;
	[sflag:s0] =	ssyncadd.s32 $0xFFFFE000;
	(pc) =	sbr.rel @p0 .LBB2_2-.Ltmp0, $4  }
0x76: {  	[tilespmem:s22], [sflag:$0x4] =	stream.indirect.gather [hbm4b:s9+s16], $0x40, s4, s16, $0xb8;
	[tilespmem:$0x1DE00] =	vst v63  }
0x77: {  	_ =	swait.ge [sflag:s1], $0x2000  }
0x78: {  	[sflag:s1] =	ssyncset.done $0x0  }
0x79: {  	s11 =	sadd.s32 $0x480, s11;
	[sflag:s1] =	ssyncadd.s32 $0xFFFFE000  }
0x7a: {  	[tilespmem:s25], [sflag:$0x5] =	stream.indirect.gather [hbm4b:s9+s16], $0x40, s11, s16, $0xb8;
	[tilespmem:$0x1DE00] =	vst v63  }
0x7b: {  	_ =	swait.ge [sflag:s13], $0x2000  }
0x7c: {  	[sflag:s13] =	ssyncset.done $0x0  }
0x7d: {  	s4 =	simm.s32 $0x9D80;
	[sflag:s13] =	ssyncadd.s32 $0xFFFFE000  }
0x7e: {  	[spmem:s2] =	stream.indirect.scatter.add.f32 [tilespmem:s17], [sflag:$0x6], $0x40, s4, s16, $0xb8;
	[tilespmem:$0x1DE00] =	vst v63  }
0x7f: {  	_ =	swait.ge [sflag:s14], $0x2000  }
0x80: {  	[sflag:s14] =	ssyncset.done $0x0  }
0x81: {  	s23 =	simm.s32 $0x9E00;
	[sflag:s14] =	ssyncadd.s32 $0xFFFFE000  }
0x82: {  	[spmem:s2] =	stream.indirect.scatter.add.f32 [tilespmem:s18], [sflag:$0x7], $0x40, s23, s16, $0xb8;
	[tilespmem:$0x1DE00] =	vst v63  }
0x83: {  	_ =	swait.ge [sflag:s26], $0x2000  }
0x84: {  	[sflag:s26] =	ssyncset.done $0x0  }
0x85: {  	s11 =	simm.s32 $0x9E80;
	[sflag:s26] =	ssyncadd.s32 $0xFFFFE000  }
0x86: {  	[spmem:s2] =	stream.indirect.scatter.add.f32 [tilespmem:s20], [sflag:$0x8], $0x40, s11, s16, $0xb8;
	[tilespmem:$0x1DE00] =	vst v63  }
0x87: {  	_ =	swait.ge [sflag:s28], $0x2000  }
0x88: {  	[sflag:s28] =	ssyncset.done $0x0  }
0x89: {  	s23 =	simm.s32 $0x9F00;
	[sflag:s28] =	ssyncadd.s32 $0xFFFFE000  }
0x8a: {  	[spmem:s2] =	stream.indirect.scatter.add.f32 [tilespmem:s22], [sflag:$0x9], $0x40, s23, s16, $0xb8;
	[tilespmem:$0x1DE00] =	vst v63  }
0x8b: {  	_ =	swait.ge [sflag:s29], $0x2000  }
0x8c: {  	[sflag:s29] =	ssyncset.done $0x0  }
0x8d: {  	s11 =	simm.s32 $0x9F80;
	[sflag:s29] =	ssyncadd.s32 $0xFFFFE000  }
0x8e: {  	[spmem:s2] =	stream.indirect.scatter.add.f32 [tilespmem:s25], [sflag:$0xA], $0x40, s11, s16, $0xb8;
	[tilespmem:$0x1DE00] =	vst v63  }
0x8f: {  	_ =	swait.ge [sflag:s15], $0x2000  }
0x90: {  	[sflag:s15] =	ssyncset.done $0x0  }
0x91: {  	[sflag:s15] =	ssyncadd.s32 $0xFFFFE000  }
0x92: {  	_ =	swait.ge [sflag:s30], $0x2000  }
0x93: {  	[sflag:s30] =	ssyncset.done $0x0  }
0x94: {  	[sflag:s30] =	ssyncadd.s32 $0xFFFFE000  }
0x95: {  	_ =	swait.ge [sflag:s31], $0x2000  }
0x96: {  	[sflag:s31] =	ssyncset.done $0x0  }
0x97: {  	[sflag:s31] =	ssyncadd.s32 $0xFFFFE000  }
0x98: {  	_ =	swait.ge [sflag:s0], $0x2000  }
0x99: {  	[sflag:s0] =	ssyncset.done $0x0  }
0x9a: {  	[sflag:s0] =	ssyncadd.s32 $0xFFFFE000  }
0x9b: {  	_ =	swait.ge [sflag:s1], $0x2000  }
0x9c: {  	s21 =	sadd.s32 $0x1, s21;
	[sflag:s1] =	ssyncset.done $0x0  }
0x9d: {  	p0 =	sne.s32 s21, s10;
	[sflag:s1] =	ssyncadd.s32 $0xFFFFE000  }
.Ltmp1:
0x9e: {  	s23 =	sor.u32 $0x1C0B, s7;
	[bflag:$0x0] =	sbarrier.arrive $0xFFFF;
	(pc) =	sbr.rel @p0 .LBB2_1-.Ltmp1, $4  }
0x9f: {  	[hbm:s24], [sflag:s23] =	dma.local [spmem:s12], $0x13C0  }
0xa0: {  	_ =	swait.ge [sflag:s19], $0x13C0  }
0xa1: {  	[sflag:s19] =	ssyncset.done $0x0  }
0xa2: {  	[sflag:s19] =	ssyncadd.s32 $0xFFFFEC40  }
0xa3: {  	_ =	sfence.sel $0x180000  }
0xa4: {  	[bflag:$0x0] =	sbarrier.arrive $0xFFFF  }
0xa5: {  	_ =	strace $0x9000004D  }
0xa6: {  	s0 =	stileid.u32;
	[bflag:$0x2] =	sbarrier.arrive $0xFFFF  }
0xa7: {  	p0 =	sne.s32 s0, $0x0;
	s0 =	rddreg [dreg:$0x2]  }
0xa8: {  	s0 =	sadd.s32 @!p0 $0x100000, s0  }
0xa9: {  	[sflag:s0] =	ssyncadd.tile.s32 @!p0 $0x1;
	_ =	shalt  }
.Lfunc_end2:
_tile_overlayer_lowered:
.L_overlay_start_2:
0xaa: {  	(tag) =	ssettag $0x2  }
0xab: {  	s0 =	rddreg [dreg:$0x0];
	s2 =	stileid.u32  }
0xac: {  	s1 =	rddreg [dreg:$0x1];
	p0 =	sne.s32 s2, $0x0  }
0xad: {  	s3 =	rddreg [dreg:$0x2];
	[bflag:$0x3] =	sbarrier.arrive $0xFFFF;
	s2 =	simm.s32 @!p0 $0x1C0B  }
0xae: {  	[timem:s3], [sflag:s2] =	dma.local @!p0 [hbm:s0], s1  }
0xaf: {  	s0 =	simm.s32 @!p0 $0xB  }
0xb0: {  	_ =	swait.ge @!p0 [sflag:s0], s1  }
0xb1: {  	s1 =	ssub.s32 @!p0 $0x0, s1;
	[sflag:s0] =	ssyncset.done @!p0 $0x0  }
0xb2: {  	[sflag:s0] =	ssyncadd.s32 @!p0 s1  }
0xb3: {  	[bflag:$0x3] =	sbarrier.arrive $0xFFFF  }
0xb4: {  	_ =	shalt  }

// kernel: kernel.22.cloned.1.call-start
scs
__scs_entry_jumppad:
0x0: {  	(pc) =	sbr.rel $0x88, $3  }
0x1: {  	(tag) =	ssettag $0x0;
	lr =	simm.s32 $0x1  }
0x2: {  	[smem:$0x3F94] =	sst lr;
	_ =	strace $0xD0000000  }
0x3: {  	_ = 	snop  }
0x4: {  	_ = 	snop  }
0x5: {  	_ = 	snop  }
0x6: {  	_ = 	snop  }
0x7: {  	_ = 	snop  }
__scs_overlays_trampoline_lowered:
0x8: {  	[smem:$0x3FA3] =	sst s0  }
0x9: {  	[smem:$0x3FA4] =	sst s1  }
0xa: {  	[smem:$0x3FA5] =	sst s2  }
0xb: {  	[smem:$0x3FA6] =	sst s3  }
0xc: {  	[smem:$0x3FA7] =	sst s4  }
0xd: {  	[smem:$0x3FA8] =	sst s5  }
0xe: {  	[smem:$0x3FA9] =	sst s6  }
0xf: {  	[smem:$0x3FAA] =	sst s7  }
0x10: {  	[smem:$0x3FAB] =	sst s8  }
0x11: {  	[smem:$0x3FAC] =	sst s9;
	s0 =	simm.s32 @!p0 $0x0  }
0x12: {  	s1 =	sld [smem:$0x3F92];
	s0 =	simm.s32 @p0 $0x1  }
0x13: {  	[smem:$0x3FAD] =	sst s0;
	s0 =	simm.s32 @!p1 $0x0  }
0x14: {  	s2 =	sld [smem:$0x3F91];
	s0 =	simm.s32 @p1 $0x1  }
0x15: {  	[smem:$0x3FAE] =	sst s0;
	s0 =	simm.s32 @!p2 $0x0  }
0x16: {  	s3 =	sld [smem:$0x3FDB];
	s0 =	simm.s32 @p2 $0x1  }
0x17: {  	s4 =	simm.s32 $0x1BF5;
	[smem:$0x3FB0] =	sst s0  }
0x18: {  	s0 =	sld [smem:$0x3F93];
	_ =	swait.ge [sflag:s4], $0x0  }
0x19: {  	s7 =	sld [smem:$0x3F94]  }
0x1a: {  	s8 =	sadd.s32 $0xFFFFE003, lr  }
0x1b: {  	s9 =	sadd.s32 $0xFFFFFEF7, lr;
	s5 =	simm.s32 $0xFFFFFFFF;
	p2 =	slt.u32 s8, $0xFFFFF086  }
0x1c: {  	p1 =	slt.u32 s9, $0xF7A;
	s5 =	simm.s32 @!p2 $0x0  }
0x1d: {  	s5 =	simm.s32 @p1 $0x1;
	p0 =	seq.s32 s7, s2  }
0x1e: {  	s7 =	smul.u32 @!p0 $0xF7A, s2;
	p2 =	seq.s32 @!p0 s5, $0x0  }
0x1f: {  	s9 =	smul.u32 $0xF7A, s1;
	s8 =	simm.s32 @!p0 $0x1BF5;
	p2 =	por !p2, p0  }
0x20: {  	[sflag:s8] =	ssyncset.s32 @!p0 $0xFFFFF086;
	s6 =	sadd.s32 @!p0 s3, s7;
	s7 =	simm.s32 @!p0 $0x108  }
0x21: {  	s3 =	sadd.s32 s3, s9;
	s6 =	sadd.s32 @!p0 $0x88, s6;
	s7 =	simm.s32 @p2 $0x1082  }
0x22: {  	[simem:s7], [sflag:s8] =	dma.local @!p0 [hbm:s6], $0xF7A  }
0x23: {  	s9 =	sor.u32 $0xD0000000, s2;
	s6 =	simm.s32 $0x108;
	_ =	swait.ge @!p0 [sflag:s8], $0x0  }
0x24: {  	s3 =	sadd.s32 $0x88, s3;
	s6 =	simm.s32 @!p1 $0x1082;
	[sflag:s4] =	ssyncset.s32 $0xFFFFF086  }
0x25: {  	[simem:s6], [sflag:s4] =	dma.local [hbm:s3], $0xF7A  }
0x26: {  	[smem:$0x3F94] =	sst s1;
	(tag) =	ssettag s2;
	_ =	strace s9  }
0x27: {  	s1 =	sld [smem:$0x3FA4]  }
0x28: {  	s2 =	sld [smem:$0x3FA5]  }
0x29: {  	s4 =	sld [smem:$0x3FA7]  }
0x2a: {  	p0 =	seq.s32 s5, $0x0;
	s5 =	sld [smem:$0x3FA8]  }
0x2b: {  	s6 =	sld [smem:$0x3FA9]  }
0x2c: {  	s7 =	sld [smem:$0x3FAA]  }
0x2d: {  	s3 =	simm.s32 $0x108;
	s8 =	sld [smem:$0x3FAB]  }
0x2e: {  	s3 =	simm.s32 @!p0 $0x1082;
	s9 =	sld [smem:$0x3FAC]  }
0x2f: {  	lr =	sadd.s32 s0, s3;
	s0 =	sld [smem:$0x3FA3]  }
0x30: {  	s3 =	sld [smem:$0x3FA6]  }
0x31: {  	[smem:$0x3FAF] =	sst s10  }
0x32: {  	s10 =	sld [smem:$0x3FAD];
	_ =	sdelay $0x3  }
0x33: {  	p0 =	seq.s32 s10, $0x1;
	s10 =	sld [smem:$0x3FAF];
	_ =	sdelay $0x3  }
0x34: {  	[smem:$0x3FAF] =	sst s10  }
0x35: {  	s10 =	sld [smem:$0x3FAE];
	_ =	sdelay $0x3  }
0x36: {  	p1 =	seq.s32 s10, $0x1;
	s10 =	sld [smem:$0x3FAF];
	_ =	sdelay $0x3  }
0x37: {  	[smem:$0x3FAF] =	sst s10  }
0x38: {  	s10 =	sld [smem:$0x3FB0]  }
0x39: {  	_ = 	snop;
	(pc) =	sbr.ind lr, $3  }
0x3a: {  	_ = 	snop  }
0x3b: {  	_ = 	snop  }
0x3c: {  	p2 =	seq.s32 s10, $0x1;
	s10 =	sld [smem:$0x3FAF]  }
0x3d: {  	_ =	shalt  }
0x3e: {  	_ =	shalt  }
0x3f: {  	_ =	shalt  }
0x40: {  	_ =	shalt  }
0x41: {  	_ =	shalt  }
0x42: {  	_ =	shalt  }
0x43: {  	_ =	shalt  }
0x44: {  	_ =	shalt  }
0x45: {  	_ =	shalt  }
0x46: {  	_ =	shalt  }
0x47: {  	_ =	shalt  }
0x48: {  	_ =	shalt  }
0x49: {  	_ =	shalt  }
0x4a: {  	_ =	shalt  }
0x4b: {  	_ =	shalt  }
0x4c: {  	_ =	shalt  }
0x4d: {  	_ =	shalt  }
0x4e: {  	_ =	shalt  }
0x4f: {  	_ =	shalt  }
0x50: {  	_ =	shalt  }
0x51: {  	_ =	shalt  }
0x52: {  	_ =	shalt  }
0x53: {  	_ =	shalt  }
0x54: {  	_ =	shalt  }
0x55: {  	_ =	shalt  }
0x56: {  	_ =	shalt  }
0x57: {  	_ =	shalt  }
0x58: {  	_ =	shalt  }
0x59: {  	_ =	shalt  }
0x5a: {  	_ =	shalt  }
0x5b: {  	_ =	shalt  }
0x5c: {  	_ =	shalt  }
0x5d: {  	_ =	shalt  }
0x5e: {  	_ =	shalt  }
0x5f: {  	_ =	shalt  }
0x60: {  	_ =	shalt  }
0x61: {  	_ =	shalt  }
0x62: {  	_ =	shalt  }
0x63: {  	_ =	shalt  }
0x64: {  	_ =	shalt  }
0x65: {  	_ =	shalt  }
0x66: {  	_ =	shalt  }
0x67: {  	_ =	shalt  }
0x68: {  	_ =	shalt  }
0x69: {  	_ =	shalt  }
0x6a: {  	_ =	shalt  }
0x6b: {  	_ =	shalt  }
0x6c: {  	_ =	shalt  }
0x6d: {  	_ =	shalt  }
0x6e: {  	_ =	shalt  }
0x6f: {  	_ =	shalt  }
0x70: {  	_ =	shalt  }
0x71: {  	_ =	shalt  }
0x72: {  	_ =	shalt  }
0x73: {  	_ =	shalt  }
0x74: {  	_ =	shalt  }
0x75: {  	_ =	shalt  }
0x76: {  	_ =	shalt  }
0x77: {  	_ =	shalt  }
0x78: {  	_ =	shalt  }
0x79: {  	_ =	shalt  }
0x7a: {  	_ =	shalt  }
0x7b: {  	_ =	shalt  }
0x7c: {  	_ =	shalt  }
0x7d: {  	_ =	shalt  }
0x7e: {  	_ =	shalt  }
0x7f: {  	_ =	shalt  }
0x80: {  	_ =	shalt  }
0x81: {  	_ =	shalt  }
0x82: {  	_ =	shalt  }
0x83: {  	_ =	shalt  }
0x84: {  	_ =	shalt  }
0x85: {  	_ =	shalt  }
0x86: {  	_ =	shalt  }
0x87: {  	_ =	shalt  }
.Lfunc_end0:
.L_simem_size_0:
called_computation.3_lowered:
.L_overlay_start_0:
0x88: {  	s2 =	sld [smem:$0x3FD9]  }
0x89: {  	s3 =	sld [smem:$0x3FFE];
	_ =	sdelay $0x1  }
0x8a: {  	s1 =	srdreg.scid  }
0x8b: {  	s0 =	sand.u32 $0x1, s1  }
0x8c: {  	s16 =	sshll.u32 s0, $0xA;
	s2 =	sadd.s32 s3, s2  }
0x8d: {  	s2 =	sadd.s32 s2, s16  }
0x8e: {  	[smem:$0x3FBB] =	sst s2  }
0x8f: {  	_ = 	snop  }
0x90: {  	(tm) =	ssettm $0x1  }
0x91: {  	s17 =	sld [smem:$0x3FFB];
	_ =	sdelay $0x3  }
0x92: {  	_ =	strace s17  }
0x93: {  	s2 =	sld [smem:$0x3FFC];
	_ =	sdelay $0x3  }
0x94: {  	_ =	strace s2  }
0x95: {  	s2 =	sld [smem:$0x3FFD];
	_ =	sdelay $0x3  }
0x96: {  	_ =	strace s2  }
0x97: {  	_ =	strace $0x8FFFFFFF  }
0x98: {  	s18 =	sld [smem:$0x3FDB];
	_ =	sdelay $0x1  }
0x99: {  	s19 =	simm.s32 $_scs_section_size  }
0x9a: {  	s4 =	simm.s32 $_size__tile_overlayer_lowered;
	s5 =	simm.s32 $_tile_overlayer_lowered  }
0x9b: {  	s22 =	simm.s32 $0x1BFF;
	s21 =	sshll.u32 s5, $0x1;
	s2 =	sadd.s32 s19, s18  }
0x9c: {  	s6 =	simm.s32 $0x0;
	s20 =	sshll.u32 s4, $0x1;
	s4 =	sadd.s32 s21, s2  }
0x9d: {  	[timem:s6], [sflag:s22] =	dma.local [hbm:s4], s20  }
0x9e: {  	_ =	swait.ge [sflag:s22], s20  }
0x9f: {  	s3 =	ssub.s32 $0x0, s20;
	[sflag:s22] =	ssyncset.done $0x0  }
0xa0: {  	[sflag:s22] =	ssyncadd.s32 s3;
	_ =	sdelay $0x1  }
0xa1: {  	s23 =	simm.s32 $0x1B8B  }
0xa2: {  	_ =	swait.ge [sflag:s23], $0x1  }
0xa3: {  	[sflag:s23] =	ssyncset.done $0x0  }
0xa4: {  	s25 =	simm.s32 $0x1B8E;
	s24 =	sld [smem:$0x3FFE];
	[sflag:s23] =	ssyncadd.s32 $0xFFFFFFFF  }
0xa5: {  	s26 =	simm.s32 $execute0_lowered;
	[smem:$0x3FD2] =	sst s25  }
0xa6: {  	s4 =	sshll.u32 s26, $0x1;
	_ =	strace $0x8000004F;
	[dreg:$0x1] =	wrdreg $0xFFFFFFFF  }
0xa7: {  	s28 =	simm.s32 $_size_execute0_lowered;
	s2 =	sadd.s32 s2, s4;
	[dreg:$0x0] =	wrdreg $0x0  }
0xa8: {  	s4 =	sshll.u32 s28, $0x1;
	[dreg:$0x2] =	wrdreg s2  }
0xa9: {  	[dreg:$0x3] =	wrdreg s4  }
0xaa: {  	[dreg:$0x4] =	wrdreg $0xC0  }
0xab: {  	_ =	task [dreg:s6], $0x5FFFF  }
0xac: {  	[dreg:$0x1] =	wrdreg $0xFFFFFFFF  }
0xad: {  	[dreg:$0x0] =	wrdreg $0x60  }
0xae: {  	[dreg:$0x2] =	wrdreg s24  }
0xaf: {  	[dreg:$0x3] =	wrdreg $0x140000  }
0xb0: {  	[dreg:$0x4] =	wrdreg $0x9  }
0xb1: {  	_ =	task.clear_ibuf [dreg:s6], $0x5FFFF;
	_ =	strace $0x9000004F  }
0xb2: {  	s29 =	simm.s32 $0x9;
	_ =	strace $0x80000051  }
0xb3: {  	_ =	swait.ge [sflag:s29], $0x1  }
0xb4: {  	[sflag:s29] =	ssyncadd.s32 $0xFFFFFFFF  }
0xb5: {  	_ =	strace $0x90000051  }
0xb6: {  	_ =	sfence  }
0xb7: {  	s30 =	sld [smem:$0x0];
	_ =	sdelay $0x2  }
0xb8: {  	s31 =	sshll.u32 s1, $0xD;
	s1 =	sshrl.u32 s1, $0x2  }
0xb9: {  	s3 =	sand.u32 $0x4000, s31;
	s1 =	sadd.s32 s1, s30  }
0xba: {  	s0 =	sor.u32 s3, s0;
	s1 =	sshll.u32 s1, $0x11  }
0xbb: {  	s0 =	sor.u32 s1, s0  }
0xbc: {  	s0 =	sadd.s32 $0x8F2B, s0  }
0xbd: {  	[sflag:s0] =	ssyncadd.remote.s32 $0x1  }
0xbe: {  	_ =	sfence.sel $0xFFFF  }
0xbf: {  	[dreg:$0x0] =	wrdreg $0xFFFFFFFF;
	(pc) =	sbr.abs _section_cstart, $3  }
0xc0: {  	[dreg:$0x1] =	wrdreg $0xFFFFFFFF  }
0xc1: {  	_ =	task.clear_ibuf [dreg:s6], $0x2FFFF;
	_ =	strace $0x9FFFFFFF  }
0xc2: {  	(tm) =	ssettm $0x7FFFFFFF  }
0xc3: {  	_ =	shalt  }
tec
execute0_lowered:
.L_overlay_start_1:
0x0: {  	(tag) =	ssettag $0x1  }
0x1: {  	s0 =	rddreg [dreg:$0x0];
	s1 =	srdreg.scid  }
0x2: {  	s2 =	rddreg [dreg:$0x1];
	s8 =	stileid.u32;
	s3 =	simm.s32 $0x0  }
0x3: {  	s13 =	simm.s32 $0x1;
	s14 =	simm.s32 $0x2;
	s15 =	simm.s32 $0x6  }
0x4: {  	s16 =	simm.s32 $0x80;
	s17 =	simm.s32 $0xA000;
	s18 =	simm.s32 $0xC000  }
0x5: {  	s20 =	simm.s32 $0xE000;
	s22 =	simm.s32 $0x10000;
	s28 =	simm.s32 $0x4  }
0x6: {  	s29 =	simm.s32 $0x5;
	s30 =	simm.s32 $0x7;
	s5 =	smul.u32 $0xA00, s8  }
0x7: {  	s31 =	simm.s32 $0x8;
	s1 =	sand.u32 $0x1, s1;
	s6 =	smul.u32 $0x9E00, s8  }
0x8: {  	s19 =	simm.s32 $0xB;
	[smem:$0x7FF] =	sst s3;
	s4 =	smul.u32 $0x13880, s1  }
0x9: {  	s21 =	simm.s32 $0x0;
	_ =	strace $0x80000050;
	s24 =	smul.u32 $0x13C00, s1  }
0xa: {  	s1 =	ssub.s32 $0x2, s1;
	s5 =	sadd.s32 s5, s0;
	s11 =	sshrl.u32 s6, $0x3  }
0xb: {  	s25 =	sshrl.u32 s1, $0x1;
	s12 =	sadd.s32 s6, s2;
	s9 =	sadd.s32 s4, s0  }
0xc: {  	s7 =	sadd.s32 s11, s0;
	s0 =	sadd.s32 s24, s0;
	s1 =	ssub.s32 s1, s25  }
0xd: {  	s26 =	sadd.s32 $0xDC00, s5;
	s5 =	sadd.s32 $0x3C00, s5;
	s12 =	sshrl.u32 s12, $0x3  }
0xe: {  	s25 =	simm.s32 $0x12000;
	[dreg:$0x3] =	wrdreg s26;
	s6 =	sadd.s32 $0x66000, s7  }
0xf: {  	s7 =	sshll.u32 s8, $0x6;
	s9 =	sadd.s32 $0x3EE00, s9;
	s0 =	sadd.s32 $0x79C00, s0  }
0x10: {  	s10 =	smax.u32 s1, $0x1;
	s26 =	simm.s32 $0x3;
	s1 =	simm.s32 $0xA  }
0x11: {  	s8 =	sor.u32 $0x1C06, s7;
	s24 =	sadd.s32 s11, s0;
	s0 =	simm.s32 $0x9  }
.LBB2_1:
0x12: {  	s4 =	rddreg [dreg:$0x3]  }
0x13: {  	[tilespmem:s3], [sflag:$0x1] =	stream.linear.gather [hbm4b:s4+s3], $0x5000, $0x38;
	[tilespmem:$0x1DE00] =	vst v63  }
0x14: {  	s11 =	simm.s32 $0x5000  }
0x15: {  	[tilespmem:s11], [sflag:$0x2] =	stream.linear.gather [hbm4b:s5+s3], $0x5000, $0x38;
	[tilespmem:$0x1DE00] =	vst v63  }
0x16: {  	[spmem:s12], [sflag:s8] =	dma.local [hbm:s6], $0x13C0  }
0x17: {  	_ =	swait.ge [sflag:s13], $0x5000  }
0x18: {  	[sflag:s13] =	ssyncset.done $0x0  }
0x19: {  	[sflag:s13] =	ssyncadd.s32 $0xFFFFB000  }
0x1a: {  	_ =	swait.ge [sflag:s14], $0x5000  }
0x1b: {  	[sflag:s14] =	ssyncset.done $0x0  }
0x1c: {  	[sflag:s14] =	ssyncadd.s32 $0xFFFFB000  }
0x1d: {  	_ =	swait.ge [sflag:s15], $0x13C0  }
0x1e: {  	[sflag:s15] =	ssyncset.done $0x0  }
0x1f: {  	[sflag:s15] =	ssyncadd.s32 $0xFFFFEC40  }
0x20: {  	[bflag:$0x0] =	sbarrier.arrive $0xFFFF  }
0x21: {  	[tilespmem:s17], [sflag:$0x1] =	stream.indirect.gather [hbm4b:s9+s16], $0x40, s3, s16, $0xb8;
	[tilespmem:$0x1DE00] =	vst v63  }
0x22: {  	_ = 	snop  }
0x23: {  	[tilespmem:s18], [sflag:$0x2] =	stream.indirect.gather [hbm4b:s9+s16], $0x40, s16, s16, $0xb8;
	[tilespmem:$0x1DE00] =	vst v63  }
0x24: {  	s23 =	simm.s32 $0x100  }
0x25: {  	[tilespmem:s20], [sflag:$0x3] =	stream.indirect.gather [hbm4b:s9+s16], $0x40, s23, s16, $0xb8;
	[tilespmem:$0x1DE00] =	vst v63  }
0x26: {  	s11 =	simm.s32 $0x180  }
0x27: {  	[tilespmem:s22], [sflag:$0x4] =	stream.indirect.gather [hbm4b:s9+s16], $0x40, s11, s16, $0xb8;
	[tilespmem:$0x1DE00] =	vst v63  }
0x28: {  	s23 =	simm.s32 $0x200  }
0x29: {  	[tilespmem:s25], [sflag:$0x5] =	stream.indirect.gather [hbm4b:s9+s16], $0x40, s23, s16, $0xb8;
	[tilespmem:$0x1DE00] =	vst v63  }
0x2a: {  	_ =	swait.ge [sflag:s13], $0x2000  }
0x2b: {  	[sflag:s13] =	ssyncset.done $0x0  }
0x2c: {  	s11 =	simm.s32 $0x5000;
	[sflag:s13] =	ssyncadd.s32 $0xFFFFE000  }
0x2d: {  	[spmem:s2] =	stream.indirect.scatter.add.f32 [tilespmem:s17], [sflag:$0x6], $0x40, s11, s16, $0xb8;
	[tilespmem:$0x1DE00] =	vst v63  }
0x2e: {  	_ =	swait.ge [sflag:s14], $0x2000  }
0x2f: {  	[sflag:s14] =	ssyncset.done $0x0  }
0x30: {  	s4 =	simm.s32 $0x5080;
	[sflag:s14] =	ssyncadd.s32 $0xFFFFE000  }
0x31: {  	[spmem:s2] =	stream.indirect.scatter.add.f32 [tilespmem:s18], [sflag:$0x7], $0x40, s4, s16, $0xb8;
	[tilespmem:$0x1DE00] =	vst v63  }
0x32: {  	_ =	swait.ge [sflag:s26], $0x2000  }
0x33: {  	[sflag:s26] =	ssyncset.done $0x0  }
0x34: {  	s23 =	simm.s32 $0x5100;
	[sflag:s26] =	ssyncadd.s32 $0xFFFFE000  }
0x35: {  	[spmem:s2] =	stream.indirect.scatter.add.f32 [tilespmem:s20], [sflag:$0x8], $0x40, s23, s16, $0xb8;
	[tilespmem:$0x1DE00] =	vst v63  }
0x36: {  	_ =	swait.ge [sflag:s28], $0x2000  }
0x37: {  	[sflag:s28] =	ssyncset.done $0x0  }
0x38: {  	s4 =	simm.s32 $0x5180;
	[sflag:s28] =	ssyncadd.s32 $0xFFFFE000  }
0x39: {  	[spmem:s2] =	stream.indirect.scatter.add.f32 [tilespmem:s22], [sflag:$0x9], $0x40, s4, s16, $0xb8;
	[tilespmem:$0x1DE00] =	vst v63  }
0x3a: {  	_ =	swait.ge [sflag:s29], $0x2000  }
0x3b: {  	[sflag:s29] =	ssyncset.done $0x0  }
0x3c: {  	s23 =	simm.s32 $0x5200;
	[sflag:s29] =	ssyncadd.s32 $0xFFFFE000  }
0x3d: {  	[spmem:s2] =	stream.indirect.scatter.add.f32 [tilespmem:s25], [sflag:$0xA], $0x40, s23, s16, $0xb8;
	[tilespmem:$0x1DE00] =	vst v63  }
0x3e: {  	_ =	swait.ge [sflag:s15], $0x2000  }
0x3f: {  	[sflag:s15] =	ssyncset.done $0x0  }
0x40: {  	s4 =	simm.s32 $0x280;
	[sflag:s15] =	ssyncadd.s32 $0xFFFFE000  }
0x41: {  	[tilespmem:s17], [sflag:$0x1] =	stream.indirect.gather [hbm4b:s9+s16], $0x40, s4, s16, $0xb8;
	[tilespmem:$0x1DE00] =	vst v63  }
0x42: {  	_ =	swait.ge [sflag:s30], $0x2000  }
0x43: {  	[sflag:s30] =	ssyncset.done $0x0  }
0x44: {  	s23 =	simm.s32 $0x300;
	[sflag:s30] =	ssyncadd.s32 $0xFFFFE000  }
0x45: {  	[tilespmem:s18], [sflag:$0x2] =	stream.indirect.gather [hbm4b:s9+s16], $0x40, s23, s16, $0xb8;
	[tilespmem:$0x1DE00] =	vst v63  }
0x46: {  	_ =	swait.ge [sflag:s31], $0x2000  }
0x47: {  	[sflag:s31] =	ssyncset.done $0x0  }
0x48: {  	s4 =	simm.s32 $0x380;
	[sflag:s31] =	ssyncadd.s32 $0xFFFFE000  }
0x49: {  	[tilespmem:s20], [sflag:$0x3] =	stream.indirect.gather [hbm4b:s9+s16], $0x40, s4, s16, $0xb8;
	[tilespmem:$0x1DE00] =	vst v63  }
0x4a: {  	_ =	swait.ge [sflag:s0], $0x2000  }
0x4b: {  	[sflag:s0] =	ssyncset.done $0x0  }
0x4c: {  	s23 =	simm.s32 $0x400;
	[sflag:s0] =	ssyncadd.s32 $0xFFFFE000  }
0x4d: {  	[tilespmem:s22], [sflag:$0x4] =	stream.indirect.gather [hbm4b:s9+s16], $0x40, s23, s16, $0xb8;
	[tilespmem:$0x1DE00] =	vst v63  }
0x4e: {  	_ =	swait.ge [sflag:s1], $0x2000  }
0x4f: {  	[sflag:s1] =	ssyncset.done $0x0  }
0x50: {  	s11 =	simm.s32 $0x480;
	s23 =	simm.s32 $0xA00;
	[sflag:s1] =	ssyncadd.s32 $0xFFFFE000  }
.LBB2_2:
0x51: {  	[tilespmem:s25], [sflag:$0x5] =	stream.indirect.gather [hbm4b:s9+s16], $0x40, s11, s16, $0xb8;
	[tilespmem:$0x1DE00] =	vst v63  }
0x52: {  	s11 =	smov.u32 s23  }
0x53: {  	p0 =	sne.s32 s23, $0x12C00;
	s23 =	sadd.s32 $0xA00, s23;
	_ =	swait.ge [sflag:s13], $0x2000  }
0x54: {  	s11 =	sshra.s32 s11, $0x2;
	[sflag:s13] =	ssyncset.done $0x0  }
0x55: {  	s4 =	sadd.s32 $0x5000, s11;
	[sflag:s13] =	ssyncadd.s32 $0xFFFFE000  }
0x56: {  	[spmem:s2] =	stream.indirect.scatter.add.f32 [tilespmem:s17], [sflag:$0x6], $0x40, s4, s16, $0xb8;
	[tilespmem:$0x1DE00] =	vst v63  }
0x57: {  	_ =	swait.ge [sflag:s14], $0x2000  }
0x58: {  	[sflag:s14] =	ssyncset.done $0x0  }
0x59: {  	s4 =	sadd.s32 $0x5080, s11;
	[sflag:s14] =	ssyncadd.s32 $0xFFFFE000  }
0x5a: {  	[spmem:s2] =	stream.indirect.scatter.add.f32 [tilespmem:s18], [sflag:$0x7], $0x40, s4, s16, $0xb8;
	[tilespmem:$0x1DE00] =	vst v63  }
0x5b: {  	_ =	swait.ge [sflag:s26], $0x2000  }
0x5c: {  	[sflag:s26] =	ssyncset.done $0x0  }
0x5d: {  	s4 =	sadd.s32 $0x5100, s11;
	[sflag:s26] =	ssyncadd.s32 $0xFFFFE000  }
0x5e: {  	[spmem:s2] =	stream.indirect.scatter.add.f32 [tilespmem:s20], [sflag:$0x8], $0x40, s4, s16, $0xb8;
	[tilespmem:$0x1DE00] =	vst v63  }
0x5f: {  	_ =	swait.ge [sflag:s28], $0x2000  }
0x60: {  	[sflag:s28] =	ssyncset.done $0x0  }
0x61: {  	s4 =	sadd.s32 $0x5180, s11;
	[sflag:s28] =	ssyncadd.s32 $0xFFFFE000  }
0x62: {  	[spmem:s2] =	stream.indirect.scatter.add.f32 [tilespmem:s22], [sflag:$0x9], $0x40, s4, s16, $0xb8;
	[tilespmem:$0x1DE00] =	vst v63  }
0x63: {  	_ =	swait.ge [sflag:s29], $0x2000  }
0x64: {  	[sflag:s29] =	ssyncset.done $0x0  }
0x65: {  	s4 =	sadd.s32 $0x5200, s11;
	[sflag:s29] =	ssyncadd.s32 $0xFFFFE000  }
0x66: {  	[spmem:s2] =	stream.indirect.scatter.add.f32 [tilespmem:s25], [sflag:$0xA], $0x40, s4, s16, $0xb8;
	[tilespmem:$0x1DE00] =	vst v63  }
0x67: {  	_ =	swait.ge [sflag:s15], $0x2000  }
0x68: {  	[sflag:s15] =	ssyncset.done $0x0  }
0x69: {  	s4 =	sadd.s32 $0x280, s11;
	[sflag:s15] =	ssyncadd.s32 $0xFFFFE000  }
0x6a: {  	[tilespmem:s17], [sflag:$0x1] =	stream.indirect.gather [hbm4b:s9+s16], $0x40, s4, s16, $0xb8;
	[tilespmem:$0x1DE00] =	vst v63  }
0x6b: {  	_ =	swait.ge [sflag:s30], $0x2000  }
0x6c: {  	[sflag:s30] =	ssyncset.done $0x0  }
0x6d: {  	s4 =	sadd.s32 $0x300, s11;
	[sflag:s30] =	ssyncadd.s32 $0xFFFFE000  }
0x6e: {  	[tilespmem:s18], [sflag:$0x2] =	stream.indirect.gather [hbm4b:s9+s16], $0x40, s4, s16, $0xb8;
	[tilespmem:$0x1DE00] =	vst v63  }
0x6f: {  	_ =	swait.ge [sflag:s31], $0x2000  }
0x70: {  	[sflag:s31] =	ssyncset.done $0x0  }
0x71: {  	s4 =	sadd.s32 $0x380, s11;
	[sflag:s31] =	ssyncadd.s32 $0xFFFFE000  }
0x72: {  	[tilespmem:s20], [sflag:$0x3] =	stream.indirect.gather [hbm4b:s9+s16], $0x40, s4, s16, $0xb8;
	[tilespmem:$0x1DE00] =	vst v63  }
0x73: {  	_ =	swait.ge [sflag:s0], $0x2000  }
0x74: {  	[sflag:s0] =	ssyncset.done $0x0  }
.Ltmp0:
0x75: {  	s4 =	sadd.s32 $0x400, s11;
	[sflag:s0] =	ssyncadd.s32 $0xFFFFE000;
	(pc) =	sbr.rel @p0 .LBB2_2-.Ltmp0, $4  }
0x76: {  	[tilespmem:s22], [sflag:$0x4] =	stream.indirect.gather [hbm4b:s9+s16], $0x40, s4, s16, $0xb8;
	[tilespmem:$0x1DE00] =	vst v63  }
0x77: {  	_ =	swait.ge [sflag:s1], $0x2000  }
0x78: {  	[sflag:s1] =	ssyncset.done $0x0  }
0x79: {  	s11 =	sadd.s32 $0x480, s11;
	[sflag:s1] =	ssyncadd.s32 $0xFFFFE000  }
0x7a: {  	[tilespmem:s25], [sflag:$0x5] =	stream.indirect.gather [hbm4b:s9+s16], $0x40, s11, s16, $0xb8;
	[tilespmem:$0x1DE00] =	vst v63  }
0x7b: {  	_ =	swait.ge [sflag:s13], $0x2000  }
0x7c: {  	[sflag:s13] =	ssyncset.done $0x0  }
0x7d: {  	s4 =	simm.s32 $0x9D80;
	[sflag:s13] =	ssyncadd.s32 $0xFFFFE000  }
0x7e: {  	[spmem:s2] =	stream.indirect.scatter.add.f32 [tilespmem:s17], [sflag:$0x6], $0x40, s4, s16, $0xb8;
	[tilespmem:$0x1DE00] =	vst v63  }
0x7f: {  	_ =	swait.ge [sflag:s14], $0x2000  }
0x80: {  	[sflag:s14] =	ssyncset.done $0x0  }
0x81: {  	s23 =	simm.s32 $0x9E00;
	[sflag:s14] =	ssyncadd.s32 $0xFFFFE000  }
0x82: {  	[spmem:s2] =	stream.indirect.scatter.add.f32 [tilespmem:s18], [sflag:$0x7], $0x40, s23, s16, $0xb8;
	[tilespmem:$0x1DE00] =	vst v63  }
0x83: {  	_ =	swait.ge [sflag:s26], $0x2000  }
0x84: {  	[sflag:s26] =	ssyncset.done $0x0  }
0x85: {  	s11 =	simm.s32 $0x9E80;
	[sflag:s26] =	ssyncadd.s32 $0xFFFFE000  }
0x86: {  	[spmem:s2] =	stream.indirect.scatter.add.f32 [tilespmem:s20], [sflag:$0x8], $0x40, s11, s16, $0xb8;
	[tilespmem:$0x1DE00] =	vst v63  }
0x87: {  	_ =	swait.ge [sflag:s28], $0x2000  }
0x88: {  	[sflag:s28] =	ssyncset.done $0x0  }
0x89: {  	s23 =	simm.s32 $0x9F00;
	[sflag:s28] =	ssyncadd.s32 $0xFFFFE000  }
0x8a: {  	[spmem:s2] =	stream.indirect.scatter.add.f32 [tilespmem:s22], [sflag:$0x9], $0x40, s23, s16, $0xb8;
	[tilespmem:$0x1DE00] =	vst v63  }
0x8b: {  	_ =	swait.ge [sflag:s29], $0x2000  }
0x8c: {  	[sflag:s29] =	ssyncset.done $0x0  }
0x8d: {  	s11 =	simm.s32 $0x9F80;
	[sflag:s29] =	ssyncadd.s32 $0xFFFFE000  }
0x8e: {  	[spmem:s2] =	stream.indirect.scatter.add.f32 [tilespmem:s25], [sflag:$0xA], $0x40, s11, s16, $0xb8;
	[tilespmem:$0x1DE00] =	vst v63  }
0x8f: {  	_ =	swait.ge [sflag:s15], $0x2000  }
0x90: {  	[sflag:s15] =	ssyncset.done $0x0  }
0x91: {  	[sflag:s15] =	ssyncadd.s32 $0xFFFFE000  }
0x92: {  	_ =	swait.ge [sflag:s30], $0x2000  }
0x93: {  	[sflag:s30] =	ssyncset.done $0x0  }
0x94: {  	[sflag:s30] =	ssyncadd.s32 $0xFFFFE000  }
0x95: {  	_ =	swait.ge [sflag:s31], $0x2000  }
0x96: {  	[sflag:s31] =	ssyncset.done $0x0  }
0x97: {  	[sflag:s31] =	ssyncadd.s32 $0xFFFFE000  }
0x98: {  	_ =	swait.ge [sflag:s0], $0x2000  }
0x99: {  	[sflag:s0] =	ssyncset.done $0x0  }
0x9a: {  	[sflag:s0] =	ssyncadd.s32 $0xFFFFE000  }
0x9b: {  	_ =	swait.ge [sflag:s1], $0x2000  }
0x9c: {  	s21 =	sadd.s32 $0x1, s21;
	[sflag:s1] =	ssyncset.done $0x0  }
0x9d: {  	p0 =	sne.s32 s21, s10;
	[sflag:s1] =	ssyncadd.s32 $0xFFFFE000  }
.Ltmp1:
0x9e: {  	s23 =	sor.u32 $0x1C0B, s7;
	[bflag:$0x0] =	sbarrier.arrive $0xFFFF;
	(pc) =	sbr.rel @p0 .LBB2_1-.Ltmp1, $4  }
0x9f: {  	[hbm:s24], [sflag:s23] =	dma.local [spmem:s12], $0x13C0  }
0xa0: {  	_ =	swait.ge [sflag:s19], $0x13C0  }
0xa1: {  	[sflag:s19] =	ssyncset.done $0x0  }
0xa2: {  	[sflag:s19] =	ssyncadd.s32 $0xFFFFEC40  }
0xa3: {  	_ =	sfence.sel $0x180000  }
0xa4: {  	[bflag:$0x0] =	sbarrier.arrive $0xFFFF  }
0xa5: {  	_ =	strace $0x90000050  }
0xa6: {  	s0 =	stileid.u32;
	[bflag:$0x2] =	sbarrier.arrive $0xFFFF  }
0xa7: {  	p0 =	sne.s32 s0, $0x0;
	s0 =	rddreg [dreg:$0x2]  }
0xa8: {  	s0 =	sadd.s32 @!p0 $0x100000, s0  }
0xa9: {  	[sflag:s0] =	ssyncadd.tile.s32 @!p0 $0x1;
	_ =	shalt  }
.Lfunc_end2:
_tile_overlayer_lowered:
.L_overlay_start_2:
0xaa: {  	(tag) =	ssettag $0x2  }
0xab: {  	s0 =	rddreg [dreg:$0x0];
	s2 =	stileid.u32  }
0xac: {  	s1 =	rddreg [dreg:$0x1];
	p0 =	sne.s32 s2, $0x0  }
0xad: {  	s3 =	rddreg [dreg:$0x2];
	[bflag:$0x3] =	sbarrier.arrive $0xFFFF;
	s2 =	simm.s32 @!p0 $0x1C0B  }
0xae: {  	[timem:s3], [sflag:s2] =	dma.local @!p0 [hbm:s0], s1  }
0xaf: {  	s0 =	simm.s32 @!p0 $0xB  }
0xb0: {  	_ =	swait.ge @!p0 [sflag:s0], s1  }
0xb1: {  	s1 =	ssub.s32 @!p0 $0x0, s1;
	[sflag:s0] =	ssyncset.done @!p0 $0x0  }
0xb2: {  	[sflag:s0] =	ssyncadd.s32 @!p0 s1  }
0xb3: {  	[bflag:$0x3] =	sbarrier.arrive $0xFFFF  }
0xb4: {  	_ =	shalt  }

// kernel: kernel.25.cloned.1.call-start
scs
__scs_entry_jumppad:
0x0: {  	(pc) =	sbr.rel $0x88, $3  }
0x1: {  	(tag) =	ssettag $0x0;
	lr =	simm.s32 $0x1  }
0x2: {  	[smem:$0x3F94] =	sst lr;
	_ =	strace $0xD0000000  }
0x3: {  	_ = 	snop  }
0x4: {  	_ = 	snop  }
0x5: {  	_ = 	snop  }
0x6: {  	_ = 	snop  }
0x7: {  	_ = 	snop  }
__scs_overlays_trampoline_lowered:
0x8: {  	[smem:$0x3FA3] =	sst s0  }
0x9: {  	[smem:$0x3FA4] =	sst s1  }
0xa: {  	[smem:$0x3FA5] =	sst s2  }
0xb: {  	[smem:$0x3FA6] =	sst s3  }
0xc: {  	[smem:$0x3FA7] =	sst s4  }
0xd: {  	[smem:$0x3FA8] =	sst s5  }
0xe: {  	[smem:$0x3FA9] =	sst s6  }
0xf: {  	[smem:$0x3FAA] =	sst s7  }
0x10: {  	[smem:$0x3FAB] =	sst s8  }
0x11: {  	[smem:$0x3FAC] =	sst s9;
	s0 =	simm.s32 @!p0 $0x0  }
0x12: {  	s1 =	sld [smem:$0x3F92];
	s0 =	simm.s32 @p0 $0x1  }
0x13: {  	[smem:$0x3FAD] =	sst s0;
	s0 =	simm.s32 @!p1 $0x0  }
0x14: {  	s2 =	sld [smem:$0x3F91];
	s0 =	simm.s32 @p1 $0x1  }
0x15: {  	[smem:$0x3FAE] =	sst s0;
	s0 =	simm.s32 @!p2 $0x0  }
0x16: {  	s3 =	sld [smem:$0x3FDB];
	s0 =	simm.s32 @p2 $0x1  }
0x17: {  	s4 =	simm.s32 $0x1BF5;
	[smem:$0x3FB0] =	sst s0  }
0x18: {  	s0 =	sld [smem:$0x3F93];
	_ =	swait.ge [sflag:s4], $0x0  }
0x19: {  	s7 =	sld [smem:$0x3F94]  }
0x1a: {  	s8 =	sadd.s32 $0xFFFFE003, lr  }
0x1b: {  	s9 =	sadd.s32 $0xFFFFFEF7, lr;
	s5 =	simm.s32 $0xFFFFFFFF;
	p2 =	slt.u32 s8, $0xFFFFF086  }
0x1c: {  	p1 =	slt.u32 s9, $0xF7A;
	s5 =	simm.s32 @!p2 $0x0  }
0x1d: {  	s5 =	simm.s32 @p1 $0x1;
	p0 =	seq.s32 s7, s2  }
0x1e: {  	s7 =	smul.u32 @!p0 $0xF7A, s2;
	p2 =	seq.s32 @!p0 s5, $0x0  }
0x1f: {  	s9 =	smul.u32 $0xF7A, s1;
	s8 =	simm.s32 @!p0 $0x1BF5;
	p2 =	por !p2, p0  }
0x20: {  	[sflag:s8] =	ssyncset.s32 @!p0 $0xFFFFF086;
	s6 =	sadd.s32 @!p0 s3, s7;
	s7 =	simm.s32 @!p0 $0x108  }
0x21: {  	s3 =	sadd.s32 s3, s9;
	s6 =	sadd.s32 @!p0 $0x88, s6;
	s7 =	simm.s32 @p2 $0x1082  }
0x22: {  	[simem:s7], [sflag:s8] =	dma.local @!p0 [hbm:s6], $0xF7A  }
0x23: {  	s9 =	sor.u32 $0xD0000000, s2;
	s6 =	simm.s32 $0x108;
	_ =	swait.ge @!p0 [sflag:s8], $0x0  }
0x24: {  	s3 =	sadd.s32 $0x88, s3;
	s6 =	simm.s32 @!p1 $0x1082;
	[sflag:s4] =	ssyncset.s32 $0xFFFFF086  }
0x25: {  	[simem:s6], [sflag:s4] =	dma.local [hbm:s3], $0xF7A  }
0x26: {  	[smem:$0x3F94] =	sst s1;
	(tag) =	ssettag s2;
	_ =	strace s9  }
0x27: {  	s1 =	sld [smem:$0x3FA4]  }
0x28: {  	s2 =	sld [smem:$0x3FA5]  }
0x29: {  	s4 =	sld [smem:$0x3FA7]  }
0x2a: {  	p0 =	seq.s32 s5, $0x0;
	s5 =	sld [smem:$0x3FA8]  }
0x2b: {  	s6 =	sld [smem:$0x3FA9]  }
0x2c: {  	s7 =	sld [smem:$0x3FAA]  }
0x2d: {  	s3 =	simm.s32 $0x108;
	s8 =	sld [smem:$0x3FAB]  }
0x2e: {  	s3 =	simm.s32 @!p0 $0x1082;
	s9 =	sld [smem:$0x3FAC]  }
0x2f: {  	lr =	sadd.s32 s0, s3;
	s0 =	sld [smem:$0x3FA3]  }
0x30: {  	s3 =	sld [smem:$0x3FA6]  }
0x31: {  	[smem:$0x3FAF] =	sst s10  }
0x32: {  	s10 =	sld [smem:$0x3FAD];
	_ =	sdelay $0x3  }
0x33: {  	p0 =	seq.s32 s10, $0x1;
	s10 =	sld [smem:$0x3FAF];
	_ =	sdelay $0x3  }
0x34: {  	[smem:$0x3FAF] =	sst s10  }
0x35: {  	s10 =	sld [smem:$0x3FAE];
	_ =	sdelay $0x3  }
0x36: {  	p1 =	seq.s32 s10, $0x1;
	s10 =	sld [smem:$0x3FAF];
	_ =	sdelay $0x3  }
0x37: {  	[smem:$0x3FAF] =	sst s10  }
0x38: {  	s10 =	sld [smem:$0x3FB0]  }
0x39: {  	_ = 	snop;
	(pc) =	sbr.ind lr, $3  }
0x3a: {  	_ = 	snop  }
0x3b: {  	_ = 	snop  }
0x3c: {  	p2 =	seq.s32 s10, $0x1;
	s10 =	sld [smem:$0x3FAF]  }
0x3d: {  	_ =	shalt  }
0x3e: {  	_ =	shalt  }
0x3f: {  	_ =	shalt  }
0x40: {  	_ =	shalt  }
0x41: {  	_ =	shalt  }
0x42: {  	_ =	shalt  }
0x43: {  	_ =	shalt  }
0x44: {  	_ =	shalt  }
0x45: {  	_ =	shalt  }
0x46: {  	_ =	shalt  }
0x47: {  	_ =	shalt  }
0x48: {  	_ =	shalt  }
0x49: {  	_ =	shalt  }
0x4a: {  	_ =	shalt  }
0x4b: {  	_ =	shalt  }
0x4c: {  	_ =	shalt  }
0x4d: {  	_ =	shalt  }
0x4e: {  	_ =	shalt  }
0x4f: {  	_ =	shalt  }
0x50: {  	_ =	shalt  }
0x51: {  	_ =	shalt  }
0x52: {  	_ =	shalt  }
0x53: {  	_ =	shalt  }
0x54: {  	_ =	shalt  }
0x55: {  	_ =	shalt  }
0x56: {  	_ =	shalt  }
0x57: {  	_ =	shalt  }
0x58: {  	_ =	shalt  }
0x59: {  	_ =	shalt  }
0x5a: {  	_ =	shalt  }
0x5b: {  	_ =	shalt  }
0x5c: {  	_ =	shalt  }
0x5d: {  	_ =	shalt  }
0x5e: {  	_ =	shalt  }
0x5f: {  	_ =	shalt  }
0x60: {  	_ =	shalt  }
0x61: {  	_ =	shalt  }
0x62: {  	_ =	shalt  }
0x63: {  	_ =	shalt  }
0x64: {  	_ =	shalt  }
0x65: {  	_ =	shalt  }
0x66: {  	_ =	shalt  }
0x67: {  	_ =	shalt  }
0x68: {  	_ =	shalt  }
0x69: {  	_ =	shalt  }
0x6a: {  	_ =	shalt  }
0x6b: {  	_ =	shalt  }
0x6c: {  	_ =	shalt  }
0x6d: {  	_ =	shalt  }
0x6e: {  	_ =	shalt  }
0x6f: {  	_ =	shalt  }
0x70: {  	_ =	shalt  }
0x71: {  	_ =	shalt  }
0x72: {  	_ =	shalt  }
0x73: {  	_ =	shalt  }
0x74: {  	_ =	shalt  }
0x75: {  	_ =	shalt  }
0x76: {  	_ =	shalt  }
0x77: {  	_ =	shalt  }
0x78: {  	_ =	shalt  }
0x79: {  	_ =	shalt  }
0x7a: {  	_ =	shalt  }
0x7b: {  	_ =	shalt  }
0x7c: {  	_ =	shalt  }
0x7d: {  	_ =	shalt  }
0x7e: {  	_ =	shalt  }
0x7f: {  	_ =	shalt  }
0x80: {  	_ =	shalt  }
0x81: {  	_ =	shalt  }
0x82: {  	_ =	shalt  }
0x83: {  	_ =	shalt  }
0x84: {  	_ =	shalt  }
0x85: {  	_ =	shalt  }
0x86: {  	_ =	shalt  }
0x87: {  	_ =	shalt  }
.Lfunc_end0:
.L_simem_size_0:
called_computation.4_lowered:
.L_overlay_start_0:
0x88: {  	s2 =	sld [smem:$0x3FD9]  }
0x89: {  	s3 =	sld [smem:$0x3FFE];
	_ =	sdelay $0x1  }
0x8a: {  	s1 =	srdreg.scid  }
0x8b: {  	s0 =	sand.u32 $0x1, s1  }
0x8c: {  	s16 =	sshll.u32 s0, $0xA;
	s2 =	sadd.s32 s3, s2  }
0x8d: {  	s2 =	sadd.s32 s2, s16  }
0x8e: {  	[smem:$0x3FBB] =	sst s2  }
0x8f: {  	_ = 	snop  }
0x90: {  	(tm) =	ssettm $0x1  }
0x91: {  	s17 =	sld [smem:$0x3FFB];
	_ =	sdelay $0x3  }
0x92: {  	_ =	strace s17  }
0x93: {  	s2 =	sld [smem:$0x3FFC];
	_ =	sdelay $0x3  }
0x94: {  	_ =	strace s2  }
0x95: {  	s2 =	sld [smem:$0x3FFD];
	_ =	sdelay $0x3  }
0x96: {  	_ =	strace s2  }
0x97: {  	_ =	strace $0x8FFFFFFF  }
0x98: {  	s18 =	sld [smem:$0x3FDB];
	_ =	sdelay $0x1  }
0x99: {  	s19 =	simm.s32 $_scs_section_size  }
0x9a: {  	s4 =	simm.s32 $_size__tile_overlayer_lowered;
	s5 =	simm.s32 $_tile_overlayer_lowered  }
0x9b: {  	s22 =	simm.s32 $0x1BFF;
	s21 =	sshll.u32 s5, $0x1;
	s2 =	sadd.s32 s19, s18  }
0x9c: {  	s6 =	simm.s32 $0x0;
	s20 =	sshll.u32 s4, $0x1;
	s4 =	sadd.s32 s21, s2  }
0x9d: {  	[timem:s6], [sflag:s22] =	dma.local [hbm:s4], s20  }
0x9e: {  	_ =	swait.ge [sflag:s22], s20  }
0x9f: {  	s3 =	ssub.s32 $0x0, s20;
	[sflag:s22] =	ssyncset.done $0x0  }
0xa0: {  	[sflag:s22] =	ssyncadd.s32 s3;
	_ =	sdelay $0x1  }
0xa1: {  	s23 =	simm.s32 $0x1B8B  }
0xa2: {  	_ =	swait.ge [sflag:s23], $0x1  }
0xa3: {  	[sflag:s23] =	ssyncset.done $0x0  }
0xa4: {  	s25 =	simm.s32 $0x1B8E;
	s24 =	sld [smem:$0x3FFE];
	[sflag:s23] =	ssyncadd.s32 $0xFFFFFFFF  }
0xa5: {  	s26 =	simm.s32 $execute0_lowered;
	[smem:$0x3FD2] =	sst s25  }
0xa6: {  	s4 =	sshll.u32 s26, $0x1;
	_ =	strace $0x80000052;
	[dreg:$0x1] =	wrdreg $0xFFFFFFFF  }
0xa7: {  	s28 =	simm.s32 $_size_execute0_lowered;
	s2 =	sadd.s32 s2, s4;
	[dreg:$0x0] =	wrdreg $0x0  }
0xa8: {  	s4 =	sshll.u32 s28, $0x1;
	[dreg:$0x2] =	wrdreg s2  }
0xa9: {  	[dreg:$0x3] =	wrdreg s4  }
0xaa: {  	[dreg:$0x4] =	wrdreg $0xC0  }
0xab: {  	_ =	task [dreg:s6], $0x5FFFF  }
0xac: {  	[dreg:$0x1] =	wrdreg $0xFFFFFFFF  }
0xad: {  	[dreg:$0x0] =	wrdreg $0x60  }
0xae: {  	[dreg:$0x2] =	wrdreg s24  }
0xaf: {  	[dreg:$0x3] =	wrdreg $0x9  }
0xb0: {  	_ =	task.clear_ibuf [dreg:s6], $0x4FFFF;
	_ =	strace $0x90000052  }
0xb1: {  	s29 =	simm.s32 $0x9;
	_ =	strace $0x80000054  }
0xb2: {  	_ =	swait.ge [sflag:s29], $0x1  }
0xb3: {  	[sflag:s29] =	ssyncadd.s32 $0xFFFFFFFF  }
0xb4: {  	_ =	strace $0x90000054  }
0xb5: {  	_ =	sfence  }
0xb6: {  	s30 =	sld [smem:$0x0];
	_ =	sdelay $0x2  }
0xb7: {  	s31 =	sshll.u32 s1, $0xD;
	s1 =	sshrl.u32 s1, $0x2  }
0xb8: {  	s3 =	sand.u32 $0x4000, s31;
	s1 =	sadd.s32 s1, s30  }
0xb9: {  	s0 =	sor.u32 s3, s0;
	s1 =	sshll.u32 s1, $0x11  }
0xba: {  	s0 =	sor.u32 s1, s0  }
0xbb: {  	s0 =	sadd.s32 $0x8F2B, s0  }
0xbc: {  	[sflag:s0] =	ssyncadd.remote.s32 $0x1  }
0xbd: {  	_ =	sfence.sel $0xFFFF  }
0xbe: {  	[dreg:$0x0] =	wrdreg $0xFFFFFFFF;
	(pc) =	sbr.abs _section_cstart, $3  }
0xbf: {  	[dreg:$0x1] =	wrdreg $0xFFFFFFFF  }
0xc0: {  	_ =	task.clear_ibuf [dreg:s6], $0x2FFFF;
	_ =	strace $0x9FFFFFFF  }
0xc1: {  	(tm) =	ssettm $0x7FFFFFFF  }
tec
execute0_lowered:
.L_overlay_start_1:
0x0: {  	(tag) =	ssettag $0x1  }
0x1: {  	s1 =	srdreg.scid  }
0x2: {  	s0 =	stileid.u32;
	s24 =	sand.u32 $0x1, s1  }
0x3: {  	s30 =	sshll.u32 s0, $0xB;
	s2 =	sshll.u32 s24, $0xA  }
0x4: {  	s10 =	rddreg [dreg:$0x0];
	s11 =	sor.u32 s2, s30  }
0x5: {  	s1 =	rddreg [dreg:$0x1];
	s2 =	simm.s32 $0x0;
	s3 =	sshrl.u32 s11, $0x3  }
0x6: {  	[smem:$0x7FF] =	sst s2;
	s3 =	sadd.s32 s3, s10  }
0x7: {  	_ =	strace $0x80000053;
	s4 =	sadd.s32 $0xA1400, s3;
	s3 =	simm.s32 $0x3  }
0x8: {  	[tilespmem:s2], [sflag:$0x3] =	stream.linear.gather [hbm4b:s4+s2], $0x400, $0x38;
	[tilespmem:$0x8400] =	vst v63  }
0x9: {  	_ =	swait.ge [sflag:s3], $0x400  }
0xa: {  	s6 =	simm.s32 $0x80;
	[sflag:s3] =	ssyncset.done $0x0  }
0xb: {  	s7 =	simm.s32 $0x400;
	s5 =	sadd.s32 $0x3C00, s10;
	[sflag:s3] =	ssyncadd.s32 $0xFFFFFC00  }
0xc: {  	[tilespmem:s7], [sflag:$0x1] =	stream.indirect.gather [hbm4b:s5+s6], $0x80, s2, s6, $0xb8;
	[tilespmem:$0x8400] =	vst v63  }
0xd: {  	s8 =	simm.s32 $0x4400;
	s9 =	simm.s32 $0x1  }
0xe: {  	[tilespmem:s8], [sflag:$0x2] =	stream.indirect.gather [hbm4b:s5+s6], $0x80, s6, s6, $0xb8;
	[tilespmem:$0x8400] =	vst v63  }
0xf: {  	s11 =	sshll.u32 s11, $0x4;
	_ =	swait.ge [sflag:s9], $0x4000  }
0x10: {  	s25 =	sadd.s32 s11, s10;
	[sflag:s9] =	ssyncset.done $0x0  }
0x11: {  	s10 =	sadd.s32 $0xA2400, s25;
	[sflag:s9] =	ssyncadd.s32 $0xFFFFC000  }
0x12: {  	[hbm4b:s10+s2] =	stream.linear.scatter [tilespmem:s7], [sflag:$0x3], $0x4000, $0x38;
	[tilespmem:$0x8400] =	vst v63  }
0x13: {  	_ =	swait.ge [sflag:s3], $0x4000  }
0x14: {  	[sflag:s3] =	ssyncset.done $0x0  }
0x15: {  	s12 =	simm.s32 $0x2;
	s11 =	simm.s32 $0x100;
	[sflag:s3] =	ssyncadd.s32 $0xFFFFC000  }
0x16: {  	[tilespmem:s7], [sflag:$0x1] =	stream.indirect.gather [hbm4b:s5+s6], $0x80, s11, s6, $0xb8;
	[tilespmem:$0x8400] =	vst v63  }
0x17: {  	_ =	swait.ge [sflag:s12], $0x4000  }
0x18: {  	[sflag:s12] =	ssyncset.done $0x0  }
0x19: {  	s13 =	sadd.s32 $0xA2C00, s25;
	[sflag:s12] =	ssyncadd.s32 $0xFFFFC000  }
0x1a: {  	[hbm4b:s13+s2] =	stream.linear.scatter [tilespmem:s8], [sflag:$0x3], $0x4000, $0x38;
	[tilespmem:$0x8400] =	vst v63  }
0x1b: {  	_ =	swait.ge [sflag:s3], $0x4000  }
0x1c: {  	[sflag:s3] =	ssyncset.done $0x0  }
0x1d: {  	s14 =	simm.s32 $0x180;
	[sflag:s3] =	ssyncadd.s32 $0xFFFFC000  }
0x1e: {  	[tilespmem:s8], [sflag:$0x2] =	stream.indirect.gather [hbm4b:s5+s6], $0x80, s14, s6, $0xb8;
	[tilespmem:$0x8400] =	vst v63  }
0x1f: {  	_ =	swait.ge [sflag:s9], $0x4000  }
0x20: {  	[sflag:s9] =	ssyncset.done $0x0  }
0x21: {  	s15 =	sadd.s32 $0xA3400, s25;
	[sflag:s9] =	ssyncadd.s32 $0xFFFFC000  }
0x22: {  	[hbm4b:s15+s2] =	stream.linear.scatter [tilespmem:s7], [sflag:$0x3], $0x4000, $0x38;
	[tilespmem:$0x8400] =	vst v63  }
0x23: {  	_ =	swait.ge [sflag:s3], $0x4000  }
0x24: {  	[sflag:s3] =	ssyncset.done $0x0  }
0x25: {  	s16 =	simm.s32 $0x200;
	[sflag:s3] =	ssyncadd.s32 $0xFFFFC000  }
0x26: {  	[tilespmem:s7], [sflag:$0x1] =	stream.indirect.gather [hbm4b:s5+s6], $0x80, s16, s6, $0xb8;
	[tilespmem:$0x8400] =	vst v63  }
0x27: {  	_ =	swait.ge [sflag:s12], $0x4000  }
0x28: {  	[sflag:s12] =	ssyncset.done $0x0  }
0x29: {  	s17 =	sadd.s32 $0xA3C00, s25;
	[sflag:s12] =	ssyncadd.s32 $0xFFFFC000  }
0x2a: {  	[hbm4b:s17+s2] =	stream.linear.scatter [tilespmem:s8], [sflag:$0x3], $0x4000, $0x38;
	[tilespmem:$0x8400] =	vst v63  }
0x2b: {  	_ =	swait.ge [sflag:s3], $0x4000  }
0x2c: {  	[sflag:s3] =	ssyncset.done $0x0  }
0x2d: {  	s18 =	simm.s32 $0x280;
	[sflag:s3] =	ssyncadd.s32 $0xFFFFC000  }
0x2e: {  	[tilespmem:s8], [sflag:$0x2] =	stream.indirect.gather [hbm4b:s5+s6], $0x80, s18, s6, $0xb8;
	[tilespmem:$0x8400] =	vst v63  }
0x2f: {  	_ =	swait.ge [sflag:s9], $0x4000  }
0x30: {  	[sflag:s9] =	ssyncset.done $0x0  }
0x31: {  	s19 =	sadd.s32 $0xA4400, s25;
	[sflag:s9] =	ssyncadd.s32 $0xFFFFC000  }
0x32: {  	[hbm4b:s19+s2] =	stream.linear.scatter [tilespmem:s7], [sflag:$0x3], $0x4000, $0x38;
	[tilespmem:$0x8400] =	vst v63  }
0x33: {  	_ =	swait.ge [sflag:s3], $0x4000  }
0x34: {  	[sflag:s3] =	ssyncset.done $0x0  }
0x35: {  	s20 =	simm.s32 $0x300;
	[sflag:s3] =	ssyncadd.s32 $0xFFFFC000  }
0x36: {  	[tilespmem:s7], [sflag:$0x1] =	stream.indirect.gather [hbm4b:s5+s6], $0x80, s20, s6, $0xb8;
	[tilespmem:$0x8400] =	vst v63  }
0x37: {  	_ =	swait.ge [sflag:s12], $0x4000  }
0x38: {  	[sflag:s12] =	ssyncset.done $0x0  }
0x39: {  	s21 =	sadd.s32 $0xA4C00, s25;
	[sflag:s12] =	ssyncadd.s32 $0xFFFFC000  }
0x3a: {  	[hbm4b:s21+s2] =	stream.linear.scatter [tilespmem:s8], [sflag:$0x3], $0x4000, $0x38;
	[tilespmem:$0x8400] =	vst v63  }
0x3b: {  	_ =	swait.ge [sflag:s3], $0x4000  }
0x3c: {  	[sflag:s3] =	ssyncset.done $0x0  }
0x3d: {  	s22 =	simm.s32 $0x380;
	[sflag:s3] =	ssyncadd.s32 $0xFFFFC000  }
0x3e: {  	[tilespmem:s8], [sflag:$0x2] =	stream.indirect.gather [hbm4b:s5+s6], $0x80, s22, s6, $0xb8;
	[tilespmem:$0x8400] =	vst v63  }
0x3f: {  	_ =	swait.ge [sflag:s9], $0x4000  }
0x40: {  	[sflag:s9] =	ssyncset.done $0x0  }
0x41: {  	s24 =	ssub.s32 $0x2, s24;
	s23 =	sadd.s32 $0xA5400, s25;
	[sflag:s9] =	ssyncadd.s32 $0xFFFFC000  }
0x42: {  	[hbm4b:s23+s2] =	stream.linear.scatter [tilespmem:s7], [sflag:$0x3], $0x4000, $0x38;
	[tilespmem:$0x8400] =	vst v63  }
0x43: {  	s26 =	sshrl.u32 s24, $0x1;
	_ =	swait.ge [sflag:s3], $0x4000  }
0x44: {  	s26 =	ssub.s32 s24, s26;
	[sflag:s3] =	ssyncset.done $0x0  }
0x45: {  	s31 =	smax.u32 s26, $0x1;
	[sflag:s3] =	ssyncadd.s32 $0xFFFFC000  }
0x46: {  	p0 =	sne.s32 s31, $0x1;
	_ =	swait.ge [sflag:s12], $0x4000  }
.Ltmp0:
0x47: {  	[sflag:s12] =	ssyncset.done $0x0;
	(pc) =	sbr.rel @!p0 .LBB2_2-.Ltmp0, $4  }
0x48: {  	s24 =	sadd.s32 $0xA5C00, s25;
	[sflag:s12] =	ssyncadd.s32 $0xFFFFC000  }
0x49: {  	[hbm4b:s24+s2] =	stream.linear.scatter [tilespmem:s8], [sflag:$0x3], $0x4000, $0x38;
	[tilespmem:$0x8400] =	vst v63  }
0x4a: {  	_ =	swait.ge [sflag:s3], $0x4000  }
0x4b: {  	s25 =	sadd.s32 $0xFFFFFFFF, s31;
	[sflag:s3] =	ssyncset.done $0x0  }
.LBB2_1:
0x4c: {  	p0 =	sne.s32 s25, $0x1;
	s25 =	sadd.s32 $0xFFFFFFFF, s25;
	[sflag:s3] =	ssyncadd.s32 $0xFFFFC000  }
0x4d: {  	[tilespmem:s2], [sflag:$0x3] =	stream.linear.gather [hbm4b:s4+s2], $0x400, $0x38;
	[tilespmem:$0x8400] =	vst v63  }
0x4e: {  	_ =	swait.ge [sflag:s3], $0x400  }
0x4f: {  	[sflag:s3] =	ssyncset.done $0x0  }
0x50: {  	[sflag:s3] =	ssyncadd.s32 $0xFFFFFC00  }
0x51: {  	[tilespmem:s7], [sflag:$0x1] =	stream.indirect.gather [hbm4b:s5+s6], $0x80, s2, s6, $0xb8;
	[tilespmem:$0x8400] =	vst v63  }
0x52: {  	_ = 	snop  }
0x53: {  	[tilespmem:s8], [sflag:$0x2] =	stream.indirect.gather [hbm4b:s5+s6], $0x80, s6, s6, $0xb8;
	[tilespmem:$0x8400] =	vst v63  }
0x54: {  	_ =	swait.ge [sflag:s9], $0x4000  }
0x55: {  	[sflag:s9] =	ssyncset.done $0x0  }
0x56: {  	[sflag:s9] =	ssyncadd.s32 $0xFFFFC000  }
0x57: {  	[hbm4b:s10+s2] =	stream.linear.scatter [tilespmem:s7], [sflag:$0x3], $0x4000, $0x38;
	[tilespmem:$0x8400] =	vst v63  }
0x58: {  	_ =	swait.ge [sflag:s3], $0x4000  }
0x59: {  	[sflag:s3] =	ssyncset.done $0x0  }
0x5a: {  	[sflag:s3] =	ssyncadd.s32 $0xFFFFC000  }
0x5b: {  	[tilespmem:s7], [sflag:$0x1] =	stream.indirect.gather [hbm4b:s5+s6], $0x80, s11, s6, $0xb8;
	[tilespmem:$0x8400] =	vst v63  }
0x5c: {  	_ =	swait.ge [sflag:s12], $0x4000  }
0x5d: {  	[sflag:s12] =	ssyncset.done $0x0  }
0x5e: {  	[sflag:s12] =	ssyncadd.s32 $0xFFFFC000  }
0x5f: {  	[hbm4b:s13+s2] =	stream.linear.scatter [tilespmem:s8], [sflag:$0x3], $0x4000, $0x38;
	[tilespmem:$0x8400] =	vst v63  }
0x60: {  	_ =	swait.ge [sflag:s3], $0x4000  }
0x61: {  	[sflag:s3] =	ssyncset.done $0x0  }
0x62: {  	[sflag:s3] =	ssyncadd.s32 $0xFFFFC000  }
0x63: {  	[tilespmem:s8], [sflag:$0x2] =	stream.indirect.gather [hbm4b:s5+s6], $0x80, s14, s6, $0xb8;
	[tilespmem:$0x8400] =	vst v63  }
0x64: {  	_ =	swait.ge [sflag:s9], $0x4000  }
0x65: {  	[sflag:s9] =	ssyncset.done $0x0  }
0x66: {  	[sflag:s9] =	ssyncadd.s32 $0xFFFFC000  }
0x67: {  	[hbm4b:s15+s2] =	stream.linear.scatter [tilespmem:s7], [sflag:$0x3], $0x4000, $0x38;
	[tilespmem:$0x8400] =	vst v63  }
0x68: {  	_ =	swait.ge [sflag:s3], $0x4000  }
0x69: {  	[sflag:s3] =	ssyncset.done $0x0  }
0x6a: {  	[sflag:s3] =	ssyncadd.s32 $0xFFFFC000  }
0x6b: {  	[tilespmem:s7], [sflag:$0x1] =	stream.indirect.gather [hbm4b:s5+s6], $0x80, s16, s6, $0xb8;
	[tilespmem:$0x8400] =	vst v63  }
0x6c: {  	_ =	swait.ge [sflag:s12], $0x4000  }
0x6d: {  	[sflag:s12] =	ssyncset.done $0x0  }
0x6e: {  	[sflag:s12] =	ssyncadd.s32 $0xFFFFC000  }
0x6f: {  	[hbm4b:s17+s2] =	stream.linear.scatter [tilespmem:s8], [sflag:$0x3], $0x4000, $0x38;
	[tilespmem:$0x8400] =	vst v63  }
0x70: {  	_ =	swait.ge [sflag:s3], $0x4000  }
0x71: {  	[sflag:s3] =	ssyncset.done $0x0  }
0x72: {  	[sflag:s3] =	ssyncadd.s32 $0xFFFFC000  }
0x73: {  	[tilespmem:s8], [sflag:$0x2] =	stream.indirect.gather [hbm4b:s5+s6], $0x80, s18, s6, $0xb8;
	[tilespmem:$0x8400] =	vst v63  }
0x74: {  	_ =	swait.ge [sflag:s9], $0x4000  }
0x75: {  	[sflag:s9] =	ssyncset.done $0x0  }
0x76: {  	[sflag:s9] =	ssyncadd.s32 $0xFFFFC000  }
0x77: {  	[hbm4b:s19+s2] =	stream.linear.scatter [tilespmem:s7], [sflag:$0x3], $0x4000, $0x38;
	[tilespmem:$0x8400] =	vst v63  }
0x78: {  	_ =	swait.ge [sflag:s3], $0x4000  }
0x79: {  	[sflag:s3] =	ssyncset.done $0x0  }
0x7a: {  	[sflag:s3] =	ssyncadd.s32 $0xFFFFC000  }
0x7b: {  	[tilespmem:s7], [sflag:$0x1] =	stream.indirect.gather [hbm4b:s5+s6], $0x80, s20, s6, $0xb8;
	[tilespmem:$0x8400] =	vst v63  }
0x7c: {  	_ =	swait.ge [sflag:s12], $0x4000  }
0x7d: {  	[sflag:s12] =	ssyncset.done $0x0  }
0x7e: {  	[sflag:s12] =	ssyncadd.s32 $0xFFFFC000  }
0x7f: {  	[hbm4b:s21+s2] =	stream.linear.scatter [tilespmem:s8], [sflag:$0x3], $0x4000, $0x38;
	[tilespmem:$0x8400] =	vst v63  }
0x80: {  	_ =	swait.ge [sflag:s3], $0x4000  }
0x81: {  	[sflag:s3] =	ssyncset.done $0x0  }
0x82: {  	[sflag:s3] =	ssyncadd.s32 $0xFFFFC000  }
0x83: {  	[tilespmem:s8], [sflag:$0x2] =	stream.indirect.gather [hbm4b:s5+s6], $0x80, s22, s6, $0xb8;
	[tilespmem:$0x8400] =	vst v63  }
0x84: {  	_ =	swait.ge [sflag:s9], $0x4000  }
0x85: {  	[sflag:s9] =	ssyncset.done $0x0  }
0x86: {  	[sflag:s9] =	ssyncadd.s32 $0xFFFFC000  }
0x87: {  	[hbm4b:s23+s2] =	stream.linear.scatter [tilespmem:s7], [sflag:$0x3], $0x4000, $0x38;
	[tilespmem:$0x8400] =	vst v63  }
0x88: {  	_ =	swait.ge [sflag:s3], $0x4000  }
0x89: {  	[sflag:s3] =	ssyncset.done $0x0  }
0x8a: {  	[sflag:s3] =	ssyncadd.s32 $0xFFFFC000  }
0x8b: {  	_ =	swait.ge [sflag:s12], $0x4000  }
.Ltmp1:
0x8c: {  	[sflag:s12] =	ssyncset.done $0x0;
	(pc) =	sbr.rel @p0 .LBB2_1-.Ltmp1, $4  }
0x8d: {  	[sflag:s12] =	ssyncadd.s32 $0xFFFFC000  }
0x8e: {  	[hbm4b:s24+s2] =	stream.linear.scatter [tilespmem:s8], [sflag:$0x3], $0x4000, $0x38;
	[tilespmem:$0x8400] =	vst v63  }
0x8f: {  	_ =	swait.ge [sflag:s3], $0x4000  }
0x90: {  	[sflag:s3] =	ssyncset.done $0x0  }
.LBB2_2:
0x91: {  	[sflag:s3] =	ssyncadd.s32 $0xFFFFC000  }
0x92: {  	_ =	sfence.sel $0x180000  }
0x93: {  	[bflag:$0x0] =	sbarrier.arrive $0xFFFF  }
0x94: {  	p0 =	sne.s32 s0, $0x0;
	_ =	strace $0x90000053  }
0x95: {  	s0 =	sadd.s32 @!p0 $0x100000, s1;
	[bflag:$0x2] =	sbarrier.arrive $0xFFFF  }
0x96: {  	[sflag:s0] =	ssyncadd.tile.s32 @!p0 $0x1;
	_ =	shalt  }
.Lfunc_end2:
_tile_overlayer_lowered:
.L_overlay_start_2:
0x97: {  	(tag) =	ssettag $0x2  }
0x98: {  	s0 =	rddreg [dreg:$0x0];
	s2 =	stileid.u32  }
0x99: {  	s1 =	rddreg [dreg:$0x1];
	p0 =	sne.s32 s2, $0x0  }
0x9a: {  	s3 =	rddreg [dreg:$0x2];
	[bflag:$0x3] =	sbarrier.arrive $0xFFFF;
	s2 =	simm.s32 @!p0 $0x1C03  }
0x9b: {  	[timem:s3], [sflag:s2] =	dma.local @!p0 [hbm:s0], s1  }
0x9c: {  	s0 =	simm.s32 @!p0 $0x3  }
0x9d: {  	_ =	swait.ge @!p0 [sflag:s0], s1  }
0x9e: {  	s1 =	ssub.s32 @!p0 $0x0, s1;
	[sflag:s0] =	ssyncset.done @!p0 $0x0  }
0x9f: {  	[sflag:s0] =	ssyncadd.s32 @!p0 s1  }
0xa0: {  	[bflag:$0x3] =	sbarrier.arrive $0xFFFF  }
0xa1: {  	_ =	shalt  }

</sc_bundles>
